<compile_context>
chip_gen: v7x
topology: tpu7x:2x2x1
jax: 0.10.2.dev20260603
libtpu: 0.0.44.dev20260713+nightly
codegen_flags: <defaults>
</compile_context>

<pallas_src>
import functools

import jax
import jax.numpy as jnp
import numpy as np
from jax import lax
from jax.experimental import pallas as pl
from jax.experimental.pallas import tpu as pltpu
from jax.experimental.pallas import tpu_sc as plsc

H = 8
DH = 16
L = 16
NC = 2
NS = 16
NW = NC * NS
ACCW = 136


def _pack_rows(x):
    u = lax.bitcast_convert_type(x, jnp.uint32)
    rne = (u + 0x7FFF + ((u >> 16) & 1)) >> 16
    lo = rne[:, :64]
    hi = rne[:, 64:]
    return lax.bitcast_convert_type(lo | (hi << 16), jnp.int32)


def _qkv_body(x_ref, wq_ref, wk_ref, wv_ref, q_ref, k_ref, v_ref):
    xb = x_ref[...]
    scale = 1.0 / np.sqrt(DH)
    q_ref[...] = _pack_rows(
        jnp.dot(xb, wq_ref[...], preferred_element_type=jnp.float32) * scale)
    k_ref[...] = _pack_rows(
        jnp.dot(xb, wk_ref[...], preferred_element_type=jnp.float32))
    v_ref[...] = _pack_rows(
        jnp.dot(xb, wv_ref[...], preferred_element_type=jnp.float32))


def _qkv_call(x, WQ, WK, WV, bn):
    n, d = x.shape
    grid = (n // bn,)
    node_spec = pl.BlockSpec((bn, d), lambda i: (i, 0))
    packed_spec = pl.BlockSpec((bn, d // 2), lambda i: (i, 0))
    w_spec = pl.BlockSpec((d, d), lambda i: (0, 0))
    out = jax.ShapeDtypeStruct((n, d // 2), jnp.int32)
    return pl.pallas_call(
        _qkv_body,
        grid=grid,
        in_specs=[node_spec, w_spec, w_spec, w_spec],
        out_specs=[packed_spec, packed_spec, packed_spec],
        out_shape=[out, out, out],
    )(x, WQ, WK, WV)


def _proj_body(ea_ref, we_ref, p_ref):
    ea = ea_ref[...].astype(jnp.bfloat16)
    we = we_ref[...].astype(jnp.bfloat16)
    p_ref[...] = _pack_rows(
        jnp.dot(ea, we, preferred_element_type=jnp.float32))


def _proj_call(edge_attr, WE, be):
    e, d = edge_attr.shape
    return pl.pallas_call(
        _proj_body,
        grid=(e // be,),
        in_specs=[pl.BlockSpec((be, d), lambda i: (i, 0)),
                  pl.BlockSpec((d, d), lambda i: (0, 0))],
        out_specs=pl.BlockSpec((be, d // 2), lambda i: (i, 0)),
        out_shape=jax.ShapeDtypeStruct((e, d // 2), jnp.int32),
    )(edge_attr, WE)


def _sc_edge_call(q, k, v, p, ei, n_nodes, d, ch):
    e_edges = p.shape[0]
    dp = d // 2
    epw = e_edges // NW
    nchunk = epw // ch
    npair = nchunk // 2
    rows_pt = n_nodes // NS

    mesh = plsc.VectorSubcoreMesh(core_axis_name="c", subcore_axis_name="s",
                                  num_cores=NC, num_subcores=NS)

    @functools.partial(
        pl.kernel,
        out_type=(jax.ShapeDtypeStruct((e_edges, d), jnp.float32),
                  jax.ShapeDtypeStruct((NC, n_nodes, ACCW), jnp.float32)),
        mesh=mesh,
        scratch_types=[
            pltpu.VMEM((2, 2, ch), jnp.int32),
            pltpu.VMEM((2, ch, dp), jnp.int32),
            pltpu.VMEM((2, ch, dp), jnp.int32),
            pltpu.VMEM((2, ch, dp), jnp.int32),
            pltpu.VMEM((2, ch, dp), jnp.int32),
            pltpu.VMEM((ch, d), jnp.float32),
            pltpu.VMEM((2, ch, ACCW), jnp.float32),
            pltpu.VMEM_SHARED((n_nodes, ACCW), jnp.float32),
            pltpu.SemaphoreType.DMA,
            pltpu.SemaphoreType.DMA,
            pltpu.SemaphoreType.DMA,
            pltpu.SemaphoreType.DMA,
            pltpu.SemaphoreType.DMA,
            pltpu.SemaphoreType.DMA,
            pltpu.SemaphoreType.DMA,
            pltpu.SemaphoreType.DMA,
            pltpu.SemaphoreType.DMA,
            pltpu.SemaphoreType.DMA,
            pltpu.SemaphoreType.DMA,
        ],
        compiler_params=pltpu.CompilerParams(use_tc_tiling_on_sc=False,
                                             needs_layout_passes=False),
    )
    def sc_kernel(q_hbm, k_hbm, v_hbm, p_hbm, ei_hbm,
                  e_hbm, acc_hbm,
                  idx, kg, qg, pg, vg, pb, ab, acc,
                  semk0, semk1, semq0, semq1, semp0, semp1,
                  semv0, semv1, seme, sems0, sems1):
        semk = (semk0, semk1)
        semq = (semq0, semq1)
        semp = (semp0, semp1)
        semv = (semv0, semv1)
        sems = (sems0, sems1)
        cid = lax.axis_index("c")
        sid = lax.axis_index("s")
        wid = sid * NC + cid
        zero = jnp.zeros((L,), jnp.float32)
        lane0 = lax.iota(jnp.int32, L) == 0
        tail_cols = d + jnp.minimum(lax.iota(jnp.int32, L), 7)
        tail_msk = lax.iota(jnp.int32, L) < 8
        himask = jnp.int32(-65536)

        @plsc.parallel_loop(0, ch)
        def zrow(i):
            for j in range(d // L):
                ab[0, i, pl.ds(j * L, L)] = zero
            plsc.store_scatter(ab.at[0],
                               [jnp.full((L,), i, jnp.int32), tail_cols],
                               zero, mask=tail_msk)

        nzc = rows_pt // ch
        zrem = rows_pt - nzc * ch

        def zacc(r, _):
            pltpu.sync_copy(ab.at[0],
                            acc.at[pl.ds(sid * rows_pt + r * ch, ch)])
            return 0
        lax.fori_loop(0, nzc, zacc, 0, unroll=False)
        if zrem:
            pltpu.sync_copy(
                ab.at[0, pl.ds(0, zrem)],
                acc.at[pl.ds(sid * rows_pt + nzc * ch, zrem)])
        plsc.subcore_barrier()

        base0 = wid * epw

        def issue_chunk(t, slot):
            base = base0 + t * ch
            pltpu.sync_copy(ei_hbm.at[:, pl.ds(base, ch)], idx.at[slot])
            pltpu.async_copy(k_hbm.at[idx.at[slot, 0]], kg.at[slot],
                             semk[slot])
            pltpu.async_copy(q_hbm.at[idx.at[slot, 1]], qg.at[slot],
                             semq[slot])
            pltpu.async_copy(v_hbm.at[idx.at[slot, 0]], vg.at[slot],
                             semv[slot])
            pltpu.async_copy(p_hbm.at[pl.ds(base, ch)], pg.at[slot],
                             semp[slot])

        issue_chunk(0, 0)

        def unpack(w):
            return (plsc.bitcast(w << 16, jnp.float32),
                    plsc.bitcast(w & himask, jnp.float32))

        def body(pair, b):
            t = pair * 2 + b
            bn = b ^ 1
            base = base0 + t * ch

            def wait_prev_s():
                pltpu.make_async_copy(
                    ab.at[bn], acc.at[idx.at[bn, 1]], sems[bn]).wait()
            if b == 1:
                wait_prev_s()
            else:
                pl.when(pair >= 1)(wait_prev_s)

            def prefetch():
                issue_chunk(t + 1, bn)
            if b == 0:
                prefetch()
            else:
                pl.when(pair < npair - 1)(prefetch)

            pltpu.make_async_copy(k_hbm.at[idx.at[b, 0]], kg.at[b],
                                  semk[b]).wait()
            pltpu.make_async_copy(q_hbm.at[idx.at[b, 1]], qg.at[b],
                                  semq[b]).wait()
            pltpu.make_async_copy(v_hbm.at[idx.at[b, 0]], vg.at[b],
                                  semv[b]).wait()
            pltpu.make_async_copy(p_hbm.at[pl.ds(base, ch)], pg.at[b],
                                  semp[b]).wait()

            def wait_prev_e():
                pltpu.make_async_copy(
                    pb, e_hbm.at[pl.ds(base - ch, ch)], seme).wait()
            if b == 1:
                wait_prev_e()
            else:
                pl.when(pair >= 1)(wait_prev_e)

            @plsc.parallel_loop(0, ch)
            def p1(e):
                row = jnp.full((L,), e, jnp.int32)
                for j in range(H // 2):
                    sl = pl.ds(j * L, L)
                    klo, khi = unpack(kg[b, e, sl])
                    qlo, qhi = unpack(qg[b, e, sl])
                    plo, phi = unpack(pg[b, e, sl])
                    vlo, vhi = unpack(vg[b, e, sl])
                    sc_lo = klo * qlo * plo
                    sc_hi = khi * qhi * phi
                    pb[e, sl] = sc_lo
                    pb[e, pl.ds((j + 4) * L, L)] = sc_hi
                    r_lo = jnp.sum(sc_lo)
                    r_hi = jnp.sum(sc_hi)
                    s_lo = jnp.exp(jnp.full(
                        (L,), jnp.minimum(jnp.maximum(r_lo, -5.0), 5.0),
                        jnp.float32))
                    s_hi = jnp.exp(jnp.full(
                        (L,), jnp.minimum(jnp.maximum(r_hi, -5.0), 5.0),
                        jnp.float32))
                    ab[b, e, sl] = vlo * s_lo
                    ab[b, e, pl.ds((j + 4) * L, L)] = vhi * s_hi
                    plsc.store_scatter(
                        ab.at[b], [row, jnp.full((L,), d + j, jnp.int32)],
                        s_lo, mask=lane0)
                    plsc.store_scatter(
                        ab.at[b],
                        [row, jnp.full((L,), d + j + 4, jnp.int32)],
                        s_hi, mask=lane0)

            pltpu.async_copy(pb, e_hbm.at[pl.ds(base, ch)], seme)
            pltpu.async_copy(ab.at[b], acc.at[idx.at[b, 1]], sems[b],
                             add=True)

        def pair_loop(pair, _):
            body(pair, 0)
            body(pair, 1)
            return 0
        lax.fori_loop(0, npair, pair_loop, 0, unroll=False)

        pltpu.make_async_copy(
            pb, e_hbm.at[pl.ds(base0 + (nchunk - 1) * ch, ch)], seme).wait()
        pltpu.make_async_copy(ab.at[1], acc.at[idx.at[1, 1]], sems[1]).wait()

        plsc.subcore_barrier()

        def outcp(r, _):
            sl = pl.ds(sid * rows_pt + r * ch, ch)
            pltpu.sync_copy(acc.at[sl], ab.at[0])
            pltpu.sync_copy(ab.at[0], acc_hbm.at[cid, sl])
            return 0
        lax.fori_loop(0, nzc, outcp, 0, unroll=False)
        if zrem:
            sl = pl.ds(sid * rows_pt + nzc * ch, zrem)
            pltpu.sync_copy(acc.at[sl], ab.at[0, pl.ds(0, zrem)])
            pltpu.sync_copy(ab.at[0, pl.ds(0, zrem)], acc_hbm.at[cid, sl])

    return sc_kernel(q, k, v, p, ei)


def _final_body(acc_ref, s_ref, h_ref):
    a = acc_ref[0] + acc_ref[1]
    wv = a[:, 0:128]
    z8 = a[:, 128:136]
    zfull = jnp.dot(z8, s_ref[...], preferred_element_type=jnp.float32)
    h_ref[...] = wv / (zfull + 1e-6)


def _final_call(acc, bn):
    _, n, _ = acc.shape
    sel = np.zeros((H, 128), np.float32)
    for h in range(H):
        sel[h, h * DH:(h + 1) * DH] = 1.0
    sel = jnp.asarray(sel)
    return pl.pallas_call(
        _final_body,
        grid=(n // bn,),
        in_specs=[pl.BlockSpec((NC, bn, ACCW), lambda i: (0, i, 0)),
                  pl.BlockSpec((H, 128), lambda i: (0, 0))],
        out_specs=pl.BlockSpec((bn, 128), lambda i: (i, 0)),
        out_shape=jax.ShapeDtypeStruct((n, 128), jnp.float32),
    )(acc, sel)


def kernel(x, edge_attr, edge_index, WQ, WK, WV, WE):
    n, d = x.shape

    q, k, v = _qkv_call(x, WQ, WK, WV, bn=2000)
    p = _proj_call(edge_attr, WE, be=8000)
    e_out, acc = _sc_edge_call(q, k, v, p, edge_index, n, d, ch=40)
    h = _final_call(acc, bn=1000)
    return (h, e_out)

# --- scband reference (transcript-rebuilt; emitter-appended) ---
"""Pipeline reference for scband-mvn-ddi-block-15375982920242 (READ-ONLY COPY).

The authoritative reference and input builder live on the scoring server;
editing this copy changes nothing except your own understanding.
"""

import jax, jax.numpy as jnp
import numpy as np

N = 10000
E = 320000
D = 128
H = 8
DH = D // H


def setup_inputs(seed: int = 0) -> dict:
    key = jax.random.key(seed)
    ks = jax.random.split(key, 8)
    x = jax.random.normal(ks[0], (N, D), dtype=jnp.float32)
    edge_attr = jax.random.normal(ks[1], (E, D), dtype=jnp.float32)
    edge_index = jax.random.randint(ks[2], (2, E), 0, N, dtype=jnp.int32)
    scale = 1.0 / np.sqrt(D)
    WQ = jax.random.normal(ks[3], (D, D), dtype=jnp.float32) * scale
    WK = jax.random.normal(ks[4], (D, D), dtype=jnp.float32) * scale
    WV = jax.random.normal(ks[5], (D, D), dtype=jnp.float32) * scale
    WE = jax.random.normal(ks[6], (D, D), dtype=jnp.float32) * scale
    return {"x": x, "edge_attr": edge_attr, "edge_index": edge_index,
            "WQ": WQ, "WK": WK, "WV": WV, "WE": WE}


def reference(x, edge_attr, edge_index, WQ, WK, WV, WE):
    # Faithful translation of GraphTransformerLayer / MultiHeadAttentionLayer
    # (feature_conv3 inside MVN_DDI_Block): use_bias=False, dropout=0.0.
    Q_h = (x @ WQ).reshape(-1, H, DH)
    K_h = (x @ WK).reshape(-1, H, DH)
    V_h = (x @ WV).reshape(-1, H, DH)
    proj_e = (edge_attr @ WE).reshape(-1, H, DH)
    src = edge_index[0]
    dst = edge_index[1]
    # src_dot_dst: K_h[src] * Q_h[dst]  (elementwise, per head)
    score = jnp.take(K_h, src, axis=0) * jnp.take(Q_h, dst, axis=0)
    # scaling by sqrt(out_dim)
    score = score / np.sqrt(DH)
    # imp_exp_attn: multiply by projected edge features
    score = score * proj_e
    # out_edge_features
    e_out = score
    # exp(clamp(sum(score, -1), -5, 5))
    s = jnp.exp(jnp.clip(jnp.sum(score, axis=-1, keepdims=True), -5.0, 5.0))
    # send_and_recv: wV = sum_in V_h[src] * s ; z = sum_in s
    wV = jax.ops.segment_sum(jnp.take(V_h, src, axis=0) * s, dst, num_segments=N)
    z = jax.ops.segment_sum(s, dst, num_segments=N)
    h_out = wV / (z + 1e-06)
    h = h_out.reshape(-1, D)
    e = e_out.reshape(-1, D)
    # dropout p=0.0 is identity
    return (h, e)

if __name__ == "__main__":
    import jax
    _d = setup_inputs()
    print(jax.jit(kernel)(*tuple(_d.values())))

</pallas_src>

<mosaic_0001>
#map = affine_map<(d0, d1) -> (0, 0)>
#map1 = affine_map<(d0, d1) -> (0, 0, 0)>
module attributes {stable_mosaic.version = 14 : i64} {
  func.func @sc_kernel(%arg0: i32, %arg1: i32, %arg2: memref<10000x64xi32, #tpu.memory_space<hbm>>, %arg3: memref<10000x64xi32, #tpu.memory_space<hbm>>, %arg4: memref<10000x64xi32, #tpu.memory_space<hbm>>, %arg5: memref<320000x64xi32, #tpu.memory_space<hbm>>, %arg6: memref<2x320000xi32, #tpu.memory_space<hbm>>, %arg7: memref<320000x128xf32, #tpu.memory_space<hbm>>, %arg8: memref<2x10000x136xf32, #tpu.memory_space<hbm>>, %arg9: memref<2x2x40xi32, #tpu.memory_space<vmem>>, %arg10: memref<2x40x64xi32, #tpu.memory_space<vmem>>, %arg11: memref<2x40x64xi32, #tpu.memory_space<vmem>>, %arg12: memref<2x40x64xi32, #tpu.memory_space<vmem>>, %arg13: memref<2x40x64xi32, #tpu.memory_space<vmem>>, %arg14: memref<40x128xf32, #tpu.memory_space<vmem>>, %arg15: memref<2x40x136xf32, #tpu.memory_space<vmem>>, %arg16: memref<10000x136xf32, #tpu.memory_space<vmem_shared>>, %arg17: memref<!tpu.dma_semaphore, #tpu.memory_space<semaphore_mem>>, %arg18: memref<!tpu.dma_semaphore, #tpu.memory_space<semaphore_mem>>, %arg19: memref<!tpu.dma_semaphore, #tpu.memory_space<semaphore_mem>>, %arg20: memref<!tpu.dma_semaphore, #tpu.memory_space<semaphore_mem>>, %arg21: memref<!tpu.dma_semaphore, #tpu.memory_space<semaphore_mem>>, %arg22: memref<!tpu.dma_semaphore, #tpu.memory_space<semaphore_mem>>, %arg23: memref<!tpu.dma_semaphore, #tpu.memory_space<semaphore_mem>>, %arg24: memref<!tpu.dma_semaphore, #tpu.memory_space<semaphore_mem>>, %arg25: memref<!tpu.dma_semaphore, #tpu.memory_space<semaphore_mem>>, %arg26: memref<!tpu.dma_semaphore, #tpu.memory_space<semaphore_mem>>, %arg27: memref<!tpu.dma_semaphore, #tpu.memory_space<semaphore_mem>>) attributes {dimension_semantics = [#tpu.dimension_semantics<core_parallel>, #tpu.dimension_semantics<subcore_parallel>], iteration_bounds = array<i64: 2, 16>, scalar_prefetch = 0 : i64, scratch_operands = 19 : i64, tpu.core_type = #tpu.core_type<sc_vector_subcore>, window_params = [{transform_indices = #map}, {transform_indices = #map}, {transform_indices = #map}, {transform_indices = #map}, {transform_indices = #map}, {transform_indices = #map}, {transform_indices = #map1}]} {
    %mul3A = arith.constant 2 : i32
    %mul3A_0 = arith.muli %arg1, %mul3A : i32
    %add3A = arith.addi %mul3A_0, %arg0 : i32
    %broadcast_in_dim3A = arith.constant 0.000000e+00 : f32
    %broadcast_in_dim3A_1 = vector.broadcast %broadcast_in_dim3A : f32 to vector<16xf32>
    %iota3A = tpu.iota {dimensions = array<i32: 0>} : vector<16xi32>
    %eq3A = arith.constant 0 : i32
    %eq3A_2 = vector.broadcast %eq3A : i32 to vector<16xi32>
    %eq3A_3 = arith.cmpi eq, %iota3A, %eq3A_2 : vector<16xi32>
    %iota3A_4 = tpu.iota {dimensions = array<i32: 0>} : vector<16xi32>
    %min3A = arith.constant 7 : i32
    %min3A_5 = vector.broadcast %min3A : i32 to vector<16xi32>
    %min3A_6 = arith.minsi %iota3A_4, %min3A_5 : vector<16xi32>
    %add3A_7 = arith.constant 128 : i32
    %add3A_8 = vector.broadcast %add3A_7 : i32 to vector<16xi32>
    %add3A_9 = arith.addi %add3A_8, %min3A_6 : vector<16xi32>
    %iota3A_10 = tpu.iota {dimensions = array<i32: 0>} : vector<16xi32>
    %lt3A = arith.constant 8 : i32
    %lt3A_11 = vector.broadcast %lt3A : i32 to vector<16xi32>
    %lt3A_12 = arith.cmpi slt, %iota3A_10, %lt3A_11 : vector<16xi32>
    %parallel_loop3A = arith.constant 0 : i32
    %parallel_loop3A_13 = arith.constant 40 : i32
    %parallel_loop3A_14 = arith.constant 1 : i32
    scf.for %parallel_loop3A_121 = %parallel_loop3A to %parallel_loop3A_13 step %parallel_loop3A_14  : i32 {
      %parallel_loop3A_122 = arith.constant 0 : i32
      %parallel_loop3A_123 = arith.index_cast %parallel_loop3A_122 : i32 to index
      %parallel_loop3A_124 = arith.index_cast %parallel_loop3A_121 : i32 to index
      %parallel_loop3A_125 = arith.constant 0 : index
      %parallel_loop3A_126 = tpu.vector_load %arg15[%parallel_loop3A_123, %parallel_loop3A_124, %parallel_loop3A_125] {strides = array<i32>} : memref<2x40x136xf32, #tpu.memory_space<vmem>>, vector<16xf32>,
      tpu.vector_store %arg15[%parallel_loop3A_123, %parallel_loop3A_124, %parallel_loop3A_125], %broadcast_in_dim3A_1 {strides = array<i32>} : memref<2x40x136xf32, #tpu.memory_space<vmem>>, vector<16xf32>,
      %parallel_loop3A_127 = arith.constant 0 : i32
      %parallel_loop3A_128 = arith.index_cast %parallel_loop3A_127 : i32 to index
      %parallel_loop3A_129 = arith.index_cast %parallel_loop3A_121 : i32 to index
      %parallel_loop3A_130 = arith.constant 16 : index
      %parallel_loop3A_131 = tpu.vector_load %arg15[%parallel_loop3A_128, %parallel_loop3A_129, %parallel_loop3A_130] {strides = array<i32>} : memref<2x40x136xf32, #tpu.memory_space<vmem>>, vector<16xf32>,
      tpu.vector_store %arg15[%parallel_loop3A_128, %parallel_loop3A_129, %parallel_loop3A_130], %broadcast_in_dim3A_1 {strides = array<i32>} : memref<2x40x136xf32, #tpu.memory_space<vmem>>, vector<16xf32>,
      %parallel_loop3A_132 = arith.constant 0 : i32
      %parallel_loop3A_133 = arith.index_cast %parallel_loop3A_132 : i32 to index
      %parallel_loop3A_134 = arith.index_cast %parallel_loop3A_121 : i32 to index
      %parallel_loop3A_135 = arith.constant 32 : index
      %parallel_loop3A_136 = tpu.vector_load %arg15[%parallel_loop3A_133, %parallel_loop3A_134, %parallel_loop3A_135] {strides = array<i32>} : memref<2x40x136xf32, #tpu.memory_space<vmem>>, vector<16xf32>,
      tpu.vector_store %arg15[%parallel_loop3A_133, %parallel_loop3A_134, %parallel_loop3A_135], %broadcast_in_dim3A_1 {strides = array<i32>} : memref<2x40x136xf32, #tpu.memory_space<vmem>>, vector<16xf32>,
      %parallel_loop3A_137 = arith.constant 0 : i32
      %parallel_loop3A_138 = arith.index_cast %parallel_loop3A_137 : i32 to index
      %parallel_loop3A_139 = arith.index_cast %parallel_loop3A_121 : i32 to index
      %parallel_loop3A_140 = arith.constant 48 : index
      %parallel_loop3A_141 = tpu.vector_load %arg15[%parallel_loop3A_138, %parallel_loop3A_139, %parallel_loop3A_140] {strides = array<i32>} : memref<2x40x136xf32, #tpu.memory_space<vmem>>, vector<16xf32>,
      tpu.vector_store %arg15[%parallel_loop3A_138, %parallel_loop3A_139, %parallel_loop3A_140], %broadcast_in_dim3A_1 {strides = array<i32>} : memref<2x40x136xf32, #tpu.memory_space<vmem>>, vector<16xf32>,
      %parallel_loop3A_142 = arith.constant 0 : i32
      %parallel_loop3A_143 = arith.index_cast %parallel_loop3A_142 : i32 to index
      %parallel_loop3A_144 = arith.index_cast %parallel_loop3A_121 : i32 to index
      %parallel_loop3A_145 = arith.constant 64 : index
      %parallel_loop3A_146 = tpu.vector_load %arg15[%parallel_loop3A_143, %parallel_loop3A_144, %parallel_loop3A_145] {strides = array<i32>} : memref<2x40x136xf32, #tpu.memory_space<vmem>>, vector<16xf32>,
      tpu.vector_store %arg15[%parallel_loop3A_143, %parallel_loop3A_144, %parallel_loop3A_145], %broadcast_in_dim3A_1 {strides = array<i32>} : memref<2x40x136xf32, #tpu.memory_space<vmem>>, vector<16xf32>,
      %parallel_loop3A_147 = arith.constant 0 : i32
      %parallel_loop3A_148 = arith.index_cast %parallel_loop3A_147 : i32 to index
      %parallel_loop3A_149 = arith.index_cast %parallel_loop3A_121 : i32 to index
      %parallel_loop3A_150 = arith.constant 80 : index
      %parallel_loop3A_151 = tpu.vector_load %arg15[%parallel_loop3A_148, %parallel_loop3A_149, %parallel_loop3A_150] {strides = array<i32>} : memref<2x40x136xf32, #tpu.memory_space<vmem>>, vector<16xf32>,
      tpu.vector_store %arg15[%parallel_loop3A_148, %parallel_loop3A_149, %parallel_loop3A_150], %broadcast_in_dim3A_1 {strides = array<i32>} : memref<2x40x136xf32, #tpu.memory_space<vmem>>, vector<16xf32>,
      %parallel_loop3A_152 = arith.constant 0 : i32
      %parallel_loop3A_153 = arith.index_cast %parallel_loop3A_152 : i32 to index
      %parallel_loop3A_154 = arith.index_cast %parallel_loop3A_121 : i32 to index
      %parallel_loop3A_155 = arith.constant 96 : index
      %parallel_loop3A_156 = tpu.vector_load %arg15[%parallel_loop3A_153, %parallel_loop3A_154, %parallel_loop3A_155] {strides = array<i32>} : memref<2x40x136xf32, #tpu.memory_space<vmem>>, vector<16xf32>,
      tpu.vector_store %arg15[%parallel_loop3A_153, %parallel_loop3A_154, %parallel_loop3A_155], %broadcast_in_dim3A_1 {strides = array<i32>} : memref<2x40x136xf32, #tpu.memory_space<vmem>>, vector<16xf32>,
      %parallel_loop3A_157 = arith.constant 0 : i32
      %parallel_loop3A_158 = arith.index_cast %parallel_loop3A_157 : i32 to index
      %parallel_loop3A_159 = arith.index_cast %parallel_loop3A_121 : i32 to index
      %parallel_loop3A_160 = arith.constant 112 : index
      %parallel_loop3A_161 = tpu.vector_load %arg15[%parallel_loop3A_158, %parallel_loop3A_159, %parallel_loop3A_160] {strides = array<i32>} : memref<2x40x136xf32, #tpu.memory_space<vmem>>, vector<16xf32>,
      tpu.vector_store %arg15[%parallel_loop3A_158, %parallel_loop3A_159, %parallel_loop3A_160], %broadcast_in_dim3A_1 {strides = array<i32>} : memref<2x40x136xf32, #tpu.memory_space<vmem>>, vector<16xf32>,
      %parallel_loop3A_162 = vector.broadcast %parallel_loop3A_121 : i32 to vector<16xi32>
      %parallel_loop3A_163 = arith.constant 0 : i32
      %parallel_loop3A_164 = arith.constant 0 : i32
      %parallel_loop3A_165 = arith.constant 0 : i32
      %parallel_loop3A_166 = tpu.memref_slice %arg15[%parallel_loop3A_163, %parallel_loop3A_164, %parallel_loop3A_165] : memref<2x40x136xf32, #tpu.memory_space<vmem>> -> memref<1x40x136xf32, #tpu.memory_space<vmem>>
      %parallel_loop3A_167 = tpu.memref_squeeze %parallel_loop3A_166 : memref<1x40x136xf32, #tpu.memory_space<vmem>> -> memref<40x136xf32, #tpu.memory_space<vmem>>
      tpu.vector_store_idx %parallel_loop3A_167[%parallel_loop3A_162, %add3A_9], %broadcast_in_dim3A_1 masked %lt3A_12 : memref<40x136xf32, #tpu.memory_space<vmem>>[vector<16xi32>, vector<16xi32>], vector<16xf32>, vector<16xi1>
    } {sc.loop_unroll_factor = 1 : i64, sc.parallel_access}
    %scan3A = arith.constant 0 : i32
    %scan3A_15 = arith.constant 0 : i32
    %scan3A_16 = arith.constant 15 : i32
    %scan3A_17 = arith.addi %scan3A_15, %scan3A_16 : i32
    %scan3A_18 = arith.constant 1 : i32
    %scan3A_19 = scf.for %scan3A_121 = %scan3A_15 to %scan3A_17 step %scan3A_18 iter_args(%scan3A_122 = %scan3A) -> (i32)  : i32 {
      %mul3A_123 = arith.constant 625 : i32
      %mul3A_124 = arith.muli %arg1, %mul3A_123 : i32
      %mul3A_125 = arith.constant 40 : i32
      %mul3A_126 = arith.muli %scan3A_121, %mul3A_125 : i32
      %add3A_127 = arith.addi %mul3A_124, %mul3A_126 : i32
      %run_scoped3A_128 = arith.constant 0 : i32
      "tpu.region"() ({
        %run_scoped3A_130 = tpu.sem_alloc : memref<!tpu.dma_semaphore, #tpu.memory_space<semaphore_mem>>
        %dma_start3A_131 = arith.constant 0 : i32
        %dma_start3A_132 = arith.constant 0 : i32
        %dma_start3A_133 = tpu.memref_slice %arg15[%run_scoped3A_128, %dma_start3A_131, %dma_start3A_132] : memref<2x40x136xf32, #tpu.memory_space<vmem>> -> memref<1x40x136xf32, #tpu.memory_space<vmem>>
        %dma_start3A_134 = tpu.memref_squeeze %dma_start3A_133 : memref<1x40x136xf32, #tpu.memory_space<vmem>> -> memref<40x136xf32, #tpu.memory_space<vmem>>
        %dma_start3A_135 = arith.constant 0 : i32
        %dma_start3A_136 = tpu.memref_slice %arg16[%add3A_127, %dma_start3A_135] : memref<10000x136xf32, #tpu.memory_space<vmem_shared>> -> memref<40x136xf32, #tpu.memory_space<vmem_shared>>
        %dma_start3A_137 = arith.constant 0 : i32
        %dma_start3A_138 = tpu.memref_slice %arg16[%add3A_127, %dma_start3A_137] : memref<10000x136xf32, #tpu.memory_space<vmem_shared>> -> memref<40x136xf32, #tpu.memory_space<vmem_shared>>
        %dma_start3A_139 = arith.constant 0 : i32
        %dma_start3A_140 = arith.constant 0 : i32
        %dma_start3A_141 = tpu.memref_slice %arg15[%run_scoped3A_128, %dma_start3A_139, %dma_start3A_140] : memref<2x40x136xf32, #tpu.memory_space<vmem>> -> memref<1x40x136xf32, #tpu.memory_space<vmem>>
        %dma_start3A_142 = tpu.memref_squeeze %dma_start3A_141 : memref<1x40x136xf32, #tpu.memory_space<vmem>> -> memref<40x136xf32, #tpu.memory_space<vmem>>
        tpu.enqueue_dma source(%dma_start3A_142 : memref<40x136xf32, #tpu.memory_space<vmem>>) target(%dma_start3A_138 : memref<40x136xf32, #tpu.memory_space<vmem_shared>>) target_semaphore(%run_scoped3A_130 : memref<!tpu.dma_semaphore, #tpu.memory_space<semaphore_mem>>)
        %dma_wait3A_143 = arith.constant 0 : i32
        %dma_wait3A_144 = arith.constant 0 : i32
        %dma_wait3A_145 = tpu.memref_slice %arg15[%run_scoped3A_128, %dma_wait3A_143, %dma_wait3A_144] : memref<2x40x136xf32, #tpu.memory_space<vmem>> -> memref<1x40x136xf32, #tpu.memory_space<vmem>>
        %dma_wait3A_146 = tpu.memref_squeeze %dma_wait3A_145 : memref<1x40x136xf32, #tpu.memory_space<vmem>> -> memref<40x136xf32, #tpu.memory_space<vmem>>
        %dma_wait3A_147 = arith.constant 0 : i32
        %dma_wait3A_148 = tpu.memref_slice %arg16[%add3A_127, %dma_wait3A_147] : memref<10000x136xf32, #tpu.memory_space<vmem_shared>> -> memref<40x136xf32, #tpu.memory_space<vmem_shared>>
        %dma_wait3A_149 = arith.constant 0 : i32
        %dma_wait3A_150 = tpu.memref_slice %arg16[%add3A_127, %dma_wait3A_149] : memref<10000x136xf32, #tpu.memory_space<vmem_shared>> -> memref<40x136xf32, #tpu.memory_space<vmem_shared>>
        %dma_wait3A_151 = arith.constant 0 : i32
        %dma_wait3A_152 = arith.constant 0 : i32
        %dma_wait3A_153 = tpu.memref_slice %arg15[%run_scoped3A_128, %dma_wait3A_151, %dma_wait3A_152] : memref<2x40x136xf32, #tpu.memory_space<vmem>> -> memref<1x40x136xf32, #tpu.memory_space<vmem>>
        %dma_wait3A_154 = tpu.memref_squeeze %dma_wait3A_153 : memref<1x40x136xf32, #tpu.memory_space<vmem>> -> memref<40x136xf32, #tpu.memory_space<vmem>>
        tpu.wait_dma2 semaphore(%run_scoped3A_130 : memref<!tpu.dma_semaphore, #tpu.memory_space<semaphore_mem>>) src(%dma_wait3A_154 : memref<40x136xf32, #tpu.memory_space<vmem>>) dst(%dma_wait3A_150 : memref<40x136xf32, #tpu.memory_space<vmem_shared>>)
        tpu.yield
      }) : () -> ()
      %scan3A_129 = arith.constant 0 : i32
      scf.yield %scan3A_129 : i32
    }
    %scan3A_20 = arith.constant 15 : i32
    %mul3A_21 = arith.constant 625 : i32
    %mul3A_22 = arith.muli %arg1, %mul3A_21 : i32
    %add3A_23 = arith.constant 600 : i32
    %add3A_24 = arith.addi %mul3A_22, %add3A_23 : i32
    %run_scoped3A = arith.constant 0 : i32
    "tpu.region"() ({
      %run_scoped3A_121 = tpu.sem_alloc : memref<!tpu.dma_semaphore, #tpu.memory_space<semaphore_mem>>
      %dma_start3A_122 = arith.constant 0 : i32
      %dma_start3A_123 = arith.constant 0 : i32
      %dma_start3A_124 = tpu.memref_slice %arg15[%run_scoped3A, %dma_start3A_122, %dma_start3A_123] : memref<2x40x136xf32, #tpu.memory_space<vmem>> -> memref<1x25x136xf32, #tpu.memory_space<vmem>>
      %dma_start3A_125 = tpu.memref_squeeze %dma_start3A_124 : memref<1x25x136xf32, #tpu.memory_space<vmem>> -> memref<25x136xf32, #tpu.memory_space<vmem>>
      %dma_start3A_126 = arith.constant 0 : i32
      %dma_start3A_127 = tpu.memref_slice %arg16[%add3A_24, %dma_start3A_126] : memref<10000x136xf32, #tpu.memory_space<vmem_shared>> -> memref<25x136xf32, #tpu.memory_space<vmem_shared>>
      %dma_start3A_128 = arith.constant 0 : i32
      %dma_start3A_129 = tpu.memref_slice %arg16[%add3A_24, %dma_start3A_128] : memref<10000x136xf32, #tpu.memory_space<vmem_shared>> -> memref<25x136xf32, #tpu.memory_space<vmem_shared>>
      %dma_start3A_130 = arith.constant 0 : i32
      %dma_start3A_131 = arith.constant 0 : i32
      %dma_start3A_132 = tpu.memref_slice %arg15[%run_scoped3A, %dma_start3A_130, %dma_start3A_131] : memref<2x40x136xf32, #tpu.memory_space<vmem>> -> memref<1x25x136xf32, #tpu.memory_space<vmem>>
      %dma_start3A_133 = tpu.memref_squeeze %dma_start3A_132 : memref<1x25x136xf32, #tpu.memory_space<vmem>> -> memref<25x136xf32, #tpu.memory_space<vmem>>
      tpu.enqueue_dma source(%dma_start3A_133 : memref<25x136xf32, #tpu.memory_space<vmem>>) target(%dma_start3A_129 : memref<25x136xf32, #tpu.memory_space<vmem_shared>>) target_semaphore(%run_scoped3A_121 : memref<!tpu.dma_semaphore, #tpu.memory_space<semaphore_mem>>)
      %dma_wait3A_134 = arith.constant 0 : i32
      %dma_wait3A_135 = arith.constant 0 : i32
      %dma_wait3A_136 = tpu.memref_slice %arg15[%run_scoped3A, %dma_wait3A_134, %dma_wait3A_135] : memref<2x40x136xf32, #tpu.memory_space<vmem>> -> memref<1x25x136xf32, #tpu.memory_space<vmem>>
      %dma_wait3A_137 = tpu.memref_squeeze %dma_wait3A_136 : memref<1x25x136xf32, #tpu.memory_space<vmem>> -> memref<25x136xf32, #tpu.memory_space<vmem>>
      %dma_wait3A_138 = arith.constant 0 : i32
      %dma_wait3A_139 = tpu.memref_slice %arg16[%add3A_24, %dma_wait3A_138] : memref<10000x136xf32, #tpu.memory_space<vmem_shared>> -> memref<25x136xf32, #tpu.memory_space<vmem_shared>>
      %dma_wait3A_140 = arith.constant 0 : i32
      %dma_wait3A_141 = tpu.memref_slice %arg16[%add3A_24, %dma_wait3A_140] : memref<10000x136xf32, #tpu.memory_space<vmem_shared>> -> memref<25x136xf32, #tpu.memory_space<vmem_shared>>
      %dma_wait3A_142 = arith.constant 0 : i32
      %dma_wait3A_143 = arith.constant 0 : i32
      %dma_wait3A_144 = tpu.memref_slice %arg15[%run_scoped3A, %dma_wait3A_142, %dma_wait3A_143] : memref<2x40x136xf32, #tpu.memory_space<vmem>> -> memref<1x25x136xf32, #tpu.memory_space<vmem>>
      %dma_wait3A_145 = tpu.memref_squeeze %dma_wait3A_144 : memref<1x25x136xf32, #tpu.memory_space<vmem>> -> memref<25x136xf32, #tpu.memory_space<vmem>>
      tpu.wait_dma2 semaphore(%run_scoped3A_121 : memref<!tpu.dma_semaphore, #tpu.memory_space<semaphore_mem>>) src(%dma_wait3A_145 : memref<25x136xf32, #tpu.memory_space<vmem>>) dst(%dma_wait3A_141 : memref<25x136xf32, #tpu.memory_space<vmem_shared>>)
      tpu.yield
    }) : () -> ()
    %barrier3A = arith.constant 0 : index
    tpu.barrier barrier_id(%barrier3A)
    %mul3A_25 = arith.constant 10000 : i32
    %mul3A_26 = arith.muli %add3A, %mul3A_25 : i32
    %add3A_27 = arith.constant 0 : i32
    %add3A_28 = arith.addi %mul3A_26, %add3A_27 : i32
    %run_scoped3A_29 = arith.constant 0 : i32
    "tpu.region"() ({
      %run_scoped3A_121 = tpu.sem_alloc : memref<!tpu.dma_semaphore, #tpu.memory_space<semaphore_mem>>
      %dma_start3A_122 = arith.constant 0 : i32
      %dma_start3A_123 = arith.constant 0 : i32
      %dma_start3A_124 = tpu.memref_slice %arg9[%run_scoped3A_29, %dma_start3A_122, %dma_start3A_123] : memref<2x2x40xi32, #tpu.memory_space<vmem>> -> memref<1x2x40xi32, #tpu.memory_space<vmem>>
      %dma_start3A_125 = tpu.memref_squeeze %dma_start3A_124 : memref<1x2x40xi32, #tpu.memory_space<vmem>> -> memref<2x40xi32, #tpu.memory_space<vmem>>
      %dma_start3A_126 = arith.constant 0 : i32
      %dma_start3A_127 = tpu.memref_slice %arg6[%dma_start3A_126, %add3A_28] : memref<2x320000xi32, #tpu.memory_space<hbm>> -> memref<2x40xi32, #tpu.memory_space<hbm>>
      %dma_start3A_128 = arith.constant 0 : i32
      %dma_start3A_129 = arith.constant 0 : i32
      %dma_start3A_130 = tpu.memref_slice %arg9[%run_scoped3A_29, %dma_start3A_128, %dma_start3A_129] : memref<2x2x40xi32, #tpu.memory_space<vmem>> -> memref<1x2x40xi32, #tpu.memory_space<vmem>>
      %dma_start3A_131 = tpu.memref_squeeze %dma_start3A_130 : memref<1x2x40xi32, #tpu.memory_space<vmem>> -> memref<2x40xi32, #tpu.memory_space<vmem>>
      %dma_start3A_132 = arith.constant 0 : i32
      %dma_start3A_133 = tpu.memref_slice %arg6[%dma_start3A_132, %add3A_28] : memref<2x320000xi32, #tpu.memory_space<hbm>> -> memref<2x40xi32, #tpu.memory_space<hbm>>
      tpu.enqueue_dma source(%dma_start3A_133 : memref<2x40xi32, #tpu.memory_space<hbm>>) target(%dma_start3A_131 : memref<2x40xi32, #tpu.memory_space<vmem>>) target_semaphore(%run_scoped3A_121 : memref<!tpu.dma_semaphore, #tpu.memory_space<semaphore_mem>>)
      %dma_wait3A_134 = arith.constant 0 : i32
      %dma_wait3A_135 = arith.constant 0 : i32
      %dma_wait3A_136 = tpu.memref_slice %arg9[%run_scoped3A_29, %dma_wait3A_134, %dma_wait3A_135] : memref<2x2x40xi32, #tpu.memory_space<vmem>> -> memref<1x2x40xi32, #tpu.memory_space<vmem>>
      %dma_wait3A_137 = tpu.memref_squeeze %dma_wait3A_136 : memref<1x2x40xi32, #tpu.memory_space<vmem>> -> memref<2x40xi32, #tpu.memory_space<vmem>>
      %dma_wait3A_138 = arith.constant 0 : i32
      %dma_wait3A_139 = tpu.memref_slice %arg6[%dma_wait3A_138, %add3A_28] : memref<2x320000xi32, #tpu.memory_space<hbm>> -> memref<2x40xi32, #tpu.memory_space<hbm>>
      %dma_wait3A_140 = arith.constant 0 : i32
      %dma_wait3A_141 = arith.constant 0 : i32
      %dma_wait3A_142 = tpu.memref_slice %arg9[%run_scoped3A_29, %dma_wait3A_140, %dma_wait3A_141] : memref<2x2x40xi32, #tpu.memory_space<vmem>> -> memref<1x2x40xi32, #tpu.memory_space<vmem>>
      %dma_wait3A_143 = tpu.memref_squeeze %dma_wait3A_142 : memref<1x2x40xi32, #tpu.memory_space<vmem>> -> memref<2x40xi32, #tpu.memory_space<vmem>>
      %dma_wait3A_144 = arith.constant 0 : i32
      %dma_wait3A_145 = tpu.memref_slice %arg6[%dma_wait3A_144, %add3A_28] : memref<2x320000xi32, #tpu.memory_space<hbm>> -> memref<2x40xi32, #tpu.memory_space<hbm>>
      tpu.wait_dma2 semaphore(%run_scoped3A_121 : memref<!tpu.dma_semaphore, #tpu.memory_space<semaphore_mem>>) src(%dma_wait3A_145 : memref<2x40xi32, #tpu.memory_space<hbm>>) dst(%dma_wait3A_143 : memref<2x40xi32, #tpu.memory_space<vmem>>)
      tpu.yield
    }) : () -> ()
    %dma_start3A = arith.constant 0 : i32
    %dma_start3A_30 = arith.constant 0 : i32
    %dma_start3A_31 = arith.constant 0 : i32
    %dma_start3A_32 = arith.constant 0 : i32
    %dma_start3A_33 = arith.constant 0 : i32
    %dma_start3A_34 = tpu.memref_slice %arg10[%dma_start3A_31, %dma_start3A_32, %dma_start3A_33] : memref<2x40x64xi32, #tpu.memory_space<vmem>> -> memref<1x40x64xi32, #tpu.memory_space<vmem>>
    %dma_start3A_35 = tpu.memref_squeeze %dma_start3A_34 : memref<1x40x64xi32, #tpu.memory_space<vmem>> -> memref<40x64xi32, #tpu.memory_space<vmem>>
    %dma_start3A_36 = arith.constant 0 : i32
    %dma_start3A_37 = tpu.memref_slice %arg9[%dma_start3A, %dma_start3A_30, %dma_start3A_36] : memref<2x2x40xi32, #tpu.memory_space<vmem>> -> memref<1x1x40xi32, #tpu.memory_space<vmem>>
    %dma_start3A_38 = tpu.memref_squeeze %dma_start3A_37 : memref<1x1x40xi32, #tpu.memory_space<vmem>> -> memref<40xi32, #tpu.memory_space<vmem>>
    %dma_start3A_39 = arith.constant 0 : i32
    %dma_start3A_40 = arith.constant 0 : i32
    %dma_start3A_41 = tpu.memref_slice %arg3[%dma_start3A_39, %dma_start3A_40] : memref<10000x64xi32, #tpu.memory_space<hbm>> -> memref<10000x64xi32, #tpu.memory_space<hbm>>
    tpu.enqueue_indirect_dma source(%dma_start3A_41 : memref<10000x64xi32, #tpu.memory_space<hbm>>) target(%dma_start3A_35 : memref<40x64xi32, #tpu.memory_space<vmem>>) offsets(%dma_start3A_38 : memref<40xi32, #tpu.memory_space<vmem>>) semaphore(%arg17 : memref<!tpu.dma_semaphore, #tpu.memory_space<semaphore_mem>>)
    %dma_start3A_42 = arith.constant 0 : i32
    %dma_start3A_43 = arith.constant 1 : i32
    %dma_start3A_44 = arith.constant 0 : i32
    %dma_start3A_45 = arith.constant 0 : i32
    %dma_start3A_46 = arith.constant 0 : i32
    %dma_start3A_47 = tpu.memref_slice %arg11[%dma_start3A_44, %dma_start3A_45, %dma_start3A_46] : memref<2x40x64xi32, #tpu.memory_space<vmem>> -> memref<1x40x64xi32, #tpu.memory_space<vmem>>
    %dma_start3A_48 = tpu.memref_squeeze %dma_start3A_47 : memref<1x40x64xi32, #tpu.memory_space<vmem>> -> memref<40x64xi32, #tpu.memory_space<vmem>>
    %dma_start3A_49 = arith.constant 0 : i32
    %dma_start3A_50 = tpu.memref_slice %arg9[%dma_start3A_42, %dma_start3A_43, %dma_start3A_49] : memref<2x2x40xi32, #tpu.memory_space<vmem>> -> memref<1x1x40xi32, #tpu.memory_space<vmem>>
    %dma_start3A_51 = tpu.memref_squeeze %dma_start3A_50 : memref<1x1x40xi32, #tpu.memory_space<vmem>> -> memref<40xi32, #tpu.memory_space<vmem>>
    %dma_start3A_52 = arith.constant 0 : i32
    %dma_start3A_53 = arith.constant 0 : i32
    %dma_start3A_54 = tpu.memref_slice %arg2[%dma_start3A_52, %dma_start3A_53] : memref<10000x64xi32, #tpu.memory_space<hbm>> -> memref<10000x64xi32, #tpu.memory_space<hbm>>
    tpu.enqueue_indirect_dma source(%dma_start3A_54 : memref<10000x64xi32, #tpu.memory_space<hbm>>) target(%dma_start3A_48 : memref<40x64xi32, #tpu.memory_space<vmem>>) offsets(%dma_start3A_51 : memref<40xi32, #tpu.memory_space<vmem>>) semaphore(%arg19 : memref<!tpu.dma_semaphore, #tpu.memory_space<semaphore_mem>>)
    %dma_start3A_55 = arith.constant 0 : i32
    %dma_start3A_56 = arith.constant 0 : i32
    %dma_start3A_57 = arith.constant 0 : i32
    %dma_start3A_58 = arith.constant 0 : i32
    %dma_start3A_59 = arith.constant 0 : i32
    %dma_start3A_60 = tpu.memref_slice %arg13[%dma_start3A_57, %dma_start3A_58, %dma_start3A_59] : memref<2x40x64xi32, #tpu.memory_space<vmem>> -> memref<1x40x64xi32, #tpu.memory_space<vmem>>
    %dma_start3A_61 = tpu.memref_squeeze %dma_start3A_60 : memref<1x40x64xi32, #tpu.memory_space<vmem>> -> memref<40x64xi32, #tpu.memory_space<vmem>>
    %dma_start3A_62 = arith.constant 0 : i32
    %dma_start3A_63 = tpu.memref_slice %arg9[%dma_start3A_55, %dma_start3A_56, %dma_start3A_62] : memref<2x2x40xi32, #tpu.memory_space<vmem>> -> memref<1x1x40xi32, #tpu.memory_space<vmem>>
    %dma_start3A_64 = tpu.memref_squeeze %dma_start3A_63 : memref<1x1x40xi32, #tpu.memory_space<vmem>> -> memref<40xi32, #tpu.memory_space<vmem>>
    %dma_start3A_65 = arith.constant 0 : i32
    %dma_start3A_66 = arith.constant 0 : i32
    %dma_start3A_67 = tpu.memref_slice %arg4[%dma_start3A_65, %dma_start3A_66] : memref<10000x64xi32, #tpu.memory_space<hbm>> -> memref<10000x64xi32, #tpu.memory_space<hbm>>
    tpu.enqueue_indirect_dma source(%dma_start3A_67 : memref<10000x64xi32, #tpu.memory_space<hbm>>) target(%dma_start3A_61 : memref<40x64xi32, #tpu.memory_space<vmem>>) offsets(%dma_start3A_64 : memref<40xi32, #tpu.memory_space<vmem>>) semaphore(%arg23 : memref<!tpu.dma_semaphore, #tpu.memory_space<semaphore_mem>>)
    %dma_start3A_68 = arith.constant 0 : i32
    %dma_start3A_69 = arith.constant 0 : i32
    %dma_start3A_70 = arith.constant 0 : i32
    %dma_start3A_71 = tpu.memref_slice %arg12[%dma_start3A_68, %dma_start3A_69, %dma_start3A_70] : memref<2x40x64xi32, #tpu.memory_space<vmem>> -> memref<1x40x64xi32, #tpu.memory_space<vmem>>
    %dma_start3A_72 = tpu.memref_squeeze %dma_start3A_71 : memref<1x40x64xi32, #tpu.memory_space<vmem>> -> memref<40x64xi32, #tpu.memory_space<vmem>>
    %dma_start3A_73 = arith.constant 0 : i32
    %dma_start3A_74 = tpu.memref_slice %arg5[%add3A_28, %dma_start3A_73] : memref<320000x64xi32, #tpu.memory_space<hbm>> -> memref<40x64xi32, #tpu.memory_space<hbm>>
    %dma_start3A_75 = arith.constant 0 : i32
    %dma_start3A_76 = arith.constant 0 : i32
    %dma_start3A_77 = tpu.memref_slice %arg12[%dma_start3A_68, %dma_start3A_75, %dma_start3A_76] : memref<2x40x64xi32, #tpu.memory_space<vmem>> -> memref<1x40x64xi32, #tpu.memory_space<vmem>>
    %dma_start3A_78 = tpu.memref_squeeze %dma_start3A_77 : memref<1x40x64xi32, #tpu.memory_space<vmem>> -> memref<40x64xi32, #tpu.memory_space<vmem>>
    %dma_start3A_79 = arith.constant 0 : i32
    %dma_start3A_80 = tpu.memref_slice %arg5[%add3A_28, %dma_start3A_79] : memref<320000x64xi32, #tpu.memory_space<hbm>> -> memref<40x64xi32, #tpu.memory_space<hbm>>
    tpu.enqueue_dma source(%dma_start3A_80 : memref<40x64xi32, #tpu.memory_space<hbm>>) target(%dma_start3A_78 : memref<40x64xi32, #tpu.memory_space<vmem>>) target_semaphore(%arg21 : memref<!tpu.dma_semaphore, #tpu.memory_space<semaphore_mem>>)
    %scan3A_81 = arith.constant -65536 : i32
    %scan3A_82 = arith.constant 0 : i32
    %scan3A_83 = arith.constant 0 : i32
    %scan3A_84 = arith.constant 125 : i32
    %scan3A_85 = arith.addi %scan3A_83, %scan3A_84 : i32
    %scan3A_86 = arith.constant 1 : i32
    %scan3A_87 = scf.for %scan3A_121 = %scan3A_83 to %scan3A_85 step %scan3A_86 iter_args(%scan3A_122 = %scan3A_82) -> (i32)  : i32 {
      %mul3A_123 = arith.constant 2 : i32
      %mul3A_124 = arith.muli %scan3A_121, %mul3A_123 : i32
      %add3A_125 = arith.constant 0 : i32
      %add3A_126 = arith.addi %mul3A_124, %add3A_125 : i32
      %mul3A_127 = arith.constant 40 : i32
      %mul3A_128 = arith.muli %add3A_126, %mul3A_127 : i32
      %add3A_129 = arith.addi %mul3A_26, %mul3A_128 : i32
      %ge3A = arith.constant 1 : i32
      %ge3A_130 = arith.cmpi sge, %scan3A_121, %ge3A : i32
      %convert_element_type3A = arith.extui %ge3A_130 : i1 to i32
      %cond3A = arith.constant 0 : i32
      %cond3A_131 = arith.cmpi ne, %convert_element_type3A, %cond3A : i32
      scf.if %cond3A_131 {
        %dma_wait3A_370 = arith.constant 1 : i32
        %dma_wait3A_371 = arith.constant 1 : i32
        %dma_wait3A_372 = arith.constant 1 : i32
        %dma_wait3A_373 = arith.constant 0 : i32
        %dma_wait3A_374 = arith.constant 0 : i32
        %dma_wait3A_375 = tpu.memref_slice %arg15[%dma_wait3A_370, %dma_wait3A_373, %dma_wait3A_374] : memref<2x40x136xf32, #tpu.memory_space<vmem>> -> memref<1x40x136xf32, #tpu.memory_space<vmem>>
        %dma_wait3A_376 = tpu.memref_squeeze %dma_wait3A_375 : memref<1x40x136xf32, #tpu.memory_space<vmem>> -> memref<40x136xf32, #tpu.memory_space<vmem>>
        %dma_wait3A_377 = arith.constant 0 : i32
        %dma_wait3A_378 = tpu.memref_slice %arg9[%dma_wait3A_371, %dma_wait3A_372, %dma_wait3A_377] : memref<2x2x40xi32, #tpu.memory_space<vmem>> -> memref<1x1x40xi32, #tpu.memory_space<vmem>>
        %dma_wait3A_379 = tpu.memref_squeeze %dma_wait3A_378 : memref<1x1x40xi32, #tpu.memory_space<vmem>> -> memref<40xi32, #tpu.memory_space<vmem>>
        %dma_wait3A_380 = arith.constant 0 : i32
        %dma_wait3A_381 = arith.constant 0 : i32
        %dma_wait3A_382 = tpu.memref_slice %arg16[%dma_wait3A_380, %dma_wait3A_381] : memref<10000x136xf32, #tpu.memory_space<vmem_shared>> -> memref<10000x136xf32, #tpu.memory_space<vmem_shared>>
        tpu.wait_indirect_dma semaphore(%arg27 : memref<!tpu.dma_semaphore, #tpu.memory_space<semaphore_mem>>) src(%dma_wait3A_376 : memref<40x136xf32, #tpu.memory_space<vmem>>) dst(%dma_wait3A_382 : memref<10000x136xf32, #tpu.memory_space<vmem_shared>>)
      } else {
      }
      %add3A_132 = arith.constant 1 : i32
      %add3A_133 = arith.addi %add3A_126, %add3A_132 : i32
      %mul3A_134 = arith.constant 40 : i32
      %mul3A_135 = arith.muli %add3A_133, %mul3A_134 : i32
      %add3A_136 = arith.addi %mul3A_26, %mul3A_135 : i32
      %run_scoped3A_137 = arith.constant 1 : i32
      "tpu.region"() ({
        %run_scoped3A_370 = tpu.sem_alloc : memref<!tpu.dma_semaphore, #tpu.memory_space<semaphore_mem>>
        %dma_start3A_371 = arith.constant 0 : i32
        %dma_start3A_372 = arith.constant 0 : i32
        %dma_start3A_373 = tpu.memref_slice %arg9[%run_scoped3A_137, %dma_start3A_371, %dma_start3A_372] : memref<2x2x40xi32, #tpu.memory_space<vmem>> -> memref<1x2x40xi32, #tpu.memory_space<vmem>>
        %dma_start3A_374 = tpu.memref_squeeze %dma_start3A_373 : memref<1x2x40xi32, #tpu.memory_space<vmem>> -> memref<2x40xi32, #tpu.memory_space<vmem>>
        %dma_start3A_375 = arith.constant 0 : i32
        %dma_start3A_376 = tpu.memref_slice %arg6[%dma_start3A_375, %add3A_136] : memref<2x320000xi32, #tpu.memory_space<hbm>> -> memref<2x40xi32, #tpu.memory_space<hbm>>
        %dma_start3A_377 = arith.constant 0 : i32
        %dma_start3A_378 = arith.constant 0 : i32
        %dma_start3A_379 = tpu.memref_slice %arg9[%run_scoped3A_137, %dma_start3A_377, %dma_start3A_378] : memref<2x2x40xi32, #tpu.memory_space<vmem>> -> memref<1x2x40xi32, #tpu.memory_space<vmem>>
        %dma_start3A_380 = tpu.memref_squeeze %dma_start3A_379 : memref<1x2x40xi32, #tpu.memory_space<vmem>> -> memref<2x40xi32, #tpu.memory_space<vmem>>
        %dma_start3A_381 = arith.constant 0 : i32
        %dma_start3A_382 = tpu.memref_slice %arg6[%dma_start3A_381, %add3A_136] : memref<2x320000xi32, #tpu.memory_space<hbm>> -> memref<2x40xi32, #tpu.memory_space<hbm>>
        tpu.enqueue_dma source(%dma_start3A_382 : memref<2x40xi32, #tpu.memory_space<hbm>>) target(%dma_start3A_380 : memref<2x40xi32, #tpu.memory_space<vmem>>) target_semaphore(%run_scoped3A_370 : memref<!tpu.dma_semaphore, #tpu.memory_space<semaphore_mem>>)
        %dma_wait3A_383 = arith.constant 0 : i32
        %dma_wait3A_384 = arith.constant 0 : i32
        %dma_wait3A_385 = tpu.memref_slice %arg9[%run_scoped3A_137, %dma_wait3A_383, %dma_wait3A_384] : memref<2x2x40xi32, #tpu.memory_space<vmem>> -> memref<1x2x40xi32, #tpu.memory_space<vmem>>
        %dma_wait3A_386 = tpu.memref_squeeze %dma_wait3A_385 : memref<1x2x40xi32, #tpu.memory_space<vmem>> -> memref<2x40xi32, #tpu.memory_space<vmem>>
        %dma_wait3A_387 = arith.constant 0 : i32
        %dma_wait3A_388 = tpu.memref_slice %arg6[%dma_wait3A_387, %add3A_136] : memref<2x320000xi32, #tpu.memory_space<hbm>> -> memref<2x40xi32, #tpu.memory_space<hbm>>
        %dma_wait3A_389 = arith.constant 0 : i32
        %dma_wait3A_390 = arith.constant 0 : i32
        %dma_wait3A_391 = tpu.memref_slice %arg9[%run_scoped3A_137, %dma_wait3A_389, %dma_wait3A_390] : memref<2x2x40xi32, #tpu.memory_space<vmem>> -> memref<1x2x40xi32, #tpu.memory_space<vmem>>
        %dma_wait3A_392 = tpu.memref_squeeze %dma_wait3A_391 : memref<1x2x40xi32, #tpu.memory_space<vmem>> -> memref<2x40xi32, #tpu.memory_space<vmem>>
        %dma_wait3A_393 = arith.constant 0 : i32
        %dma_wait3A_394 = tpu.memref_slice %arg6[%dma_wait3A_393, %add3A_136] : memref<2x320000xi32, #tpu.memory_space<hbm>> -> memref<2x40xi32, #tpu.memory_space<hbm>>
        tpu.wait_dma2 semaphore(%run_scoped3A_370 : memref<!tpu.dma_semaphore, #tpu.memory_space<semaphore_mem>>) src(%dma_wait3A_394 : memref<2x40xi32, #tpu.memory_space<hbm>>) dst(%dma_wait3A_392 : memref<2x40xi32, #tpu.memory_space<vmem>>)
        tpu.yield
      }) : () -> ()
      %dma_start3A_138 = arith.constant 1 : i32
      %dma_start3A_139 = arith.constant 0 : i32
      %dma_start3A_140 = arith.constant 1 : i32
      %dma_start3A_141 = arith.constant 0 : i32
      %dma_start3A_142 = arith.constant 0 : i32
      %dma_start3A_143 = tpu.memref_slice %arg10[%dma_start3A_140, %dma_start3A_141, %dma_start3A_142] : memref<2x40x64xi32, #tpu.memory_space<vmem>> -> memref<1x40x64xi32, #tpu.memory_space<vmem>>
      %dma_start3A_144 = tpu.memref_squeeze %dma_start3A_143 : memref<1x40x64xi32, #tpu.memory_space<vmem>> -> memref<40x64xi32, #tpu.memory_space<vmem>>
      %dma_start3A_145 = arith.constant 0 : i32
      %dma_start3A_146 = tpu.memref_slice %arg9[%dma_start3A_138, %dma_start3A_139, %dma_start3A_145] : memref<2x2x40xi32, #tpu.memory_space<vmem>> -> memref<1x1x40xi32, #tpu.memory_space<vmem>>
      %dma_start3A_147 = tpu.memref_squeeze %dma_start3A_146 : memref<1x1x40xi32, #tpu.memory_space<vmem>> -> memref<40xi32, #tpu.memory_space<vmem>>
      %dma_start3A_148 = arith.constant 0 : i32
      %dma_start3A_149 = arith.constant 0 : i32
      %dma_start3A_150 = tpu.memref_slice %arg3[%dma_start3A_148, %dma_start3A_149] : memref<10000x64xi32, #tpu.memory_space<hbm>> -> memref<10000x64xi32, #tpu.memory_space<hbm>>
      tpu.enqueue_indirect_dma source(%dma_start3A_150 : memref<10000x64xi32, #tpu.memory_space<hbm>>) target(%dma_start3A_144 : memref<40x64xi32, #tpu.memory_space<vmem>>) offsets(%dma_start3A_147 : memref<40xi32, #tpu.memory_space<vmem>>) semaphore(%arg18 : memref<!tpu.dma_semaphore, #tpu.memory_space<semaphore_mem>>)
      %dma_start3A_151 = arith.constant 1 : i32
      %dma_start3A_152 = arith.constant 1 : i32
      %dma_start3A_153 = arith.constant 1 : i32
      %dma_start3A_154 = arith.constant 0 : i32
      %dma_start3A_155 = arith.constant 0 : i32
      %dma_start3A_156 = tpu.memref_slice %arg11[%dma_start3A_153, %dma_start3A_154, %dma_start3A_155] : memref<2x40x64xi32, #tpu.memory_space<vmem>> -> memref<1x40x64xi32, #tpu.memory_space<vmem>>
      %dma_start3A_157 = tpu.memref_squeeze %dma_start3A_156 : memref<1x40x64xi32, #tpu.memory_space<vmem>> -> memref<40x64xi32, #tpu.memory_space<vmem>>
      %dma_start3A_158 = arith.constant 0 : i32
      %dma_start3A_159 = tpu.memref_slice %arg9[%dma_start3A_151, %dma_start3A_152, %dma_start3A_158] : memref<2x2x40xi32, #tpu.memory_space<vmem>> -> memref<1x1x40xi32, #tpu.memory_space<vmem>>
      %dma_start3A_160 = tpu.memref_squeeze %dma_start3A_159 : memref<1x1x40xi32, #tpu.memory_space<vmem>> -> memref<40xi32, #tpu.memory_space<vmem>>
      %dma_start3A_161 = arith.constant 0 : i32
      %dma_start3A_162 = arith.constant 0 : i32
      %dma_start3A_163 = tpu.memref_slice %arg2[%dma_start3A_161, %dma_start3A_162] : memref<10000x64xi32, #tpu.memory_space<hbm>> -> memref<10000x64xi32, #tpu.memory_space<hbm>>
      tpu.enqueue_indirect_dma source(%dma_start3A_163 : memref<10000x64xi32, #tpu.memory_space<hbm>>) target(%dma_start3A_157 : memref<40x64xi32, #tpu.memory_space<vmem>>) offsets(%dma_start3A_160 : memref<40xi32, #tpu.memory_space<vmem>>) semaphore(%arg20 : memref<!tpu.dma_semaphore, #tpu.memory_space<semaphore_mem>>)
      %dma_start3A_164 = arith.constant 1 : i32
      %dma_start3A_165 = arith.constant 0 : i32
      %dma_start3A_166 = arith.constant 1 : i32
      %dma_start3A_167 = arith.constant 0 : i32
      %dma_start3A_168 = arith.constant 0 : i32
      %dma_start3A_169 = tpu.memref_slice %arg13[%dma_start3A_166, %dma_start3A_167, %dma_start3A_168] : memref<2x40x64xi32, #tpu.memory_space<vmem>> -> memref<1x40x64xi32, #tpu.memory_space<vmem>>
      %dma_start3A_170 = tpu.memref_squeeze %dma_start3A_169 : memref<1x40x64xi32, #tpu.memory_space<vmem>> -> memref<40x64xi32, #tpu.memory_space<vmem>>
      %dma_start3A_171 = arith.constant 0 : i32
      %dma_start3A_172 = tpu.memref_slice %arg9[%dma_start3A_164, %dma_start3A_165, %dma_start3A_171] : memref<2x2x40xi32, #tpu.memory_space<vmem>> -> memref<1x1x40xi32, #tpu.memory_space<vmem>>
      %dma_start3A_173 = tpu.memref_squeeze %dma_start3A_172 : memref<1x1x40xi32, #tpu.memory_space<vmem>> -> memref<40xi32, #tpu.memory_space<vmem>>
      %dma_start3A_174 = arith.constant 0 : i32
      %dma_start3A_175 = arith.constant 0 : i32
      %dma_start3A_176 = tpu.memref_slice %arg4[%dma_start3A_174, %dma_start3A_175] : memref<10000x64xi32, #tpu.memory_space<hbm>> -> memref<10000x64xi32, #tpu.memory_space<hbm>>
      tpu.enqueue_indirect_dma source(%dma_start3A_176 : memref<10000x64xi32, #tpu.memory_space<hbm>>) target(%dma_start3A_170 : memref<40x64xi32, #tpu.memory_space<vmem>>) offsets(%dma_start3A_173 : memref<40xi32, #tpu.memory_space<vmem>>) semaphore(%arg24 : memref<!tpu.dma_semaphore, #tpu.memory_space<semaphore_mem>>)
      %dma_start3A_177 = arith.constant 1 : i32
      %dma_start3A_178 = arith.constant 0 : i32
      %dma_start3A_179 = arith.constant 0 : i32
      %dma_start3A_180 = tpu.memref_slice %arg12[%dma_start3A_177, %dma_start3A_178, %dma_start3A_179] : memref<2x40x64xi32, #tpu.memory_space<vmem>> -> memref<1x40x64xi32, #tpu.memory_space<vmem>>
      %dma_start3A_181 = tpu.memref_squeeze %dma_start3A_180 : memref<1x40x64xi32, #tpu.memory_space<vmem>> -> memref<40x64xi32, #tpu.memory_space<vmem>>
      %dma_start3A_182 = arith.constant 0 : i32
      %dma_start3A_183 = tpu.memref_slice %arg5[%add3A_136, %dma_start3A_182] : memref<320000x64xi32, #tpu.memory_space<hbm>> -> memref<40x64xi32, #tpu.memory_space<hbm>>
      %dma_start3A_184 = arith.constant 0 : i32
      %dma_start3A_185 = arith.constant 0 : i32
      %dma_start3A_186 = tpu.memref_slice %arg12[%dma_start3A_177, %dma_start3A_184, %dma_start3A_185] : memref<2x40x64xi32, #tpu.memory_space<vmem>> -> memref<1x40x64xi32, #tpu.memory_space<vmem>>
      %dma_start3A_187 = tpu.memref_squeeze %dma_start3A_186 : memref<1x40x64xi32, #tpu.memory_space<vmem>> -> memref<40x64xi32, #tpu.memory_space<vmem>>
      %dma_start3A_188 = arith.constant 0 : i32
      %dma_start3A_189 = tpu.memref_slice %arg5[%add3A_136, %dma_start3A_188] : memref<320000x64xi32, #tpu.memory_space<hbm>> -> memref<40x64xi32, #tpu.memory_space<hbm>>
      tpu.enqueue_dma source(%dma_start3A_189 : memref<40x64xi32, #tpu.memory_space<hbm>>) target(%dma_start3A_187 : memref<40x64xi32, #tpu.memory_space<vmem>>) target_semaphore(%arg22 : memref<!tpu.dma_semaphore, #tpu.memory_space<semaphore_mem>>)
      %dma_wait3A_190 = arith.constant 0 : i32
      %dma_wait3A_191 = arith.constant 0 : i32
      %dma_wait3A_192 = arith.constant 0 : i32
      %dma_wait3A_193 = arith.constant 0 : i32
      %dma_wait3A_194 = arith.constant 0 : i32
      %dma_wait3A_195 = tpu.memref_slice %arg10[%dma_wait3A_192, %dma_wait3A_193, %dma_wait3A_194] : memref<2x40x64xi32, #tpu.memory_space<vmem>> -> memref<1x40x64xi32, #tpu.memory_space<vmem>>
      %dma_wait3A_196 = tpu.memref_squeeze %dma_wait3A_195 : memref<1x40x64xi32, #tpu.memory_space<vmem>> -> memref<40x64xi32, #tpu.memory_space<vmem>>
      %dma_wait3A_197 = arith.constant 0 : i32
      %dma_wait3A_198 = tpu.memref_slice %arg9[%dma_wait3A_190, %dma_wait3A_191, %dma_wait3A_197] : memref<2x2x40xi32, #tpu.memory_space<vmem>> -> memref<1x1x40xi32, #tpu.memory_space<vmem>>
      %dma_wait3A_199 = tpu.memref_squeeze %dma_wait3A_198 : memref<1x1x40xi32, #tpu.memory_space<vmem>> -> memref<40xi32, #tpu.memory_space<vmem>>
      %dma_wait3A_200 = arith.constant 0 : i32
      %dma_wait3A_201 = arith.constant 0 : i32
      %dma_wait3A_202 = tpu.memref_slice %arg3[%dma_wait3A_200, %dma_wait3A_201] : memref<10000x64xi32, #tpu.memory_space<hbm>> -> memref<10000x64xi32, #tpu.memory_space<hbm>>
      tpu.wait_indirect_dma semaphore(%arg17 : memref<!tpu.dma_semaphore, #tpu.memory_space<semaphore_mem>>) src(%dma_wait3A_202 : memref<10000x64xi32, #tpu.memory_space<hbm>>) dst(%dma_wait3A_196 : memref<40x64xi32, #tpu.memory_space<vmem>>)
      %dma_wait3A_203 = arith.constant 0 : i32
      %dma_wait3A_204 = arith.constant 1 : i32
      %dma_wait3A_205 = arith.constant 0 : i32
      %dma_wait3A_206 = arith.constant 0 : i32
      %dma_wait3A_207 = arith.constant 0 : i32
      %dma_wait3A_208 = tpu.memref_slice %arg11[%dma_wait3A_205, %dma_wait3A_206, %dma_wait3A_207] : memref<2x40x64xi32, #tpu.memory_space<vmem>> -> memref<1x40x64xi32, #tpu.memory_space<vmem>>
      %dma_wait3A_209 = tpu.memref_squeeze %dma_wait3A_208 : memref<1x40x64xi32, #tpu.memory_space<vmem>> -> memref<40x64xi32, #tpu.memory_space<vmem>>
      %dma_wait3A_210 = arith.constant 0 : i32
      %dma_wait3A_211 = tpu.memref_slice %arg9[%dma_wait3A_203, %dma_wait3A_204, %dma_wait3A_210] : memref<2x2x40xi32, #tpu.memory_space<vmem>> -> memref<1x1x40xi32, #tpu.memory_space<vmem>>
      %dma_wait3A_212 = tpu.memref_squeeze %dma_wait3A_211 : memref<1x1x40xi32, #tpu.memory_space<vmem>> -> memref<40xi32, #tpu.memory_space<vmem>>
      %dma_wait3A_213 = arith.constant 0 : i32
      %dma_wait3A_214 = arith.constant 0 : i32
      %dma_wait3A_215 = tpu.memref_slice %arg2[%dma_wait3A_213, %dma_wait3A_214] : memref<10000x64xi32, #tpu.memory_space<hbm>> -> memref<10000x64xi32, #tpu.memory_space<hbm>>
      tpu.wait_indirect_dma semaphore(%arg19 : memref<!tpu.dma_semaphore, #tpu.memory_space<semaphore_mem>>) src(%dma_wait3A_215 : memref<10000x64xi32, #tpu.memory_space<hbm>>) dst(%dma_wait3A_209 : memref<40x64xi32, #tpu.memory_space<vmem>>)
      %dma_wait3A_216 = arith.constant 0 : i32
      %dma_wait3A_217 = arith.constant 0 : i32
      %dma_wait3A_218 = arith.constant 0 : i32
      %dma_wait3A_219 = arith.constant 0 : i32
      %dma_wait3A_220 = arith.constant 0 : i32
      %dma_wait3A_221 = tpu.memref_slice %arg13[%dma_wait3A_218, %dma_wait3A_219, %dma_wait3A_220] : memref<2x40x64xi32, #tpu.memory_space<vmem>> -> memref<1x40x64xi32, #tpu.memory_space<vmem>>
      %dma_wait3A_222 = tpu.memref_squeeze %dma_wait3A_221 : memref<1x40x64xi32, #tpu.memory_space<vmem>> -> memref<40x64xi32, #tpu.memory_space<vmem>>
      %dma_wait3A_223 = arith.constant 0 : i32
      %dma_wait3A_224 = tpu.memref_slice %arg9[%dma_wait3A_216, %dma_wait3A_217, %dma_wait3A_223] : memref<2x2x40xi32, #tpu.memory_space<vmem>> -> memref<1x1x40xi32, #tpu.memory_space<vmem>>
      %dma_wait3A_225 = tpu.memref_squeeze %dma_wait3A_224 : memref<1x1x40xi32, #tpu.memory_space<vmem>> -> memref<40xi32, #tpu.memory_space<vmem>>
      %dma_wait3A_226 = arith.constant 0 : i32
      %dma_wait3A_227 = arith.constant 0 : i32
      %dma_wait3A_228 = tpu.memref_slice %arg4[%dma_wait3A_226, %dma_wait3A_227] : memref<10000x64xi32, #tpu.memory_space<hbm>> -> memref<10000x64xi32, #tpu.memory_space<hbm>>
      tpu.wait_indirect_dma semaphore(%arg23 : memref<!tpu.dma_semaphore, #tpu.memory_space<semaphore_mem>>) src(%dma_wait3A_228 : memref<10000x64xi32, #tpu.memory_space<hbm>>) dst(%dma_wait3A_222 : memref<40x64xi32, #tpu.memory_space<vmem>>)
      %dma_wait3A_229 = arith.constant 0 : i32
      %dma_wait3A_230 = arith.constant 0 : i32
      %dma_wait3A_231 = arith.constant 0 : i32
      %dma_wait3A_232 = tpu.memref_slice %arg12[%dma_wait3A_229, %dma_wait3A_230, %dma_wait3A_231] : memref<2x40x64xi32, #tpu.memory_space<vmem>> -> memref<1x40x64xi32, #tpu.memory_space<vmem>>
      %dma_wait3A_233 = tpu.memref_squeeze %dma_wait3A_232 : memref<1x40x64xi32, #tpu.memory_space<vmem>> -> memref<40x64xi32, #tpu.memory_space<vmem>>
      %dma_wait3A_234 = arith.constant 0 : i32
      %dma_wait3A_235 = tpu.memref_slice %arg5[%add3A_129, %dma_wait3A_234] : memref<320000x64xi32, #tpu.memory_space<hbm>> -> memref<40x64xi32, #tpu.memory_space<hbm>>
      %dma_wait3A_236 = arith.constant 0 : i32
      %dma_wait3A_237 = arith.constant 0 : i32
      %dma_wait3A_238 = tpu.memref_slice %arg12[%dma_wait3A_229, %dma_wait3A_236, %dma_wait3A_237] : memref<2x40x64xi32, #tpu.memory_space<vmem>> -> memref<1x40x64xi32, #tpu.memory_space<vmem>>
      %dma_wait3A_239 = tpu.memref_squeeze %dma_wait3A_238 : memref<1x40x64xi32, #tpu.memory_space<vmem>> -> memref<40x64xi32, #tpu.memory_space<vmem>>
      %dma_wait3A_240 = arith.constant 0 : i32
      %dma_wait3A_241 = tpu.memref_slice %arg5[%add3A_129, %dma_wait3A_240] : memref<320000x64xi32, #tpu.memory_space<hbm>> -> memref<40x64xi32, #tpu.memory_space<hbm>>
      tpu.wait_dma2 semaphore(%arg21 : memref<!tpu.dma_semaphore, #tpu.memory_space<semaphore_mem>>) src(%dma_wait3A_241 : memref<40x64xi32, #tpu.memory_space<hbm>>) dst(%dma_wait3A_239 : memref<40x64xi32, #tpu.memory_space<vmem>>)
      %ge3A_242 = arith.constant 1 : i32
      %ge3A_243 = arith.cmpi sge, %scan3A_121, %ge3A_242 : i32
      %convert_element_type3A_244 = arith.extui %ge3A_243 : i1 to i32
      %cond3A_245 = arith.constant 0 : i32
      %cond3A_246 = arith.cmpi ne, %convert_element_type3A_244, %cond3A_245 : i32
      scf.if %cond3A_246 {
        %sub3A_370 = arith.constant 40 : i32
        %sub3A_371 = arith.subi %add3A_129, %sub3A_370 : i32
        %dma_wait3A_372 = arith.constant 0 : i32
        %dma_wait3A_373 = tpu.memref_slice %arg7[%sub3A_371, %dma_wait3A_372] : memref<320000x128xf32, #tpu.memory_space<hbm>> -> memref<40x128xf32, #tpu.memory_space<hbm>>
        %dma_wait3A_374 = arith.constant 0 : i32
        %dma_wait3A_375 = tpu.memref_slice %arg7[%sub3A_371, %dma_wait3A_374] : memref<320000x128xf32, #tpu.memory_space<hbm>> -> memref<40x128xf32, #tpu.memory_space<hbm>>
        tpu.wait_dma2 semaphore(%arg25 : memref<!tpu.dma_semaphore, #tpu.memory_space<semaphore_mem>>) src(%arg14 : memref<40x128xf32, #tpu.memory_space<vmem>>) dst(%dma_wait3A_375 : memref<40x128xf32, #tpu.memory_space<hbm>>)
      } else {
      }
      %parallel_loop3A_247 = arith.constant 0 : i32
      %parallel_loop3A_248 = arith.constant 40 : i32
      %parallel_loop3A_249 = arith.constant 1 : i32
      scf.for %parallel_loop3A_370 = %parallel_loop3A_247 to %parallel_loop3A_248 step %parallel_loop3A_249  : i32 {
        %parallel_loop3A_371 = vector.broadcast %parallel_loop3A_370 : i32 to vector<16xi32>
        %parallel_loop3A_372 = arith.constant 0 : i32
        %parallel_loop3A_373 = arith.index_cast %parallel_loop3A_372 : i32 to index
        %parallel_loop3A_374 = arith.index_cast %parallel_loop3A_370 : i32 to index
        %parallel_loop3A_375 = arith.constant 0 : index
        %parallel_loop3A_376 = tpu.vector_load %arg10[%parallel_loop3A_373, %parallel_loop3A_374, %parallel_loop3A_375] {strides = array<i32>} : memref<2x40x64xi32, #tpu.memory_space<vmem>>, vector<16xi32>,
        %parallel_loop3A_377 = arith.constant 16 : i32
        %parallel_loop3A_378 = vector.broadcast %parallel_loop3A_377 : i32 to vector<16xi32>
        %parallel_loop3A_379 = arith.shli %parallel_loop3A_376, %parallel_loop3A_378 : vector<16xi32>
        %parallel_loop3A_380 = vector.bitcast %parallel_loop3A_379 : vector<16xi32> to vector<16xf32>
        %parallel_loop3A_381 = vector.broadcast %scan3A_81 : i32 to vector<16xi32>
        %parallel_loop3A_382 = arith.andi %parallel_loop3A_376, %parallel_loop3A_381 : vector<16xi32>
        %parallel_loop3A_383 = vector.bitcast %parallel_loop3A_382 : vector<16xi32> to vector<16xf32>
        %parallel_loop3A_384 = arith.constant 0 : i32
        %parallel_loop3A_385 = arith.index_cast %parallel_loop3A_384 : i32 to index
        %parallel_loop3A_386 = arith.index_cast %parallel_loop3A_370 : i32 to index
        %parallel_loop3A_387 = arith.constant 0 : index
        %parallel_loop3A_388 = tpu.vector_load %arg11[%parallel_loop3A_385, %parallel_loop3A_386, %parallel_loop3A_387] {strides = array<i32>} : memref<2x40x64xi32, #tpu.memory_space<vmem>>, vector<16xi32>,
        %parallel_loop3A_389 = arith.constant 16 : i32
        %parallel_loop3A_390 = vector.broadcast %parallel_loop3A_389 : i32 to vector<16xi32>
        %parallel_loop3A_391 = arith.shli %parallel_loop3A_388, %parallel_loop3A_390 : vector<16xi32>
        %parallel_loop3A_392 = vector.bitcast %parallel_loop3A_391 : vector<16xi32> to vector<16xf32>
        %parallel_loop3A_393 = vector.broadcast %scan3A_81 : i32 to vector<16xi32>
        %parallel_loop3A_394 = arith.andi %parallel_loop3A_388, %parallel_loop3A_393 : vector<16xi32>
        %parallel_loop3A_395 = vector.bitcast %parallel_loop3A_394 : vector<16xi32> to vector<16xf32>
        %parallel_loop3A_396 = arith.constant 0 : i32
        %parallel_loop3A_397 = arith.index_cast %parallel_loop3A_396 : i32 to index
        %parallel_loop3A_398 = arith.index_cast %parallel_loop3A_370 : i32 to index
        %parallel_loop3A_399 = arith.constant 0 : index
        %parallel_loop3A_400 = tpu.vector_load %arg12[%parallel_loop3A_397, %parallel_loop3A_398, %parallel_loop3A_399] {strides = array<i32>} : memref<2x40x64xi32, #tpu.memory_space<vmem>>, vector<16xi32>,
        %parallel_loop3A_401 = arith.constant 16 : i32
        %parallel_loop3A_402 = vector.broadcast %parallel_loop3A_401 : i32 to vector<16xi32>
        %parallel_loop3A_403 = arith.shli %parallel_loop3A_400, %parallel_loop3A_402 : vector<16xi32>
        %parallel_loop3A_404 = vector.bitcast %parallel_loop3A_403 : vector<16xi32> to vector<16xf32>
        %parallel_loop3A_405 = vector.broadcast %scan3A_81 : i32 to vector<16xi32>
        %parallel_loop3A_406 = arith.andi %parallel_loop3A_400, %parallel_loop3A_405 : vector<16xi32>
        %parallel_loop3A_407 = vector.bitcast %parallel_loop3A_406 : vector<16xi32> to vector<16xf32>
        %parallel_loop3A_408 = arith.constant 0 : i32
        %parallel_loop3A_409 = arith.index_cast %parallel_loop3A_408 : i32 to index
        %parallel_loop3A_410 = arith.index_cast %parallel_loop3A_370 : i32 to index
        %parallel_loop3A_411 = arith.constant 0 : index
        %parallel_loop3A_412 = tpu.vector_load %arg13[%parallel_loop3A_409, %parallel_loop3A_410, %parallel_loop3A_411] {strides = array<i32>} : memref<2x40x64xi32, #tpu.memory_space<vmem>>, vector<16xi32>,
        %parallel_loop3A_413 = arith.constant 16 : i32
        %parallel_loop3A_414 = vector.broadcast %parallel_loop3A_413 : i32 to vector<16xi32>
        %parallel_loop3A_415 = arith.shli %parallel_loop3A_412, %parallel_loop3A_414 : vector<16xi32>
        %parallel_loop3A_416 = vector.bitcast %parallel_loop3A_415 : vector<16xi32> to vector<16xf32>
        %parallel_loop3A_417 = vector.broadcast %scan3A_81 : i32 to vector<16xi32>
        %parallel_loop3A_418 = arith.andi %parallel_loop3A_412, %parallel_loop3A_417 : vector<16xi32>
        %parallel_loop3A_419 = vector.bitcast %parallel_loop3A_418 : vector<16xi32> to vector<16xf32>
        %parallel_loop3A_420 = arith.mulf %parallel_loop3A_380, %parallel_loop3A_392 : vector<16xf32>
        %parallel_loop3A_421 = arith.mulf %parallel_loop3A_420, %parallel_loop3A_404 : vector<16xf32>
        %parallel_loop3A_422 = arith.mulf %parallel_loop3A_383, %parallel_loop3A_395 : vector<16xf32>
        %parallel_loop3A_423 = arith.mulf %parallel_loop3A_422, %parallel_loop3A_407 : vector<16xf32>
        %parallel_loop3A_424 = arith.index_cast %parallel_loop3A_370 : i32 to index
        %parallel_loop3A_425 = arith.constant 0 : index
        %parallel_loop3A_426 = tpu.vector_load %arg14[%parallel_loop3A_424, %parallel_loop3A_425] {strides = array<i32>} : memref<40x128xf32, #tpu.memory_space<vmem>>, vector<16xf32>,
        tpu.vector_store %arg14[%parallel_loop3A_424, %parallel_loop3A_425], %parallel_loop3A_421 {strides = array<i32>} : memref<40x128xf32, #tpu.memory_space<vmem>>, vector<16xf32>,
        %parallel_loop3A_427 = arith.index_cast %parallel_loop3A_370 : i32 to index
        %parallel_loop3A_428 = arith.constant 64 : index
        %parallel_loop3A_429 = tpu.vector_load %arg14[%parallel_loop3A_427, %parallel_loop3A_428] {strides = array<i32>} : memref<40x128xf32, #tpu.memory_space<vmem>>, vector<16xf32>,
        tpu.vector_store %arg14[%parallel_loop3A_427, %parallel_loop3A_428], %parallel_loop3A_423 {strides = array<i32>} : memref<40x128xf32, #tpu.memory_space<vmem>>, vector<16xf32>,
        %parallel_loop3A_430 = arith.constant true
        %parallel_loop3A_431 = vector.broadcast %parallel_loop3A_430 : i1 to vector<16xi1>
        %parallel_loop3A_432 = tpu.scan <sum>, %parallel_loop3A_421 masked %parallel_loop3A_431 : vector<16xf32>, vector<16xi1> -> vector<16xf32>
        %parallel_loop3A_433 = vector.extract %parallel_loop3A_432[15] : f32 from vector<16xf32>
        %parallel_loop3A_434 = arith.constant true
        %parallel_loop3A_435 = vector.broadcast %parallel_loop3A_434 : i1 to vector<16xi1>
        %parallel_loop3A_436 = tpu.scan <sum>, %parallel_loop3A_423 masked %parallel_loop3A_435 : vector<16xf32>, vector<16xi1> -> vector<16xf32>
        %parallel_loop3A_437 = vector.extract %parallel_loop3A_436[15] : f32 from vector<16xf32>
        %parallel_loop3A_438 = arith.constant -5.000000e+00 : f32
        %parallel_loop3A_439 = arith.maximumf %parallel_loop3A_433, %parallel_loop3A_438 : f32
        %parallel_loop3A_440 = arith.constant 5.000000e+00 : f32
        %parallel_loop3A_441 = arith.minimumf %parallel_loop3A_439, %parallel_loop3A_440 : f32
        %parallel_loop3A_442 = vector.broadcast %parallel_loop3A_441 : f32 to vector<16xf32>
        %parallel_loop3A_443 = math.exp %parallel_loop3A_442 : vector<16xf32>
        %parallel_loop3A_444 = arith.constant -5.000000e+00 : f32
        %parallel_loop3A_445 = arith.maximumf %parallel_loop3A_437, %parallel_loop3A_444 : f32
        %parallel_loop3A_446 = arith.constant 5.000000e+00 : f32
        %parallel_loop3A_447 = arith.minimumf %parallel_loop3A_445, %parallel_loop3A_446 : f32
        %parallel_loop3A_448 = vector.broadcast %parallel_loop3A_447 : f32 to vector<16xf32>
        %parallel_loop3A_449 = math.exp %parallel_loop3A_448 : vector<16xf32>
        %parallel_loop3A_450 = arith.mulf %parallel_loop3A_416, %parallel_loop3A_443 : vector<16xf32>
        %parallel_loop3A_451 = arith.constant 0 : i32
        %parallel_loop3A_452 = arith.index_cast %parallel_loop3A_451 : i32 to index
        %parallel_loop3A_453 = arith.index_cast %parallel_loop3A_370 : i32 to index
        %parallel_loop3A_454 = arith.constant 0 : index
        %parallel_loop3A_455 = tpu.vector_load %arg15[%parallel_loop3A_452, %parallel_loop3A_453, %parallel_loop3A_454] {strides = array<i32>} : memref<2x40x136xf32, #tpu.memory_space<vmem>>, vector<16xf32>,
        tpu.vector_store %arg15[%parallel_loop3A_452, %parallel_loop3A_453, %parallel_loop3A_454], %parallel_loop3A_450 {strides = array<i32>} : memref<2x40x136xf32, #tpu.memory_space<vmem>>, vector<16xf32>,
        %parallel_loop3A_456 = arith.mulf %parallel_loop3A_419, %parallel_loop3A_449 : vector<16xf32>
        %parallel_loop3A_457 = arith.constant 0 : i32
        %parallel_loop3A_458 = arith.index_cast %parallel_loop3A_457 : i32 to index
        %parallel_loop3A_459 = arith.index_cast %parallel_loop3A_370 : i32 to index
        %parallel_loop3A_460 = arith.constant 64 : index
        %parallel_loop3A_461 = tpu.vector_load %arg15[%parallel_loop3A_458, %parallel_loop3A_459, %parallel_loop3A_460] {strides = array<i32>} : memref<2x40x136xf32, #tpu.memory_space<vmem>>, vector<16xf32>,
        tpu.vector_store %arg15[%parallel_loop3A_458, %parallel_loop3A_459, %parallel_loop3A_460], %parallel_loop3A_456 {strides = array<i32>} : memref<2x40x136xf32, #tpu.memory_space<vmem>>, vector<16xf32>,
        %parallel_loop3A_462 = arith.constant 128 : i32
        %parallel_loop3A_463 = vector.broadcast %parallel_loop3A_462 : i32 to vector<16xi32>
        %parallel_loop3A_464 = arith.constant 0 : i32
        %parallel_loop3A_465 = arith.constant 0 : i32
        %parallel_loop3A_466 = arith.constant 0 : i32
        %parallel_loop3A_467 = tpu.memref_slice %arg15[%parallel_loop3A_464, %parallel_loop3A_465, %parallel_loop3A_466] : memref<2x40x136xf32, #tpu.memory_space<vmem>> -> memref<1x40x136xf32, #tpu.memory_space<vmem>>
        %parallel_loop3A_468 = tpu.memref_squeeze %parallel_loop3A_467 : memref<1x40x136xf32, #tpu.memory_space<vmem>> -> memref<40x136xf32, #tpu.memory_space<vmem>>
        tpu.vector_store_idx %parallel_loop3A_468[%parallel_loop3A_371, %parallel_loop3A_463], %parallel_loop3A_443 masked %eq3A_3 : memref<40x136xf32, #tpu.memory_space<vmem>>[vector<16xi32>, vector<16xi32>], vector<16xf32>, vector<16xi1>
        %parallel_loop3A_469 = arith.constant 132 : i32
        %parallel_loop3A_470 = vector.broadcast %parallel_loop3A_469 : i32 to vector<16xi32>
        %parallel_loop3A_471 = arith.constant 0 : i32
        %parallel_loop3A_472 = arith.constant 0 : i32
        %parallel_loop3A_473 = arith.constant 0 : i32
        %parallel_loop3A_474 = tpu.memref_slice %arg15[%parallel_loop3A_471, %parallel_loop3A_472, %parallel_loop3A_473] : memref<2x40x136xf32, #tpu.memory_space<vmem>> -> memref<1x40x136xf32, #tpu.memory_space<vmem>>
        %parallel_loop3A_475 = tpu.memref_squeeze %parallel_loop3A_474 : memref<1x40x136xf32, #tpu.memory_space<vmem>> -> memref<40x136xf32, #tpu.memory_space<vmem>>
        tpu.vector_store_idx %parallel_loop3A_475[%parallel_loop3A_371, %parallel_loop3A_470], %parallel_loop3A_449 masked %eq3A_3 : memref<40x136xf32, #tpu.memory_space<vmem>>[vector<16xi32>, vector<16xi32>], vector<16xf32>, vector<16xi1>
        %parallel_loop3A_476 = arith.constant 0 : i32
        %parallel_loop3A_477 = arith.index_cast %parallel_loop3A_476 : i32 to index
        %parallel_loop3A_478 = arith.index_cast %parallel_loop3A_370 : i32 to index
        %parallel_loop3A_479 = arith.constant 16 : index
        %parallel_loop3A_480 = tpu.vector_load %arg10[%parallel_loop3A_477, %parallel_loop3A_478, %parallel_loop3A_479] {strides = array<i32>} : memref<2x40x64xi32, #tpu.memory_space<vmem>>, vector<16xi32>,
        %parallel_loop3A_481 = arith.constant 16 : i32
        %parallel_loop3A_482 = vector.broadcast %parallel_loop3A_481 : i32 to vector<16xi32>
        %parallel_loop3A_483 = arith.shli %parallel_loop3A_480, %parallel_loop3A_482 : vector<16xi32>
        %parallel_loop3A_484 = vector.bitcast %parallel_loop3A_483 : vector<16xi32> to vector<16xf32>
        %parallel_loop3A_485 = vector.broadcast %scan3A_81 : i32 to vector<16xi32>
        %parallel_loop3A_486 = arith.andi %parallel_loop3A_480, %parallel_loop3A_485 : vector<16xi32>
        %parallel_loop3A_487 = vector.bitcast %parallel_loop3A_486 : vector<16xi32> to vector<16xf32>
        %parallel_loop3A_488 = arith.constant 0 : i32
        %parallel_loop3A_489 = arith.index_cast %parallel_loop3A_488 : i32 to index
        %parallel_loop3A_490 = arith.index_cast %parallel_loop3A_370 : i32 to index
        %parallel_loop3A_491 = arith.constant 16 : index
        %parallel_loop3A_492 = tpu.vector_load %arg11[%parallel_loop3A_489, %parallel_loop3A_490, %parallel_loop3A_491] {strides = array<i32>} : memref<2x40x64xi32, #tpu.memory_space<vmem>>, vector<16xi32>,
        %parallel_loop3A_493 = arith.constant 16 : i32
        %parallel_loop3A_494 = vector.broadcast %parallel_loop3A_493 : i32 to vector<16xi32>
        %parallel_loop3A_495 = arith.shli %parallel_loop3A_492, %parallel_loop3A_494 : vector<16xi32>
        %parallel_loop3A_496 = vector.bitcast %parallel_loop3A_495 : vector<16xi32> to vector<16xf32>
        %parallel_loop3A_497 = vector.broadcast %scan3A_81 : i32 to vector<16xi32>
        %parallel_loop3A_498 = arith.andi %parallel_loop3A_492, %parallel_loop3A_497 : vector<16xi32>
        %parallel_loop3A_499 = vector.bitcast %parallel_loop3A_498 : vector<16xi32> to vector<16xf32>
        %parallel_loop3A_500 = arith.constant 0 : i32
        %parallel_loop3A_501 = arith.index_cast %parallel_loop3A_500 : i32 to index
        %parallel_loop3A_502 = arith.index_cast %parallel_loop3A_370 : i32 to index
        %parallel_loop3A_503 = arith.constant 16 : index
        %parallel_loop3A_504 = tpu.vector_load %arg12[%parallel_loop3A_501, %parallel_loop3A_502, %parallel_loop3A_503] {strides = array<i32>} : memref<2x40x64xi32, #tpu.memory_space<vmem>>, vector<16xi32>,
        %parallel_loop3A_505 = arith.constant 16 : i32
        %parallel_loop3A_506 = vector.broadcast %parallel_loop3A_505 : i32 to vector<16xi32>
        %parallel_loop3A_507 = arith.shli %parallel_loop3A_504, %parallel_loop3A_506 : vector<16xi32>
        %parallel_loop3A_508 = vector.bitcast %parallel_loop3A_507 : vector<16xi32> to vector<16xf32>
        %parallel_loop3A_509 = vector.broadcast %scan3A_81 : i32 to vector<16xi32>
        %parallel_loop3A_510 = arith.andi %parallel_loop3A_504, %parallel_loop3A_509 : vector<16xi32>
        %parallel_loop3A_511 = vector.bitcast %parallel_loop3A_510 : vector<16xi32> to vector<16xf32>
        %parallel_loop3A_512 = arith.constant 0 : i32
        %parallel_loop3A_513 = arith.index_cast %parallel_loop3A_512 : i32 to index
        %parallel_loop3A_514 = arith.index_cast %parallel_loop3A_370 : i32 to index
        %parallel_loop3A_515 = arith.constant 16 : index
        %parallel_loop3A_516 = tpu.vector_load %arg13[%parallel_loop3A_513, %parallel_loop3A_514, %parallel_loop3A_515] {strides = array<i32>} : memref<2x40x64xi32, #tpu.memory_space<vmem>>, vector<16xi32>,
        %parallel_loop3A_517 = arith.constant 16 : i32
        %parallel_loop3A_518 = vector.broadcast %parallel_loop3A_517 : i32 to vector<16xi32>
        %parallel_loop3A_519 = arith.shli %parallel_loop3A_516, %parallel_loop3A_518 : vector<16xi32>
        %parallel_loop3A_520 = vector.bitcast %parallel_loop3A_519 : vector<16xi32> to vector<16xf32>
        %parallel_loop3A_521 = vector.broadcast %scan3A_81 : i32 to vector<16xi32>
        %parallel_loop3A_522 = arith.andi %parallel_loop3A_516, %parallel_loop3A_521 : vector<16xi32>
        %parallel_loop3A_523 = vector.bitcast %parallel_loop3A_522 : vector<16xi32> to vector<16xf32>
        %parallel_loop3A_524 = arith.mulf %parallel_loop3A_484, %parallel_loop3A_496 : vector<16xf32>
        %parallel_loop3A_525 = arith.mulf %parallel_loop3A_524, %parallel_loop3A_508 : vector<16xf32>
        %parallel_loop3A_526 = arith.mulf %parallel_loop3A_487, %parallel_loop3A_499 : vector<16xf32>
        %parallel_loop3A_527 = arith.mulf %parallel_loop3A_526, %parallel_loop3A_511 : vector<16xf32>
        %parallel_loop3A_528 = arith.index_cast %parallel_loop3A_370 : i32 to index
        %parallel_loop3A_529 = arith.constant 16 : index
        %parallel_loop3A_530 = tpu.vector_load %arg14[%parallel_loop3A_528, %parallel_loop3A_529] {strides = array<i32>} : memref<40x128xf32, #tpu.memory_space<vmem>>, vector<16xf32>,
        tpu.vector_store %arg14[%parallel_loop3A_528, %parallel_loop3A_529], %parallel_loop3A_525 {strides = array<i32>} : memref<40x128xf32, #tpu.memory_space<vmem>>, vector<16xf32>,
        %parallel_loop3A_531 = arith.index_cast %parallel_loop3A_370 : i32 to index
        %parallel_loop3A_532 = arith.constant 80 : index
        %parallel_loop3A_533 = tpu.vector_load %arg14[%parallel_loop3A_531, %parallel_loop3A_532] {strides = array<i32>} : memref<40x128xf32, #tpu.memory_space<vmem>>, vector<16xf32>,
        tpu.vector_store %arg14[%parallel_loop3A_531, %parallel_loop3A_532], %parallel_loop3A_527 {strides = array<i32>} : memref<40x128xf32, #tpu.memory_space<vmem>>, vector<16xf32>,
        %parallel_loop3A_534 = arith.constant true
        %parallel_loop3A_535 = vector.broadcast %parallel_loop3A_534 : i1 to vector<16xi1>
        %parallel_loop3A_536 = tpu.scan <sum>, %parallel_loop3A_525 masked %parallel_loop3A_535 : vector<16xf32>, vector<16xi1> -> vector<16xf32>
        %parallel_loop3A_537 = vector.extract %parallel_loop3A_536[15] : f32 from vector<16xf32>
        %parallel_loop3A_538 = arith.constant true
        %parallel_loop3A_539 = vector.broadcast %parallel_loop3A_538 : i1 to vector<16xi1>
        %parallel_loop3A_540 = tpu.scan <sum>, %parallel_loop3A_527 masked %parallel_loop3A_539 : vector<16xf32>, vector<16xi1> -> vector<16xf32>
        %parallel_loop3A_541 = vector.extract %parallel_loop3A_540[15] : f32 from vector<16xf32>
        %parallel_loop3A_542 = arith.constant -5.000000e+00 : f32
        %parallel_loop3A_543 = arith.maximumf %parallel_loop3A_537, %parallel_loop3A_542 : f32
        %parallel_loop3A_544 = arith.constant 5.000000e+00 : f32
        %parallel_loop3A_545 = arith.minimumf %parallel_loop3A_543, %parallel_loop3A_544 : f32
        %parallel_loop3A_546 = vector.broadcast %parallel_loop3A_545 : f32 to vector<16xf32>
        %parallel_loop3A_547 = math.exp %parallel_loop3A_546 : vector<16xf32>
        %parallel_loop3A_548 = arith.constant -5.000000e+00 : f32
        %parallel_loop3A_549 = arith.maximumf %parallel_loop3A_541, %parallel_loop3A_548 : f32
        %parallel_loop3A_550 = arith.constant 5.000000e+00 : f32
        %parallel_loop3A_551 = arith.minimumf %parallel_loop3A_549, %parallel_loop3A_550 : f32
        %parallel_loop3A_552 = vector.broadcast %parallel_loop3A_551 : f32 to vector<16xf32>
        %parallel_loop3A_553 = math.exp %parallel_loop3A_552 : vector<16xf32>
        %parallel_loop3A_554 = arith.mulf %parallel_loop3A_520, %parallel_loop3A_547 : vector<16xf32>
        %parallel_loop3A_555 = arith.constant 0 : i32
        %parallel_loop3A_556 = arith.index_cast %parallel_loop3A_555 : i32 to index
        %parallel_loop3A_557 = arith.index_cast %parallel_loop3A_370 : i32 to index
        %parallel_loop3A_558 = arith.constant 16 : index
        %parallel_loop3A_559 = tpu.vector_load %arg15[%parallel_loop3A_556, %parallel_loop3A_557, %parallel_loop3A_558] {strides = array<i32>} : memref<2x40x136xf32, #tpu.memory_space<vmem>>, vector<16xf32>,
        tpu.vector_store %arg15[%parallel_loop3A_556, %parallel_loop3A_557, %parallel_loop3A_558], %parallel_loop3A_554 {strides = array<i32>} : memref<2x40x136xf32, #tpu.memory_space<vmem>>, vector<16xf32>,
        %parallel_loop3A_560 = arith.mulf %parallel_loop3A_523, %parallel_loop3A_553 : vector<16xf32>
        %parallel_loop3A_561 = arith.constant 0 : i32
        %parallel_loop3A_562 = arith.index_cast %parallel_loop3A_561 : i32 to index
        %parallel_loop3A_563 = arith.index_cast %parallel_loop3A_370 : i32 to index
        %parallel_loop3A_564 = arith.constant 80 : index
        %parallel_loop3A_565 = tpu.vector_load %arg15[%parallel_loop3A_562, %parallel_loop3A_563, %parallel_loop3A_564] {strides = array<i32>} : memref<2x40x136xf32, #tpu.memory_space<vmem>>, vector<16xf32>,
        tpu.vector_store %arg15[%parallel_loop3A_562, %parallel_loop3A_563, %parallel_loop3A_564], %parallel_loop3A_560 {strides = array<i32>} : memref<2x40x136xf32, #tpu.memory_space<vmem>>, vector<16xf32>,
        %parallel_loop3A_566 = arith.constant 129 : i32
        %parallel_loop3A_567 = vector.broadcast %parallel_loop3A_566 : i32 to vector<16xi32>
        %parallel_loop3A_568 = arith.constant 0 : i32
        %parallel_loop3A_569 = arith.constant 0 : i32
        %parallel_loop3A_570 = arith.constant 0 : i32
        %parallel_loop3A_571 = tpu.memref_slice %arg15[%parallel_loop3A_568, %parallel_loop3A_569, %parallel_loop3A_570] : memref<2x40x136xf32, #tpu.memory_space<vmem>> -> memref<1x40x136xf32, #tpu.memory_space<vmem>>
        %parallel_loop3A_572 = tpu.memref_squeeze %parallel_loop3A_571 : memref<1x40x136xf32, #tpu.memory_space<vmem>> -> memref<40x136xf32, #tpu.memory_space<vmem>>
        tpu.vector_store_idx %parallel_loop3A_572[%parallel_loop3A_371, %parallel_loop3A_567], %parallel_loop3A_547 masked %eq3A_3 : memref<40x136xf32, #tpu.memory_space<vmem>>[vector<16xi32>, vector<16xi32>], vector<16xf32>, vector<16xi1>
        %parallel_loop3A_573 = arith.constant 133 : i32
        %parallel_loop3A_574 = vector.broadcast %parallel_loop3A_573 : i32 to vector<16xi32>
        %parallel_loop3A_575 = arith.constant 0 : i32
        %parallel_loop3A_576 = arith.constant 0 : i32
        %parallel_loop3A_577 = arith.constant 0 : i32
        %parallel_loop3A_578 = tpu.memref_slice %arg15[%parallel_loop3A_575, %parallel_loop3A_576, %parallel_loop3A_577] : memref<2x40x136xf32, #tpu.memory_space<vmem>> -> memref<1x40x136xf32, #tpu.memory_space<vmem>>
        %parallel_loop3A_579 = tpu.memref_squeeze %parallel_loop3A_578 : memref<1x40x136xf32, #tpu.memory_space<vmem>> -> memref<40x136xf32, #tpu.memory_space<vmem>>
        tpu.vector_store_idx %parallel_loop3A_579[%parallel_loop3A_371, %parallel_loop3A_574], %parallel_loop3A_553 masked %eq3A_3 : memref<40x136xf32, #tpu.memory_space<vmem>>[vector<16xi32>, vector<16xi32>], vector<16xf32>, vector<16xi1>
        %parallel_loop3A_580 = arith.constant 0 : i32
        %parallel_loop3A_581 = arith.index_cast %parallel_loop3A_580 : i32 to index
        %parallel_loop3A_582 = arith.index_cast %parallel_loop3A_370 : i32 to index
        %parallel_loop3A_583 = arith.constant 32 : index
        %parallel_loop3A_584 = tpu.vector_load %arg10[%parallel_loop3A_581, %parallel_loop3A_582, %parallel_loop3A_583] {strides = array<i32>} : memref<2x40x64xi32, #tpu.memory_space<vmem>>, vector<16xi32>,
        %parallel_loop3A_585 = arith.constant 16 : i32
        %parallel_loop3A_586 = vector.broadcast %parallel_loop3A_585 : i32 to vector<16xi32>
        %parallel_loop3A_587 = arith.shli %parallel_loop3A_584, %parallel_loop3A_586 : vector<16xi32>
        %parallel_loop3A_588 = vector.bitcast %parallel_loop3A_587 : vector<16xi32> to vector<16xf32>
        %parallel_loop3A_589 = vector.broadcast %scan3A_81 : i32 to vector<16xi32>
        %parallel_loop3A_590 = arith.andi %parallel_loop3A_584, %parallel_loop3A_589 : vector<16xi32>
        %parallel_loop3A_591 = vector.bitcast %parallel_loop3A_590 : vector<16xi32> to vector<16xf32>
        %parallel_loop3A_592 = arith.constant 0 : i32
        %parallel_loop3A_593 = arith.index_cast %parallel_loop3A_592 : i32 to index
        %parallel_loop3A_594 = arith.index_cast %parallel_loop3A_370 : i32 to index
        %parallel_loop3A_595 = arith.constant 32 : index
        %parallel_loop3A_596 = tpu.vector_load %arg11[%parallel_loop3A_593, %parallel_loop3A_594, %parallel_loop3A_595] {strides = array<i32>} : memref<2x40x64xi32, #tpu.memory_space<vmem>>, vector<16xi32>,
        %parallel_loop3A_597 = arith.constant 16 : i32
        %parallel_loop3A_598 = vector.broadcast %parallel_loop3A_597 : i32 to vector<16xi32>
        %parallel_loop3A_599 = arith.shli %parallel_loop3A_596, %parallel_loop3A_598 : vector<16xi32>
        %parallel_loop3A_600 = vector.bitcast %parallel_loop3A_599 : vector<16xi32> to vector<16xf32>
        %parallel_loop3A_601 = vector.broadcast %scan3A_81 : i32 to vector<16xi32>
        %parallel_loop3A_602 = arith.andi %parallel_loop3A_596, %parallel_loop3A_601 : vector<16xi32>
        %parallel_loop3A_603 = vector.bitcast %parallel_loop3A_602 : vector<16xi32> to vector<16xf32>
        %parallel_loop3A_604 = arith.constant 0 : i32
        %parallel_loop3A_605 = arith.index_cast %parallel_loop3A_604 : i32 to index
        %parallel_loop3A_606 = arith.index_cast %parallel_loop3A_370 : i32 to index
        %parallel_loop3A_607 = arith.constant 32 : index
        %parallel_loop3A_608 = tpu.vector_load %arg12[%parallel_loop3A_605, %parallel_loop3A_606, %parallel_loop3A_607] {strides = array<i32>} : memref<2x40x64xi32, #tpu.memory_space<vmem>>, vector<16xi32>,
        %parallel_loop3A_609 = arith.constant 16 : i32
        %parallel_loop3A_610 = vector.broadcast %parallel_loop3A_609 : i32 to vector<16xi32>
        %parallel_loop3A_611 = arith.shli %parallel_loop3A_608, %parallel_loop3A_610 : vector<16xi32>
        %parallel_loop3A_612 = vector.bitcast %parallel_loop3A_611 : vector<16xi32> to vector<16xf32>
        %parallel_loop3A_613 = vector.broadcast %scan3A_81 : i32 to vector<16xi32>
        %parallel_loop3A_614 = arith.andi %parallel_loop3A_608, %parallel_loop3A_613 : vector<16xi32>
        %parallel_loop3A_615 = vector.bitcast %parallel_loop3A_614 : vector<16xi32> to vector<16xf32>
        %parallel_loop3A_616 = arith.constant 0 : i32
        %parallel_loop3A_617 = arith.index_cast %parallel_loop3A_616 : i32 to index
        %parallel_loop3A_618 = arith.index_cast %parallel_loop3A_370 : i32 to index
        %parallel_loop3A_619 = arith.constant 32 : index
        %parallel_loop3A_620 = tpu.vector_load %arg13[%parallel_loop3A_617, %parallel_loop3A_618, %parallel_loop3A_619] {strides = array<i32>} : memref<2x40x64xi32, #tpu.memory_space<vmem>>, vector<16xi32>,
        %parallel_loop3A_621 = arith.constant 16 : i32
        %parallel_loop3A_622 = vector.broadcast %parallel_loop3A_621 : i32 to vector<16xi32>
        %parallel_loop3A_623 = arith.shli %parallel_loop3A_620, %parallel_loop3A_622 : vector<16xi32>
        %parallel_loop3A_624 = vector.bitcast %parallel_loop3A_623 : vector<16xi32> to vector<16xf32>
        %parallel_loop3A_625 = vector.broadcast %scan3A_81 : i32 to vector<16xi32>
        %parallel_loop3A_626 = arith.andi %parallel_loop3A_620, %parallel_loop3A_625 : vector<16xi32>
        %parallel_loop3A_627 = vector.bitcast %parallel_loop3A_626 : vector<16xi32> to vector<16xf32>
        %parallel_loop3A_628 = arith.mulf %parallel_loop3A_588, %parallel_loop3A_600 : vector<16xf32>
        %parallel_loop3A_629 = arith.mulf %parallel_loop3A_628, %parallel_loop3A_612 : vector<16xf32>
        %parallel_loop3A_630 = arith.mulf %parallel_loop3A_591, %parallel_loop3A_603 : vector<16xf32>
        %parallel_loop3A_631 = arith.mulf %parallel_loop3A_630, %parallel_loop3A_615 : vector<16xf32>
        %parallel_loop3A_632 = arith.index_cast %parallel_loop3A_370 : i32 to index
        %parallel_loop3A_633 = arith.constant 32 : index
        %parallel_loop3A_634 = tpu.vector_load %arg14[%parallel_loop3A_632, %parallel_loop3A_633] {strides = array<i32>} : memref<40x128xf32, #tpu.memory_space<vmem>>, vector<16xf32>,
        tpu.vector_store %arg14[%parallel_loop3A_632, %parallel_loop3A_633], %parallel_loop3A_629 {strides = array<i32>} : memref<40x128xf32, #tpu.memory_space<vmem>>, vector<16xf32>,
        %parallel_loop3A_635 = arith.index_cast %parallel_loop3A_370 : i32 to index
        %parallel_loop3A_636 = arith.constant 96 : index
        %parallel_loop3A_637 = tpu.vector_load %arg14[%parallel_loop3A_635, %parallel_loop3A_636] {strides = array<i32>} : memref<40x128xf32, #tpu.memory_space<vmem>>, vector<16xf32>,
        tpu.vector_store %arg14[%parallel_loop3A_635, %parallel_loop3A_636], %parallel_loop3A_631 {strides = array<i32>} : memref<40x128xf32, #tpu.memory_space<vmem>>, vector<16xf32>,
        %parallel_loop3A_638 = arith.constant true
        %parallel_loop3A_639 = vector.broadcast %parallel_loop3A_638 : i1 to vector<16xi1>
        %parallel_loop3A_640 = tpu.scan <sum>, %parallel_loop3A_629 masked %parallel_loop3A_639 : vector<16xf32>, vector<16xi1> -> vector<16xf32>
        %parallel_loop3A_641 = vector.extract %parallel_loop3A_640[15] : f32 from vector<16xf32>
        %parallel_loop3A_642 = arith.constant true
        %parallel_loop3A_643 = vector.broadcast %parallel_loop3A_642 : i1 to vector<16xi1>
        %parallel_loop3A_644 = tpu.scan <sum>, %parallel_loop3A_631 masked %parallel_loop3A_643 : vector<16xf32>, vector<16xi1> -> vector<16xf32>
        %parallel_loop3A_645 = vector.extract %parallel_loop3A_644[15] : f32 from vector<16xf32>
        %parallel_loop3A_646 = arith.constant -5.000000e+00 : f32
        %parallel_loop3A_647 = arith.maximumf %parallel_loop3A_641, %parallel_loop3A_646 : f32
        %parallel_loop3A_648 = arith.constant 5.000000e+00 : f32
        %parallel_loop3A_649 = arith.minimumf %parallel_loop3A_647, %parallel_loop3A_648 : f32
        %parallel_loop3A_650 = vector.broadcast %parallel_loop3A_649 : f32 to vector<16xf32>
        %parallel_loop3A_651 = math.exp %parallel_loop3A_650 : vector<16xf32>
        %parallel_loop3A_652 = arith.constant -5.000000e+00 : f32
        %parallel_loop3A_653 = arith.maximumf %parallel_loop3A_645, %parallel_loop3A_652 : f32
        %parallel_loop3A_654 = arith.constant 5.000000e+00 : f32
        %parallel_loop3A_655 = arith.minimumf %parallel_loop3A_653, %parallel_loop3A_654 : f32
        %parallel_loop3A_656 = vector.broadcast %parallel_loop3A_655 : f32 to vector<16xf32>
        %parallel_loop3A_657 = math.exp %parallel_loop3A_656 : vector<16xf32>
        %parallel_loop3A_658 = arith.mulf %parallel_loop3A_624, %parallel_loop3A_651 : vector<16xf32>
        %parallel_loop3A_659 = arith.constant 0 : i32
        %parallel_loop3A_660 = arith.index_cast %parallel_loop3A_659 : i32 to index
        %parallel_loop3A_661 = arith.index_cast %parallel_loop3A_370 : i32 to index
        %parallel_loop3A_662 = arith.constant 32 : index
        %parallel_loop3A_663 = tpu.vector_load %arg15[%parallel_loop3A_660, %parallel_loop3A_661, %parallel_loop3A_662] {strides = array<i32>} : memref<2x40x136xf32, #tpu.memory_space<vmem>>, vector<16xf32>,
        tpu.vector_store %arg15[%parallel_loop3A_660, %parallel_loop3A_661, %parallel_loop3A_662], %parallel_loop3A_658 {strides = array<i32>} : memref<2x40x136xf32, #tpu.memory_space<vmem>>, vector<16xf32>,
        %parallel_loop3A_664 = arith.mulf %parallel_loop3A_627, %parallel_loop3A_657 : vector<16xf32>
        %parallel_loop3A_665 = arith.constant 0 : i32
        %parallel_loop3A_666 = arith.index_cast %parallel_loop3A_665 : i32 to index
        %parallel_loop3A_667 = arith.index_cast %parallel_loop3A_370 : i32 to index
        %parallel_loop3A_668 = arith.constant 96 : index
        %parallel_loop3A_669 = tpu.vector_load %arg15[%parallel_loop3A_666, %parallel_loop3A_667, %parallel_loop3A_668] {strides = array<i32>} : memref<2x40x136xf32, #tpu.memory_space<vmem>>, vector<16xf32>,
        tpu.vector_store %arg15[%parallel_loop3A_666, %parallel_loop3A_667, %parallel_loop3A_668], %parallel_loop3A_664 {strides = array<i32>} : memref<2x40x136xf32, #tpu.memory_space<vmem>>, vector<16xf32>,
        %parallel_loop3A_670 = arith.constant 130 : i32
        %parallel_loop3A_671 = vector.broadcast %parallel_loop3A_670 : i32 to vector<16xi32>
        %parallel_loop3A_672 = arith.constant 0 : i32
        %parallel_loop3A_673 = arith.constant 0 : i32
        %parallel_loop3A_674 = arith.constant 0 : i32
        %parallel_loop3A_675 = tpu.memref_slice %arg15[%parallel_loop3A_672, %parallel_loop3A_673, %parallel_loop3A_674] : memref<2x40x136xf32, #tpu.memory_space<vmem>> -> memref<1x40x136xf32, #tpu.memory_space<vmem>>
        %parallel_loop3A_676 = tpu.memref_squeeze %parallel_loop3A_675 : memref<1x40x136xf32, #tpu.memory_space<vmem>> -> memref<40x136xf32, #tpu.memory_space<vmem>>
        tpu.vector_store_idx %parallel_loop3A_676[%parallel_loop3A_371, %parallel_loop3A_671], %parallel_loop3A_651 masked %eq3A_3 : memref<40x136xf32, #tpu.memory_space<vmem>>[vector<16xi32>, vector<16xi32>], vector<16xf32>, vector<16xi1>
        %parallel_loop3A_677 = arith.constant 134 : i32
        %parallel_loop3A_678 = vector.broadcast %parallel_loop3A_677 : i32 to vector<16xi32>
        %parallel_loop3A_679 = arith.constant 0 : i32
        %parallel_loop3A_680 = arith.constant 0 : i32
        %parallel_loop3A_681 = arith.constant 0 : i32
        %parallel_loop3A_682 = tpu.memref_slice %arg15[%parallel_loop3A_679, %parallel_loop3A_680, %parallel_loop3A_681] : memref<2x40x136xf32, #tpu.memory_space<vmem>> -> memref<1x40x136xf32, #tpu.memory_space<vmem>>
        %parallel_loop3A_683 = tpu.memref_squeeze %parallel_loop3A_682 : memref<1x40x136xf32, #tpu.memory_space<vmem>> -> memref<40x136xf32, #tpu.memory_space<vmem>>
        tpu.vector_store_idx %parallel_loop3A_683[%parallel_loop3A_371, %parallel_loop3A_678], %parallel_loop3A_657 masked %eq3A_3 : memref<40x136xf32, #tpu.memory_space<vmem>>[vector<16xi32>, vector<16xi32>], vector<16xf32>, vector<16xi1>
        %parallel_loop3A_684 = arith.constant 0 : i32
        %parallel_loop3A_685 = arith.index_cast %parallel_loop3A_684 : i32 to index
        %parallel_loop3A_686 = arith.index_cast %parallel_loop3A_370 : i32 to index
        %parallel_loop3A_687 = arith.constant 48 : index
        %parallel_loop3A_688 = tpu.vector_load %arg10[%parallel_loop3A_685, %parallel_loop3A_686, %parallel_loop3A_687] {strides = array<i32>} : memref<2x40x64xi32, #tpu.memory_space<vmem>>, vector<16xi32>,
        %parallel_loop3A_689 = arith.constant 16 : i32
        %parallel_loop3A_690 = vector.broadcast %parallel_loop3A_689 : i32 to vector<16xi32>
        %parallel_loop3A_691 = arith.shli %parallel_loop3A_688, %parallel_loop3A_690 : vector<16xi32>
        %parallel_loop3A_692 = vector.bitcast %parallel_loop3A_691 : vector<16xi32> to vector<16xf32>
        %parallel_loop3A_693 = vector.broadcast %scan3A_81 : i32 to vector<16xi32>
        %parallel_loop3A_694 = arith.andi %parallel_loop3A_688, %parallel_loop3A_693 : vector<16xi32>
        %parallel_loop3A_695 = vector.bitcast %parallel_loop3A_694 : vector<16xi32> to vector<16xf32>
        %parallel_loop3A_696 = arith.constant 0 : i32
        %parallel_loop3A_697 = arith.index_cast %parallel_loop3A_696 : i32 to index
        %parallel_loop3A_698 = arith.index_cast %parallel_loop3A_370 : i32 to index
        %parallel_loop3A_699 = arith.constant 48 : index
        %parallel_loop3A_700 = tpu.vector_load %arg11[%parallel_loop3A_697, %parallel_loop3A_698, %parallel_loop3A_699] {strides = array<i32>} : memref<2x40x64xi32, #tpu.memory_space<vmem>>, vector<16xi32>,
        %parallel_loop3A_701 = arith.constant 16 : i32
        %parallel_loop3A_702 = vector.broadcast %parallel_loop3A_701 : i32 to vector<16xi32>
        %parallel_loop3A_703 = arith.shli %parallel_loop3A_700, %parallel_loop3A_702 : vector<16xi32>
        %parallel_loop3A_704 = vector.bitcast %parallel_loop3A_703 : vector<16xi32> to vector<16xf32>
        %parallel_loop3A_705 = vector.broadcast %scan3A_81 : i32 to vector<16xi32>
        %parallel_loop3A_706 = arith.andi %parallel_loop3A_700, %parallel_loop3A_705 : vector<16xi32>
        %parallel_loop3A_707 = vector.bitcast %parallel_loop3A_706 : vector<16xi32> to vector<16xf32>
        %parallel_loop3A_708 = arith.constant 0 : i32
        %parallel_loop3A_709 = arith.index_cast %parallel_loop3A_708 : i32 to index
        %parallel_loop3A_710 = arith.index_cast %parallel_loop3A_370 : i32 to index
        %parallel_loop3A_711 = arith.constant 48 : index
        %parallel_loop3A_712 = tpu.vector_load %arg12[%parallel_loop3A_709, %parallel_loop3A_710, %parallel_loop3A_711] {strides = array<i32>} : memref<2x40x64xi32, #tpu.memory_space<vmem>>, vector<16xi32>,
        %parallel_loop3A_713 = arith.constant 16 : i32
        %parallel_loop3A_714 = vector.broadcast %parallel_loop3A_713 : i32 to vector<16xi32>
        %parallel_loop3A_715 = arith.shli %parallel_loop3A_712, %parallel_loop3A_714 : vector<16xi32>
        %parallel_loop3A_716 = vector.bitcast %parallel_loop3A_715 : vector<16xi32> to vector<16xf32>
        %parallel_loop3A_717 = vector.broadcast %scan3A_81 : i32 to vector<16xi32>
        %parallel_loop3A_718 = arith.andi %parallel_loop3A_712, %parallel_loop3A_717 : vector<16xi32>
        %parallel_loop3A_719 = vector.bitcast %parallel_loop3A_718 : vector<16xi32> to vector<16xf32>
        %parallel_loop3A_720 = arith.constant 0 : i32
        %parallel_loop3A_721 = arith.index_cast %parallel_loop3A_720 : i32 to index
        %parallel_loop3A_722 = arith.index_cast %parallel_loop3A_370 : i32 to index
        %parallel_loop3A_723 = arith.constant 48 : index
        %parallel_loop3A_724 = tpu.vector_load %arg13[%parallel_loop3A_721, %parallel_loop3A_722, %parallel_loop3A_723] {strides = array<i32>} : memref<2x40x64xi32, #tpu.memory_space<vmem>>, vector<16xi32>,
        %parallel_loop3A_725 = arith.constant 16 : i32
        %parallel_loop3A_726 = vector.broadcast %parallel_loop3A_725 : i32 to vector<16xi32>
        %parallel_loop3A_727 = arith.shli %parallel_loop3A_724, %parallel_loop3A_726 : vector<16xi32>
        %parallel_loop3A_728 = vector.bitcast %parallel_loop3A_727 : vector<16xi32> to vector<16xf32>
        %parallel_loop3A_729 = vector.broadcast %scan3A_81 : i32 to vector<16xi32>
        %parallel_loop3A_730 = arith.andi %parallel_loop3A_724, %parallel_loop3A_729 : vector<16xi32>
        %parallel_loop3A_731 = vector.bitcast %parallel_loop3A_730 : vector<16xi32> to vector<16xf32>
        %parallel_loop3A_732 = arith.mulf %parallel_loop3A_692, %parallel_loop3A_704 : vector<16xf32>
        %parallel_loop3A_733 = arith.mulf %parallel_loop3A_732, %parallel_loop3A_716 : vector<16xf32>
        %parallel_loop3A_734 = arith.mulf %parallel_loop3A_695, %parallel_loop3A_707 : vector<16xf32>
        %parallel_loop3A_735 = arith.mulf %parallel_loop3A_734, %parallel_loop3A_719 : vector<16xf32>
        %parallel_loop3A_736 = arith.index_cast %parallel_loop3A_370 : i32 to index
        %parallel_loop3A_737 = arith.constant 48 : index
        %parallel_loop3A_738 = tpu.vector_load %arg14[%parallel_loop3A_736, %parallel_loop3A_737] {strides = array<i32>} : memref<40x128xf32, #tpu.memory_space<vmem>>, vector<16xf32>,
        tpu.vector_store %arg14[%parallel_loop3A_736, %parallel_loop3A_737], %parallel_loop3A_733 {strides = array<i32>} : memref<40x128xf32, #tpu.memory_space<vmem>>, vector<16xf32>,
        %parallel_loop3A_739 = arith.index_cast %parallel_loop3A_370 : i32 to index
        %parallel_loop3A_740 = arith.constant 112 : index
        %parallel_loop3A_741 = tpu.vector_load %arg14[%parallel_loop3A_739, %parallel_loop3A_740] {strides = array<i32>} : memref<40x128xf32, #tpu.memory_space<vmem>>, vector<16xf32>,
        tpu.vector_store %arg14[%parallel_loop3A_739, %parallel_loop3A_740], %parallel_loop3A_735 {strides = array<i32>} : memref<40x128xf32, #tpu.memory_space<vmem>>, vector<16xf32>,
        %parallel_loop3A_742 = arith.constant true
        %parallel_loop3A_743 = vector.broadcast %parallel_loop3A_742 : i1 to vector<16xi1>
        %parallel_loop3A_744 = tpu.scan <sum>, %parallel_loop3A_733 masked %parallel_loop3A_743 : vector<16xf32>, vector<16xi1> -> vector<16xf32>
        %parallel_loop3A_745 = vector.extract %parallel_loop3A_744[15] : f32 from vector<16xf32>
        %parallel_loop3A_746 = arith.constant true
        %parallel_loop3A_747 = vector.broadcast %parallel_loop3A_746 : i1 to vector<16xi1>
        %parallel_loop3A_748 = tpu.scan <sum>, %parallel_loop3A_735 masked %parallel_loop3A_747 : vector<16xf32>, vector<16xi1> -> vector<16xf32>
        %parallel_loop3A_749 = vector.extract %parallel_loop3A_748[15] : f32 from vector<16xf32>
        %parallel_loop3A_750 = arith.constant -5.000000e+00 : f32
        %parallel_loop3A_751 = arith.maximumf %parallel_loop3A_745, %parallel_loop3A_750 : f32
        %parallel_loop3A_752 = arith.constant 5.000000e+00 : f32
        %parallel_loop3A_753 = arith.minimumf %parallel_loop3A_751, %parallel_loop3A_752 : f32
        %parallel_loop3A_754 = vector.broadcast %parallel_loop3A_753 : f32 to vector<16xf32>
        %parallel_loop3A_755 = math.exp %parallel_loop3A_754 : vector<16xf32>
        %parallel_loop3A_756 = arith.constant -5.000000e+00 : f32
        %parallel_loop3A_757 = arith.maximumf %parallel_loop3A_749, %parallel_loop3A_756 : f32
        %parallel_loop3A_758 = arith.constant 5.000000e+00 : f32
        %parallel_loop3A_759 = arith.minimumf %parallel_loop3A_757, %parallel_loop3A_758 : f32
        %parallel_loop3A_760 = vector.broadcast %parallel_loop3A_759 : f32 to vector<16xf32>
        %parallel_loop3A_761 = math.exp %parallel_loop3A_760 : vector<16xf32>
        %parallel_loop3A_762 = arith.mulf %parallel_loop3A_728, %parallel_loop3A_755 : vector<16xf32>
        %parallel_loop3A_763 = arith.constant 0 : i32
        %parallel_loop3A_764 = arith.index_cast %parallel_loop3A_763 : i32 to index
        %parallel_loop3A_765 = arith.index_cast %parallel_loop3A_370 : i32 to index
        %parallel_loop3A_766 = arith.constant 48 : index
        %parallel_loop3A_767 = tpu.vector_load %arg15[%parallel_loop3A_764, %parallel_loop3A_765, %parallel_loop3A_766] {strides = array<i32>} : memref<2x40x136xf32, #tpu.memory_space<vmem>>, vector<16xf32>,
        tpu.vector_store %arg15[%parallel_loop3A_764, %parallel_loop3A_765, %parallel_loop3A_766], %parallel_loop3A_762 {strides = array<i32>} : memref<2x40x136xf32, #tpu.memory_space<vmem>>, vector<16xf32>,
        %parallel_loop3A_768 = arith.mulf %parallel_loop3A_731, %parallel_loop3A_761 : vector<16xf32>
        %parallel_loop3A_769 = arith.constant 0 : i32
        %parallel_loop3A_770 = arith.index_cast %parallel_loop3A_769 : i32 to index
        %parallel_loop3A_771 = arith.index_cast %parallel_loop3A_370 : i32 to index
        %parallel_loop3A_772 = arith.constant 112 : index
        %parallel_loop3A_773 = tpu.vector_load %arg15[%parallel_loop3A_770, %parallel_loop3A_771, %parallel_loop3A_772] {strides = array<i32>} : memref<2x40x136xf32, #tpu.memory_space<vmem>>, vector<16xf32>,
        tpu.vector_store %arg15[%parallel_loop3A_770, %parallel_loop3A_771, %parallel_loop3A_772], %parallel_loop3A_768 {strides = array<i32>} : memref<2x40x136xf32, #tpu.memory_space<vmem>>, vector<16xf32>,
        %parallel_loop3A_774 = arith.constant 131 : i32
        %parallel_loop3A_775 = vector.broadcast %parallel_loop3A_774 : i32 to vector<16xi32>
        %parallel_loop3A_776 = arith.constant 0 : i32
        %parallel_loop3A_777 = arith.constant 0 : i32
        %parallel_loop3A_778 = arith.constant 0 : i32
        %parallel_loop3A_779 = tpu.memref_slice %arg15[%parallel_loop3A_776, %parallel_loop3A_777, %parallel_loop3A_778] : memref<2x40x136xf32, #tpu.memory_space<vmem>> -> memref<1x40x136xf32, #tpu.memory_space<vmem>>
        %parallel_loop3A_780 = tpu.memref_squeeze %parallel_loop3A_779 : memref<1x40x136xf32, #tpu.memory_space<vmem>> -> memref<40x136xf32, #tpu.memory_space<vmem>>
        tpu.vector_store_idx %parallel_loop3A_780[%parallel_loop3A_371, %parallel_loop3A_775], %parallel_loop3A_755 masked %eq3A_3 : memref<40x136xf32, #tpu.memory_space<vmem>>[vector<16xi32>, vector<16xi32>], vector<16xf32>, vector<16xi1>
        %parallel_loop3A_781 = arith.constant 135 : i32
        %parallel_loop3A_782 = vector.broadcast %parallel_loop3A_781 : i32 to vector<16xi32>
        %parallel_loop3A_783 = arith.constant 0 : i32
        %parallel_loop3A_784 = arith.constant 0 : i32
        %parallel_loop3A_785 = arith.constant 0 : i32
        %parallel_loop3A_786 = tpu.memref_slice %arg15[%parallel_loop3A_783, %parallel_loop3A_784, %parallel_loop3A_785] : memref<2x40x136xf32, #tpu.memory_space<vmem>> -> memref<1x40x136xf32, #tpu.memory_space<vmem>>
        %parallel_loop3A_787 = tpu.memref_squeeze %parallel_loop3A_786 : memref<1x40x136xf32, #tpu.memory_space<vmem>> -> memref<40x136xf32, #tpu.memory_space<vmem>>
        tpu.vector_store_idx %parallel_loop3A_787[%parallel_loop3A_371, %parallel_loop3A_782], %parallel_loop3A_761 masked %eq3A_3 : memref<40x136xf32, #tpu.memory_space<vmem>>[vector<16xi32>, vector<16xi32>], vector<16xf32>, vector<16xi1>
      } {sc.loop_unroll_factor = 1 : i64, sc.parallel_access}
      %dma_start3A_250 = arith.constant 0 : i32
      %dma_start3A_251 = tpu.memref_slice %arg7[%add3A_129, %dma_start3A_250] : memref<320000x128xf32, #tpu.memory_space<hbm>> -> memref<40x128xf32, #tpu.memory_space<hbm>>
      %dma_start3A_252 = arith.constant 0 : i32
      %dma_start3A_253 = tpu.memref_slice %arg7[%add3A_129, %dma_start3A_252] : memref<320000x128xf32, #tpu.memory_space<hbm>> -> memref<40x128xf32, #tpu.memory_space<hbm>>
      tpu.enqueue_dma source(%arg14 : memref<40x128xf32, #tpu.memory_space<vmem>>) target(%dma_start3A_253 : memref<40x128xf32, #tpu.memory_space<hbm>>) target_semaphore(%arg25 : memref<!tpu.dma_semaphore, #tpu.memory_space<semaphore_mem>>)
      %dma_start3A_254 = arith.constant 0 : i32
      %dma_start3A_255 = arith.constant 0 : i32
      %dma_start3A_256 = arith.constant 1 : i32
      %dma_start3A_257 = arith.constant 0 : i32
      %dma_start3A_258 = arith.constant 0 : i32
      %dma_start3A_259 = tpu.memref_slice %arg15[%dma_start3A_254, %dma_start3A_257, %dma_start3A_258] : memref<2x40x136xf32, #tpu.memory_space<vmem>> -> memref<1x40x136xf32, #tpu.memory_space<vmem>>
      %dma_start3A_260 = tpu.memref_squeeze %dma_start3A_259 : memref<1x40x136xf32, #tpu.memory_space<vmem>> -> memref<40x136xf32, #tpu.memory_space<vmem>>
      %dma_start3A_261 = arith.constant 0 : i32
      %dma_start3A_262 = tpu.memref_slice %arg9[%dma_start3A_255, %dma_start3A_256, %dma_start3A_261] : memref<2x2x40xi32, #tpu.memory_space<vmem>> -> memref<1x1x40xi32, #tpu.memory_space<vmem>>
      %dma_start3A_263 = tpu.memref_squeeze %dma_start3A_262 : memref<1x1x40xi32, #tpu.memory_space<vmem>> -> memref<40xi32, #tpu.memory_space<vmem>>
      %dma_start3A_264 = arith.constant 0 : i32
      %dma_start3A_265 = arith.constant 0 : i32
      %dma_start3A_266 = tpu.memref_slice %arg16[%dma_start3A_264, %dma_start3A_265] : memref<10000x136xf32, #tpu.memory_space<vmem_shared>> -> memref<10000x136xf32, #tpu.memory_space<vmem_shared>>
      tpu.enqueue_indirect_dma source(%dma_start3A_260 : memref<40x136xf32, #tpu.memory_space<vmem>>) target(%dma_start3A_266 : memref<10000x136xf32, #tpu.memory_space<vmem_shared>>) offsets(%dma_start3A_263 : memref<40xi32, #tpu.memory_space<vmem>>) semaphore(%arg26 : memref<!tpu.dma_semaphore, #tpu.memory_space<semaphore_mem>>) {add = true}
      %mul3A_267 = arith.constant 2 : i32
      %mul3A_268 = arith.muli %scan3A_121, %mul3A_267 : i32
      %add3A_269 = arith.constant 1 : i32
      %add3A_270 = arith.addi %mul3A_268, %add3A_269 : i32
      %mul3A_271 = arith.constant 40 : i32
      %mul3A_272 = arith.muli %add3A_270, %mul3A_271 : i32
      %add3A_273 = arith.addi %mul3A_26, %mul3A_272 : i32
      %dma_wait3A_274 = arith.constant 0 : i32
      %dma_wait3A_275 = arith.constant 0 : i32
      %dma_wait3A_276 = arith.constant 1 : i32
      %dma_wait3A_277 = arith.constant 0 : i32
      %dma_wait3A_278 = arith.constant 0 : i32
      %dma_wait3A_279 = tpu.memref_slice %arg15[%dma_wait3A_274, %dma_wait3A_277, %dma_wait3A_278] : memref<2x40x136xf32, #tpu.memory_space<vmem>> -> memref<1x40x136xf32, #tpu.memory_space<vmem>>
      %dma_wait3A_280 = tpu.memref_squeeze %dma_wait3A_279 : memref<1x40x136xf32, #tpu.memory_space<vmem>> -> memref<40x136xf32, #tpu.memory_space<vmem>>
      %dma_wait3A_281 = arith.constant 0 : i32
      %dma_wait3A_282 = tpu.memref_slice %arg9[%dma_wait3A_275, %dma_wait3A_276, %dma_wait3A_281] : memref<2x2x40xi32, #tpu.memory_space<vmem>> -> memref<1x1x40xi32, #tpu.memory_space<vmem>>
      %dma_wait3A_283 = tpu.memref_squeeze %dma_wait3A_282 : memref<1x1x40xi32, #tpu.memory_space<vmem>> -> memref<40xi32, #tpu.memory_space<vmem>>
      %dma_wait3A_284 = arith.constant 0 : i32
      %dma_wait3A_285 = arith.constant 0 : i32
      %dma_wait3A_286 = tpu.memref_slice %arg16[%dma_wait3A_284, %dma_wait3A_285] : memref<10000x136xf32, #tpu.memory_space<vmem_shared>> -> memref<10000x136xf32, #tpu.memory_space<vmem_shared>>
      tpu.wait_indirect_dma semaphore(%arg26 : memref<!tpu.dma_semaphore, #tpu.memory_space<semaphore_mem>>) src(%dma_wait3A_280 : memref<40x136xf32, #tpu.memory_space<vmem>>) dst(%dma_wait3A_286 : memref<10000x136xf32, #tpu.memory_space<vmem_shared>>)
      %lt3A_287 = arith.constant 124 : i32
      %lt3A_288 = arith.cmpi slt, %scan3A_121, %lt3A_287 : i32
      %convert_element_type3A_289 = arith.extui %lt3A_288 : i1 to i32
      %cond3A_290 = arith.constant 0 : i32
      %cond3A_291 = arith.cmpi ne, %convert_element_type3A_289, %cond3A_290 : i32
      scf.if %cond3A_291 {
        %add3A_370 = arith.constant 1 : i32
        %add3A_371 = arith.addi %add3A_270, %add3A_370 : i32
        %mul3A_372 = arith.constant 40 : i32
        %mul3A_373 = arith.muli %add3A_371, %mul3A_372 : i32
        %add3A_374 = arith.addi %mul3A_26, %mul3A_373 : i32
        %run_scoped3A_375 = arith.constant 0 : i32
        "tpu.region"() ({
          %run_scoped3A_428 = tpu.sem_alloc : memref<!tpu.dma_semaphore, #tpu.memory_space<semaphore_mem>>
          %dma_start3A_429 = arith.constant 0 : i32
          %dma_start3A_430 = arith.constant 0 : i32
          %dma_start3A_431 = tpu.memref_slice %arg9[%run_scoped3A_375, %dma_start3A_429, %dma_start3A_430] : memref<2x2x40xi32, #tpu.memory_space<vmem>> -> memref<1x2x40xi32, #tpu.memory_space<vmem>>
          %dma_start3A_432 = tpu.memref_squeeze %dma_start3A_431 : memref<1x2x40xi32, #tpu.memory_space<vmem>> -> memref<2x40xi32, #tpu.memory_space<vmem>>
          %dma_start3A_433 = arith.constant 0 : i32
          %dma_start3A_434 = tpu.memref_slice %arg6[%dma_start3A_433, %add3A_374] : memref<2x320000xi32, #tpu.memory_space<hbm>> -> memref<2x40xi32, #tpu.memory_space<hbm>>
          %dma_start3A_435 = arith.constant 0 : i32
          %dma_start3A_436 = arith.constant 0 : i32
          %dma_start3A_437 = tpu.memref_slice %arg9[%run_scoped3A_375, %dma_start3A_435, %dma_start3A_436] : memref<2x2x40xi32, #tpu.memory_space<vmem>> -> memref<1x2x40xi32, #tpu.memory_space<vmem>>
          %dma_start3A_438 = tpu.memref_squeeze %dma_start3A_437 : memref<1x2x40xi32, #tpu.memory_space<vmem>> -> memref<2x40xi32, #tpu.memory_space<vmem>>
          %dma_start3A_439 = arith.constant 0 : i32
          %dma_start3A_440 = tpu.memref_slice %arg6[%dma_start3A_439, %add3A_374] : memref<2x320000xi32, #tpu.memory_space<hbm>> -> memref<2x40xi32, #tpu.memory_space<hbm>>
          tpu.enqueue_dma source(%dma_start3A_440 : memref<2x40xi32, #tpu.memory_space<hbm>>) target(%dma_start3A_438 : memref<2x40xi32, #tpu.memory_space<vmem>>) target_semaphore(%run_scoped3A_428 : memref<!tpu.dma_semaphore, #tpu.memory_space<semaphore_mem>>)
          %dma_wait3A_441 = arith.constant 0 : i32
          %dma_wait3A_442 = arith.constant 0 : i32
          %dma_wait3A_443 = tpu.memref_slice %arg9[%run_scoped3A_375, %dma_wait3A_441, %dma_wait3A_442] : memref<2x2x40xi32, #tpu.memory_space<vmem>> -> memref<1x2x40xi32, #tpu.memory_space<vmem>>
          %dma_wait3A_444 = tpu.memref_squeeze %dma_wait3A_443 : memref<1x2x40xi32, #tpu.memory_space<vmem>> -> memref<2x40xi32, #tpu.memory_space<vmem>>
          %dma_wait3A_445 = arith.constant 0 : i32
          %dma_wait3A_446 = tpu.memref_slice %arg6[%dma_wait3A_445, %add3A_374] : memref<2x320000xi32, #tpu.memory_space<hbm>> -> memref<2x40xi32, #tpu.memory_space<hbm>>
          %dma_wait3A_447 = arith.constant 0 : i32
          %dma_wait3A_448 = arith.constant 0 : i32
          %dma_wait3A_449 = tpu.memref_slice %arg9[%run_scoped3A_375, %dma_wait3A_447, %dma_wait3A_448] : memref<2x2x40xi32, #tpu.memory_space<vmem>> -> memref<1x2x40xi32, #tpu.memory_space<vmem>>
          %dma_wait3A_450 = tpu.memref_squeeze %dma_wait3A_449 : memref<1x2x40xi32, #tpu.memory_space<vmem>> -> memref<2x40xi32, #tpu.memory_space<vmem>>
          %dma_wait3A_451 = arith.constant 0 : i32
          %dma_wait3A_452 = tpu.memref_slice %arg6[%dma_wait3A_451, %add3A_374] : memref<2x320000xi32, #tpu.memory_space<hbm>> -> memref<2x40xi32, #tpu.memory_space<hbm>>
          tpu.wait_dma2 semaphore(%run_scoped3A_428 : memref<!tpu.dma_semaphore, #tpu.memory_space<semaphore_mem>>) src(%dma_wait3A_452 : memref<2x40xi32, #tpu.memory_space<hbm>>) dst(%dma_wait3A_450 : memref<2x40xi32, #tpu.memory_space<vmem>>)
          tpu.yield
        }) : () -> ()
        %dma_start3A_376 = arith.constant 0 : i32
        %dma_start3A_377 = arith.constant 0 : i32
        %dma_start3A_378 = arith.constant 0 : i32
        %dma_start3A_379 = arith.constant 0 : i32
        %dma_start3A_380 = arith.constant 0 : i32
        %dma_start3A_381 = tpu.memref_slice %arg10[%dma_start3A_378, %dma_start3A_379, %dma_start3A_380] : memref<2x40x64xi32, #tpu.memory_space<vmem>> -> memref<1x40x64xi32, #tpu.memory_space<vmem>>
        %dma_start3A_382 = tpu.memref_squeeze %dma_start3A_381 : memref<1x40x64xi32, #tpu.memory_space<vmem>> -> memref<40x64xi32, #tpu.memory_space<vmem>>
        %dma_start3A_383 = arith.constant 0 : i32
        %dma_start3A_384 = tpu.memref_slice %arg9[%dma_start3A_376, %dma_start3A_377, %dma_start3A_383] : memref<2x2x40xi32, #tpu.memory_space<vmem>> -> memref<1x1x40xi32, #tpu.memory_space<vmem>>
        %dma_start3A_385 = tpu.memref_squeeze %dma_start3A_384 : memref<1x1x40xi32, #tpu.memory_space<vmem>> -> memref<40xi32, #tpu.memory_space<vmem>>
        %dma_start3A_386 = arith.constant 0 : i32
        %dma_start3A_387 = arith.constant 0 : i32
        %dma_start3A_388 = tpu.memref_slice %arg3[%dma_start3A_386, %dma_start3A_387] : memref<10000x64xi32, #tpu.memory_space<hbm>> -> memref<10000x64xi32, #tpu.memory_space<hbm>>
        tpu.enqueue_indirect_dma source(%dma_start3A_388 : memref<10000x64xi32, #tpu.memory_space<hbm>>) target(%dma_start3A_382 : memref<40x64xi32, #tpu.memory_space<vmem>>) offsets(%dma_start3A_385 : memref<40xi32, #tpu.memory_space<vmem>>) semaphore(%arg17 : memref<!tpu.dma_semaphore, #tpu.memory_space<semaphore_mem>>)
        %dma_start3A_389 = arith.constant 0 : i32
        %dma_start3A_390 = arith.constant 1 : i32
        %dma_start3A_391 = arith.constant 0 : i32
        %dma_start3A_392 = arith.constant 0 : i32
        %dma_start3A_393 = arith.constant 0 : i32
        %dma_start3A_394 = tpu.memref_slice %arg11[%dma_start3A_391, %dma_start3A_392, %dma_start3A_393] : memref<2x40x64xi32, #tpu.memory_space<vmem>> -> memref<1x40x64xi32, #tpu.memory_space<vmem>>
        %dma_start3A_395 = tpu.memref_squeeze %dma_start3A_394 : memref<1x40x64xi32, #tpu.memory_space<vmem>> -> memref<40x64xi32, #tpu.memory_space<vmem>>
        %dma_start3A_396 = arith.constant 0 : i32
        %dma_start3A_397 = tpu.memref_slice %arg9[%dma_start3A_389, %dma_start3A_390, %dma_start3A_396] : memref<2x2x40xi32, #tpu.memory_space<vmem>> -> memref<1x1x40xi32, #tpu.memory_space<vmem>>
        %dma_start3A_398 = tpu.memref_squeeze %dma_start3A_397 : memref<1x1x40xi32, #tpu.memory_space<vmem>> -> memref<40xi32, #tpu.memory_space<vmem>>
        %dma_start3A_399 = arith.constant 0 : i32
        %dma_start3A_400 = arith.constant 0 : i32
        %dma_start3A_401 = tpu.memref_slice %arg2[%dma_start3A_399, %dma_start3A_400] : memref<10000x64xi32, #tpu.memory_space<hbm>> -> memref<10000x64xi32, #tpu.memory_space<hbm>>
        tpu.enqueue_indirect_dma source(%dma_start3A_401 : memref<10000x64xi32, #tpu.memory_space<hbm>>) target(%dma_start3A_395 : memref<40x64xi32, #tpu.memory_space<vmem>>) offsets(%dma_start3A_398 : memref<40xi32, #tpu.memory_space<vmem>>) semaphore(%arg19 : memref<!tpu.dma_semaphore, #tpu.memory_space<semaphore_mem>>)
        %dma_start3A_402 = arith.constant 0 : i32
        %dma_start3A_403 = arith.constant 0 : i32
        %dma_start3A_404 = arith.constant 0 : i32
        %dma_start3A_405 = arith.constant 0 : i32
        %dma_start3A_406 = arith.constant 0 : i32
        %dma_start3A_407 = tpu.memref_slice %arg13[%dma_start3A_404, %dma_start3A_405, %dma_start3A_406] : memref<2x40x64xi32, #tpu.memory_space<vmem>> -> memref<1x40x64xi32, #tpu.memory_space<vmem>>
        %dma_start3A_408 = tpu.memref_squeeze %dma_start3A_407 : memref<1x40x64xi32, #tpu.memory_space<vmem>> -> memref<40x64xi32, #tpu.memory_space<vmem>>
        %dma_start3A_409 = arith.constant 0 : i32
        %dma_start3A_410 = tpu.memref_slice %arg9[%dma_start3A_402, %dma_start3A_403, %dma_start3A_409] : memref<2x2x40xi32, #tpu.memory_space<vmem>> -> memref<1x1x40xi32, #tpu.memory_space<vmem>>
        %dma_start3A_411 = tpu.memref_squeeze %dma_start3A_410 : memref<1x1x40xi32, #tpu.memory_space<vmem>> -> memref<40xi32, #tpu.memory_space<vmem>>
        %dma_start3A_412 = arith.constant 0 : i32
        %dma_start3A_413 = arith.constant 0 : i32
        %dma_start3A_414 = tpu.memref_slice %arg4[%dma_start3A_412, %dma_start3A_413] : memref<10000x64xi32, #tpu.memory_space<hbm>> -> memref<10000x64xi32, #tpu.memory_space<hbm>>
        tpu.enqueue_indirect_dma source(%dma_start3A_414 : memref<10000x64xi32, #tpu.memory_space<hbm>>) target(%dma_start3A_408 : memref<40x64xi32, #tpu.memory_space<vmem>>) offsets(%dma_start3A_411 : memref<40xi32, #tpu.memory_space<vmem>>) semaphore(%arg23 : memref<!tpu.dma_semaphore, #tpu.memory_space<semaphore_mem>>)
        %dma_start3A_415 = arith.constant 0 : i32
        %dma_start3A_416 = arith.constant 0 : i32
        %dma_start3A_417 = arith.constant 0 : i32
        %dma_start3A_418 = tpu.memref_slice %arg12[%dma_start3A_415, %dma_start3A_416, %dma_start3A_417] : memref<2x40x64xi32, #tpu.memory_space<vmem>> -> memref<1x40x64xi32, #tpu.memory_space<vmem>>
        %dma_start3A_419 = tpu.memref_squeeze %dma_start3A_418 : memref<1x40x64xi32, #tpu.memory_space<vmem>> -> memref<40x64xi32, #tpu.memory_space<vmem>>
        %dma_start3A_420 = arith.constant 0 : i32
        %dma_start3A_421 = tpu.memref_slice %arg5[%add3A_374, %dma_start3A_420] : memref<320000x64xi32, #tpu.memory_space<hbm>> -> memref<40x64xi32, #tpu.memory_space<hbm>>
        %dma_start3A_422 = arith.constant 0 : i32
        %dma_start3A_423 = arith.constant 0 : i32
        %dma_start3A_424 = tpu.memref_slice %arg12[%dma_start3A_415, %dma_start3A_422, %dma_start3A_423] : memref<2x40x64xi32, #tpu.memory_space<vmem>> -> memref<1x40x64xi32, #tpu.memory_space<vmem>>
        %dma_start3A_425 = tpu.memref_squeeze %dma_start3A_424 : memref<1x40x64xi32, #tpu.memory_space<vmem>> -> memref<40x64xi32, #tpu.memory_space<vmem>>
        %dma_start3A_426 = arith.constant 0 : i32
        %dma_start3A_427 = tpu.memref_slice %arg5[%add3A_374, %dma_start3A_426] : memref<320000x64xi32, #tpu.memory_space<hbm>> -> memref<40x64xi32, #tpu.memory_space<hbm>>
        tpu.enqueue_dma source(%dma_start3A_427 : memref<40x64xi32, #tpu.memory_space<hbm>>) target(%dma_start3A_425 : memref<40x64xi32, #tpu.memory_space<vmem>>) target_semaphore(%arg21 : memref<!tpu.dma_semaphore, #tpu.memory_space<semaphore_mem>>)
      } else {
      }
      %dma_wait3A_292 = arith.constant 1 : i32
      %dma_wait3A_293 = arith.constant 0 : i32
      %dma_wait3A_294 = arith.constant 1 : i32
      %dma_wait3A_295 = arith.constant 0 : i32
      %dma_wait3A_296 = arith.constant 0 : i32
      %dma_wait3A_297 = tpu.memref_slice %arg10[%dma_wait3A_294, %dma_wait3A_295, %dma_wait3A_296] : memref<2x40x64xi32, #tpu.memory_space<vmem>> -> memref<1x40x64xi32, #tpu.memory_space<vmem>>
      %dma_wait3A_298 = tpu.memref_squeeze %dma_wait3A_297 : memref<1x40x64xi32, #tpu.memory_space<vmem>> -> memref<40x64xi32, #tpu.memory_space<vmem>>
      %dma_wait3A_299 = arith.constant 0 : i32
      %dma_wait3A_300 = tpu.memref_slice %arg9[%dma_wait3A_292, %dma_wait3A_293, %dma_wait3A_299] : memref<2x2x40xi32, #tpu.memory_space<vmem>> -> memref<1x1x40xi32, #tpu.memory_space<vmem>>
      %dma_wait3A_301 = tpu.memref_squeeze %dma_wait3A_300 : memref<1x1x40xi32, #tpu.memory_space<vmem>> -> memref<40xi32, #tpu.memory_space<vmem>>
      %dma_wait3A_302 = arith.constant 0 : i32
      %dma_wait3A_303 = arith.constant 0 : i32
      %dma_wait3A_304 = tpu.memref_slice %arg3[%dma_wait3A_302, %dma_wait3A_303] : memref<10000x64xi32, #tpu.memory_space<hbm>> -> memref<10000x64xi32, #tpu.memory_space<hbm>>
      tpu.wait_indirect_dma semaphore(%arg18 : memref<!tpu.dma_semaphore, #tpu.memory_space<semaphore_mem>>) src(%dma_wait3A_304 : memref<10000x64xi32, #tpu.memory_space<hbm>>) dst(%dma_wait3A_298 : memref<40x64xi32, #tpu.memory_space<vmem>>)
      %dma_wait3A_305 = arith.constant 1 : i32
      %dma_wait3A_306 = arith.constant 1 : i32
      %dma_wait3A_307 = arith.constant 1 : i32
      %dma_wait3A_308 = arith.constant 0 : i32
      %dma_wait3A_309 = arith.constant 0 : i32
      %dma_wait3A_310 = tpu.memref_slice %arg11[%dma_wait3A_307, %dma_wait3A_308, %dma_wait3A_309] : memref<2x40x64xi32, #tpu.memory_space<vmem>> -> memref<1x40x64xi32, #tpu.memory_space<vmem>>
      %dma_wait3A_311 = tpu.memref_squeeze %dma_wait3A_310 : memref<1x40x64xi32, #tpu.memory_space<vmem>> -> memref<40x64xi32, #tpu.memory_space<vmem>>
      %dma_wait3A_312 = arith.constant 0 : i32
      %dma_wait3A_313 = tpu.memref_slice %arg9[%dma_wait3A_305, %dma_wait3A_306, %dma_wait3A_312] : memref<2x2x40xi32, #tpu.memory_space<vmem>> -> memref<1x1x40xi32, #tpu.memory_space<vmem>>
      %dma_wait3A_314 = tpu.memref_squeeze %dma_wait3A_313 : memref<1x1x40xi32, #tpu.memory_space<vmem>> -> memref<40xi32, #tpu.memory_space<vmem>>
      %dma_wait3A_315 = arith.constant 0 : i32
      %dma_wait3A_316 = arith.constant 0 : i32
      %dma_wait3A_317 = tpu.memref_slice %arg2[%dma_wait3A_315, %dma_wait3A_316] : memref<10000x64xi32, #tpu.memory_space<hbm>> -> memref<10000x64xi32, #tpu.memory_space<hbm>>
      tpu.wait_indirect_dma semaphore(%arg20 : memref<!tpu.dma_semaphore, #tpu.memory_space<semaphore_mem>>) src(%dma_wait3A_317 : memref<10000x64xi32, #tpu.memory_space<hbm>>) dst(%dma_wait3A_311 : memref<40x64xi32, #tpu.memory_space<vmem>>)
      %dma_wait3A_318 = arith.constant 1 : i32
      %dma_wait3A_319 = arith.constant 0 : i32
      %dma_wait3A_320 = arith.constant 1 : i32
      %dma_wait3A_321 = arith.constant 0 : i32
      %dma_wait3A_322 = arith.constant 0 : i32
      %dma_wait3A_323 = tpu.memref_slice %arg13[%dma_wait3A_320, %dma_wait3A_321, %dma_wait3A_322] : memref<2x40x64xi32, #tpu.memory_space<vmem>> -> memref<1x40x64xi32, #tpu.memory_space<vmem>>
      %dma_wait3A_324 = tpu.memref_squeeze %dma_wait3A_323 : memref<1x40x64xi32, #tpu.memory_space<vmem>> -> memref<40x64xi32, #tpu.memory_space<vmem>>
      %dma_wait3A_325 = arith.constant 0 : i32
      %dma_wait3A_326 = tpu.memref_slice %arg9[%dma_wait3A_318, %dma_wait3A_319, %dma_wait3A_325] : memref<2x2x40xi32, #tpu.memory_space<vmem>> -> memref<1x1x40xi32, #tpu.memory_space<vmem>>
      %dma_wait3A_327 = tpu.memref_squeeze %dma_wait3A_326 : memref<1x1x40xi32, #tpu.memory_space<vmem>> -> memref<40xi32, #tpu.memory_space<vmem>>
      %dma_wait3A_328 = arith.constant 0 : i32
      %dma_wait3A_329 = arith.constant 0 : i32
      %dma_wait3A_330 = tpu.memref_slice %arg4[%dma_wait3A_328, %dma_wait3A_329] : memref<10000x64xi32, #tpu.memory_space<hbm>> -> memref<10000x64xi32, #tpu.memory_space<hbm>>
      tpu.wait_indirect_dma semaphore(%arg24 : memref<!tpu.dma_semaphore, #tpu.memory_space<semaphore_mem>>) src(%dma_wait3A_330 : memref<10000x64xi32, #tpu.memory_space<hbm>>) dst(%dma_wait3A_324 : memref<40x64xi32, #tpu.memory_space<vmem>>)
      %dma_wait3A_331 = arith.constant 1 : i32
      %dma_wait3A_332 = arith.constant 0 : i32
      %dma_wait3A_333 = arith.constant 0 : i32
      %dma_wait3A_334 = tpu.memref_slice %arg12[%dma_wait3A_331, %dma_wait3A_332, %dma_wait3A_333] : memref<2x40x64xi32, #tpu.memory_space<vmem>> -> memref<1x40x64xi32, #tpu.memory_space<vmem>>
      %dma_wait3A_335 = tpu.memref_squeeze %dma_wait3A_334 : memref<1x40x64xi32, #tpu.memory_space<vmem>> -> memref<40x64xi32, #tpu.memory_space<vmem>>
      %dma_wait3A_336 = arith.constant 0 : i32
      %dma_wait3A_337 = tpu.memref_slice %arg5[%add3A_273, %dma_wait3A_336] : memref<320000x64xi32, #tpu.memory_space<hbm>> -> memref<40x64xi32, #tpu.memory_space<hbm>>
      %dma_wait3A_338 = arith.constant 0 : i32
      %dma_wait3A_339 = arith.constant 0 : i32
      %dma_wait3A_340 = tpu.memref_slice %arg12[%dma_wait3A_331, %dma_wait3A_338, %dma_wait3A_339] : memref<2x40x64xi32, #tpu.memory_space<vmem>> -> memref<1x40x64xi32, #tpu.memory_space<vmem>>
      %dma_wait3A_341 = tpu.memref_squeeze %dma_wait3A_340 : memref<1x40x64xi32, #tpu.memory_space<vmem>> -> memref<40x64xi32, #tpu.memory_space<vmem>>
      %dma_wait3A_342 = arith.constant 0 : i32
      %dma_wait3A_343 = tpu.memref_slice %arg5[%add3A_273, %dma_wait3A_342] : memref<320000x64xi32, #tpu.memory_space<hbm>> -> memref<40x64xi32, #tpu.memory_space<hbm>>
      tpu.wait_dma2 semaphore(%arg22 : memref<!tpu.dma_semaphore, #tpu.memory_space<semaphore_mem>>) src(%dma_wait3A_343 : memref<40x64xi32, #tpu.memory_space<hbm>>) dst(%dma_wait3A_341 : memref<40x64xi32, #tpu.memory_space<vmem>>)
      %sub3A = arith.constant 40 : i32
      %sub3A_344 = arith.subi %add3A_273, %sub3A : i32
      %dma_wait3A_345 = arith.constant 0 : i32
      %dma_wait3A_346 = tpu.memref_slice %arg7[%sub3A_344, %dma_wait3A_345] : memref<320000x128xf32, #tpu.memory_space<hbm>> -> memref<40x128xf32, #tpu.memory_space<hbm>>
      %dma_wait3A_347 = arith.constant 0 : i32
      %dma_wait3A_348 = tpu.memref_slice %arg7[%sub3A_344, %dma_wait3A_347] : memref<320000x128xf32, #tpu.memory_space<hbm>> -> memref<40x128xf32, #tpu.memory_space<hbm>>
      tpu.wait_dma2 semaphore(%arg25 : memref<!tpu.dma_semaphore, #tpu.memory_space<semaphore_mem>>) src(%arg14 : memref<40x128xf32, #tpu.memory_space<vmem>>) dst(%dma_wait3A_348 : memref<40x128xf32, #tpu.memory_space<hbm>>)
      %parallel_loop3A_349 = arith.constant 0 : i32
      %parallel_loop3A_350 = arith.constant 40 : i32
      %parallel_loop3A_351 = arith.constant 1 : i32
      scf.for %parallel_loop3A_370 = %parallel_loop3A_349 to %parallel_loop3A_350 step %parallel_loop3A_351  : i32 {
        %parallel_loop3A_371 = vector.broadcast %parallel_loop3A_370 : i32 to vector<16xi32>
        %parallel_loop3A_372 = arith.constant 1 : i32
        %parallel_loop3A_373 = arith.index_cast %parallel_loop3A_372 : i32 to index
        %parallel_loop3A_374 = arith.index_cast %parallel_loop3A_370 : i32 to index
        %parallel_loop3A_375 = arith.constant 0 : index
        %parallel_loop3A_376 = tpu.vector_load %arg10[%parallel_loop3A_373, %parallel_loop3A_374, %parallel_loop3A_375] {strides = array<i32>} : memref<2x40x64xi32, #tpu.memory_space<vmem>>, vector<16xi32>,
        %parallel_loop3A_377 = arith.constant 16 : i32
        %parallel_loop3A_378 = vector.broadcast %parallel_loop3A_377 : i32 to vector<16xi32>
        %parallel_loop3A_379 = arith.shli %parallel_loop3A_376, %parallel_loop3A_378 : vector<16xi32>
        %parallel_loop3A_380 = vector.bitcast %parallel_loop3A_379 : vector<16xi32> to vector<16xf32>
        %parallel_loop3A_381 = vector.broadcast %scan3A_81 : i32 to vector<16xi32>
        %parallel_loop3A_382 = arith.andi %parallel_loop3A_376, %parallel_loop3A_381 : vector<16xi32>
        %parallel_loop3A_383 = vector.bitcast %parallel_loop3A_382 : vector<16xi32> to vector<16xf32>
        %parallel_loop3A_384 = arith.constant 1 : i32
        %parallel_loop3A_385 = arith.index_cast %parallel_loop3A_384 : i32 to index
        %parallel_loop3A_386 = arith.index_cast %parallel_loop3A_370 : i32 to index
        %parallel_loop3A_387 = arith.constant 0 : index
        %parallel_loop3A_388 = tpu.vector_load %arg11[%parallel_loop3A_385, %parallel_loop3A_386, %parallel_loop3A_387] {strides = array<i32>} : memref<2x40x64xi32, #tpu.memory_space<vmem>>, vector<16xi32>,
        %parallel_loop3A_389 = arith.constant 16 : i32
        %parallel_loop3A_390 = vector.broadcast %parallel_loop3A_389 : i32 to vector<16xi32>
        %parallel_loop3A_391 = arith.shli %parallel_loop3A_388, %parallel_loop3A_390 : vector<16xi32>
        %parallel_loop3A_392 = vector.bitcast %parallel_loop3A_391 : vector<16xi32> to vector<16xf32>
        %parallel_loop3A_393 = vector.broadcast %scan3A_81 : i32 to vector<16xi32>
        %parallel_loop3A_394 = arith.andi %parallel_loop3A_388, %parallel_loop3A_393 : vector<16xi32>
        %parallel_loop3A_395 = vector.bitcast %parallel_loop3A_394 : vector<16xi32> to vector<16xf32>
        %parallel_loop3A_396 = arith.constant 1 : i32
        %parallel_loop3A_397 = arith.index_cast %parallel_loop3A_396 : i32 to index
        %parallel_loop3A_398 = arith.index_cast %parallel_loop3A_370 : i32 to index
        %parallel_loop3A_399 = arith.constant 0 : index
        %parallel_loop3A_400 = tpu.vector_load %arg12[%parallel_loop3A_397, %parallel_loop3A_398, %parallel_loop3A_399] {strides = array<i32>} : memref<2x40x64xi32, #tpu.memory_space<vmem>>, vector<16xi32>,
        %parallel_loop3A_401 = arith.constant 16 : i32
        %parallel_loop3A_402 = vector.broadcast %parallel_loop3A_401 : i32 to vector<16xi32>
        %parallel_loop3A_403 = arith.shli %parallel_loop3A_400, %parallel_loop3A_402 : vector<16xi32>
        %parallel_loop3A_404 = vector.bitcast %parallel_loop3A_403 : vector<16xi32> to vector<16xf32>
        %parallel_loop3A_405 = vector.broadcast %scan3A_81 : i32 to vector<16xi32>
        %parallel_loop3A_406 = arith.andi %parallel_loop3A_400, %parallel_loop3A_405 : vector<16xi32>
        %parallel_loop3A_407 = vector.bitcast %parallel_loop3A_406 : vector<16xi32> to vector<16xf32>
        %parallel_loop3A_408 = arith.constant 1 : i32
        %parallel_loop3A_409 = arith.index_cast %parallel_loop3A_408 : i32 to index
        %parallel_loop3A_410 = arith.index_cast %parallel_loop3A_370 : i32 to index
        %parallel_loop3A_411 = arith.constant 0 : index
        %parallel_loop3A_412 = tpu.vector_load %arg13[%parallel_loop3A_409, %parallel_loop3A_410, %parallel_loop3A_411] {strides = array<i32>} : memref<2x40x64xi32, #tpu.memory_space<vmem>>, vector<16xi32>,
        %parallel_loop3A_413 = arith.constant 16 : i32
        %parallel_loop3A_414 = vector.broadcast %parallel_loop3A_413 : i32 to vector<16xi32>
        %parallel_loop3A_415 = arith.shli %parallel_loop3A_412, %parallel_loop3A_414 : vector<16xi32>
        %parallel_loop3A_416 = vector.bitcast %parallel_loop3A_415 : vector<16xi32> to vector<16xf32>
        %parallel_loop3A_417 = vector.broadcast %scan3A_81 : i32 to vector<16xi32>
        %parallel_loop3A_418 = arith.andi %parallel_loop3A_412, %parallel_loop3A_417 : vector<16xi32>
        %parallel_loop3A_419 = vector.bitcast %parallel_loop3A_418 : vector<16xi32> to vector<16xf32>
        %parallel_loop3A_420 = arith.mulf %parallel_loop3A_380, %parallel_loop3A_392 : vector<16xf32>
        %parallel_loop3A_421 = arith.mulf %parallel_loop3A_420, %parallel_loop3A_404 : vector<16xf32>
        %parallel_loop3A_422 = arith.mulf %parallel_loop3A_383, %parallel_loop3A_395 : vector<16xf32>
        %parallel_loop3A_423 = arith.mulf %parallel_loop3A_422, %parallel_loop3A_407 : vector<16xf32>
        %parallel_loop3A_424 = arith.index_cast %parallel_loop3A_370 : i32 to index
        %parallel_loop3A_425 = arith.constant 0 : index
        %parallel_loop3A_426 = tpu.vector_load %arg14[%parallel_loop3A_424, %parallel_loop3A_425] {strides = array<i32>} : memref<40x128xf32, #tpu.memory_space<vmem>>, vector<16xf32>,
        tpu.vector_store %arg14[%parallel_loop3A_424, %parallel_loop3A_425], %parallel_loop3A_421 {strides = array<i32>} : memref<40x128xf32, #tpu.memory_space<vmem>>, vector<16xf32>,
        %parallel_loop3A_427 = arith.index_cast %parallel_loop3A_370 : i32 to index
        %parallel_loop3A_428 = arith.constant 64 : index
        %parallel_loop3A_429 = tpu.vector_load %arg14[%parallel_loop3A_427, %parallel_loop3A_428] {strides = array<i32>} : memref<40x128xf32, #tpu.memory_space<vmem>>, vector<16xf32>,
        tpu.vector_store %arg14[%parallel_loop3A_427, %parallel_loop3A_428], %parallel_loop3A_423 {strides = array<i32>} : memref<40x128xf32, #tpu.memory_space<vmem>>, vector<16xf32>,
        %parallel_loop3A_430 = arith.constant true
        %parallel_loop3A_431 = vector.broadcast %parallel_loop3A_430 : i1 to vector<16xi1>
        %parallel_loop3A_432 = tpu.scan <sum>, %parallel_loop3A_421 masked %parallel_loop3A_431 : vector<16xf32>, vector<16xi1> -> vector<16xf32>
        %parallel_loop3A_433 = vector.extract %parallel_loop3A_432[15] : f32 from vector<16xf32>
        %parallel_loop3A_434 = arith.constant true
        %parallel_loop3A_435 = vector.broadcast %parallel_loop3A_434 : i1 to vector<16xi1>
        %parallel_loop3A_436 = tpu.scan <sum>, %parallel_loop3A_423 masked %parallel_loop3A_435 : vector<16xf32>, vector<16xi1> -> vector<16xf32>
        %parallel_loop3A_437 = vector.extract %parallel_loop3A_436[15] : f32 from vector<16xf32>
        %parallel_loop3A_438 = arith.constant -5.000000e+00 : f32
        %parallel_loop3A_439 = arith.maximumf %parallel_loop3A_433, %parallel_loop3A_438 : f32
        %parallel_loop3A_440 = arith.constant 5.000000e+00 : f32
        %parallel_loop3A_441 = arith.minimumf %parallel_loop3A_439, %parallel_loop3A_440 : f32
        %parallel_loop3A_442 = vector.broadcast %parallel_loop3A_441 : f32 to vector<16xf32>
        %parallel_loop3A_443 = math.exp %parallel_loop3A_442 : vector<16xf32>
        %parallel_loop3A_444 = arith.constant -5.000000e+00 : f32
        %parallel_loop3A_445 = arith.maximumf %parallel_loop3A_437, %parallel_loop3A_444 : f32
        %parallel_loop3A_446 = arith.constant 5.000000e+00 : f32
        %parallel_loop3A_447 = arith.minimumf %parallel_loop3A_445, %parallel_loop3A_446 : f32
        %parallel_loop3A_448 = vector.broadcast %parallel_loop3A_447 : f32 to vector<16xf32>
        %parallel_loop3A_449 = math.exp %parallel_loop3A_448 : vector<16xf32>
        %parallel_loop3A_450 = arith.mulf %parallel_loop3A_416, %parallel_loop3A_443 : vector<16xf32>
        %parallel_loop3A_451 = arith.constant 1 : i32
        %parallel_loop3A_452 = arith.index_cast %parallel_loop3A_451 : i32 to index
        %parallel_loop3A_453 = arith.index_cast %parallel_loop3A_370 : i32 to index
        %parallel_loop3A_454 = arith.constant 0 : index
        %parallel_loop3A_455 = tpu.vector_load %arg15[%parallel_loop3A_452, %parallel_loop3A_453, %parallel_loop3A_454] {strides = array<i32>} : memref<2x40x136xf32, #tpu.memory_space<vmem>>, vector<16xf32>,
        tpu.vector_store %arg15[%parallel_loop3A_452, %parallel_loop3A_453, %parallel_loop3A_454], %parallel_loop3A_450 {strides = array<i32>} : memref<2x40x136xf32, #tpu.memory_space<vmem>>, vector<16xf32>,
        %parallel_loop3A_456 = arith.mulf %parallel_loop3A_419, %parallel_loop3A_449 : vector<16xf32>
        %parallel_loop3A_457 = arith.constant 1 : i32
        %parallel_loop3A_458 = arith.index_cast %parallel_loop3A_457 : i32 to index
        %parallel_loop3A_459 = arith.index_cast %parallel_loop3A_370 : i32 to index
        %parallel_loop3A_460 = arith.constant 64 : index
        %parallel_loop3A_461 = tpu.vector_load %arg15[%parallel_loop3A_458, %parallel_loop3A_459, %parallel_loop3A_460] {strides = array<i32>} : memref<2x40x136xf32, #tpu.memory_space<vmem>>, vector<16xf32>,
        tpu.vector_store %arg15[%parallel_loop3A_458, %parallel_loop3A_459, %parallel_loop3A_460], %parallel_loop3A_456 {strides = array<i32>} : memref<2x40x136xf32, #tpu.memory_space<vmem>>, vector<16xf32>,
        %parallel_loop3A_462 = arith.constant 128 : i32
        %parallel_loop3A_463 = vector.broadcast %parallel_loop3A_462 : i32 to vector<16xi32>
        %parallel_loop3A_464 = arith.constant 1 : i32
        %parallel_loop3A_465 = arith.constant 0 : i32
        %parallel_loop3A_466 = arith.constant 0 : i32
        %parallel_loop3A_467 = tpu.memref_slice %arg15[%parallel_loop3A_464, %parallel_loop3A_465, %parallel_loop3A_466] : memref<2x40x136xf32, #tpu.memory_space<vmem>> -> memref<1x40x136xf32, #tpu.memory_space<vmem>>
        %parallel_loop3A_468 = tpu.memref_squeeze %parallel_loop3A_467 : memref<1x40x136xf32, #tpu.memory_space<vmem>> -> memref<40x136xf32, #tpu.memory_space<vmem>>
        tpu.vector_store_idx %parallel_loop3A_468[%parallel_loop3A_371, %parallel_loop3A_463], %parallel_loop3A_443 masked %eq3A_3 : memref<40x136xf32, #tpu.memory_space<vmem>>[vector<16xi32>, vector<16xi32>], vector<16xf32>, vector<16xi1>
        %parallel_loop3A_469 = arith.constant 132 : i32
        %parallel_loop3A_470 = vector.broadcast %parallel_loop3A_469 : i32 to vector<16xi32>
        %parallel_loop3A_471 = arith.constant 1 : i32
        %parallel_loop3A_472 = arith.constant 0 : i32
        %parallel_loop3A_473 = arith.constant 0 : i32
        %parallel_loop3A_474 = tpu.memref_slice %arg15[%parallel_loop3A_471, %parallel_loop3A_472, %parallel_loop3A_473] : memref<2x40x136xf32, #tpu.memory_space<vmem>> -> memref<1x40x136xf32, #tpu.memory_space<vmem>>
        %parallel_loop3A_475 = tpu.memref_squeeze %parallel_loop3A_474 : memref<1x40x136xf32, #tpu.memory_space<vmem>> -> memref<40x136xf32, #tpu.memory_space<vmem>>
        tpu.vector_store_idx %parallel_loop3A_475[%parallel_loop3A_371, %parallel_loop3A_470], %parallel_loop3A_449 masked %eq3A_3 : memref<40x136xf32, #tpu.memory_space<vmem>>[vector<16xi32>, vector<16xi32>], vector<16xf32>, vector<16xi1>
        %parallel_loop3A_476 = arith.constant 1 : i32
        %parallel_loop3A_477 = arith.index_cast %parallel_loop3A_476 : i32 to index
        %parallel_loop3A_478 = arith.index_cast %parallel_loop3A_370 : i32 to index
        %parallel_loop3A_479 = arith.constant 16 : index
        %parallel_loop3A_480 = tpu.vector_load %arg10[%parallel_loop3A_477, %parallel_loop3A_478, %parallel_loop3A_479] {strides = array<i32>} : memref<2x40x64xi32, #tpu.memory_space<vmem>>, vector<16xi32>,
        %parallel_loop3A_481 = arith.constant 16 : i32
        %parallel_loop3A_482 = vector.broadcast %parallel_loop3A_481 : i32 to vector<16xi32>
        %parallel_loop3A_483 = arith.shli %parallel_loop3A_480, %parallel_loop3A_482 : vector<16xi32>
        %parallel_loop3A_484 = vector.bitcast %parallel_loop3A_483 : vector<16xi32> to vector<16xf32>
        %parallel_loop3A_485 = vector.broadcast %scan3A_81 : i32 to vector<16xi32>
        %parallel_loop3A_486 = arith.andi %parallel_loop3A_480, %parallel_loop3A_485 : vector<16xi32>
        %parallel_loop3A_487 = vector.bitcast %parallel_loop3A_486 : vector<16xi32> to vector<16xf32>
        %parallel_loop3A_488 = arith.constant 1 : i32
        %parallel_loop3A_489 = arith.index_cast %parallel_loop3A_488 : i32 to index
        %parallel_loop3A_490 = arith.index_cast %parallel_loop3A_370 : i32 to index
        %parallel_loop3A_491 = arith.constant 16 : index
        %parallel_loop3A_492 = tpu.vector_load %arg11[%parallel_loop3A_489, %parallel_loop3A_490, %parallel_loop3A_491] {strides = array<i32>} : memref<2x40x64xi32, #tpu.memory_space<vmem>>, vector<16xi32>,
        %parallel_loop3A_493 = arith.constant 16 : i32
        %parallel_loop3A_494 = vector.broadcast %parallel_loop3A_493 : i32 to vector<16xi32>
        %parallel_loop3A_495 = arith.shli %parallel_loop3A_492, %parallel_loop3A_494 : vector<16xi32>
        %parallel_loop3A_496 = vector.bitcast %parallel_loop3A_495 : vector<16xi32> to vector<16xf32>
        %parallel_loop3A_497 = vector.broadcast %scan3A_81 : i32 to vector<16xi32>
        %parallel_loop3A_498 = arith.andi %parallel_loop3A_492, %parallel_loop3A_497 : vector<16xi32>
        %parallel_loop3A_499 = vector.bitcast %parallel_loop3A_498 : vector<16xi32> to vector<16xf32>
        %parallel_loop3A_500 = arith.constant 1 : i32
        %parallel_loop3A_501 = arith.index_cast %parallel_loop3A_500 : i32 to index
        %parallel_loop3A_502 = arith.index_cast %parallel_loop3A_370 : i32 to index
        %parallel_loop3A_503 = arith.constant 16 : index
        %parallel_loop3A_504 = tpu.vector_load %arg12[%parallel_loop3A_501, %parallel_loop3A_502, %parallel_loop3A_503] {strides = array<i32>} : memref<2x40x64xi32, #tpu.memory_space<vmem>>, vector<16xi32>,
        %parallel_loop3A_505 = arith.constant 16 : i32
        %parallel_loop3A_506 = vector.broadcast %parallel_loop3A_505 : i32 to vector<16xi32>
        %parallel_loop3A_507 = arith.shli %parallel_loop3A_504, %parallel_loop3A_506 : vector<16xi32>
        %parallel_loop3A_508 = vector.bitcast %parallel_loop3A_507 : vector<16xi32> to vector<16xf32>
        %parallel_loop3A_509 = vector.broadcast %scan3A_81 : i32 to vector<16xi32>
        %parallel_loop3A_510 = arith.andi %parallel_loop3A_504, %parallel_loop3A_509 : vector<16xi32>
        %parallel_loop3A_511 = vector.bitcast %parallel_loop3A_510 : vector<16xi32> to vector<16xf32>
        %parallel_loop3A_512 = arith.constant 1 : i32
        %parallel_loop3A_513 = arith.index_cast %parallel_loop3A_512 : i32 to index
        %parallel_loop3A_514 = arith.index_cast %parallel_loop3A_370 : i32 to index
        %parallel_loop3A_515 = arith.constant 16 : index
        %parallel_loop3A_516 = tpu.vector_load %arg13[%parallel_loop3A_513, %parallel_loop3A_514, %parallel_loop3A_515] {strides = array<i32>} : memref<2x40x64xi32, #tpu.memory_space<vmem>>, vector<16xi32>,
        %parallel_loop3A_517 = arith.constant 16 : i32
        %parallel_loop3A_518 = vector.broadcast %parallel_loop3A_517 : i32 to vector<16xi32>
        %parallel_loop3A_519 = arith.shli %parallel_loop3A_516, %parallel_loop3A_518 : vector<16xi32>
        %parallel_loop3A_520 = vector.bitcast %parallel_loop3A_519 : vector<16xi32> to vector<16xf32>
        %parallel_loop3A_521 = vector.broadcast %scan3A_81 : i32 to vector<16xi32>
        %parallel_loop3A_522 = arith.andi %parallel_loop3A_516, %parallel_loop3A_521 : vector<16xi32>
        %parallel_loop3A_523 = vector.bitcast %parallel_loop3A_522 : vector<16xi32> to vector<16xf32>
        %parallel_loop3A_524 = arith.mulf %parallel_loop3A_484, %parallel_loop3A_496 : vector<16xf32>
        %parallel_loop3A_525 = arith.mulf %parallel_loop3A_524, %parallel_loop3A_508 : vector<16xf32>
        %parallel_loop3A_526 = arith.mulf %parallel_loop3A_487, %parallel_loop3A_499 : vector<16xf32>
        %parallel_loop3A_527 = arith.mulf %parallel_loop3A_526, %parallel_loop3A_511 : vector<16xf32>
        %parallel_loop3A_528 = arith.index_cast %parallel_loop3A_370 : i32 to index
        %parallel_loop3A_529 = arith.constant 16 : index
        %parallel_loop3A_530 = tpu.vector_load %arg14[%parallel_loop3A_528, %parallel_loop3A_529] {strides = array<i32>} : memref<40x128xf32, #tpu.memory_space<vmem>>, vector<16xf32>,
        tpu.vector_store %arg14[%parallel_loop3A_528, %parallel_loop3A_529], %parallel_loop3A_525 {strides = array<i32>} : memref<40x128xf32, #tpu.memory_space<vmem>>, vector<16xf32>,
        %parallel_loop3A_531 = arith.index_cast %parallel_loop3A_370 : i32 to index
        %parallel_loop3A_532 = arith.constant 80 : index
        %parallel_loop3A_533 = tpu.vector_load %arg14[%parallel_loop3A_531, %parallel_loop3A_532] {strides = array<i32>} : memref<40x128xf32, #tpu.memory_space<vmem>>, vector<16xf32>,
        tpu.vector_store %arg14[%parallel_loop3A_531, %parallel_loop3A_532], %parallel_loop3A_527 {strides = array<i32>} : memref<40x128xf32, #tpu.memory_space<vmem>>, vector<16xf32>,
        %parallel_loop3A_534 = arith.constant true
        %parallel_loop3A_535 = vector.broadcast %parallel_loop3A_534 : i1 to vector<16xi1>
        %parallel_loop3A_536 = tpu.scan <sum>, %parallel_loop3A_525 masked %parallel_loop3A_535 : vector<16xf32>, vector<16xi1> -> vector<16xf32>
        %parallel_loop3A_537 = vector.extract %parallel_loop3A_536[15] : f32 from vector<16xf32>
        %parallel_loop3A_538 = arith.constant true
        %parallel_loop3A_539 = vector.broadcast %parallel_loop3A_538 : i1 to vector<16xi1>
        %parallel_loop3A_540 = tpu.scan <sum>, %parallel_loop3A_527 masked %parallel_loop3A_539 : vector<16xf32>, vector<16xi1> -> vector<16xf32>
        %parallel_loop3A_541 = vector.extract %parallel_loop3A_540[15] : f32 from vector<16xf32>
        %parallel_loop3A_542 = arith.constant -5.000000e+00 : f32
        %parallel_loop3A_543 = arith.maximumf %parallel_loop3A_537, %parallel_loop3A_542 : f32
        %parallel_loop3A_544 = arith.constant 5.000000e+00 : f32
        %parallel_loop3A_545 = arith.minimumf %parallel_loop3A_543, %parallel_loop3A_544 : f32
        %parallel_loop3A_546 = vector.broadcast %parallel_loop3A_545 : f32 to vector<16xf32>
        %parallel_loop3A_547 = math.exp %parallel_loop3A_546 : vector<16xf32>
        %parallel_loop3A_548 = arith.constant -5.000000e+00 : f32
        %parallel_loop3A_549 = arith.maximumf %parallel_loop3A_541, %parallel_loop3A_548 : f32
        %parallel_loop3A_550 = arith.constant 5.000000e+00 : f32
        %parallel_loop3A_551 = arith.minimumf %parallel_loop3A_549, %parallel_loop3A_550 : f32
        %parallel_loop3A_552 = vector.broadcast %parallel_loop3A_551 : f32 to vector<16xf32>
        %parallel_loop3A_553 = math.exp %parallel_loop3A_552 : vector<16xf32>
        %parallel_loop3A_554 = arith.mulf %parallel_loop3A_520, %parallel_loop3A_547 : vector<16xf32>
        %parallel_loop3A_555 = arith.constant 1 : i32
        %parallel_loop3A_556 = arith.index_cast %parallel_loop3A_555 : i32 to index
        %parallel_loop3A_557 = arith.index_cast %parallel_loop3A_370 : i32 to index
        %parallel_loop3A_558 = arith.constant 16 : index
        %parallel_loop3A_559 = tpu.vector_load %arg15[%parallel_loop3A_556, %parallel_loop3A_557, %parallel_loop3A_558] {strides = array<i32>} : memref<2x40x136xf32, #tpu.memory_space<vmem>>, vector<16xf32>,
        tpu.vector_store %arg15[%parallel_loop3A_556, %parallel_loop3A_557, %parallel_loop3A_558], %parallel_loop3A_554 {strides = array<i32>} : memref<2x40x136xf32, #tpu.memory_space<vmem>>, vector<16xf32>,
        %parallel_loop3A_560 = arith.mulf %parallel_loop3A_523, %parallel_loop3A_553 : vector<16xf32>
        %parallel_loop3A_561 = arith.constant 1 : i32
        %parallel_loop3A_562 = arith.index_cast %parallel_loop3A_561 : i32 to index
        %parallel_loop3A_563 = arith.index_cast %parallel_loop3A_370 : i32 to index
        %parallel_loop3A_564 = arith.constant 80 : index
        %parallel_loop3A_565 = tpu.vector_load %arg15[%parallel_loop3A_562, %parallel_loop3A_563, %parallel_loop3A_564] {strides = array<i32>} : memref<2x40x136xf32, #tpu.memory_space<vmem>>, vector<16xf32>,
        tpu.vector_store %arg15[%parallel_loop3A_562, %parallel_loop3A_563, %parallel_loop3A_564], %parallel_loop3A_560 {strides = array<i32>} : memref<2x40x136xf32, #tpu.memory_space<vmem>>, vector<16xf32>,
        %parallel_loop3A_566 = arith.constant 129 : i32
        %parallel_loop3A_567 = vector.broadcast %parallel_loop3A_566 : i32 to vector<16xi32>
        %parallel_loop3A_568 = arith.constant 1 : i32
        %parallel_loop3A_569 = arith.constant 0 : i32
        %parallel_loop3A_570 = arith.constant 0 : i32
        %parallel_loop3A_571 = tpu.memref_slice %arg15[%parallel_loop3A_568, %parallel_loop3A_569, %parallel_loop3A_570] : memref<2x40x136xf32, #tpu.memory_space<vmem>> -> memref<1x40x136xf32, #tpu.memory_space<vmem>>
        %parallel_loop3A_572 = tpu.memref_squeeze %parallel_loop3A_571 : memref<1x40x136xf32, #tpu.memory_space<vmem>> -> memref<40x136xf32, #tpu.memory_space<vmem>>
        tpu.vector_store_idx %parallel_loop3A_572[%parallel_loop3A_371, %parallel_loop3A_567], %parallel_loop3A_547 masked %eq3A_3 : memref<40x136xf32, #tpu.memory_space<vmem>>[vector<16xi32>, vector<16xi32>], vector<16xf32>, vector<16xi1>
        %parallel_loop3A_573 = arith.constant 133 : i32
        %parallel_loop3A_574 = vector.broadcast %parallel_loop3A_573 : i32 to vector<16xi32>
        %parallel_loop3A_575 = arith.constant 1 : i32
        %parallel_loop3A_576 = arith.constant 0 : i32
        %parallel_loop3A_577 = arith.constant 0 : i32
        %parallel_loop3A_578 = tpu.memref_slice %arg15[%parallel_loop3A_575, %parallel_loop3A_576, %parallel_loop3A_577] : memref<2x40x136xf32, #tpu.memory_space<vmem>> -> memref<1x40x136xf32, #tpu.memory_space<vmem>>
        %parallel_loop3A_579 = tpu.memref_squeeze %parallel_loop3A_578 : memref<1x40x136xf32, #tpu.memory_space<vmem>> -> memref<40x136xf32, #tpu.memory_space<vmem>>
        tpu.vector_store_idx %parallel_loop3A_579[%parallel_loop3A_371, %parallel_loop3A_574], %parallel_loop3A_553 masked %eq3A_3 : memref<40x136xf32, #tpu.memory_space<vmem>>[vector<16xi32>, vector<16xi32>], vector<16xf32>, vector<16xi1>
        %parallel_loop3A_580 = arith.constant 1 : i32
        %parallel_loop3A_581 = arith.index_cast %parallel_loop3A_580 : i32 to index
        %parallel_loop3A_582 = arith.index_cast %parallel_loop3A_370 : i32 to index
        %parallel_loop3A_583 = arith.constant 32 : index
        %parallel_loop3A_584 = tpu.vector_load %arg10[%parallel_loop3A_581, %parallel_loop3A_582, %parallel_loop3A_583] {strides = array<i32>} : memref<2x40x64xi32, #tpu.memory_space<vmem>>, vector<16xi32>,
        %parallel_loop3A_585 = arith.constant 16 : i32
        %parallel_loop3A_586 = vector.broadcast %parallel_loop3A_585 : i32 to vector<16xi32>
        %parallel_loop3A_587 = arith.shli %parallel_loop3A_584, %parallel_loop3A_586 : vector<16xi32>
        %parallel_loop3A_588 = vector.bitcast %parallel_loop3A_587 : vector<16xi32> to vector<16xf32>
        %parallel_loop3A_589 = vector.broadcast %scan3A_81 : i32 to vector<16xi32>
        %parallel_loop3A_590 = arith.andi %parallel_loop3A_584, %parallel_loop3A_589 : vector<16xi32>
        %parallel_loop3A_591 = vector.bitcast %parallel_loop3A_590 : vector<16xi32> to vector<16xf32>
        %parallel_loop3A_592 = arith.constant 1 : i32
        %parallel_loop3A_593 = arith.index_cast %parallel_loop3A_592 : i32 to index
        %parallel_loop3A_594 = arith.index_cast %parallel_loop3A_370 : i32 to index
        %parallel_loop3A_595 = arith.constant 32 : index
        %parallel_loop3A_596 = tpu.vector_load %arg11[%parallel_loop3A_593, %parallel_loop3A_594, %parallel_loop3A_595] {strides = array<i32>} : memref<2x40x64xi32, #tpu.memory_space<vmem>>, vector<16xi32>,
        %parallel_loop3A_597 = arith.constant 16 : i32
        %parallel_loop3A_598 = vector.broadcast %parallel_loop3A_597 : i32 to vector<16xi32>
        %parallel_loop3A_599 = arith.shli %parallel_loop3A_596, %parallel_loop3A_598 : vector<16xi32>
        %parallel_loop3A_600 = vector.bitcast %parallel_loop3A_599 : vector<16xi32> to vector<16xf32>
        %parallel_loop3A_601 = vector.broadcast %scan3A_81 : i32 to vector<16xi32>
        %parallel_loop3A_602 = arith.andi %parallel_loop3A_596, %parallel_loop3A_601 : vector<16xi32>
        %parallel_loop3A_603 = vector.bitcast %parallel_loop3A_602 : vector<16xi32> to vector<16xf32>
        %parallel_loop3A_604 = arith.constant 1 : i32
        %parallel_loop3A_605 = arith.index_cast %parallel_loop3A_604 : i32 to index
        %parallel_loop3A_606 = arith.index_cast %parallel_loop3A_370 : i32 to index
        %parallel_loop3A_607 = arith.constant 32 : index
        %parallel_loop3A_608 = tpu.vector_load %arg12[%parallel_loop3A_605, %parallel_loop3A_606, %parallel_loop3A_607] {strides = array<i32>} : memref<2x40x64xi32, #tpu.memory_space<vmem>>, vector<16xi32>,
        %parallel_loop3A_609 = arith.constant 16 : i32
        %parallel_loop3A_610 = vector.broadcast %parallel_loop3A_609 : i32 to vector<16xi32>
        %parallel_loop3A_611 = arith.shli %parallel_loop3A_608, %parallel_loop3A_610 : vector<16xi32>
        %parallel_loop3A_612 = vector.bitcast %parallel_loop3A_611 : vector<16xi32> to vector<16xf32>
        %parallel_loop3A_613 = vector.broadcast %scan3A_81 : i32 to vector<16xi32>
        %parallel_loop3A_614 = arith.andi %parallel_loop3A_608, %parallel_loop3A_613 : vector<16xi32>
        %parallel_loop3A_615 = vector.bitcast %parallel_loop3A_614 : vector<16xi32> to vector<16xf32>
        %parallel_loop3A_616 = arith.constant 1 : i32
        %parallel_loop3A_617 = arith.index_cast %parallel_loop3A_616 : i32 to index
        %parallel_loop3A_618 = arith.index_cast %parallel_loop3A_370 : i32 to index
        %parallel_loop3A_619 = arith.constant 32 : index
        %parallel_loop3A_620 = tpu.vector_load %arg13[%parallel_loop3A_617, %parallel_loop3A_618, %parallel_loop3A_619] {strides = array<i32>} : memref<2x40x64xi32, #tpu.memory_space<vmem>>, vector<16xi32>,
        %parallel_loop3A_621 = arith.constant 16 : i32
        %parallel_loop3A_622 = vector.broadcast %parallel_loop3A_621 : i32 to vector<16xi32>
        %parallel_loop3A_623 = arith.shli %parallel_loop3A_620, %parallel_loop3A_622 : vector<16xi32>
        %parallel_loop3A_624 = vector.bitcast %parallel_loop3A_623 : vector<16xi32> to vector<16xf32>
        %parallel_loop3A_625 = vector.broadcast %scan3A_81 : i32 to vector<16xi32>
        %parallel_loop3A_626 = arith.andi %parallel_loop3A_620, %parallel_loop3A_625 : vector<16xi32>
        %parallel_loop3A_627 = vector.bitcast %parallel_loop3A_626 : vector<16xi32> to vector<16xf32>
        %parallel_loop3A_628 = arith.mulf %parallel_loop3A_588, %parallel_loop3A_600 : vector<16xf32>
        %parallel_loop3A_629 = arith.mulf %parallel_loop3A_628, %parallel_loop3A_612 : vector<16xf32>
        %parallel_loop3A_630 = arith.mulf %parallel_loop3A_591, %parallel_loop3A_603 : vector<16xf32>
        %parallel_loop3A_631 = arith.mulf %parallel_loop3A_630, %parallel_loop3A_615 : vector<16xf32>
        %parallel_loop3A_632 = arith.index_cast %parallel_loop3A_370 : i32 to index
        %parallel_loop3A_633 = arith.constant 32 : index
        %parallel_loop3A_634 = tpu.vector_load %arg14[%parallel_loop3A_632, %parallel_loop3A_633] {strides = array<i32>} : memref<40x128xf32, #tpu.memory_space<vmem>>, vector<16xf32>,
        tpu.vector_store %arg14[%parallel_loop3A_632, %parallel_loop3A_633], %parallel_loop3A_629 {strides = array<i32>} : memref<40x128xf32, #tpu.memory_space<vmem>>, vector<16xf32>,
        %parallel_loop3A_635 = arith.index_cast %parallel_loop3A_370 : i32 to index
        %parallel_loop3A_636 = arith.constant 96 : index
        %parallel_loop3A_637 = tpu.vector_load %arg14[%parallel_loop3A_635, %parallel_loop3A_636] {strides = array<i32>} : memref<40x128xf32, #tpu.memory_space<vmem>>, vector<16xf32>,
        tpu.vector_store %arg14[%parallel_loop3A_635, %parallel_loop3A_636], %parallel_loop3A_631 {strides = array<i32>} : memref<40x128xf32, #tpu.memory_space<vmem>>, vector<16xf32>,
        %parallel_loop3A_638 = arith.constant true
        %parallel_loop3A_639 = vector.broadcast %parallel_loop3A_638 : i1 to vector<16xi1>
        %parallel_loop3A_640 = tpu.scan <sum>, %parallel_loop3A_629 masked %parallel_loop3A_639 : vector<16xf32>, vector<16xi1> -> vector<16xf32>
        %parallel_loop3A_641 = vector.extract %parallel_loop3A_640[15] : f32 from vector<16xf32>
        %parallel_loop3A_642 = arith.constant true
        %parallel_loop3A_643 = vector.broadcast %parallel_loop3A_642 : i1 to vector<16xi1>
        %parallel_loop3A_644 = tpu.scan <sum>, %parallel_loop3A_631 masked %parallel_loop3A_643 : vector<16xf32>, vector<16xi1> -> vector<16xf32>
        %parallel_loop3A_645 = vector.extract %parallel_loop3A_644[15] : f32 from vector<16xf32>
        %parallel_loop3A_646 = arith.constant -5.000000e+00 : f32
        %parallel_loop3A_647 = arith.maximumf %parallel_loop3A_641, %parallel_loop3A_646 : f32
        %parallel_loop3A_648 = arith.constant 5.000000e+00 : f32
        %parallel_loop3A_649 = arith.minimumf %parallel_loop3A_647, %parallel_loop3A_648 : f32
        %parallel_loop3A_650 = vector.broadcast %parallel_loop3A_649 : f32 to vector<16xf32>
        %parallel_loop3A_651 = math.exp %parallel_loop3A_650 : vector<16xf32>
        %parallel_loop3A_652 = arith.constant -5.000000e+00 : f32
        %parallel_loop3A_653 = arith.maximumf %parallel_loop3A_645, %parallel_loop3A_652 : f32
        %parallel_loop3A_654 = arith.constant 5.000000e+00 : f32
        %parallel_loop3A_655 = arith.minimumf %parallel_loop3A_653, %parallel_loop3A_654 : f32
        %parallel_loop3A_656 = vector.broadcast %parallel_loop3A_655 : f32 to vector<16xf32>
        %parallel_loop3A_657 = math.exp %parallel_loop3A_656 : vector<16xf32>
        %parallel_loop3A_658 = arith.mulf %parallel_loop3A_624, %parallel_loop3A_651 : vector<16xf32>
        %parallel_loop3A_659 = arith.constant 1 : i32
        %parallel_loop3A_660 = arith.index_cast %parallel_loop3A_659 : i32 to index
        %parallel_loop3A_661 = arith.index_cast %parallel_loop3A_370 : i32 to index
        %parallel_loop3A_662 = arith.constant 32 : index
        %parallel_loop3A_663 = tpu.vector_load %arg15[%parallel_loop3A_660, %parallel_loop3A_661, %parallel_loop3A_662] {strides = array<i32>} : memref<2x40x136xf32, #tpu.memory_space<vmem>>, vector<16xf32>,
        tpu.vector_store %arg15[%parallel_loop3A_660, %parallel_loop3A_661, %parallel_loop3A_662], %parallel_loop3A_658 {strides = array<i32>} : memref<2x40x136xf32, #tpu.memory_space<vmem>>, vector<16xf32>,
        %parallel_loop3A_664 = arith.mulf %parallel_loop3A_627, %parallel_loop3A_657 : vector<16xf32>
        %parallel_loop3A_665 = arith.constant 1 : i32
        %parallel_loop3A_666 = arith.index_cast %parallel_loop3A_665 : i32 to index
        %parallel_loop3A_667 = arith.index_cast %parallel_loop3A_370 : i32 to index
        %parallel_loop3A_668 = arith.constant 96 : index
        %parallel_loop3A_669 = tpu.vector_load %arg15[%parallel_loop3A_666, %parallel_loop3A_667, %parallel_loop3A_668] {strides = array<i32>} : memref<2x40x136xf32, #tpu.memory_space<vmem>>, vector<16xf32>,
        tpu.vector_store %arg15[%parallel_loop3A_666, %parallel_loop3A_667, %parallel_loop3A_668], %parallel_loop3A_664 {strides = array<i32>} : memref<2x40x136xf32, #tpu.memory_space<vmem>>, vector<16xf32>,
        %parallel_loop3A_670 = arith.constant 130 : i32
        %parallel_loop3A_671 = vector.broadcast %parallel_loop3A_670 : i32 to vector<16xi32>
        %parallel_loop3A_672 = arith.constant 1 : i32
        %parallel_loop3A_673 = arith.constant 0 : i32
        %parallel_loop3A_674 = arith.constant 0 : i32
        %parallel_loop3A_675 = tpu.memref_slice %arg15[%parallel_loop3A_672, %parallel_loop3A_673, %parallel_loop3A_674] : memref<2x40x136xf32, #tpu.memory_space<vmem>> -> memref<1x40x136xf32, #tpu.memory_space<vmem>>
        %parallel_loop3A_676 = tpu.memref_squeeze %parallel_loop3A_675 : memref<1x40x136xf32, #tpu.memory_space<vmem>> -> memref<40x136xf32, #tpu.memory_space<vmem>>
        tpu.vector_store_idx %parallel_loop3A_676[%parallel_loop3A_371, %parallel_loop3A_671], %parallel_loop3A_651 masked %eq3A_3 : memref<40x136xf32, #tpu.memory_space<vmem>>[vector<16xi32>, vector<16xi32>], vector<16xf32>, vector<16xi1>
        %parallel_loop3A_677 = arith.constant 134 : i32
        %parallel_loop3A_678 = vector.broadcast %parallel_loop3A_677 : i32 to vector<16xi32>
        %parallel_loop3A_679 = arith.constant 1 : i32
        %parallel_loop3A_680 = arith.constant 0 : i32
        %parallel_loop3A_681 = arith.constant 0 : i32
        %parallel_loop3A_682 = tpu.memref_slice %arg15[%parallel_loop3A_679, %parallel_loop3A_680, %parallel_loop3A_681] : memref<2x40x136xf32, #tpu.memory_space<vmem>> -> memref<1x40x136xf32, #tpu.memory_space<vmem>>
        %parallel_loop3A_683 = tpu.memref_squeeze %parallel_loop3A_682 : memref<1x40x136xf32, #tpu.memory_space<vmem>> -> memref<40x136xf32, #tpu.memory_space<vmem>>
        tpu.vector_store_idx %parallel_loop3A_683[%parallel_loop3A_371, %parallel_loop3A_678], %parallel_loop3A_657 masked %eq3A_3 : memref<40x136xf32, #tpu.memory_space<vmem>>[vector<16xi32>, vector<16xi32>], vector<16xf32>, vector<16xi1>
        %parallel_loop3A_684 = arith.constant 1 : i32
        %parallel_loop3A_685 = arith.index_cast %parallel_loop3A_684 : i32 to index
        %parallel_loop3A_686 = arith.index_cast %parallel_loop3A_370 : i32 to index
        %parallel_loop3A_687 = arith.constant 48 : index
        %parallel_loop3A_688 = tpu.vector_load %arg10[%parallel_loop3A_685, %parallel_loop3A_686, %parallel_loop3A_687] {strides = array<i32>} : memref<2x40x64xi32, #tpu.memory_space<vmem>>, vector<16xi32>,
        %parallel_loop3A_689 = arith.constant 16 : i32
        %parallel_loop3A_690 = vector.broadcast %parallel_loop3A_689 : i32 to vector<16xi32>
        %parallel_loop3A_691 = arith.shli %parallel_loop3A_688, %parallel_loop3A_690 : vector<16xi32>
        %parallel_loop3A_692 = vector.bitcast %parallel_loop3A_691 : vector<16xi32> to vector<16xf32>
        %parallel_loop3A_693 = vector.broadcast %scan3A_81 : i32 to vector<16xi32>
        %parallel_loop3A_694 = arith.andi %parallel_loop3A_688, %parallel_loop3A_693 : vector<16xi32>
        %parallel_loop3A_695 = vector.bitcast %parallel_loop3A_694 : vector<16xi32> to vector<16xf32>
        %parallel_loop3A_696 = arith.constant 1 : i32
        %parallel_loop3A_697 = arith.index_cast %parallel_loop3A_696 : i32 to index
        %parallel_loop3A_698 = arith.index_cast %parallel_loop3A_370 : i32 to index
        %parallel_loop3A_699 = arith.constant 48 : index
        %parallel_loop3A_700 = tpu.vector_load %arg11[%parallel_loop3A_697, %parallel_loop3A_698, %parallel_loop3A_699] {strides = array<i32>} : memref<2x40x64xi32, #tpu.memory_space<vmem>>, vector<16xi32>,
        %parallel_loop3A_701 = arith.constant 16 : i32
        %parallel_loop3A_702 = vector.broadcast %parallel_loop3A_701 : i32 to vector<16xi32>
        %parallel_loop3A_703 = arith.shli %parallel_loop3A_700, %parallel_loop3A_702 : vector<16xi32>
        %parallel_loop3A_704 = vector.bitcast %parallel_loop3A_703 : vector<16xi32> to vector<16xf32>
        %parallel_loop3A_705 = vector.broadcast %scan3A_81 : i32 to vector<16xi32>
        %parallel_loop3A_706 = arith.andi %parallel_loop3A_700, %parallel_loop3A_705 : vector<16xi32>
        %parallel_loop3A_707 = vector.bitcast %parallel_loop3A_706 : vector<16xi32> to vector<16xf32>
        %parallel_loop3A_708 = arith.constant 1 : i32
        %parallel_loop3A_709 = arith.index_cast %parallel_loop3A_708 : i32 to index
        %parallel_loop3A_710 = arith.index_cast %parallel_loop3A_370 : i32 to index
        %parallel_loop3A_711 = arith.constant 48 : index
        %parallel_loop3A_712 = tpu.vector_load %arg12[%parallel_loop3A_709, %parallel_loop3A_710, %parallel_loop3A_711] {strides = array<i32>} : memref<2x40x64xi32, #tpu.memory_space<vmem>>, vector<16xi32>,
        %parallel_loop3A_713 = arith.constant 16 : i32
        %parallel_loop3A_714 = vector.broadcast %parallel_loop3A_713 : i32 to vector<16xi32>
        %parallel_loop3A_715 = arith.shli %parallel_loop3A_712, %parallel_loop3A_714 : vector<16xi32>
        %parallel_loop3A_716 = vector.bitcast %parallel_loop3A_715 : vector<16xi32> to vector<16xf32>
        %parallel_loop3A_717 = vector.broadcast %scan3A_81 : i32 to vector<16xi32>
        %parallel_loop3A_718 = arith.andi %parallel_loop3A_712, %parallel_loop3A_717 : vector<16xi32>
        %parallel_loop3A_719 = vector.bitcast %parallel_loop3A_718 : vector<16xi32> to vector<16xf32>
        %parallel_loop3A_720 = arith.constant 1 : i32
        %parallel_loop3A_721 = arith.index_cast %parallel_loop3A_720 : i32 to index
        %parallel_loop3A_722 = arith.index_cast %parallel_loop3A_370 : i32 to index
        %parallel_loop3A_723 = arith.constant 48 : index
        %parallel_loop3A_724 = tpu.vector_load %arg13[%parallel_loop3A_721, %parallel_loop3A_722, %parallel_loop3A_723] {strides = array<i32>} : memref<2x40x64xi32, #tpu.memory_space<vmem>>, vector<16xi32>,
        %parallel_loop3A_725 = arith.constant 16 : i32
        %parallel_loop3A_726 = vector.broadcast %parallel_loop3A_725 : i32 to vector<16xi32>
        %parallel_loop3A_727 = arith.shli %parallel_loop3A_724, %parallel_loop3A_726 : vector<16xi32>
        %parallel_loop3A_728 = vector.bitcast %parallel_loop3A_727 : vector<16xi32> to vector<16xf32>
        %parallel_loop3A_729 = vector.broadcast %scan3A_81 : i32 to vector<16xi32>
        %parallel_loop3A_730 = arith.andi %parallel_loop3A_724, %parallel_loop3A_729 : vector<16xi32>
        %parallel_loop3A_731 = vector.bitcast %parallel_loop3A_730 : vector<16xi32> to vector<16xf32>
        %parallel_loop3A_732 = arith.mulf %parallel_loop3A_692, %parallel_loop3A_704 : vector<16xf32>
        %parallel_loop3A_733 = arith.mulf %parallel_loop3A_732, %parallel_loop3A_716 : vector<16xf32>
        %parallel_loop3A_734 = arith.mulf %parallel_loop3A_695, %parallel_loop3A_707 : vector<16xf32>
        %parallel_loop3A_735 = arith.mulf %parallel_loop3A_734, %parallel_loop3A_719 : vector<16xf32>
        %parallel_loop3A_736 = arith.index_cast %parallel_loop3A_370 : i32 to index
        %parallel_loop3A_737 = arith.constant 48 : index
        %parallel_loop3A_738 = tpu.vector_load %arg14[%parallel_loop3A_736, %parallel_loop3A_737] {strides = array<i32>} : memref<40x128xf32, #tpu.memory_space<vmem>>, vector<16xf32>,
        tpu.vector_store %arg14[%parallel_loop3A_736, %parallel_loop3A_737], %parallel_loop3A_733 {strides = array<i32>} : memref<40x128xf32, #tpu.memory_space<vmem>>, vector<16xf32>,
        %parallel_loop3A_739 = arith.index_cast %parallel_loop3A_370 : i32 to index
        %parallel_loop3A_740 = arith.constant 112 : index
        %parallel_loop3A_741 = tpu.vector_load %arg14[%parallel_loop3A_739, %parallel_loop3A_740] {strides = array<i32>} : memref<40x128xf32, #tpu.memory_space<vmem>>, vector<16xf32>,
        tpu.vector_store %arg14[%parallel_loop3A_739, %parallel_loop3A_740], %parallel_loop3A_735 {strides = array<i32>} : memref<40x128xf32, #tpu.memory_space<vmem>>, vector<16xf32>,
        %parallel_loop3A_742 = arith.constant true
        %parallel_loop3A_743 = vector.broadcast %parallel_loop3A_742 : i1 to vector<16xi1>
        %parallel_loop3A_744 = tpu.scan <sum>, %parallel_loop3A_733 masked %parallel_loop3A_743 : vector<16xf32>, vector<16xi1> -> vector<16xf32>
        %parallel_loop3A_745 = vector.extract %parallel_loop3A_744[15] : f32 from vector<16xf32>
        %parallel_loop3A_746 = arith.constant true
        %parallel_loop3A_747 = vector.broadcast %parallel_loop3A_746 : i1 to vector<16xi1>
        %parallel_loop3A_748 = tpu.scan <sum>, %parallel_loop3A_735 masked %parallel_loop3A_747 : vector<16xf32>, vector<16xi1> -> vector<16xf32>
        %parallel_loop3A_749 = vector.extract %parallel_loop3A_748[15] : f32 from vector<16xf32>
        %parallel_loop3A_750 = arith.constant -5.000000e+00 : f32
        %parallel_loop3A_751 = arith.maximumf %parallel_loop3A_745, %parallel_loop3A_750 : f32
        %parallel_loop3A_752 = arith.constant 5.000000e+00 : f32
        %parallel_loop3A_753 = arith.minimumf %parallel_loop3A_751, %parallel_loop3A_752 : f32
        %parallel_loop3A_754 = vector.broadcast %parallel_loop3A_753 : f32 to vector<16xf32>
        %parallel_loop3A_755 = math.exp %parallel_loop3A_754 : vector<16xf32>
        %parallel_loop3A_756 = arith.constant -5.000000e+00 : f32
        %parallel_loop3A_757 = arith.maximumf %parallel_loop3A_749, %parallel_loop3A_756 : f32
        %parallel_loop3A_758 = arith.constant 5.000000e+00 : f32
        %parallel_loop3A_759 = arith.minimumf %parallel_loop3A_757, %parallel_loop3A_758 : f32
        %parallel_loop3A_760 = vector.broadcast %parallel_loop3A_759 : f32 to vector<16xf32>
        %parallel_loop3A_761 = math.exp %parallel_loop3A_760 : vector<16xf32>
        %parallel_loop3A_762 = arith.mulf %parallel_loop3A_728, %parallel_loop3A_755 : vector<16xf32>
        %parallel_loop3A_763 = arith.constant 1 : i32
        %parallel_loop3A_764 = arith.index_cast %parallel_loop3A_763 : i32 to index
        %parallel_loop3A_765 = arith.index_cast %parallel_loop3A_370 : i32 to index
        %parallel_loop3A_766 = arith.constant 48 : index
        %parallel_loop3A_767 = tpu.vector_load %arg15[%parallel_loop3A_764, %parallel_loop3A_765, %parallel_loop3A_766] {strides = array<i32>} : memref<2x40x136xf32, #tpu.memory_space<vmem>>, vector<16xf32>,
        tpu.vector_store %arg15[%parallel_loop3A_764, %parallel_loop3A_765, %parallel_loop3A_766], %parallel_loop3A_762 {strides = array<i32>} : memref<2x40x136xf32, #tpu.memory_space<vmem>>, vector<16xf32>,
        %parallel_loop3A_768 = arith.mulf %parallel_loop3A_731, %parallel_loop3A_761 : vector<16xf32>
        %parallel_loop3A_769 = arith.constant 1 : i32
        %parallel_loop3A_770 = arith.index_cast %parallel_loop3A_769 : i32 to index
        %parallel_loop3A_771 = arith.index_cast %parallel_loop3A_370 : i32 to index
        %parallel_loop3A_772 = arith.constant 112 : index
        %parallel_loop3A_773 = tpu.vector_load %arg15[%parallel_loop3A_770, %parallel_loop3A_771, %parallel_loop3A_772] {strides = array<i32>} : memref<2x40x136xf32, #tpu.memory_space<vmem>>, vector<16xf32>,
        tpu.vector_store %arg15[%parallel_loop3A_770, %parallel_loop3A_771, %parallel_loop3A_772], %parallel_loop3A_768 {strides = array<i32>} : memref<2x40x136xf32, #tpu.memory_space<vmem>>, vector<16xf32>,
        %parallel_loop3A_774 = arith.constant 131 : i32
        %parallel_loop3A_775 = vector.broadcast %parallel_loop3A_774 : i32 to vector<16xi32>
        %parallel_loop3A_776 = arith.constant 1 : i32
        %parallel_loop3A_777 = arith.constant 0 : i32
        %parallel_loop3A_778 = arith.constant 0 : i32
        %parallel_loop3A_779 = tpu.memref_slice %arg15[%parallel_loop3A_776, %parallel_loop3A_777, %parallel_loop3A_778] : memref<2x40x136xf32, #tpu.memory_space<vmem>> -> memref<1x40x136xf32, #tpu.memory_space<vmem>>
        %parallel_loop3A_780 = tpu.memref_squeeze %parallel_loop3A_779 : memref<1x40x136xf32, #tpu.memory_space<vmem>> -> memref<40x136xf32, #tpu.memory_space<vmem>>
        tpu.vector_store_idx %parallel_loop3A_780[%parallel_loop3A_371, %parallel_loop3A_775], %parallel_loop3A_755 masked %eq3A_3 : memref<40x136xf32, #tpu.memory_space<vmem>>[vector<16xi32>, vector<16xi32>], vector<16xf32>, vector<16xi1>
        %parallel_loop3A_781 = arith.constant 135 : i32
        %parallel_loop3A_782 = vector.broadcast %parallel_loop3A_781 : i32 to vector<16xi32>
        %parallel_loop3A_783 = arith.constant 1 : i32
        %parallel_loop3A_784 = arith.constant 0 : i32
        %parallel_loop3A_785 = arith.constant 0 : i32
        %parallel_loop3A_786 = tpu.memref_slice %arg15[%parallel_loop3A_783, %parallel_loop3A_784, %parallel_loop3A_785] : memref<2x40x136xf32, #tpu.memory_space<vmem>> -> memref<1x40x136xf32, #tpu.memory_space<vmem>>
        %parallel_loop3A_787 = tpu.memref_squeeze %parallel_loop3A_786 : memref<1x40x136xf32, #tpu.memory_space<vmem>> -> memref<40x136xf32, #tpu.memory_space<vmem>>
        tpu.vector_store_idx %parallel_loop3A_787[%parallel_loop3A_371, %parallel_loop3A_782], %parallel_loop3A_761 masked %eq3A_3 : memref<40x136xf32, #tpu.memory_space<vmem>>[vector<16xi32>, vector<16xi32>], vector<16xf32>, vector<16xi1>
      } {sc.loop_unroll_factor = 1 : i64, sc.parallel_access}
      %dma_start3A_352 = arith.constant 0 : i32
      %dma_start3A_353 = tpu.memref_slice %arg7[%add3A_273, %dma_start3A_352] : memref<320000x128xf32, #tpu.memory_space<hbm>> -> memref<40x128xf32, #tpu.memory_space<hbm>>
      %dma_start3A_354 = arith.constant 0 : i32
      %dma_start3A_355 = tpu.memref_slice %arg7[%add3A_273, %dma_start3A_354] : memref<320000x128xf32, #tpu.memory_space<hbm>> -> memref<40x128xf32, #tpu.memory_space<hbm>>
      tpu.enqueue_dma source(%arg14 : memref<40x128xf32, #tpu.memory_space<vmem>>) target(%dma_start3A_355 : memref<40x128xf32, #tpu.memory_space<hbm>>) target_semaphore(%arg25 : memref<!tpu.dma_semaphore, #tpu.memory_space<semaphore_mem>>)
      %dma_start3A_356 = arith.constant 1 : i32
      %dma_start3A_357 = arith.constant 1 : i32
      %dma_start3A_358 = arith.constant 1 : i32
      %dma_start3A_359 = arith.constant 0 : i32
      %dma_start3A_360 = arith.constant 0 : i32
      %dma_start3A_361 = tpu.memref_slice %arg15[%dma_start3A_356, %dma_start3A_359, %dma_start3A_360] : memref<2x40x136xf32, #tpu.memory_space<vmem>> -> memref<1x40x136xf32, #tpu.memory_space<vmem>>
      %dma_start3A_362 = tpu.memref_squeeze %dma_start3A_361 : memref<1x40x136xf32, #tpu.memory_space<vmem>> -> memref<40x136xf32, #tpu.memory_space<vmem>>
      %dma_start3A_363 = arith.constant 0 : i32
      %dma_start3A_364 = tpu.memref_slice %arg9[%dma_start3A_357, %dma_start3A_358, %dma_start3A_363] : memref<2x2x40xi32, #tpu.memory_space<vmem>> -> memref<1x1x40xi32, #tpu.memory_space<vmem>>
      %dma_start3A_365 = tpu.memref_squeeze %dma_start3A_364 : memref<1x1x40xi32, #tpu.memory_space<vmem>> -> memref<40xi32, #tpu.memory_space<vmem>>
      %dma_start3A_366 = arith.constant 0 : i32
      %dma_start3A_367 = arith.constant 0 : i32
      %dma_start3A_368 = tpu.memref_slice %arg16[%dma_start3A_366, %dma_start3A_367] : memref<10000x136xf32, #tpu.memory_space<vmem_shared>> -> memref<10000x136xf32, #tpu.memory_space<vmem_shared>>
      tpu.enqueue_indirect_dma source(%dma_start3A_362 : memref<40x136xf32, #tpu.memory_space<vmem>>) target(%dma_start3A_368 : memref<10000x136xf32, #tpu.memory_space<vmem_shared>>) offsets(%dma_start3A_365 : memref<40xi32, #tpu.memory_space<vmem>>) semaphore(%arg27 : memref<!tpu.dma_semaphore, #tpu.memory_space<semaphore_mem>>) {add = true}
      %scan3A_369 = arith.constant 0 : i32
      scf.yield %scan3A_369 : i32
    }
    %scan3A_88 = arith.constant 125 : i32
    %add3A_89 = arith.constant 9960 : i32
    %add3A_90 = arith.addi %mul3A_26, %add3A_89 : i32
    %dma_wait3A = arith.constant 0 : i32
    %dma_wait3A_91 = tpu.memref_slice %arg7[%add3A_90, %dma_wait3A] : memref<320000x128xf32, #tpu.memory_space<hbm>> -> memref<40x128xf32, #tpu.memory_space<hbm>>
    %dma_wait3A_92 = arith.constant 0 : i32
    %dma_wait3A_93 = tpu.memref_slice %arg7[%add3A_90, %dma_wait3A_92] : memref<320000x128xf32, #tpu.memory_space<hbm>> -> memref<40x128xf32, #tpu.memory_space<hbm>>
    tpu.wait_dma2 semaphore(%arg25 : memref<!tpu.dma_semaphore, #tpu.memory_space<semaphore_mem>>) src(%arg14 : memref<40x128xf32, #tpu.memory_space<vmem>>) dst(%dma_wait3A_93 : memref<40x128xf32, #tpu.memory_space<hbm>>)
    %dma_wait3A_94 = arith.constant 1 : i32
    %dma_wait3A_95 = arith.constant 1 : i32
    %dma_wait3A_96 = arith.constant 1 : i32
    %dma_wait3A_97 = arith.constant 0 : i32
    %dma_wait3A_98 = arith.constant 0 : i32
    %dma_wait3A_99 = tpu.memref_slice %arg15[%dma_wait3A_94, %dma_wait3A_97, %dma_wait3A_98] : memref<2x40x136xf32, #tpu.memory_space<vmem>> -> memref<1x40x136xf32, #tpu.memory_space<vmem>>
    %dma_wait3A_100 = tpu.memref_squeeze %dma_wait3A_99 : memref<1x40x136xf32, #tpu.memory_space<vmem>> -> memref<40x136xf32, #tpu.memory_space<vmem>>
    %dma_wait3A_101 = arith.constant 0 : i32
    %dma_wait3A_102 = tpu.memref_slice %arg9[%dma_wait3A_95, %dma_wait3A_96, %dma_wait3A_101] : memref<2x2x40xi32, #tpu.memory_space<vmem>> -> memref<1x1x40xi32, #tpu.memory_space<vmem>>
    %dma_wait3A_103 = tpu.memref_squeeze %dma_wait3A_102 : memref<1x1x40xi32, #tpu.memory_space<vmem>> -> memref<40xi32, #tpu.memory_space<vmem>>
    %dma_wait3A_104 = arith.constant 0 : i32
    %dma_wait3A_105 = arith.constant 0 : i32
    %dma_wait3A_106 = tpu.memref_slice %arg16[%dma_wait3A_104, %dma_wait3A_105] : memref<10000x136xf32, #tpu.memory_space<vmem_shared>> -> memref<10000x136xf32, #tpu.memory_space<vmem_shared>>
    tpu.wait_indirect_dma semaphore(%arg27 : memref<!tpu.dma_semaphore, #tpu.memory_space<semaphore_mem>>) src(%dma_wait3A_100 : memref<40x136xf32, #tpu.memory_space<vmem>>) dst(%dma_wait3A_106 : memref<10000x136xf32, #tpu.memory_space<vmem_shared>>)
    %barrier3A_107 = arith.constant 0 : index
    tpu.barrier barrier_id(%barrier3A_107)
    %scan3A_108 = arith.constant 0 : i32
    %scan3A_109 = arith.constant 0 : i32
    %scan3A_110 = arith.constant 15 : i32
    %scan3A_111 = arith.addi %scan3A_109, %scan3A_110 : i32
    %scan3A_112 = arith.constant 1 : i32
    %scan3A_113 = scf.for %scan3A_121 = %scan3A_109 to %scan3A_111 step %scan3A_112 iter_args(%scan3A_122 = %scan3A_108) -> (i32)  : i32 {
      %mul3A_123 = arith.constant 625 : i32
      %mul3A_124 = arith.muli %arg1, %mul3A_123 : i32
      %mul3A_125 = arith.constant 40 : i32
      %mul3A_126 = arith.muli %scan3A_121, %mul3A_125 : i32
      %add3A_127 = arith.addi %mul3A_124, %mul3A_126 : i32
      %run_scoped3A_128 = arith.constant 0 : i32
      "tpu.region"() ({
        %run_scoped3A_131 = tpu.sem_alloc : memref<!tpu.dma_semaphore, #tpu.memory_space<semaphore_mem>>
        %dma_start3A_132 = arith.constant 0 : i32
        %dma_start3A_133 = arith.constant 0 : i32
        %dma_start3A_134 = tpu.memref_slice %arg15[%run_scoped3A_128, %dma_start3A_132, %dma_start3A_133] : memref<2x40x136xf32, #tpu.memory_space<vmem>> -> memref<1x40x136xf32, #tpu.memory_space<vmem>>
        %dma_start3A_135 = tpu.memref_squeeze %dma_start3A_134 : memref<1x40x136xf32, #tpu.memory_space<vmem>> -> memref<40x136xf32, #tpu.memory_space<vmem>>
        %dma_start3A_136 = arith.constant 0 : i32
        %dma_start3A_137 = tpu.memref_slice %arg16[%add3A_127, %dma_start3A_136] : memref<10000x136xf32, #tpu.memory_space<vmem_shared>> -> memref<40x136xf32, #tpu.memory_space<vmem_shared>>
        %dma_start3A_138 = arith.constant 0 : i32
        %dma_start3A_139 = arith.constant 0 : i32
        %dma_start3A_140 = tpu.memref_slice %arg15[%run_scoped3A_128, %dma_start3A_138, %dma_start3A_139] : memref<2x40x136xf32, #tpu.memory_space<vmem>> -> memref<1x40x136xf32, #tpu.memory_space<vmem>>
        %dma_start3A_141 = tpu.memref_squeeze %dma_start3A_140 : memref<1x40x136xf32, #tpu.memory_space<vmem>> -> memref<40x136xf32, #tpu.memory_space<vmem>>
        %dma_start3A_142 = arith.constant 0 : i32
        %dma_start3A_143 = tpu.memref_slice %arg16[%add3A_127, %dma_start3A_142] : memref<10000x136xf32, #tpu.memory_space<vmem_shared>> -> memref<40x136xf32, #tpu.memory_space<vmem_shared>>
        tpu.enqueue_dma source(%dma_start3A_143 : memref<40x136xf32, #tpu.memory_space<vmem_shared>>) target(%dma_start3A_141 : memref<40x136xf32, #tpu.memory_space<vmem>>) target_semaphore(%run_scoped3A_131 : memref<!tpu.dma_semaphore, #tpu.memory_space<semaphore_mem>>)
        %dma_wait3A_144 = arith.constant 0 : i32
        %dma_wait3A_145 = arith.constant 0 : i32
        %dma_wait3A_146 = tpu.memref_slice %arg15[%run_scoped3A_128, %dma_wait3A_144, %dma_wait3A_145] : memref<2x40x136xf32, #tpu.memory_space<vmem>> -> memref<1x40x136xf32, #tpu.memory_space<vmem>>
        %dma_wait3A_147 = tpu.memref_squeeze %dma_wait3A_146 : memref<1x40x136xf32, #tpu.memory_space<vmem>> -> memref<40x136xf32, #tpu.memory_space<vmem>>
        %dma_wait3A_148 = arith.constant 0 : i32
        %dma_wait3A_149 = tpu.memref_slice %arg16[%add3A_127, %dma_wait3A_148] : memref<10000x136xf32, #tpu.memory_space<vmem_shared>> -> memref<40x136xf32, #tpu.memory_space<vmem_shared>>
        %dma_wait3A_150 = arith.constant 0 : i32
        %dma_wait3A_151 = arith.constant 0 : i32
        %dma_wait3A_152 = tpu.memref_slice %arg15[%run_scoped3A_128, %dma_wait3A_150, %dma_wait3A_151] : memref<2x40x136xf32, #tpu.memory_space<vmem>> -> memref<1x40x136xf32, #tpu.memory_space<vmem>>
        %dma_wait3A_153 = tpu.memref_squeeze %dma_wait3A_152 : memref<1x40x136xf32, #tpu.memory_space<vmem>> -> memref<40x136xf32, #tpu.memory_space<vmem>>
        %dma_wait3A_154 = arith.constant 0 : i32
        %dma_wait3A_155 = tpu.memref_slice %arg16[%add3A_127, %dma_wait3A_154] : memref<10000x136xf32, #tpu.memory_space<vmem_shared>> -> memref<40x136xf32, #tpu.memory_space<vmem_shared>>
        tpu.wait_dma2 semaphore(%run_scoped3A_131 : memref<!tpu.dma_semaphore, #tpu.memory_space<semaphore_mem>>) src(%dma_wait3A_155 : memref<40x136xf32, #tpu.memory_space<vmem_shared>>) dst(%dma_wait3A_153 : memref<40x136xf32, #tpu.memory_space<vmem>>)
        tpu.yield
      }) : () -> ()
      %run_scoped3A_129 = arith.constant 0 : i32
      "tpu.region"() ({
        %run_scoped3A_131 = tpu.sem_alloc : memref<!tpu.dma_semaphore, #tpu.memory_space<semaphore_mem>>
        %dma_start3A_132 = arith.constant 0 : i32
        %dma_start3A_133 = arith.constant 0 : i32
        %dma_start3A_134 = tpu.memref_slice %arg15[%run_scoped3A_129, %dma_start3A_132, %dma_start3A_133] : memref<2x40x136xf32, #tpu.memory_space<vmem>> -> memref<1x40x136xf32, #tpu.memory_space<vmem>>
        %dma_start3A_135 = tpu.memref_squeeze %dma_start3A_134 : memref<1x40x136xf32, #tpu.memory_space<vmem>> -> memref<40x136xf32, #tpu.memory_space<vmem>>
        %dma_start3A_136 = arith.constant 0 : i32
        %dma_start3A_137 = tpu.memref_slice %arg8[%arg0, %add3A_127, %dma_start3A_136] : memref<2x10000x136xf32, #tpu.memory_space<hbm>> -> memref<1x40x136xf32, #tpu.memory_space<hbm>>
        %dma_start3A_138 = tpu.memref_squeeze %dma_start3A_137 : memref<1x40x136xf32, #tpu.memory_space<hbm>> -> memref<40x136xf32, #tpu.memory_space<hbm>>
        %dma_start3A_139 = arith.constant 0 : i32
        %dma_start3A_140 = tpu.memref_slice %arg8[%arg0, %add3A_127, %dma_start3A_139] : memref<2x10000x136xf32, #tpu.memory_space<hbm>> -> memref<1x40x136xf32, #tpu.memory_space<hbm>>
        %dma_start3A_141 = tpu.memref_squeeze %dma_start3A_140 : memref<1x40x136xf32, #tpu.memory_space<hbm>> -> memref<40x136xf32, #tpu.memory_space<hbm>>
        %dma_start3A_142 = arith.constant 0 : i32
        %dma_start3A_143 = arith.constant 0 : i32
        %dma_start3A_144 = tpu.memref_slice %arg15[%run_scoped3A_129, %dma_start3A_142, %dma_start3A_143] : memref<2x40x136xf32, #tpu.memory_space<vmem>> -> memref<1x40x136xf32, #tpu.memory_space<vmem>>
        %dma_start3A_145 = tpu.memref_squeeze %dma_start3A_144 : memref<1x40x136xf32, #tpu.memory_space<vmem>> -> memref<40x136xf32, #tpu.memory_space<vmem>>
        tpu.enqueue_dma source(%dma_start3A_145 : memref<40x136xf32, #tpu.memory_space<vmem>>) target(%dma_start3A_141 : memref<40x136xf32, #tpu.memory_space<hbm>>) target_semaphore(%run_scoped3A_131 : memref<!tpu.dma_semaphore, #tpu.memory_space<semaphore_mem>>)
        %dma_wait3A_146 = arith.constant 0 : i32
        %dma_wait3A_147 = arith.constant 0 : i32
        %dma_wait3A_148 = tpu.memref_slice %arg15[%run_scoped3A_129, %dma_wait3A_146, %dma_wait3A_147] : memref<2x40x136xf32, #tpu.memory_space<vmem>> -> memref<1x40x136xf32, #tpu.memory_space<vmem>>
        %dma_wait3A_149 = tpu.memref_squeeze %dma_wait3A_148 : memref<1x40x136xf32, #tpu.memory_space<vmem>> -> memref<40x136xf32, #tpu.memory_space<vmem>>
        %dma_wait3A_150 = arith.constant 0 : i32
        %dma_wait3A_151 = tpu.memref_slice %arg8[%arg0, %add3A_127, %dma_wait3A_150] : memref<2x10000x136xf32, #tpu.memory_space<hbm>> -> memref<1x40x136xf32, #tpu.memory_space<hbm>>
        %dma_wait3A_152 = tpu.memref_squeeze %dma_wait3A_151 : memref<1x40x136xf32, #tpu.memory_space<hbm>> -> memref<40x136xf32, #tpu.memory_space<hbm>>
        %dma_wait3A_153 = arith.constant 0 : i32
        %dma_wait3A_154 = tpu.memref_slice %arg8[%arg0, %add3A_127, %dma_wait3A_153] : memref<2x10000x136xf32, #tpu.memory_space<hbm>> -> memref<1x40x136xf32, #tpu.memory_space<hbm>>
        %dma_wait3A_155 = tpu.memref_squeeze %dma_wait3A_154 : memref<1x40x136xf32, #tpu.memory_space<hbm>> -> memref<40x136xf32, #tpu.memory_space<hbm>>
        %dma_wait3A_156 = arith.constant 0 : i32
        %dma_wait3A_157 = arith.constant 0 : i32
        %dma_wait3A_158 = tpu.memref_slice %arg15[%run_scoped3A_129, %dma_wait3A_156, %dma_wait3A_157] : memref<2x40x136xf32, #tpu.memory_space<vmem>> -> memref<1x40x136xf32, #tpu.memory_space<vmem>>
        %dma_wait3A_159 = tpu.memref_squeeze %dma_wait3A_158 : memref<1x40x136xf32, #tpu.memory_space<vmem>> -> memref<40x136xf32, #tpu.memory_space<vmem>>
        tpu.wait_dma2 semaphore(%run_scoped3A_131 : memref<!tpu.dma_semaphore, #tpu.memory_space<semaphore_mem>>) src(%dma_wait3A_159 : memref<40x136xf32, #tpu.memory_space<vmem>>) dst(%dma_wait3A_155 : memref<40x136xf32, #tpu.memory_space<hbm>>)
        tpu.yield
      }) : () -> ()
      %scan3A_130 = arith.constant 0 : i32
      scf.yield %scan3A_130 : i32
    }
    %scan3A_114 = arith.constant 15 : i32
    %mul3A_115 = arith.constant 625 : i32
    %mul3A_116 = arith.muli %arg1, %mul3A_115 : i32
    %add3A_117 = arith.constant 600 : i32
    %add3A_118 = arith.addi %mul3A_116, %add3A_117 : i32
    %run_scoped3A_119 = arith.constant 0 : i32
    "tpu.region"() ({
      %run_scoped3A_121 = tpu.sem_alloc : memref<!tpu.dma_semaphore, #tpu.memory_space<semaphore_mem>>
      %dma_start3A_122 = arith.constant 0 : i32
      %dma_start3A_123 = arith.constant 0 : i32
      %dma_start3A_124 = tpu.memref_slice %arg15[%run_scoped3A_119, %dma_start3A_122, %dma_start3A_123] : memref<2x40x136xf32, #tpu.memory_space<vmem>> -> memref<1x25x136xf32, #tpu.memory_space<vmem>>
      %dma_start3A_125 = tpu.memref_squeeze %dma_start3A_124 : memref<1x25x136xf32, #tpu.memory_space<vmem>> -> memref<25x136xf32, #tpu.memory_space<vmem>>
      %dma_start3A_126 = arith.constant 0 : i32
      %dma_start3A_127 = tpu.memref_slice %arg16[%add3A_118, %dma_start3A_126] : memref<10000x136xf32, #tpu.memory_space<vmem_shared>> -> memref<25x136xf32, #tpu.memory_space<vmem_shared>>
      %dma_start3A_128 = arith.constant 0 : i32
      %dma_start3A_129 = arith.constant 0 : i32
      %dma_start3A_130 = tpu.memref_slice %arg15[%run_scoped3A_119, %dma_start3A_128, %dma_start3A_129] : memref<2x40x136xf32, #tpu.memory_space<vmem>> -> memref<1x25x136xf32, #tpu.memory_space<vmem>>
      %dma_start3A_131 = tpu.memref_squeeze %dma_start3A_130 : memref<1x25x136xf32, #tpu.memory_space<vmem>> -> memref<25x136xf32, #tpu.memory_space<vmem>>
      %dma_start3A_132 = arith.constant 0 : i32
      %dma_start3A_133 = tpu.memref_slice %arg16[%add3A_118, %dma_start3A_132] : memref<10000x136xf32, #tpu.memory_space<vmem_shared>> -> memref<25x136xf32, #tpu.memory_space<vmem_shared>>
      tpu.enqueue_dma source(%dma_start3A_133 : memref<25x136xf32, #tpu.memory_space<vmem_shared>>) target(%dma_start3A_131 : memref<25x136xf32, #tpu.memory_space<vmem>>) target_semaphore(%run_scoped3A_121 : memref<!tpu.dma_semaphore, #tpu.memory_space<semaphore_mem>>)
      %dma_wait3A_134 = arith.constant 0 : i32
      %dma_wait3A_135 = arith.constant 0 : i32
      %dma_wait3A_136 = tpu.memref_slice %arg15[%run_scoped3A_119, %dma_wait3A_134, %dma_wait3A_135] : memref<2x40x136xf32, #tpu.memory_space<vmem>> -> memref<1x25x136xf32, #tpu.memory_space<vmem>>
      %dma_wait3A_137 = tpu.memref_squeeze %dma_wait3A_136 : memref<1x25x136xf32, #tpu.memory_space<vmem>> -> memref<25x136xf32, #tpu.memory_space<vmem>>
      %dma_wait3A_138 = arith.constant 0 : i32
      %dma_wait3A_139 = tpu.memref_slice %arg16[%add3A_118, %dma_wait3A_138] : memref<10000x136xf32, #tpu.memory_space<vmem_shared>> -> memref<25x136xf32, #tpu.memory_space<vmem_shared>>
      %dma_wait3A_140 = arith.constant 0 : i32
      %dma_wait3A_141 = arith.constant 0 : i32
      %dma_wait3A_142 = tpu.memref_slice %arg15[%run_scoped3A_119, %dma_wait3A_140, %dma_wait3A_141] : memref<2x40x136xf32, #tpu.memory_space<vmem>> -> memref<1x25x136xf32, #tpu.memory_space<vmem>>
      %dma_wait3A_143 = tpu.memref_squeeze %dma_wait3A_142 : memref<1x25x136xf32, #tpu.memory_space<vmem>> -> memref<25x136xf32, #tpu.memory_space<vmem>>
      %dma_wait3A_144 = arith.constant 0 : i32
      %dma_wait3A_145 = tpu.memref_slice %arg16[%add3A_118, %dma_wait3A_144] : memref<10000x136xf32, #tpu.memory_space<vmem_shared>> -> memref<25x136xf32, #tpu.memory_space<vmem_shared>>
      tpu.wait_dma2 semaphore(%run_scoped3A_121 : memref<!tpu.dma_semaphore, #tpu.memory_space<semaphore_mem>>) src(%dma_wait3A_145 : memref<25x136xf32, #tpu.memory_space<vmem_shared>>) dst(%dma_wait3A_143 : memref<25x136xf32, #tpu.memory_space<vmem>>)
      tpu.yield
    }) : () -> ()
    %run_scoped3A_120 = arith.constant 0 : i32
    "tpu.region"() ({
      %run_scoped3A_121 = tpu.sem_alloc : memref<!tpu.dma_semaphore, #tpu.memory_space<semaphore_mem>>
      %dma_start3A_122 = arith.constant 0 : i32
      %dma_start3A_123 = arith.constant 0 : i32
      %dma_start3A_124 = tpu.memref_slice %arg15[%run_scoped3A_120, %dma_start3A_122, %dma_start3A_123] : memref<2x40x136xf32, #tpu.memory_space<vmem>> -> memref<1x25x136xf32, #tpu.memory_space<vmem>>
      %dma_start3A_125 = tpu.memref_squeeze %dma_start3A_124 : memref<1x25x136xf32, #tpu.memory_space<vmem>> -> memref<25x136xf32, #tpu.memory_space<vmem>>
      %dma_start3A_126 = arith.constant 0 : i32
      %dma_start3A_127 = tpu.memref_slice %arg8[%arg0, %add3A_118, %dma_start3A_126] : memref<2x10000x136xf32, #tpu.memory_space<hbm>> -> memref<1x25x136xf32, #tpu.memory_space<hbm>>
      %dma_start3A_128 = tpu.memref_squeeze %dma_start3A_127 : memref<1x25x136xf32, #tpu.memory_space<hbm>> -> memref<25x136xf32, #tpu.memory_space<hbm>>
      %dma_start3A_129 = arith.constant 0 : i32
      %dma_start3A_130 = tpu.memref_slice %arg8[%arg0, %add3A_118, %dma_start3A_129] : memref<2x10000x136xf32, #tpu.memory_space<hbm>> -> memref<1x25x136xf32, #tpu.memory_space<hbm>>
      %dma_start3A_131 = tpu.memref_squeeze %dma_start3A_130 : memref<1x25x136xf32, #tpu.memory_space<hbm>> -> memref<25x136xf32, #tpu.memory_space<hbm>>
      %dma_start3A_132 = arith.constant 0 : i32
      %dma_start3A_133 = arith.constant 0 : i32
      %dma_start3A_134 = tpu.memref_slice %arg15[%run_scoped3A_120, %dma_start3A_132, %dma_start3A_133] : memref<2x40x136xf32, #tpu.memory_space<vmem>> -> memref<1x25x136xf32, #tpu.memory_space<vmem>>
      %dma_start3A_135 = tpu.memref_squeeze %dma_start3A_134 : memref<1x25x136xf32, #tpu.memory_space<vmem>> -> memref<25x136xf32, #tpu.memory_space<vmem>>
      tpu.enqueue_dma source(%dma_start3A_135 : memref<25x136xf32, #tpu.memory_space<vmem>>) target(%dma_start3A_131 : memref<25x136xf32, #tpu.memory_space<hbm>>) target_semaphore(%run_scoped3A_121 : memref<!tpu.dma_semaphore, #tpu.memory_space<semaphore_mem>>)
      %dma_wait3A_136 = arith.constant 0 : i32
      %dma_wait3A_137 = arith.constant 0 : i32
      %dma_wait3A_138 = tpu.memref_slice %arg15[%run_scoped3A_120, %dma_wait3A_136, %dma_wait3A_137] : memref<2x40x136xf32, #tpu.memory_space<vmem>> -> memref<1x25x136xf32, #tpu.memory_space<vmem>>
      %dma_wait3A_139 = tpu.memref_squeeze %dma_wait3A_138 : memref<1x25x136xf32, #tpu.memory_space<vmem>> -> memref<25x136xf32, #tpu.memory_space<vmem>>
      %dma_wait3A_140 = arith.constant 0 : i32
      %dma_wait3A_141 = tpu.memref_slice %arg8[%arg0, %add3A_118, %dma_wait3A_140] : memref<2x10000x136xf32, #tpu.memory_space<hbm>> -> memref<1x25x136xf32, #tpu.memory_space<hbm>>
      %dma_wait3A_142 = tpu.memref_squeeze %dma_wait3A_141 : memref<1x25x136xf32, #tpu.memory_space<hbm>> -> memref<25x136xf32, #tpu.memory_space<hbm>>
      %dma_wait3A_143 = arith.constant 0 : i32
      %dma_wait3A_144 = tpu.memref_slice %arg8[%arg0, %add3A_118, %dma_wait3A_143] : memref<2x10000x136xf32, #tpu.memory_space<hbm>> -> memref<1x25x136xf32, #tpu.memory_space<hbm>>
      %dma_wait3A_145 = tpu.memref_squeeze %dma_wait3A_144 : memref<1x25x136xf32, #tpu.memory_space<hbm>> -> memref<25x136xf32, #tpu.memory_space<hbm>>
      %dma_wait3A_146 = arith.constant 0 : i32
      %dma_wait3A_147 = arith.constant 0 : i32
      %dma_wait3A_148 = tpu.memref_slice %arg15[%run_scoped3A_120, %dma_wait3A_146, %dma_wait3A_147] : memref<2x40x136xf32, #tpu.memory_space<vmem>> -> memref<1x25x136xf32, #tpu.memory_space<vmem>>
      %dma_wait3A_149 = tpu.memref_squeeze %dma_wait3A_148 : memref<1x25x136xf32, #tpu.memory_space<vmem>> -> memref<25x136xf32, #tpu.memory_space<vmem>>
      tpu.wait_dma2 semaphore(%run_scoped3A_121 : memref<!tpu.dma_semaphore, #tpu.memory_space<semaphore_mem>>) src(%dma_wait3A_149 : memref<25x136xf32, #tpu.memory_space<vmem>>) dst(%dma_wait3A_145 : memref<25x136xf32, #tpu.memory_space<hbm>>)
      tpu.yield
    }) : () -> ()
    return
  }
}

module attributes {stable_mosaic.version = 14 : i64} {
  func.func @_qkv_body(%arg0: i32, %arg1: memref<2000x128xf32, #tpu.memory_space<vmem>>, %arg2: memref<128x128xf32, #tpu.memory_space<vmem>>, %arg3: memref<128x128xf32, #tpu.memory_space<vmem>>, %arg4: memref<128x128xf32, #tpu.memory_space<vmem>>, %arg5: memref<2000x64xi32, #tpu.memory_space<vmem>>, %arg6: memref<2000x64xi32, #tpu.memory_space<vmem>>, %arg7: memref<2000x64xi32, #tpu.memory_space<vmem>>) attributes {dimension_semantics = [#tpu.dimension_semantics<arbitrary>], iteration_bounds = array<i64: 5>, scalar_prefetch = 0 : i64, scratch_operands = 0 : i64, tpu.core_type = #tpu.core_type<tc>, window_params = [{transform_indices = @transform_0, window_bounds = array<i64: 2000, 128>}, {pipeline_mode = #tpu.pipeline_mode<synchronous>, transform_indices = @transform_1, window_bounds = array<i64: 128, 128>}, {pipeline_mode = #tpu.pipeline_mode<synchronous>, transform_indices = @transform_2, window_bounds = array<i64: 128, 128>}, {pipeline_mode = #tpu.pipeline_mode<synchronous>, transform_indices = @transform_3, window_bounds = array<i64: 128, 128>}, {transform_indices = @transform_4, window_bounds = array<i64: 2000, 64>}, {transform_indices = @transform_5, window_bounds = array<i64: 2000, 64>}, {transform_indices = @transform_6, window_bounds = array<i64: 2000, 64>}]} {
    %get3A = arith.constant 0 : index
    %get3A_0 = arith.constant 0 : index
    %get3A_1 = vector.load %arg1[%get3A, %get3A_0] : memref<2000x128xf32, #tpu.memory_space<vmem>>, vector<2000x128xf32>
    %get3A_2 = arith.constant 0 : index
    %get3A_3 = arith.constant 0 : index
    %get3A_4 = vector.load %arg2[%get3A_2, %get3A_3] : memref<128x128xf32, #tpu.memory_space<vmem>>, vector<128x128xf32>
    %dot_general3A = arith.constant dense<0.000000e+00> : vector<2000x128xf32>
    %dot_general3A_5 = tpu.matmul %get3A_1, %get3A_4, %dot_general3A {dimension_numbers = #tpu.dot_dimension_numbers<[1], [0], [0], [1], [0, 0, 1, 1], [], []>, transpose_lhs_hint = false} : vector<2000x128xf32>, vector<128x128xf32>, vector<2000x128xf32> -> vector<2000x128xf32>
    %mul3A = arith.constant 2.500000e-01 : f32
    %mul3A_6 = vector.broadcast %mul3A : f32 to vector<2000x128xf32>
    %mul3A_7 = arith.mulf %dot_general3A_5, %mul3A_6 : vector<2000x128xf32>
    %bitcast_convert_type3A = tpu.bitcast %mul3A_7 : vector<2000x128xf32> -> vector<2000x128xi32>
    %add3A = arith.constant 32767 : i32
    %add3A_8 = vector.broadcast %add3A : i32 to vector<2000x128xi32>
    %add3A_9 = arith.addi %bitcast_convert_type3A, %add3A_8 : vector<2000x128xi32>
    %shift_right_logical3A = arith.constant 16 : i32
    %shift_right_logical3A_10 = vector.broadcast %shift_right_logical3A : i32 to vector<2000x128xi32>
    %shift_right_logical3A_11 = arith.shrui %bitcast_convert_type3A, %shift_right_logical3A_10 : vector<2000x128xi32>
    %and3A = arith.constant 1 : i32
    %and3A_12 = vector.broadcast %and3A : i32 to vector<2000x128xi32>
    %and3A_13 = arith.andi %shift_right_logical3A_11, %and3A_12 : vector<2000x128xi32>
    %add3A_14 = arith.addi %add3A_9, %and3A_13 : vector<2000x128xi32>
    %shift_right_logical3A_15 = arith.constant 16 : i32
    %shift_right_logical3A_16 = vector.broadcast %shift_right_logical3A_15 : i32 to vector<2000x128xi32>
    %shift_right_logical3A_17 = arith.shrui %add3A_14, %shift_right_logical3A_16 : vector<2000x128xi32>
    %slice3A = vector.extract_strided_slice %shift_right_logical3A_17 {offsets = [0, 0], sizes = [2000, 64], strides = [1, 1]} : vector<2000x128xi32> to vector<2000x64xi32>
    %slice3A_18 = vector.extract_strided_slice %shift_right_logical3A_17 {offsets = [0, 64], sizes = [2000, 64], strides = [1, 1]} : vector<2000x128xi32> to vector<2000x64xi32>
    %shift_left3A = arith.constant 16 : i32
    %shift_left3A_19 = vector.broadcast %shift_left3A : i32 to vector<2000x64xi32>
    %shift_left3A_20 = arith.shli %slice3A_18, %shift_left3A_19 : vector<2000x64xi32>
    %or3A = arith.ori %slice3A, %shift_left3A_20 : vector<2000x64xi32>
    %bitcast_convert_type3A_21 = tpu.bitcast %or3A : vector<2000x64xi32> -> vector<2000x64xi32>
    %swap3A = arith.constant 0 : index
    %swap3A_22 = arith.constant 0 : index
    %swap3A_23 = vector.load %arg5[%swap3A, %swap3A_22] : memref<2000x64xi32, #tpu.memory_space<vmem>>, vector<2000x64xi32>
    tpu.vector_store %arg5[%swap3A, %swap3A_22], %bitcast_convert_type3A_21 {strides = array<i32>} : memref<2000x64xi32, #tpu.memory_space<vmem>>, vector<2000x64xi32>,
    %get3A_24 = arith.constant 0 : index
    %get3A_25 = arith.constant 0 : index
    %get3A_26 = vector.load %arg3[%get3A_24, %get3A_25] : memref<128x128xf32, #tpu.memory_space<vmem>>, vector<128x128xf32>
    %dot_general3A_27 = arith.constant dense<0.000000e+00> : vector<2000x128xf32>
    %dot_general3A_28 = tpu.matmul %get3A_1, %get3A_26, %dot_general3A_27 {dimension_numbers = #tpu.dot_dimension_numbers<[1], [0], [0], [1], [0, 0, 1, 1], [], []>, transpose_lhs_hint = false} : vector<2000x128xf32>, vector<128x128xf32>, vector<2000x128xf32> -> vector<2000x128xf32>
    %bitcast_convert_type3A_29 = tpu.bitcast %dot_general3A_28 : vector<2000x128xf32> -> vector<2000x128xi32>
    %add3A_30 = arith.constant 32767 : i32
    %add3A_31 = vector.broadcast %add3A_30 : i32 to vector<2000x128xi32>
    %add3A_32 = arith.addi %bitcast_convert_type3A_29, %add3A_31 : vector<2000x128xi32>
    %shift_right_logical3A_33 = arith.constant 16 : i32
    %shift_right_logical3A_34 = vector.broadcast %shift_right_logical3A_33 : i32 to vector<2000x128xi32>
    %shift_right_logical3A_35 = arith.shrui %bitcast_convert_type3A_29, %shift_right_logical3A_34 : vector<2000x128xi32>
    %and3A_36 = arith.constant 1 : i32
    %and3A_37 = vector.broadcast %and3A_36 : i32 to vector<2000x128xi32>
    %and3A_38 = arith.andi %shift_right_logical3A_35, %and3A_37 : vector<2000x128xi32>
    %add3A_39 = arith.addi %add3A_32, %and3A_38 : vector<2000x128xi32>
    %shift_right_logical3A_40 = arith.constant 16 : i32
    %shift_right_logical3A_41 = vector.broadcast %shift_right_logical3A_40 : i32 to vector<2000x128xi32>
    %shift_right_logical3A_42 = arith.shrui %add3A_39, %shift_right_logical3A_41 : vector<2000x128xi32>
    %slice3A_43 = vector.extract_strided_slice %shift_right_logical3A_42 {offsets = [0, 0], sizes = [2000, 64], strides = [1, 1]} : vector<2000x128xi32> to vector<2000x64xi32>
    %slice3A_44 = vector.extract_strided_slice %shift_right_logical3A_42 {offsets = [0, 64], sizes = [2000, 64], strides = [1, 1]} : vector<2000x128xi32> to vector<2000x64xi32>
    %shift_left3A_45 = arith.constant 16 : i32
    %shift_left3A_46 = vector.broadcast %shift_left3A_45 : i32 to vector<2000x64xi32>
    %shift_left3A_47 = arith.shli %slice3A_44, %shift_left3A_46 : vector<2000x64xi32>
    %or3A_48 = arith.ori %slice3A_43, %shift_left3A_47 : vector<2000x64xi32>
    %bitcast_convert_type3A_49 = tpu.bitcast %or3A_48 : vector<2000x64xi32> -> vector<2000x64xi32>
    %swap3A_50 = arith.constant 0 : index
    %swap3A_51 = arith.constant 0 : index
    %swap3A_52 = vector.load %arg6[%swap3A_50, %swap3A_51] : memref<2000x64xi32, #tpu.memory_space<vmem>>, vector<2000x64xi32>
    tpu.vector_store %arg6[%swap3A_50, %swap3A_51], %bitcast_convert_type3A_49 {strides = array<i32>} : memref<2000x64xi32, #tpu.memory_space<vmem>>, vector<2000x64xi32>,
    %get3A_53 = arith.constant 0 : index
    %get3A_54 = arith.constant 0 : index
    %get3A_55 = vector.load %arg4[%get3A_53, %get3A_54] : memref<128x128xf32, #tpu.memory_space<vmem>>, vector<128x128xf32>
    %dot_general3A_56 = arith.constant dense<0.000000e+00> : vector<2000x128xf32>
    %dot_general3A_57 = tpu.matmul %get3A_1, %get3A_55, %dot_general3A_56 {dimension_numbers = #tpu.dot_dimension_numbers<[1], [0], [0], [1], [0, 0, 1, 1], [], []>, transpose_lhs_hint = false} : vector<2000x128xf32>, vector<128x128xf32>, vector<2000x128xf32> -> vector<2000x128xf32>
    %bitcast_convert_type3A_58 = tpu.bitcast %dot_general3A_57 : vector<2000x128xf32> -> vector<2000x128xi32>
    %add3A_59 = arith.constant 32767 : i32
    %add3A_60 = vector.broadcast %add3A_59 : i32 to vector<2000x128xi32>
    %add3A_61 = arith.addi %bitcast_convert_type3A_58, %add3A_60 : vector<2000x128xi32>
    %shift_right_logical3A_62 = arith.constant 16 : i32
    %shift_right_logical3A_63 = vector.broadcast %shift_right_logical3A_62 : i32 to vector<2000x128xi32>
    %shift_right_logical3A_64 = arith.shrui %bitcast_convert_type3A_58, %shift_right_logical3A_63 : vector<2000x128xi32>
    %and3A_65 = arith.constant 1 : i32
    %and3A_66 = vector.broadcast %and3A_65 : i32 to vector<2000x128xi32>
    %and3A_67 = arith.andi %shift_right_logical3A_64, %and3A_66 : vector<2000x128xi32>
    %add3A_68 = arith.addi %add3A_61, %and3A_67 : vector<2000x128xi32>
    %shift_right_logical3A_69 = arith.constant 16 : i32
    %shift_right_logical3A_70 = vector.broadcast %shift_right_logical3A_69 : i32 to vector<2000x128xi32>
    %shift_right_logical3A_71 = arith.shrui %add3A_68, %shift_right_logical3A_70 : vector<2000x128xi32>
    %slice3A_72 = vector.extract_strided_slice %shift_right_logical3A_71 {offsets = [0, 0], sizes = [2000, 64], strides = [1, 1]} : vector<2000x128xi32> to vector<2000x64xi32>
    %slice3A_73 = vector.extract_strided_slice %shift_right_logical3A_71 {offsets = [0, 64], sizes = [2000, 64], strides = [1, 1]} : vector<2000x128xi32> to vector<2000x64xi32>
    %shift_left3A_74 = arith.constant 16 : i32
    %shift_left3A_75 = vector.broadcast %shift_left3A_74 : i32 to vector<2000x64xi32>
    %shift_left3A_76 = arith.shli %slice3A_73, %shift_left3A_75 : vector<2000x64xi32>
    %or3A_77 = arith.ori %slice3A_72, %shift_left3A_76 : vector<2000x64xi32>
    %bitcast_convert_type3A_78 = tpu.bitcast %or3A_77 : vector<2000x64xi32> -> vector<2000x64xi32>
    %swap3A_79 = arith.constant 0 : index
    %swap3A_80 = arith.constant 0 : index
    %swap3A_81 = vector.load %arg7[%swap3A_79, %swap3A_80] : memref<2000x64xi32, #tpu.memory_space<vmem>>, vector<2000x64xi32>
    tpu.vector_store %arg7[%swap3A_79, %swap3A_80], %bitcast_convert_type3A_78 {strides = array<i32>} : memref<2000x64xi32, #tpu.memory_space<vmem>>, vector<2000x64xi32>,
    return
  }
  func.func @transform_0(%arg0: i32) -> (i32, i32) {
    %c0_i32 = arith.constant 0 : i32
    %c0_i32_0 = arith.constant 0 : i32
    return %arg0, %c0_i32 : i32, i32
  }
  func.func @transform_1(%arg0: i32) -> (i32, i32) {
    %c0_i32 = arith.constant 0 : i32
    %c0_i32_0 = arith.constant 0 : i32
    %c0_i32_1 = arith.constant 0 : i32
    return %c0_i32, %c0_i32_0 : i32, i32
  }
  func.func @transform_2(%arg0: i32) -> (i32, i32) {
    %c0_i32 = arith.constant 0 : i32
    %c0_i32_0 = arith.constant 0 : i32
    %c0_i32_1 = arith.constant 0 : i32
    return %c0_i32, %c0_i32_0 : i32, i32
  }
  func.func @transform_3(%arg0: i32) -> (i32, i32) {
    %c0_i32 = arith.constant 0 : i32
    %c0_i32_0 = arith.constant 0 : i32
    %c0_i32_1 = arith.constant 0 : i32
    return %c0_i32, %c0_i32_0 : i32, i32
  }
  func.func @transform_4(%arg0: i32) -> (i32, i32) {
    %c0_i32 = arith.constant 0 : i32
    %c0_i32_0 = arith.constant 0 : i32
    return %arg0, %c0_i32 : i32, i32
  }
  func.func @transform_5(%arg0: i32) -> (i32, i32) {
    %c0_i32 = arith.constant 0 : i32
    %c0_i32_0 = arith.constant 0 : i32
    return %arg0, %c0_i32 : i32, i32
  }
  func.func @transform_6(%arg0: i32) -> (i32, i32) {
    %c0_i32 = arith.constant 0 : i32
    %c0_i32_0 = arith.constant 0 : i32
    return %arg0, %c0_i32 : i32, i32
  }
}

module attributes {stable_mosaic.version = 14 : i64} {
  func.func @_proj_body(%arg0: i32, %arg1: memref<8000x128xf32, #tpu.memory_space<vmem>>, %arg2: memref<128x128xf32, #tpu.memory_space<vmem>>, %arg3: memref<8000x64xi32, #tpu.memory_space<vmem>>) attributes {dimension_semantics = [#tpu.dimension_semantics<arbitrary>], iteration_bounds = array<i64: 40>, scalar_prefetch = 0 : i64, scratch_operands = 0 : i64, tpu.core_type = #tpu.core_type<tc>, window_params = [{transform_indices = @transform_0, window_bounds = array<i64: 8000, 128>}, {pipeline_mode = #tpu.pipeline_mode<synchronous>, transform_indices = @transform_1, window_bounds = array<i64: 128, 128>}, {transform_indices = @transform_2, window_bounds = array<i64: 8000, 64>}]} {
    %get3A = arith.constant 0 : index
    %get3A_0 = arith.constant 0 : index
    %get3A_1 = vector.load %arg1[%get3A, %get3A_0] : memref<8000x128xf32, #tpu.memory_space<vmem>>, vector<8000x128xf32>
    %convert_element_type3A = arith.truncf %get3A_1 : vector<8000x128xf32> to vector<8000x128xbf16>
    %get3A_2 = arith.constant 0 : index
    %get3A_3 = arith.constant 0 : index
    %get3A_4 = vector.load %arg2[%get3A_2, %get3A_3] : memref<128x128xf32, #tpu.memory_space<vmem>>, vector<128x128xf32>
    %convert_element_type3A_5 = arith.truncf %get3A_4 : vector<128x128xf32> to vector<128x128xbf16>
    %dot_general3A = arith.constant dense<0.000000e+00> : vector<8000x128xf32>
    %dot_general3A_6 = tpu.matmul %convert_element_type3A, %convert_element_type3A_5, %dot_general3A {dimension_numbers = #tpu.dot_dimension_numbers<[1], [0], [0], [1], [0, 0, 1, 1], [], []>, transpose_lhs_hint = false} : vector<8000x128xbf16>, vector<128x128xbf16>, vector<8000x128xf32> -> vector<8000x128xf32>
    %bitcast_convert_type3A = tpu.bitcast %dot_general3A_6 : vector<8000x128xf32> -> vector<8000x128xi32>
    %add3A = arith.constant 32767 : i32
    %add3A_7 = vector.broadcast %add3A : i32 to vector<8000x128xi32>
    %add3A_8 = arith.addi %bitcast_convert_type3A, %add3A_7 : vector<8000x128xi32>
    %shift_right_logical3A = arith.constant 16 : i32
    %shift_right_logical3A_9 = vector.broadcast %shift_right_logical3A : i32 to vector<8000x128xi32>
    %shift_right_logical3A_10 = arith.shrui %bitcast_convert_type3A, %shift_right_logical3A_9 : vector<8000x128xi32>
    %and3A = arith.constant 1 : i32
    %and3A_11 = vector.broadcast %and3A : i32 to vector<8000x128xi32>
    %and3A_12 = arith.andi %shift_right_logical3A_10, %and3A_11 : vector<8000x128xi32>
    %add3A_13 = arith.addi %add3A_8, %and3A_12 : vector<8000x128xi32>
    %shift_right_logical3A_14 = arith.constant 16 : i32
    %shift_right_logical3A_15 = vector.broadcast %shift_right_logical3A_14 : i32 to vector<8000x128xi32>
    %shift_right_logical3A_16 = arith.shrui %add3A_13, %shift_right_logical3A_15 : vector<8000x128xi32>
    %slice3A = vector.extract_strided_slice %shift_right_logical3A_16 {offsets = [0, 0], sizes = [8000, 64], strides = [1, 1]} : vector<8000x128xi32> to vector<8000x64xi32>
    %slice3A_17 = vector.extract_strided_slice %shift_right_logical3A_16 {offsets = [0, 64], sizes = [8000, 64], strides = [1, 1]} : vector<8000x128xi32> to vector<8000x64xi32>
    %shift_left3A = arith.constant 16 : i32
    %shift_left3A_18 = vector.broadcast %shift_left3A : i32 to vector<8000x64xi32>
    %shift_left3A_19 = arith.shli %slice3A_17, %shift_left3A_18 : vector<8000x64xi32>
    %or3A = arith.ori %slice3A, %shift_left3A_19 : vector<8000x64xi32>
    %bitcast_convert_type3A_20 = tpu.bitcast %or3A : vector<8000x64xi32> -> vector<8000x64xi32>
    %swap3A = arith.constant 0 : index
    %swap3A_21 = arith.constant 0 : index
    %swap3A_22 = vector.load %arg3[%swap3A, %swap3A_21] : memref<8000x64xi32, #tpu.memory_space<vmem>>, vector<8000x64xi32>
    tpu.vector_store %arg3[%swap3A, %swap3A_21], %bitcast_convert_type3A_20 {strides = array<i32>} : memref<8000x64xi32, #tpu.memory_space<vmem>>, vector<8000x64xi32>,
    return
  }
  func.func @transform_0(%arg0: i32) -> (i32, i32) {
    %c0_i32 = arith.constant 0 : i32
    %c0_i32_0 = arith.constant 0 : i32
    return %arg0, %c0_i32 : i32, i32
  }
  func.func @transform_1(%arg0: i32) -> (i32, i32) {
    %c0_i32 = arith.constant 0 : i32
    %c0_i32_0 = arith.constant 0 : i32
    %c0_i32_1 = arith.constant 0 : i32
    return %c0_i32, %c0_i32_0 : i32, i32
  }
  func.func @transform_2(%arg0: i32) -> (i32, i32) {
    %c0_i32 = arith.constant 0 : i32
    %c0_i32_0 = arith.constant 0 : i32
    return %arg0, %c0_i32 : i32, i32
  }
}

module attributes {stable_mosaic.version = 14 : i64} {
  func.func @_final_body(%arg0: i32, %arg1: memref<2x1000x136xf32, #tpu.memory_space<vmem>>, %arg2: memref<8x128xf32, #tpu.memory_space<vmem>>, %arg3: memref<1000x128xf32, #tpu.memory_space<vmem>>) attributes {dimension_semantics = [#tpu.dimension_semantics<arbitrary>], iteration_bounds = array<i64: 10>, scalar_prefetch = 0 : i64, scratch_operands = 0 : i64, tpu.core_type = #tpu.core_type<tc>, window_params = [{transform_indices = @transform_0, window_bounds = array<i64: 2, 1000, 136>}, {pipeline_mode = #tpu.pipeline_mode<synchronous>, transform_indices = @transform_1, window_bounds = array<i64: 8, 128>}, {transform_indices = @transform_2, window_bounds = array<i64: 1000, 128>}]} {
    %get3A = arith.constant 0 : index
    %get3A_0 = arith.constant 0 : index
    %get3A_1 = arith.constant 0 : index
    %get3A_2 = vector.load %arg1[%get3A, %get3A_0, %get3A_1] : memref<2x1000x136xf32, #tpu.memory_space<vmem>>, vector<1x1000x136xf32>
    %get3A_3 = vector.shape_cast %get3A_2 : vector<1x1000x136xf32> to vector<1000x136xf32>
    %get3A_4 = arith.constant 1 : index
    %get3A_5 = arith.constant 0 : index
    %get3A_6 = arith.constant 0 : index
    %get3A_7 = vector.load %arg1[%get3A_4, %get3A_5, %get3A_6] : memref<2x1000x136xf32, #tpu.memory_space<vmem>>, vector<1x1000x136xf32>
    %get3A_8 = vector.shape_cast %get3A_7 : vector<1x1000x136xf32> to vector<1000x136xf32>
    %add3A = arith.addf %get3A_3, %get3A_8 : vector<1000x136xf32>
    %slice3A = vector.extract_strided_slice %add3A {offsets = [0, 0], sizes = [1000, 128], strides = [1, 1]} : vector<1000x136xf32> to vector<1000x128xf32>
    %slice3A_9 = vector.extract_strided_slice %add3A {offsets = [0, 128], sizes = [1000, 8], strides = [1, 1]} : vector<1000x136xf32> to vector<1000x8xf32>
    %get3A_10 = arith.constant 0 : index
    %get3A_11 = arith.constant 0 : index
    %get3A_12 = vector.load %arg2[%get3A_10, %get3A_11] : memref<8x128xf32, #tpu.memory_space<vmem>>, vector<8x128xf32>
    %dot_general3A = arith.constant dense<0.000000e+00> : vector<1000x128xf32>
    %dot_general3A_13 = tpu.matmul %slice3A_9, %get3A_12, %dot_general3A {dimension_numbers = #tpu.dot_dimension_numbers<[1], [0], [0], [1], [0, 0, 1, 1], [], []>, transpose_lhs_hint = false} : vector<1000x8xf32>, vector<8x128xf32>, vector<1000x128xf32> -> vector<1000x128xf32>
    %add3A_14 = arith.constant 9.99999997E-7 : f32
    %add3A_15 = vector.broadcast %add3A_14 : f32 to vector<1000x128xf32>
    %add3A_16 = arith.addf %dot_general3A_13, %add3A_15 : vector<1000x128xf32>
    %div3A = arith.divf %slice3A, %add3A_16 : vector<1000x128xf32>
    %swap3A = arith.constant 0 : index
    %swap3A_17 = arith.constant 0 : index
    %swap3A_18 = vector.load %arg3[%swap3A, %swap3A_17] : memref<1000x128xf32, #tpu.memory_space<vmem>>, vector<1000x128xf32>
    tpu.vector_store %arg3[%swap3A, %swap3A_17], %div3A {strides = array<i32>} : memref<1000x128xf32, #tpu.memory_space<vmem>>, vector<1000x128xf32>,
    return
  }
  func.func @transform_0(%arg0: i32) -> (i32, i32, i32) {
    %c0_i32 = arith.constant 0 : i32
    %c0_i32_0 = arith.constant 0 : i32
    %c0_i32_1 = arith.constant 0 : i32
    return %c0_i32, %arg0, %c0_i32_0 : i32, i32, i32
  }
  func.func @transform_1(%arg0: i32) -> (i32, i32) {
    %c0_i32 = arith.constant 0 : i32
    %c0_i32_0 = arith.constant 0 : i32
    %c0_i32_1 = arith.constant 0 : i32
    return %c0_i32, %c0_i32_0 : i32, i32
  }
  func.func @transform_2(%arg0: i32) -> (i32, i32) {
    %c0_i32 = arith.constant 0 : i32
    %c0_i32_0 = arith.constant 0 : i32
    return %arg0, %c0_i32 : i32, i32
  }
}

</mosaic_0001>

<sc_bundles>
// kernel: kernel.6.cloned.1.call-start
scs
__scs_entry_jumppad:
0x0: {  	(pc) =	sbr.rel $0x88, $3  }
0x1: {  	(tag) =	ssettag $0x0;
	lr =	simm.s32 $0x1  }
0x2: {  	[smem:$0x3F9A] =	sst lr;
	_ =	strace $0xD0000000  }
0x3: {  	_ = 	snop  }
0x4: {  	_ = 	snop  }
0x5: {  	_ = 	snop  }
0x6: {  	_ = 	snop  }
0x7: {  	_ = 	snop  }
__scs_overlays_trampoline_lowered:
0x8: {  	[smem:$0x3FA9] =	sst s0  }
0x9: {  	[smem:$0x3FAA] =	sst s1  }
0xa: {  	[smem:$0x3FAB] =	sst s2  }
0xb: {  	[smem:$0x3FAC] =	sst s3  }
0xc: {  	[smem:$0x3FAD] =	sst s4  }
0xd: {  	[smem:$0x3FAE] =	sst s5  }
0xe: {  	[smem:$0x3FAF] =	sst s6  }
0xf: {  	[smem:$0x3FB0] =	sst s7  }
0x10: {  	[smem:$0x3FB1] =	sst s8  }
0x11: {  	[smem:$0x3FB2] =	sst s9;
	s0 =	simm.s32 @!p0 $0x0  }
0x12: {  	s1 =	sld [smem:$0x3F98];
	s0 =	simm.s32 @p0 $0x1  }
0x13: {  	[smem:$0x3FB3] =	sst s0;
	s0 =	simm.s32 @!p1 $0x0  }
0x14: {  	s2 =	sld [smem:$0x3F97];
	s0 =	simm.s32 @p1 $0x1  }
0x15: {  	[smem:$0x3FB4] =	sst s0;
	s0 =	simm.s32 @!p2 $0x0  }
0x16: {  	s3 =	sld [smem:$0x3FDB];
	s0 =	simm.s32 @p2 $0x1  }
0x17: {  	s4 =	simm.s32 $0x1BF5;
	[smem:$0x3FB6] =	sst s0  }
0x18: {  	s0 =	sld [smem:$0x3F99];
	_ =	swait.ge [sflag:s4], $0x0  }
0x19: {  	s7 =	sld [smem:$0x3F9A]  }
0x1a: {  	s8 =	sadd.s32 $0xFFFFE003, lr  }
0x1b: {  	s9 =	sadd.s32 $0xFFFFFEF7, lr;
	s5 =	simm.s32 $0xFFFFFFFF;
	p2 =	slt.u32 s8, $0xFFFFF086  }
0x1c: {  	p1 =	slt.u32 s9, $0xF7A;
	s5 =	simm.s32 @!p2 $0x0  }
0x1d: {  	s5 =	simm.s32 @p1 $0x1;
	p0 =	seq.s32 s7, s2  }
0x1e: {  	s7 =	smul.u32 @!p0 $0xF7A, s2;
	p2 =	seq.s32 @!p0 s5, $0x0  }
0x1f: {  	s9 =	smul.u32 $0xF7A, s1;
	s8 =	simm.s32 @!p0 $0x1BF5;
	p2 =	por !p2, p0  }
0x20: {  	[sflag:s8] =	ssyncset.s32 @!p0 $0xFFFFF086;
	s6 =	sadd.s32 @!p0 s3, s7;
	s7 =	simm.s32 @!p0 $0x108  }
0x21: {  	s3 =	sadd.s32 s3, s9;
	s6 =	sadd.s32 @!p0 $0x88, s6;
	s7 =	simm.s32 @p2 $0x1082  }
0x22: {  	[simem:s7], [sflag:s8] =	dma.local @!p0 [hbm:s6], $0xF7A  }
0x23: {  	s9 =	sor.u32 $0xD0000000, s2;
	s6 =	simm.s32 $0x108;
	_ =	swait.ge @!p0 [sflag:s8], $0x0  }
0x24: {  	s3 =	sadd.s32 $0x88, s3;
	s6 =	simm.s32 @!p1 $0x1082;
	[sflag:s4] =	ssyncset.s32 $0xFFFFF086  }
0x25: {  	[simem:s6], [sflag:s4] =	dma.local [hbm:s3], $0xF7A  }
0x26: {  	[smem:$0x3F9A] =	sst s1;
	(tag) =	ssettag s2;
	_ =	strace s9  }
0x27: {  	s1 =	sld [smem:$0x3FAA]  }
0x28: {  	s2 =	sld [smem:$0x3FAB]  }
0x29: {  	s4 =	sld [smem:$0x3FAD]  }
0x2a: {  	p0 =	seq.s32 s5, $0x0;
	s5 =	sld [smem:$0x3FAE]  }
0x2b: {  	s6 =	sld [smem:$0x3FAF]  }
0x2c: {  	s7 =	sld [smem:$0x3FB0]  }
0x2d: {  	s3 =	simm.s32 $0x108;
	s8 =	sld [smem:$0x3FB1]  }
0x2e: {  	s3 =	simm.s32 @!p0 $0x1082;
	s9 =	sld [smem:$0x3FB2]  }
0x2f: {  	lr =	sadd.s32 s0, s3;
	s0 =	sld [smem:$0x3FA9]  }
0x30: {  	s3 =	sld [smem:$0x3FAC]  }
0x31: {  	[smem:$0x3FB5] =	sst s10  }
0x32: {  	s10 =	sld [smem:$0x3FB3];
	_ =	sdelay $0x3  }
0x33: {  	p0 =	seq.s32 s10, $0x1;
	s10 =	sld [smem:$0x3FB5];
	_ =	sdelay $0x3  }
0x34: {  	[smem:$0x3FB5] =	sst s10  }
0x35: {  	s10 =	sld [smem:$0x3FB4];
	_ =	sdelay $0x3  }
0x36: {  	p1 =	seq.s32 s10, $0x1;
	s10 =	sld [smem:$0x3FB5];
	_ =	sdelay $0x3  }
0x37: {  	[smem:$0x3FB5] =	sst s10  }
0x38: {  	s10 =	sld [smem:$0x3FB6]  }
0x39: {  	_ = 	snop;
	(pc) =	sbr.ind lr, $3  }
0x3a: {  	_ = 	snop  }
0x3b: {  	_ = 	snop  }
0x3c: {  	p2 =	seq.s32 s10, $0x1;
	s10 =	sld [smem:$0x3FB5]  }
0x3d: {  	_ =	shalt  }
0x3e: {  	_ =	shalt  }
0x3f: {  	_ =	shalt  }
0x40: {  	_ =	shalt  }
0x41: {  	_ =	shalt  }
0x42: {  	_ =	shalt  }
0x43: {  	_ =	shalt  }
0x44: {  	_ =	shalt  }
0x45: {  	_ =	shalt  }
0x46: {  	_ =	shalt  }
0x47: {  	_ =	shalt  }
0x48: {  	_ =	shalt  }
0x49: {  	_ =	shalt  }
0x4a: {  	_ =	shalt  }
0x4b: {  	_ =	shalt  }
0x4c: {  	_ =	shalt  }
0x4d: {  	_ =	shalt  }
0x4e: {  	_ =	shalt  }
0x4f: {  	_ =	shalt  }
0x50: {  	_ =	shalt  }
0x51: {  	_ =	shalt  }
0x52: {  	_ =	shalt  }
0x53: {  	_ =	shalt  }
0x54: {  	_ =	shalt  }
0x55: {  	_ =	shalt  }
0x56: {  	_ =	shalt  }
0x57: {  	_ =	shalt  }
0x58: {  	_ =	shalt  }
0x59: {  	_ =	shalt  }
0x5a: {  	_ =	shalt  }
0x5b: {  	_ =	shalt  }
0x5c: {  	_ =	shalt  }
0x5d: {  	_ =	shalt  }
0x5e: {  	_ =	shalt  }
0x5f: {  	_ =	shalt  }
0x60: {  	_ =	shalt  }
0x61: {  	_ =	shalt  }
0x62: {  	_ =	shalt  }
0x63: {  	_ =	shalt  }
0x64: {  	_ =	shalt  }
0x65: {  	_ =	shalt  }
0x66: {  	_ =	shalt  }
0x67: {  	_ =	shalt  }
0x68: {  	_ =	shalt  }
0x69: {  	_ =	shalt  }
0x6a: {  	_ =	shalt  }
0x6b: {  	_ =	shalt  }
0x6c: {  	_ =	shalt  }
0x6d: {  	_ =	shalt  }
0x6e: {  	_ =	shalt  }
0x6f: {  	_ =	shalt  }
0x70: {  	_ =	shalt  }
0x71: {  	_ =	shalt  }
0x72: {  	_ =	shalt  }
0x73: {  	_ =	shalt  }
0x74: {  	_ =	shalt  }
0x75: {  	_ =	shalt  }
0x76: {  	_ =	shalt  }
0x77: {  	_ =	shalt  }
0x78: {  	_ =	shalt  }
0x79: {  	_ =	shalt  }
0x7a: {  	_ =	shalt  }
0x7b: {  	_ =	shalt  }
0x7c: {  	_ =	shalt  }
0x7d: {  	_ =	shalt  }
0x7e: {  	_ =	shalt  }
0x7f: {  	_ =	shalt  }
0x80: {  	_ =	shalt  }
0x81: {  	_ =	shalt  }
0x82: {  	_ =	shalt  }
0x83: {  	_ =	shalt  }
0x84: {  	_ =	shalt  }
0x85: {  	_ =	shalt  }
0x86: {  	_ =	shalt  }
0x87: {  	_ =	shalt  }
.Lfunc_end0:
.L_simem_size_0:
called_computation_lowered:
.L_overlay_start_0:
0x88: {  	s2 =	sld [smem:$0x3FD9]  }
0x89: {  	s3 =	sld [smem:$0x3FFE];
	_ =	sdelay $0x1  }
0x8a: {  	s1 =	srdreg.scid  }
0x8b: {  	s0 =	sand.u32 $0x1, s1  }
0x8c: {  	s14 =	sshll.u32 s0, $0xA;
	s2 =	sadd.s32 s3, s2  }
0x8d: {  	s2 =	sadd.s32 s2, s14  }
0x8e: {  	[smem:$0x3FC1] =	sst s2  }
0x8f: {  	_ = 	snop  }
0x90: {  	s2 =	sld [smem:$0x3FD0];
	_ =	sdelay $0x2  }
0x91: {  	s15 =	simm.s32 $0xA;
	s4 =	simm.s32 $0x10  }
0x92: {  	[smem:s4], [sflag:s15] =	dma.local [hbm:s2], $0x1  }
0x93: {  	_ =	swait.eq [sflag:s15], $0x1  }
0x94: {  	[sflag:s15] =	ssyncset.done $0x0  }
0x95: {  	s16 =	sld [smem:$0x10];
	[sflag:s15] =	ssyncadd.s32 $0xFFFFFFFF  }
0x96: {  	s17 =	sld [smem:$0x11];
	(tm) =	ssettm $0x1  }
0x97: {  	s18 =	sld [smem:$0x3FFB];
	_ =	sdelay $0x3  }
0x98: {  	_ =	strace s18  }
0x99: {  	s4 =	sld [smem:$0x3FFC];
	_ =	sdelay $0x3  }
0x9a: {  	_ =	strace s4  }
0x9b: {  	s4 =	sld [smem:$0x3FFD];
	_ =	sdelay $0x3  }
0x9c: {  	_ =	strace s4  }
0x9d: {  	_ =	strace $0x8FFFFFFF  }
0x9e: {  	s19 =	sld [smem:$0x3FDB];
	_ =	sdelay $0x1  }
0x9f: {  	s5 =	simm.s32 $_scs_section_size  }
0xa0: {  	s6 =	simm.s32 $_size__tile_overlayer_lowered;
	s7 =	simm.s32 $_tile_overlayer_lowered  }
0xa1: {  	s22 =	simm.s32 $0x1BFF;
	s21 =	sshll.u32 s7, $0x1;
	s4 =	sadd.s32 s5, s19  }
0xa2: {  	s8 =	simm.s32 $0x0;
	s20 =	sshll.u32 s6, $0x1;
	s6 =	sadd.s32 s21, s4  }
0xa3: {  	[timem:s8], [sflag:s22] =	dma.local [hbm:s6], s20  }
0xa4: {  	_ =	swait.ge [sflag:s22], s20  }
0xa5: {  	s5 =	ssub.s32 $0x0, s20;
	[sflag:s22] =	ssyncset.done $0x0  }
0xa6: {  	[sflag:s22] =	ssyncadd.s32 s5;
	_ =	sdelay $0x1  }
0xa7: {  	s23 =	simm.s32 $0x1B8B  }
0xa8: {  	_ =	swait.ge [sflag:s23], $0x1  }
0xa9: {  	[sflag:s23] =	ssyncset.done $0x0  }
0xaa: {  	s25 =	simm.s32 $0x1B8E;
	s24 =	sld [smem:$0x3FFE];
	[sflag:s23] =	ssyncadd.s32 $0xFFFFFFFF  }
0xab: {  	s26 =	simm.s32 $execute0_lowered;
	[smem:$0x3FD2] =	sst s25  }
0xac: {  	s6 =	sshll.u32 s26, $0x1;
	_ =	strace $0x80000046;
	[dreg:$0x1] =	wrdreg $0xFFFFFFFF  }
0xad: {  	s28 =	simm.s32 $_size_execute0_lowered;
	s4 =	sadd.s32 s4, s6;
	[dreg:$0x0] =	wrdreg $0x0  }
0xae: {  	s6 =	sshll.u32 s28, $0x1;
	[dreg:$0x2] =	wrdreg s4  }
0xaf: {  	[dreg:$0x3] =	wrdreg s6  }
0xb0: {  	[dreg:$0x4] =	wrdreg $0xC0  }
0xb1: {  	_ =	task [dreg:s8], $0x5FFFF  }
0xb2: {  	[dreg:$0x1] =	wrdreg $0xFFFFFFFF  }
0xb3: {  	[dreg:$0x0] =	wrdreg $0x60  }
0xb4: {  	[dreg:$0x2] =	wrdreg s16  }
0xb5: {  	[dreg:$0x3] =	wrdreg s24  }
0xb6: {  	[dreg:$0x4] =	wrdreg s17  }
0xb7: {  	[dreg:$0x5] =	wrdreg $0x8F200  }
0xb8: {  	[dreg:$0x6] =	wrdreg $0x9  }
0xb9: {  	_ =	task.clear_ibuf [dreg:s8], $0x7FFFF;
	_ =	strace $0x90000046  }
0xba: {  	s29 =	simm.s32 $0x9;
	_ =	strace $0x80000048  }
0xbb: {  	_ =	swait.ge [sflag:s29], $0x1  }
0xbc: {  	[sflag:s29] =	ssyncadd.s32 $0xFFFFFFFF  }
0xbd: {  	_ =	strace $0x90000048  }
0xbe: {  	_ =	sfence  }
0xbf: {  	s30 =	sld [smem:$0x0];
	_ =	sdelay $0x2  }
0xc0: {  	s31 =	sshll.u32 s1, $0xD;
	s1 =	sshrl.u32 s1, $0x2  }
0xc1: {  	s3 =	sand.u32 $0x4000, s31;
	s1 =	sadd.s32 s1, s30  }
0xc2: {  	s0 =	sor.u32 s3, s0;
	s1 =	sshll.u32 s1, $0x11  }
0xc3: {  	s0 =	sor.u32 s1, s0  }
0xc4: {  	s0 =	sadd.s32 $0x8F2B, s0  }
0xc5: {  	[sflag:s0] =	ssyncadd.remote.s32 $0x1  }
0xc6: {  	_ =	sfence.sel $0xFFFF  }
0xc7: {  	[dreg:$0x0] =	wrdreg $0xFFFFFFFF;
	(pc) =	sbr.abs _section_cstart, $3  }
0xc8: {  	[dreg:$0x1] =	wrdreg $0xFFFFFFFF  }
0xc9: {  	_ =	task.clear_ibuf [dreg:s8], $0x2FFFF;
	_ =	strace $0x9FFFFFFF  }
0xca: {  	(tm) =	ssettm $0x7FFFFFFF  }
0xcb: {  	_ =	shalt  }
tec
execute0_lowered:
.L_overlay_start_1:
0x0: {  	(tag) =	ssettag $0x1  }
0x1: {  	s18 =	rddreg [dreg:$0x0]  }
0x2: {  	s0 =	rddreg [dreg:$0x1]  }
0x3: {  	s7 =	rddreg [dreg:$0x3]  }
0x4: {  	s23 =	simm.s32 $0x0;
	s1 =	srdreg.scid;
	s8 =	stileid.u32  }
0x5: {  	[smem:$0x7FF] =	sst s23;
	s24 =	sadd.s32 $0x15000, s0;
	s25 =	sadd.s32 $0x28A00, s0  }
0x6: {  	s26 =	sadd.s32 $0x3C400, s0;
	s1 =	sand.u32 $0x1, s1;
	s4 =	smul.u32 $0x14C08, s8  }
0x7: {  	s2 =	sshll.u32 s8, $0x1;
	s31 =	sadd.s32 $0x1600, s0;
	s20 =	smul.u32 $0x53020, s8  }
0x8: {  	_ =	strace $0x80000047;
	s3 =	ssub.s32 $0x2, s1;
	[dreg:$0x10] =	wrdreg s24  }
0x9: {  	s2 =	sor.u32 s1, s2;
	s1 =	smul.u32 $0x14C080, s1;
	[dreg:$0x11] =	wrdreg s25  }
0xa: {  	s0 =	sadd.s32 $0x2AD400, s0;
	[dreg:$0x12] =	wrdreg s26;
	s9 =	smul.u32 $0x2710, s2  }
0xb: {  	[dreg:$0x13] =	wrdreg s31;
	s2 =	smul.u32 $0x13880, s2;
	s19 =	sadd.s32 $0x13EC0, s4  }
0xc: {  	s5 =	sshrl.u32 s3, $0x1;
	s10 =	sadd.s32 s19, s7;
	[dreg:$0x14] =	wrdreg s9  }
0xd: {  	s22 =	sadd.s32 s1, s19;
	s2 =	sadd.s32 s26, s2;
	[dreg:$0x15] =	wrdreg s10  }
0xe: {  	s1 =	sadd.s32 s4, s1;
	s21 =	sadd.s32 $0x28, s9;
	[dreg:$0x17] =	wrdreg s2  }
0xf: {  	s6 =	sshrl.u32 s9, $0x3;
	s28 =	sadd.s32 $0x50, s9;
	[dreg:$0x18] =	wrdreg s21  }
0x10: {  	s1 =	sshrl.u32 s1, $0x3;
	s6 =	sadd.s32 s31, s6;
	[dreg:$0x19] =	wrdreg s28  }
0x11: {  	s2 =	sshrl.u32 s22, $0x3;
	s14 =	sadd.s32 s1, s0;
	[dreg:$0x16] =	wrdreg s6  }
0x12: {  	s3 =	ssub.s32 s3, s5;
	s2 =	sadd.s32 s0, s2;
	[smem:$0x7FD] =	sst s14  }
0x13: {  	s29 =	sshrl.u32 s20, $0x2;
	s6 =	smax.u32 s3, $0x1;
	[dreg:$0x1a] =	wrdreg s2  }
0x14: {  	s3 =	sadd.s32 s29, s7;
	[dreg:$0x1b] =	wrdreg s6  }
0x15: {  	s8 =	sadd.s32 $0x1540, s3;
	[dreg:$0x1c] =	wrdreg s3  }
0x16: {  	s9 =	sadd.s32 $0x2A80, s3;
	[dreg:$0x1d] =	wrdreg s8  }
0x17: {  	s11 =	sadd.s32 $0x3FC0, s3;
	[dreg:$0x1e] =	wrdreg s9  }
0x18: {  	s12 =	sadd.s32 $0x5500, s3;
	[dreg:$0x1f] =	wrdreg s11  }
0x19: {  	s13 =	sadd.s32 $0x6A40, s3;
	[smem:$0x7F2] =	sst s12  }
0x1a: {  	s15 =	sadd.s32 $0x7F80, s3;
	[smem:$0x7F3] =	sst s13  }
0x1b: {  	s16 =	sadd.s32 $0x94C0, s3;
	[smem:$0x7F4] =	sst s15  }
0x1c: {  	s17 =	sadd.s32 $0xAA00, s3;
	[smem:$0x7F5] =	sst s16  }
0x1d: {  	s19 =	sadd.s32 $0xBF40, s3;
	[smem:$0x7F6] =	sst s17  }
0x1e: {  	v0 =	vimm.s32 $0x76543210;
	s20 =	sadd.s32 $0xD480, s3;
	[smem:$0x7F7] =	sst s19  }
0x1f: {  	v0 =	vunpack.c.l.s4.s8 v0;
	s21 =	sadd.s32 $0xE9C0, s3;
	[smem:$0x7F8] =	sst s20  }
0x20: {  	s30 =	simm.s32 $0x28;
	s22 =	sadd.s32 $0xFF00, s3;
	[smem:$0x7F9] =	sst s21  }
0x21: {  	v1 =	vunpack.c.0.s8.s32 v0;
	s5 =	simm.s32 $0xC;
	s28 =	sadd.s32 $0x11440, s3;
	[smem:$0x7FA] =	sst s22  }
0x22: {  	vm0 =	vcmask $0x1F00;
	s1 =	simm.s32 $0x0;
	s29 =	sadd.s32 $0x12980, s3;
	[smem:$0x7FB] =	sst s28  }
0x23: {  	v0 =	vimm.f32 $0.0e+00;
	v1 =	vnsel vm0, $0x7, v1;
	s7 =	simm.s32 $0x64A0;
	s6 =	simm.s32 $0x78;
	[smem:$0x7FC] =	sst s29  }
.LBB2_1:
0x24: {  	v2 =	vmov s23  }
0x25: {  	v2 =	vmul.u32 $0x88, v2  }
0x26: {  	[smem:$0x7F1] =	sst s1;
	s0 =	simm.s32 $0x64E0  }
0x27: {  	[tilespmem:s0+$0xFFFFFFC0] =	vst v0;
	v2 =	vadd.s32 $0x80, v2  }
0x28: {  	[tilespmem:s0+$0xFFFFFFD0] =	vst v0;
	v2 =	vbroadcast v2, $0x0  }
0x29: {  	[tilespmem:s0+$0xFFFFFFE0] =	vst v0  }
0x2a: {  	[tilespmem:s0+$0xFFFFFFF0] =	vst v0;
	v2 =	vor.u32 v1, v2  }
0x2b: {  	[tilespmem:s0+$0x0] =	vst v0  }
0x2c: {  	s29 =	simm.s32 $0x1;
	[tilespmem:s0+$0x10] =	vst v0  }
0x2d: {  	s1 =	simm.s32 $0x2;
	v3 =	vmov s29;
	[tilespmem:s0+$0x20] =	vst v0  }
.LBB2_2:
0x2e: {  	p0 =	seq.s32 s1, $0x27;
	v3 =	vmul.u32 $0x88, v3;
	[tilespmem:s0+$0x30] =	vst v0  }
0x2f: {  	s0 =	sadd.s32 $0x88, s0;
	[tilespmem:v2+s7+$0x0] =	vst.idx.msk $0xff, v0  }
0x30: {  	[tilespmem:s0+$0xFFFFFFC0] =	vst v0;
	v2 =	vadd.s32 $0x80, v3  }
0x31: {  	[tilespmem:s0+$0xFFFFFFD0] =	vst v0;
	v2 =	vbroadcast v2, $0x0  }
.Ltmp0:
0x32: {  	[tilespmem:s0+$0xFFFFFFE0] =	vst v0;
	(pc) =	sbr.rel @!p0 .LBB2_2-.Ltmp0, $4  }
0x33: {  	[tilespmem:s0+$0xFFFFFFF0] =	vst v0;
	v2 =	vor.u32 v1, v2  }
0x34: {  	[tilespmem:s0+$0x0] =	vst v0  }
0x35: {  	[tilespmem:s0+$0x10] =	vst v0  }
0x36: {  	v3 =	vmov s1;
	s1 =	sadd.s32 $0x1, s1;
	[tilespmem:s0+$0x20] =	vst v0  }
0x37: {  	_ =	sdelay $0x2  }
0x38: {  	v3 =	vmul.u32 $0x88, v3;
	[tilespmem:s0+$0x30] =	vst v0  }
0x39: {  	s28 =	sadd.s32 $0x88, s0;
	[tilespmem:v2+s7+$0x0] =	vst.idx.msk $0xff, v0  }
0x3a: {  	[tilespmem:s28+$0xFFFFFFC0] =	vst v0;
	v2 =	vadd.s32 $0x80, v3  }
0x3b: {  	[tilespmem:s28+$0xFFFFFFD0] =	vst v0;
	v2 =	vbroadcast v2, $0x0  }
0x3c: {  	[tilespmem:s28+$0xFFFFFFE0] =	vst v0  }
0x3d: {  	[tilespmem:s28+$0xFFFFFFF0] =	vst v0;
	v2 =	vor.u32 v1, v2  }
0x3e: {  	[tilespmem:s28+$0x0] =	vst v0  }
0x3f: {  	[tilespmem:s28+$0x10] =	vst v0  }
0x40: {  	[tilespmem:s28+$0x20] =	vst v0  }
0x41: {  	[tilespmem:s28+$0x30] =	vst v0  }
0x42: {  	[tilespmem:v2+s7+$0x0] =	vst.idx.msk $0xff, v0  }
0x43: {  	[spmem:s3] =	stream.linear.scatter [tilespmem:s7], [sflag:$0xC], $0x1540, $0x38;
	[tilespmem:$0x1DB28] =	vst v63  }
0x44: {  	_ =	swait.ge [sflag:s5], $0x1540  }
0x45: {  	[sflag:s5] =	ssyncset.done $0x0  }
0x46: {  	s29 =	rddreg [dreg:$0x1d];
	[sflag:s5] =	ssyncadd.s32 $0xFFFFEAC0  }
0x47: {  	[spmem:s29] =	stream.linear.scatter [tilespmem:s7], [sflag:$0xC], $0x1540, $0x38;
	[tilespmem:$0x1DB28] =	vst v63  }
0x48: {  	_ =	swait.ge [sflag:s5], $0x1540  }
0x49: {  	[sflag:s5] =	ssyncset.done $0x0  }
0x4a: {  	s1 =	rddreg [dreg:$0x1e];
	[sflag:s5] =	ssyncadd.s32 $0xFFFFEAC0  }
0x4b: {  	[spmem:s1] =	stream.linear.scatter [tilespmem:s7], [sflag:$0xC], $0x1540, $0x38;
	[tilespmem:$0x1DB28] =	vst v63  }
0x4c: {  	_ =	swait.ge [sflag:s5], $0x1540  }
0x4d: {  	[sflag:s5] =	ssyncset.done $0x0  }
0x4e: {  	s2 =	rddreg [dreg:$0x1f];
	[sflag:s5] =	ssyncadd.s32 $0xFFFFEAC0  }
0x4f: {  	[spmem:s2] =	stream.linear.scatter [tilespmem:s7], [sflag:$0xC], $0x1540, $0x38;
	[tilespmem:$0x1DB28] =	vst v63  }
0x50: {  	_ =	swait.ge [sflag:s5], $0x1540  }
0x51: {  	s3 =	sld [smem:$0x7F2]  }
0x52: {  	[sflag:s5] =	ssyncset.done $0x0  }
0x53: {  	[sflag:s5] =	ssyncadd.s32 $0xFFFFEAC0  }
0x54: {  	[spmem:s3] =	stream.linear.scatter [tilespmem:s7], [sflag:$0xC], $0x1540, $0x38;
	[tilespmem:$0x1DB28] =	vst v63  }
0x55: {  	_ =	swait.ge [sflag:s5], $0x1540  }
0x56: {  	s4 =	sld [smem:$0x7F3]  }
0x57: {  	[sflag:s5] =	ssyncset.done $0x0  }
0x58: {  	[sflag:s5] =	ssyncadd.s32 $0xFFFFEAC0  }
0x59: {  	[spmem:s4] =	stream.linear.scatter [tilespmem:s7], [sflag:$0xC], $0x1540, $0x38;
	[tilespmem:$0x1DB28] =	vst v63  }
0x5a: {  	_ =	swait.ge [sflag:s5], $0x1540  }
0x5b: {  	s8 =	sld [smem:$0x7F4]  }
0x5c: {  	[sflag:s5] =	ssyncset.done $0x0  }
0x5d: {  	[sflag:s5] =	ssyncadd.s32 $0xFFFFEAC0  }
0x5e: {  	[spmem:s8] =	stream.linear.scatter [tilespmem:s7], [sflag:$0xC], $0x1540, $0x38;
	[tilespmem:$0x1DB28] =	vst v63  }
0x5f: {  	_ =	swait.ge [sflag:s5], $0x1540  }
0x60: {  	s9 =	sld [smem:$0x7F5]  }
0x61: {  	[sflag:s5] =	ssyncset.done $0x0  }
0x62: {  	[sflag:s5] =	ssyncadd.s32 $0xFFFFEAC0  }
0x63: {  	[spmem:s9] =	stream.linear.scatter [tilespmem:s7], [sflag:$0xC], $0x1540, $0x38;
	[tilespmem:$0x1DB28] =	vst v63  }
0x64: {  	_ =	swait.ge [sflag:s5], $0x1540  }
0x65: {  	s11 =	sld [smem:$0x7F6]  }
0x66: {  	[sflag:s5] =	ssyncset.done $0x0  }
0x67: {  	[sflag:s5] =	ssyncadd.s32 $0xFFFFEAC0  }
0x68: {  	[spmem:s11] =	stream.linear.scatter [tilespmem:s7], [sflag:$0xC], $0x1540, $0x38;
	[tilespmem:$0x1DB28] =	vst v63  }
0x69: {  	_ =	swait.ge [sflag:s5], $0x1540  }
0x6a: {  	s12 =	sld [smem:$0x7F7]  }
0x6b: {  	[sflag:s5] =	ssyncset.done $0x0  }
0x6c: {  	[sflag:s5] =	ssyncadd.s32 $0xFFFFEAC0  }
0x6d: {  	[spmem:s12] =	stream.linear.scatter [tilespmem:s7], [sflag:$0xC], $0x1540, $0x38;
	[tilespmem:$0x1DB28] =	vst v63  }
0x6e: {  	_ =	swait.ge [sflag:s5], $0x1540  }
0x6f: {  	s13 =	sld [smem:$0x7F8]  }
0x70: {  	[sflag:s5] =	ssyncset.done $0x0  }
0x71: {  	[sflag:s5] =	ssyncadd.s32 $0xFFFFEAC0  }
0x72: {  	[spmem:s13] =	stream.linear.scatter [tilespmem:s7], [sflag:$0xC], $0x1540, $0x38;
	[tilespmem:$0x1DB28] =	vst v63  }
0x73: {  	_ =	swait.ge [sflag:s5], $0x1540  }
0x74: {  	s14 =	sld [smem:$0x7F9]  }
0x75: {  	[sflag:s5] =	ssyncset.done $0x0  }
0x76: {  	[sflag:s5] =	ssyncadd.s32 $0xFFFFEAC0  }
0x77: {  	[spmem:s14] =	stream.linear.scatter [tilespmem:s7], [sflag:$0xC], $0x1540, $0x38;
	[tilespmem:$0x1DB28] =	vst v63  }
0x78: {  	_ =	swait.ge [sflag:s5], $0x1540  }
0x79: {  	s15 =	sld [smem:$0x7FA]  }
0x7a: {  	[sflag:s5] =	ssyncset.done $0x0  }
0x7b: {  	[sflag:s5] =	ssyncadd.s32 $0xFFFFEAC0  }
0x7c: {  	[spmem:s15] =	stream.linear.scatter [tilespmem:s7], [sflag:$0xC], $0x1540, $0x38;
	[tilespmem:$0x1DB28] =	vst v63  }
0x7d: {  	_ =	swait.ge [sflag:s5], $0x1540  }
0x7e: {  	s16 =	sld [smem:$0x7FB]  }
0x7f: {  	[sflag:s5] =	ssyncset.done $0x0  }
0x80: {  	[sflag:s5] =	ssyncadd.s32 $0xFFFFEAC0  }
0x81: {  	[spmem:s16] =	stream.linear.scatter [tilespmem:s7], [sflag:$0xC], $0x1540, $0x38;
	[tilespmem:$0x1DB28] =	vst v63  }
0x82: {  	_ =	swait.ge [sflag:s5], $0x1540  }
0x83: {  	s17 =	sld [smem:$0x7FC]  }
0x84: {  	[sflag:s5] =	ssyncset.done $0x0  }
0x85: {  	[sflag:s5] =	ssyncadd.s32 $0xFFFFEAC0  }
0x86: {  	[spmem:s17] =	stream.linear.scatter [tilespmem:s7], [sflag:$0xC], $0x1540, $0x38;
	[tilespmem:$0x1DB28] =	vst v63  }
0x87: {  	_ =	swait.ge [sflag:s5], $0x1540  }
0x88: {  	[sflag:s5] =	ssyncset.done $0x0  }
0x89: {  	[sflag:s5] =	ssyncadd.s32 $0xFFFFEAC0  }
0x8a: {  	[spmem:s10] =	stream.linear.scatter [tilespmem:s7], [sflag:$0xC], $0xD48, $0x38;
	[tilespmem:$0x1DB28] =	vst v63  }
0x8b: {  	_ =	swait.ge [sflag:s5], $0xD48  }
0x8c: {  	[sflag:s5] =	ssyncset.done $0x0  }
0x8d: {  	[sflag:s5] =	ssyncadd.s32 $0xFFFFF2B8  }
0x8e: {  	[bflag:$0x0] =	sbarrier.arrive $0xFFFF  }
0x8f: {  	s1 =	simm.s32 $0x4E200;
	s2 =	simm.s32 $0x0;
	s19 =	rddreg [dreg:$0x16]  }
0x90: {  	[tilespmem:s2], [sflag:$0xC] =	stream.strided.gather [hbm4b:s19+s30], $0x50, s1, s30, $0x38;
	[tilespmem:$0x1DB28] =	vst v63  }
0x91: {  	_ =	swait.ge [sflag:s5], $0x50  }
0x92: {  	[sflag:s5] =	ssyncset.done $0x0  }
0x93: {  	s20 =	simm.s32 $0xA0;
	[sflag:s5] =	ssyncadd.s32 $0xFFFFFFB0  }
0x94: {  	[tilespmem:s20], [sflag:$0x1] =	stream.indirect.gather [hbm4b:s24+s30], $0x40, s2, s30, $0xb8;
	[tilespmem:$0x1DB28] =	vst v63  }
0x95: {  	s21 =	simm.s32 $0x14A0  }
0x96: {  	[tilespmem:s21], [sflag:$0x3] =	stream.indirect.gather [hbm4b:s18+s30], $0x40, s30, s30, $0xb8;
	[tilespmem:$0x1DB28] =	vst v63  }
0x97: {  	s22 =	simm.s32 $0x3CA0  }
0x98: {  	[tilespmem:s22], [sflag:$0x7] =	stream.indirect.gather [hbm4b:s25+s30], $0x40, s2, s30, $0xb8;
	[tilespmem:$0x1DB28] =	vst v63  }
0x99: {  	s0 =	simm.s32 $0x0;
	s29 =	simm.s32 $0x28A0;
	s28 =	rddreg [dreg:$0x17]  }
0x9a: {  	[tilespmem:s29], [sflag:$0x5] =	stream.linear.gather [hbm4b:s28+s2], $0xA00, $0x38;
	[tilespmem:$0x1DB28] =	vst v63  }
.LBB2_4:
0x9b: {  	p0 =	seq.s32 s0, $0x0  }
0x9c: {  	s11 =	smul.u32 $0x50, s0;
	[smem:$0x7ED] =	sst s0;
	s0 =	simm.s32 @!p0 $0xB  }
0x9d: {  	_ =	swait.ge @!p0 [sflag:s0], $0x1540  }
0x9e: {  	s1 =	rddreg [dreg:$0x18]  }
0x9f: {  	s3 =	sadd.s32 s11, s1  }
0xa0: {  	s4 =	simm.s32 $0x4E200;
	[sflag:s0] =	ssyncset.done @!p0 $0x0;
	s1 =	sshrl.u32 s3, $0x3  }
0xa1: {  	s2 =	simm.s32 $0x50;
	[sflag:s0] =	ssyncadd.s32 @!p0 $0xFFFFEAC0;
	s1 =	sadd.s32 s31, s1  }
0xa2: {  	[tilespmem:s2], [sflag:$0xC] =	stream.strided.gather [hbm4b:s1+s30], $0x50, s4, s30, $0x38;
	[tilespmem:$0x1DB28] =	vst v63  }
0xa3: {  	_ =	swait.ge [sflag:s5], $0x50  }
0xa4: {  	[sflag:s5] =	ssyncset.done $0x0  }
0xa5: {  	s8 =	simm.s32 $0xAA0;
	[sflag:s5] =	ssyncadd.s32 $0xFFFFFFB0  }
0xa6: {  	[tilespmem:s8], [sflag:$0x2] =	stream.indirect.gather [hbm4b:s24+s30], $0x40, s2, s30, $0xb8;
	[tilespmem:$0x1DB28] =	vst v63  }
0xa7: {  	s9 =	simm.s32 $0x1EA0;
	s12 =	sshll.u32 s3, $0x3  }
0xa8: {  	[tilespmem:s9], [sflag:$0x4] =	stream.indirect.gather [hbm4b:s18+s30], $0x40, s6, s30, $0xb8;
	[tilespmem:$0x1DB28] =	vst v63  }
0xa9: {  	s10 =	simm.s32 $0x46A0;
	s13 =	simm.s32 $0x32A0;
	s0 =	sand.u32 $0x1FFFFFC0, s12  }
0xaa: {  	[tilespmem:s10], [sflag:$0x8] =	stream.indirect.gather [hbm4b:s25+s30], $0x40, s2, s30, $0xb8;
	[tilespmem:$0x1DB28] =	vst v63  }
0xab: {  	s14 =	simm.s32 $0x1;
	s0 =	sadd.s32 s26, s0;
	[smem:$0x7EE] =	sst s3  }
0xac: {  	[tilespmem:s13], [sflag:$0x6] =	stream.linear.gather [hbm4b:s0+s23], $0xA00, $0x38;
	[tilespmem:$0x1DB28] =	vst v63  }
0xad: {  	_ =	swait.ge [sflag:s14], $0xA00  }
0xae: {  	[sflag:s14] =	ssyncset.done $0x0  }
0xaf: {  	s15 =	simm.s32 $0x3;
	[sflag:s14] =	ssyncadd.s32 $0xFFFFF600  }
0xb0: {  	_ =	swait.ge [sflag:s15], $0xA00  }
0xb1: {  	[sflag:s15] =	ssyncset.done $0x0  }
0xb2: {  	s16 =	simm.s32 $0x7;
	[sflag:s15] =	ssyncadd.s32 $0xFFFFF600  }
0xb3: {  	_ =	swait.ge [sflag:s16], $0xA00  }
0xb4: {  	[sflag:s16] =	ssyncset.done $0x0  }
0xb5: {  	s17 =	simm.s32 $0x5;
	[sflag:s16] =	ssyncadd.s32 $0xFFFFF600  }
0xb6: {  	_ =	swait.ge [sflag:s17], $0xA00  }
0xb7: {  	[sflag:s17] =	ssyncset.done $0x0  }
0xb8: {  	s0 =	simm.s32 @!p0 $0x9;
	[sflag:s17] =	ssyncadd.s32 $0xFFFFF600  }
0xb9: {  	_ =	swait.ge @!p0 [sflag:s0], $0x1400  }
0xba: {  	[sflag:s0] =	ssyncset.done @!p0 $0x0  }
0xbb: {  	s19 =	simm.s32 $0xC0;
	[sflag:s0] =	ssyncadd.s32 @!p0 $0xFFFFEC00  }
0xbc: {  	s24 =	simm.s32 $0x14C0;
	v2 =	vld [tilespmem:s19+$0xFFFFFFE0]  }
0xbd: {  	v3 =	vld [tilespmem:s24+$0xFFFFFFE0]  }
0xbe: {  	s23 =	simm.s32 $0x28C0  }
0xbf: {  	v4 =	vld [tilespmem:s23+$0xFFFFFFE0];
	_ =	sdelay $0x2  }
0xc0: {  	v5 =	vshll.u32 v2, $0x10;
	v6 =	vshll.u32 v3, $0x10  }
0xc1: {  	v2 =	vand.u32 $0xFFFF0000, v2;
	v3 =	vand.u32 $0xFFFF0000, v3;
	v5 =	vmul.f32 v6, v5  }
0xc2: {  	v6 =	vshll.u32 v4, $0x10;
	v2 =	vmul.f32 v3, v2  }
0xc3: {  	v3 =	vand.u32 $0xFFFF0000, v4;
	v4 =	vmul.f32 v6, v5  }
0xc4: {  	v3 =	vmul.f32 v3, v2  }
0xc5: {  	(xrf2) =	vadd.scan.msk.f32 $0xffff, v4  }
0xc6: {  	(xrf2) =	vadd.scan.msk.f32 $0xffff, v3;
	_ =	sdelay $0x8  }
0xc7: {  	v2, _, _ =	vpop (xrf2)  }
0xc8: {  	(v2sf) =	vpush v2, $0xF;
	v2, _, _ =	vpop (xrf2)  }
0xc9: {  	(v2sf) =	vpush v2, $0xF;
	_ =	sdelay $0x5  }
0xca: {  	s6 =	simm.s32 $0x1500  }
0xcb: {  	s14 =	simm.s32 $0x100;
	v5 =	vld [tilespmem:s6+$0xFFFFFFE0]  }
0xcc: {  	v2 =	vld [tilespmem:s14+$0xFFFFFFE0]  }
0xcd: {  	s12 =	simm.s32 $0x2900  }
0xce: {  	v6 =	vld [tilespmem:s12+$0xFFFFFFE0];
	_ =	sdelay $0x2  }
0xcf: {  	v8 =	vshll.u32 v5, $0x10;
	v7 =	vshll.u32 v2, $0x10  }
0xd0: {  	v7 =	vmul.f32 v8, v7;
	s18 =	spop (v2sf)  }
0xd1: {  	v5 =	vand.u32 $0xFFFF0000, v5;
	v2 =	vand.u32 $0xFFFF0000, v2;
	v8 =	vshll.u32 v6, $0x10;
	s0 =	smax.f32 s18, $-5.000000000e+00;
	s20 =	spop (v2sf)  }
0xd2: {  	v2 =	vmul.f32 v5, v2;
	v5 =	vmul.f32 v8, v7;
	s0 =	smin.f32 s0, $5.000000000e+00;
	s1 =	smax.f32 s20, $-5.000000000e+00  }
0xd3: {  	v6 =	vand.u32 $0xFFFF0000, v6;
	v7 =	vmov s0;
	s21 =	smin.f32 s1, $5.000000000e+00  }
0xd4: {  	v9 =	vmul.f32 v6, v2;
	(xrf2) =	vadd.scan.msk.f32 $0xffff, v5;
	v7 =	vmul.f32 $1.442695020e+00, v7;
	v8 =	vmov s21  }
0xd5: {  	v2 =	vmul.f32 $1.442695020e+00, v8  }
0xd6: {  	(xrf2) =	vadd.scan.msk.f32 $0xffff, v9;
	v6 =	vbroadcast v7, $0x0  }
0xd7: {  	v2 =	vbroadcast v2, $0x0  }
0xd8: {  	(erf) = vpow2.f32 v6  }
0xd9: {  	s15 =	simm.s32 $0x3CC0;
	(erf) = vpow2.f32 v2  }
0xda: {  	v6 =	vld [tilespmem:s15+$0xFFFFFFE0]  }
0xdb: {  	s22 =	simm.s32 $0x0  }
0xdc: {  	v2 =	vmov s22  }
0xdd: {  	v2 =	vmul.u32 $0x88, v2  }
0xde: {  	v7, _, _ =	vpop (xrf2)  }
0xdf: {  	(v2sf) =	vpush v7, $0xF;
	v2 =	vadd.s32 $0x80, v2;
	v8 =	vshll.u32 v6, $0x10  }
0xe0: {  	v7, _, _ =	vpop (xrf2);
	v2 =	vbroadcast v2, $0x0  }
0xe1: {  	s31 =	simm.s32 $0x50E0;
	(v2sf) =	vpush v7, $0xF;
	v10 =	vpop (erf)  }
0xe2: {  	[tilespmem:s31+$0xFFFFFFC0] =	vst v4;
	v6 =	vand.u32 $0xFFFF0000, v6;
	v4 =	vor.u32 $0x4, v2;
	v7 =	vmul.f32 v8, v10;
	v8 =	vpop (erf)  }
0xe3: {  	s13 =	simm.s32 $0x64E0;
	[tilespmem:s31+$0x0] =	vst v3;
	v3 =	vmul.f32 v6, v8  }
0xe4: {  	[tilespmem:s13+$0xFFFFFFC0] =	vst v7  }
0xe5: {  	[tilespmem:s13+$0x0] =	vst v3  }
0xe6: {  	[tilespmem:v2+s7+$0x0] =	vst.idx.msk $0x1, v10  }
0xe7: {  	[tilespmem:v4+s7+$0x0] =	vst.idx.msk $0x1, v8  }
0xe8: {  	v3 =	vld [tilespmem:s19+$0xFFFFFFF0]  }
0xe9: {  	v4 =	vld [tilespmem:s24+$0xFFFFFFF0];
	_ =	sdelay $0x1  }
0xea: {  	v6 =	vld [tilespmem:s23+$0xFFFFFFF0]  }
0xeb: {  	s17 =	simm.s32 $0x1540  }
0xec: {  	v12 =	vld [tilespmem:s17+$0xFFFFFFE0];
	s21 =	simm.s32 $0x140  }
0xed: {  	v7 =	vld [tilespmem:s21+$0xFFFFFFE0];
	s25 =	spop (v2sf);
	v8 =	vshll.u32 v3, $0x10;
	v10 =	vshll.u32 v4, $0x10  }
0xee: {  	s0 =	smax.f32 s25, $-5.000000000e+00;
	s25 =	simm.s32 $0x2940;
	v3 =	vand.u32 $0xFFFF0000, v3;
	v4 =	vand.u32 $0xFFFF0000, v4;
	v8 =	vmul.f32 v10, v8  }
0xef: {  	s26 =	spop (v2sf);
	s0 =	smin.f32 s0, $5.000000000e+00;
	v13 =	vld [tilespmem:s25+$0xFFFFFFE0];
	v10 =	vshll.u32 v6, $0x10;
	v3 =	vmul.f32 v4, v3  }
0xf0: {  	s2 =	smax.f32 s26, $-5.000000000e+00;
	v4 =	vand.u32 $0xFFFF0000, v6;
	v6 =	vmov s0;
	v11 =	vmul.f32 v10, v8  }
0xf1: {  	s0 =	smin.f32 s2, $5.000000000e+00;
	v4 =	vmul.f32 v4, v3;
	v3 =	vmul.f32 $1.442695020e+00, v6  }
0xf2: {  	v6 =	vmov s0;
	v8 =	vshll.u32 v7, $0x10;
	v10 =	vshll.u32 v12, $0x10  }
0xf3: {  	v14 =	vmul.f32 $1.442695020e+00, v6;
	v6 =	vmul.f32 v10, v8;
	(xrf2) =	vadd.scan.msk.f32 $0xffff, v11  }
0xf4: {  	v8 =	vshll.u32 v13, $0x10;
	v3 =	vbroadcast v3, $0x0;
	(xrf2) =	vadd.scan.msk.f32 $0xffff, v4  }
0xf5: {  	v6 =	vmul.f32 v8, v6;
	v8 =	vbroadcast v14, $0x0  }
0xf6: {  	v7 =	vand.u32 $0xFFFF0000, v7;
	v10 =	vand.u32 $0xFFFF0000, v12;
	(erf) = vpow2.f32 v3  }
0xf7: {  	v3 =	vmul.f32 v10, v7;
	(erf) = vpow2.f32 v8  }
0xf8: {  	v7 =	vand.u32 $0xFFFF0000, v13  }
0xf9: {  	(xrf2) =	vadd.scan.msk.f32 $0xffff, v6;
	v10 =	vmul.f32 v7, v3  }
0xfa: {  	s3 =	simm.s32 $0x1;
	s5 =	simm.s32 $0x3D00  }
0xfb: {  	v3 =	vmov s3;
	v7 =	vld [tilespmem:s5+$0xFFFFFFE0];
	(xrf2) =	vadd.scan.msk.f32 $0xffff, v10  }
0xfc: {  	v3 =	vmul.u32 $0x88, v3  }
0xfd: {  	v8, _, _ =	vpop (xrf2)  }
0xfe: {  	v3 =	vadd.s32 $0x80, v3;
	(v2sf) =	vpush v8, $0xF;
	v8, _, _ =	vpop (xrf2)  }
0xff: {  	v3 =	vbroadcast v3, $0x0;
	v12 =	vpop (erf)  }
0x100: {  	s8 =	simm.s32 $0x5160;
	(v2sf) =	vpush v8, $0xF;
	v8 =	vshll.u32 v7, $0x10;
	v7 =	vand.u32 $0xFFFF0000, v7;
	v13 =	vpop (erf)  }
0x101: {  	[tilespmem:s8+$0xFFFFFFC0] =	vst v5;
	v5 =	vor.u32 $0x4, v3;
	v8 =	vmul.f32 v8, v12;
	v7 =	vmul.f32 v7, v13  }
0x102: {  	s2 =	simm.s32 $0x6568;
	[tilespmem:s8+$0x0] =	vst v9  }
0x103: {  	v9, _, _ =	vpop (xrf2);
	[tilespmem:s2+$0xFFFFFFC0] =	vst v8  }
0x104: {  	(v2sf) =	vpush v9, $0xF;
	[tilespmem:s2+$0x0] =	vst v7  }
0x105: {  	[tilespmem:v3+s7+$0x0] =	vst.idx.msk $0x1, v12;
	v7, _, _ =	vpop (xrf2)  }
0x106: {  	[tilespmem:v5+s7+$0x0] =	vst.idx.msk $0x1, v13;
	(v2sf) =	vpush v7, $0xF  }
0x107: {  	v5 =	vld [tilespmem:s14+$0xFFFFFFF0]  }
0x108: {  	v7 =	vld [tilespmem:s6+$0xFFFFFFF0];
	_ =	sdelay $0x1  }
0x109: {  	v8 =	vld [tilespmem:s12+$0xFFFFFFF0];
	_ =	sdelay $0x2  }
0x10a: {  	v9 =	vshll.u32 v5, $0x10;
	v12 =	vshll.u32 v7, $0x10  }
0x10b: {  	v5 =	vand.u32 $0xFFFF0000, v5;
	v7 =	vand.u32 $0xFFFF0000, v7;
	v9 =	vmul.f32 v12, v9;
	s4 =	spop (v2sf)  }
0x10c: {  	v12 =	vshll.u32 v8, $0x10;
	v5 =	vmul.f32 v7, v5;
	s0 =	smax.f32 s4, $-5.000000000e+00;
	s9 =	spop (v2sf)  }
0x10d: {  	s28 =	simm.s32 $0x1580;
	v8 =	vand.u32 $0xFFFF0000, v8;
	v7 =	vmul.f32 v12, v9;
	s0 =	smin.f32 s0, $5.000000000e+00;
	s1 =	smax.f32 s9, $-5.000000000e+00  }
0x10e: {  	v13 =	vld [tilespmem:s28+$0xFFFFFFE0];
	v5 =	vmul.f32 v8, v5;
	v9 =	vmov s0;
	s10 =	smin.f32 s1, $5.000000000e+00  }
0x10f: {  	(xrf2) =	vadd.scan.msk.f32 $0xffff, v7;
	s9 =	simm.s32 $0x180;
	v8 =	vmul.f32 $1.442695020e+00, v9;
	v9 =	vmov s10  }
0x110: {  	s16 =	spop (v2sf);
	v12 =	vld [tilespmem:s9+$0xFFFFFFE0];
	(xrf2) =	vadd.scan.msk.f32 $0xffff, v5;
	v9 =	vmul.f32 $1.442695020e+00, v9  }
0x111: {  	s0 =	smax.f32 s16, $-5.000000000e+00;
	v8 =	vbroadcast v8, $0x0  }
0x112: {  	s0 =	smin.f32 s0, $5.000000000e+00;
	v9 =	vbroadcast v9, $0x0;
	s18 =	spop (v2sf)  }
0x113: {  	v16 =	vshll.u32 v13, $0x10;
	s16 =	simm.s32 $0x2980;
	v14 =	vmov s0;
	(erf) = vpow2.f32 v8;
	s0 =	smax.f32 s18, $-5.000000000e+00  }
0x114: {  	v13 =	vand.u32 $0xFFFF0000, v13;
	v8 =	vmul.f32 $1.442695020e+00, v14;
	v14 =	vld [tilespmem:s16+$0xFFFFFFE0];
	(erf) = vpow2.f32 v9;
	s0 =	smin.f32 s0, $5.000000000e+00  }
0x115: {  	v15 =	vshll.u32 v12, $0x10;
	v12 =	vand.u32 $0xFFFF0000, v12;
	v9 =	vmov s0  }
0x116: {  	v12 =	vmul.f32 v13, v12;
	v9 =	vmul.f32 $1.442695020e+00, v9  }
0x117: {  	v17 =	vld [tilespmem:s15+$0xFFFFFFF0];
	v8 =	vbroadcast v8, $0x0  }
0x118: {  	v15 =	vmul.f32 v16, v15;
	v13 =	vbroadcast v9, $0x0  }
0x119: {  	(erf) = vpow2.f32 v8;
	v16 =	vshll.u32 v14, $0x10;
	v8 =	vand.u32 $0xFFFF0000, v14;
	v14, _, _ =	vpop (xrf2)  }
0x11a: {  	(v2sf) =	vpush v14, $0xF;
	v8 =	vmul.f32 v8, v12;
	v12, _, _ =	vpop (xrf2);
	(erf) = vpow2.f32 v13  }
0x11b: {  	v9 =	vmul.f32 v16, v15;
	(v2sf) =	vpush v12, $0xF  }
0x11c: {  	s20 =	simm.s32 $0x2;
	[tilespmem:s31+$0xFFFFFFD0] =	vst v11;
	s18 =	simm.s32 $0x3D40;
	v15 =	vor.u32 $0x1, v2;
	v16 =	vand.u32 $0xFFFF0000, v17;
	v13 =	vshll.u32 v17, $0x10;
	v14 =	vpop (erf)  }
0x11d: {  	v18 =	vld [tilespmem:s18+$0xFFFFFFE0];
	v12 =	vor.u32 $0x5, v2;
	(xrf2) =	vadd.scan.msk.f32 $0xffff, v9;
	v11 =	vmul.f32 v13, v14;
	v13 =	vmov s20;
	v17 =	vpop (erf)  }
0x11e: {  	[tilespmem:s31+$0x10] =	vst v4;
	(xrf2) =	vadd.scan.msk.f32 $0xffff, v8;
	v4 =	vmul.f32 v16, v17;
	v13 =	vmul.u32 $0x88, v13  }
0x11f: {  	[tilespmem:s13+$0xFFFFFFD0] =	vst v11  }
0x120: {  	[tilespmem:s13+$0x10] =	vst v4;
	v4 =	vadd.s32 $0x80, v13  }
0x121: {  	[tilespmem:v15+s7+$0x0] =	vst.idx.msk $0x1, v14;
	v4 =	vbroadcast v4, $0x0  }
0x122: {  	s4 =	simm.s32 $0x51E0;
	v11 =	vshll.u32 v18, $0x10;
	[tilespmem:v12+s7+$0x0] =	vst.idx.msk $0x1, v17;
	v12 =	vpop (erf)  }
0x123: {  	[tilespmem:s4+$0xFFFFFFC0] =	vst v6;
	v14 =	vand.u32 $0xFFFF0000, v18;
	v13 =	vld [tilespmem:s24+$0x0];
	v11 =	vmul.f32 v11, v12;
	v6 =	vor.u32 $0x4, v4;
	v15 =	vpop (erf)  }
0x124: {  	s1 =	simm.s32 $0x65F0;
	[tilespmem:s4+$0x0] =	vst v10;
	v16 =	vld [tilespmem:s19+$0x0];
	v10 =	vmul.f32 v14, v15  }
0x125: {  	[tilespmem:s1+$0xFFFFFFC0] =	vst v11  }
0x126: {  	v11 =	vld [tilespmem:s23+$0x0];
	[tilespmem:s1+$0x0] =	vst v10  }
0x127: {  	v14, _, _ =	vpop (xrf2);
	[tilespmem:v4+s7+$0x0] =	vst.idx.msk $0x1, v12  }
0x128: {  	(v2sf) =	vpush v14, $0xF;
	v10, _, _ =	vpop (xrf2);
	[tilespmem:v6+s7+$0x0] =	vst.idx.msk $0x1, v15  }
0x129: {  	v6 =	vshll.u32 v13, $0x10;
	s22 =	spop (v2sf);
	(v2sf) =	vpush v10, $0xF;
	v10 =	vshll.u32 v16, $0x10;
	v12 =	vld [tilespmem:s21+$0xFFFFFFF0]  }
0x12a: {  	v13 =	vand.u32 $0xFFFF0000, v13;
	v14 =	vand.u32 $0xFFFF0000, v16;
	s0 =	smax.f32 s22, $-5.000000000e+00;
	v16 =	vld [tilespmem:s17+$0xFFFFFFF0];
	s26 =	spop (v2sf);
	v6 =	vmul.f32 v6, v10  }
0x12b: {  	v10 =	vmul.f32 v13, v14;
	v13 =	vshll.u32 v11, $0x10;
	s0 =	smin.f32 s0, $5.000000000e+00;
	s3 =	smax.f32 s26, $-5.000000000e+00  }
0x12c: {  	v11 =	vand.u32 $0xFFFF0000, v11;
	s10 =	smin.f32 s3, $5.000000000e+00;
	v15 =	vmul.f32 v13, v6;
	v6 =	vmov s0;
	v13 =	vld [tilespmem:s25+$0xFFFFFFF0]  }
0x12d: {  	v10 =	vmul.f32 v11, v10;
	v11 =	vmov s10;
	v6 =	vmul.f32 $1.442695020e+00, v6  }
0x12e: {  	v11 =	vmul.f32 $1.442695020e+00, v11  }
0x12f: {  	v14 =	vshll.u32 v12, $0x10;
	v17 =	vshll.u32 v16, $0x10;
	v6 =	vbroadcast v6, $0x0  }
0x130: {  	(xrf2) =	vadd.scan.msk.f32 $0xffff, v15;
	v16 =	vand.u32 $0xFFFF0000, v16;
	v14 =	vmul.f32 v17, v14;
	v11 =	vbroadcast v11, $0x0  }
0x131: {  	v17 =	vand.u32 $0xFFFF0000, v12;
	(erf) = vpow2.f32 v6;
	v6 =	vshll.u32 v13, $0x10  }
0x132: {  	v12 =	vmul.f32 v6, v14;
	v6 =	vmul.f32 v16, v17  }
0x133: {  	(erf) = vpow2.f32 v11;
	v11 =	vand.u32 $0xFFFF0000, v13  }
0x134: {  	(xrf2) =	vadd.scan.msk.f32 $0xffff, v10;
	v6 =	vmul.f32 v11, v6;
	v11 =	vld [tilespmem:s5+$0xFFFFFFF0];
	_ =	sdelay $0x2  }
0x135: {  	s20 =	spop (v2sf)  }
0x136: {  	(xrf2) =	vadd.scan.msk.f32 $0xffff, v12;
	s22 =	spop (v2sf)  }
0x137: {  	s26 =	simm.s32 $0x1C0;
	s0 =	smax.f32 s20, $-5.000000000e+00;
	s3 =	smax.f32 s22, $-5.000000000e+00;
	v20 =	vshll.u32 v11, $0x10  }
0x138: {  	v19 =	vor.u32 $0x5, v3;
	v22 =	vor.u32 $0x1, v3;
	s10 =	simm.s32 $0x15C0;
	v16 =	vld [tilespmem:s26+$0xFFFFFFE0];
	(xrf2) =	vadd.scan.msk.f32 $0xffff, v6;
	s0 =	smin.f32 s0, $5.000000000e+00;
	v13, _, _ =	vpop (xrf2);
	s5 =	smin.f32 s3, $5.000000000e+00  }
0x139: {  	v14 =	vmov s0;
	(v2sf) =	vpush v13, $0xF;
	v13 =	vld [tilespmem:s10+$0xFFFFFFE0];
	v21 =	vpop (erf);
	v18 =	vmov s5;
	s5 =	simm.s32 $0x29C0  }
0x13a: {  	[tilespmem:s8+$0xFFFFFFD0] =	vst v7;
	v14 =	vmul.f32 $1.442695020e+00, v14;
	v11 =	vand.u32 $0xFFFF0000, v11;
	v7 =	vmul.f32 v20, v21;
	v23 =	vld [tilespmem:s5+$0xFFFFFFE0];
	v20 =	vpop (erf)  }
0x13b: {  	[tilespmem:s8+$0x10] =	vst v5;
	v11 =	vmul.f32 v11, v20  }
0x13c: {  	v17, _, _ =	vpop (xrf2);
	v14 =	vbroadcast v14, $0x0;
	v5 =	vmul.f32 $1.442695020e+00, v18;
	[tilespmem:s2+$0xFFFFFFD0] =	vst v7  }
0x13d: {  	(v2sf) =	vpush v17, $0xF;
	v17 =	vshll.u32 v16, $0x10;
	v16 =	vand.u32 $0xFFFF0000, v16;
	[tilespmem:s2+$0x10] =	vst v11  }
0x13e: {  	(erf) = vpow2.f32 v14;
	v7 =	vshll.u32 v13, $0x10;
	v5 =	vbroadcast v5, $0x0;
	[tilespmem:v22+s7+$0x0] =	vst.idx.msk $0x1, v21  }
0x13f: {  	s20 =	simm.s32 $0x1500;
	s22 =	simm.s32 $0x3D80;
	v11 =	vand.u32 $0xFFFF0000, v13;
	v7 =	vmul.f32 v7, v17;
	v13 =	vshll.u32 v23, $0x10;
	[tilespmem:v19+s7+$0x0] =	vst.idx.msk $0x1, v20  }
0x140: {  	v14, _, _ =	vpop (xrf2);
	v11 =	vmul.f32 v11, v16;
	v16 =	vld [tilespmem:s22+$0xFFFFFFE0];
	(erf) = vpow2.f32 v5;
	[dreg:$0xf] =	wrdreg s20  }
0x141: {  	s26 =	simm.s32 $0x100;
	(v2sf) =	vpush v14, $0xF;
	v7 =	vmul.f32 v13, v7;
	v17 =	vld [tilespmem:s6+$0x0]  }
0x142: {  	s2 =	simm.s32 $0x3;
	v5 =	vand.u32 $0xFFFF0000, v23;
	[dreg:$0xb] =	wrdreg s26;
	v13, _, _ =	vpop (xrf2)  }
0x143: {  	v14 =	vmul.f32 v5, v11;
	v5 =	vmov s2;
	(xrf2) =	vadd.scan.msk.f32 $0xffff, v7;
	(v2sf) =	vpush v13, $0xF;
	v13 =	vld [tilespmem:s14+$0x0]  }
0x144: {  	v5 =	vmul.u32 $0x88, v5  }
0x145: {  	(xrf2) =	vadd.scan.msk.f32 $0xffff, v14  }
0x146: {  	s3 =	simm.s32 $0x2900;
	v5 =	vadd.s32 $0x80, v5;
	v20 =	vshll.u32 v17, $0x10  }
0x147: {  	[dreg:$0x8] =	wrdreg s3;
	v5 =	vbroadcast v5, $0x0  }
0x148: {  	s6 =	simm.s32 $0x5260;
	v11 =	vshll.u32 v16, $0x10;
	v16 =	vand.u32 $0xFFFF0000, v16;
	v18 =	vld [tilespmem:s12+$0x0];
	v19 =	vpop (erf);
	v21 =	vshll.u32 v13, $0x10  }
0x149: {  	[tilespmem:s6+$0xFFFFFFC0] =	vst v9;
	v22 =	vmul.f32 v11, v19;
	v9 =	vor.u32 $0x4, v5;
	v11 =	vmul.f32 v20, v21;
	v20 =	vpop (erf)  }
0x14a: {  	s14 =	simm.s32 $0x6678;
	[tilespmem:s6+$0x0] =	vst v8;
	v8 =	vmul.f32 v16, v20  }
0x14b: {  	s12 =	spop (v2sf);
	[tilespmem:s14+$0xFFFFFFC0] =	vst v22  }
0x14c: {  	s20 =	spop (v2sf);
	v13 =	vand.u32 $0xFFFF0000, v13;
	v16 =	vand.u32 $0xFFFF0000, v17;
	[tilespmem:s14+$0x0] =	vst v8  }
0x14d: {  	s3 =	smax.f32 s20, $-5.000000000e+00;
	v21 =	vshll.u32 v18, $0x10;
	v13 =	vmul.f32 v16, v13;
	v17, _, _ =	vpop (xrf2);
	[tilespmem:v5+s7+$0x0] =	vst.idx.msk $0x1, v19  }
0x14e: {  	s6 =	simm.s32 $0x180;
	s0 =	smax.f32 s12, $-5.000000000e+00;
	s2 =	smin.f32 s3, $5.000000000e+00;
	v11 =	vmul.f32 v21, v11;
	(v2sf) =	vpush v17, $0xF;
	v17 =	vand.u32 $0xFFFF0000, v18;
	[tilespmem:v9+s7+$0x0] =	vst.idx.msk $0x1, v20  }
0x14f: {  	s0 =	smin.f32 s0, $5.000000000e+00;
	v16 =	vmov s2;
	v18, _, _ =	vpop (xrf2);
	v13 =	vmul.f32 v17, v13;
	[dreg:$0xc] =	wrdreg s6  }
0x150: {  	v8 =	vmov s0;
	(xrf2) =	vadd.scan.msk.f32 $0xffff, v11;
	s3 =	spop (v2sf);
	v9 =	vmul.f32 $1.442695020e+00, v16;
	(v2sf) =	vpush v18, $0xF;
	v16 =	vld [tilespmem:s9+$0xFFFFFFF0];
	s9 =	simm.s32 $0x1580  }
0x151: {  	s14 =	simm.s32 $0x2980;
	v8 =	vmul.f32 $1.442695020e+00, v8;
	s0 =	smax.f32 s3, $-5.000000000e+00;
	(xrf2) =	vadd.scan.msk.f32 $0xffff, v13;
	[dreg:$0xd] =	wrdreg s9  }
0x152: {  	s0 =	smin.f32 s0, $5.000000000e+00;
	v9 =	vbroadcast v9, $0x0;
	v17 =	vld [tilespmem:s28+$0xFFFFFFF0];
	[dreg:$0x9] =	wrdreg s14  }
0x153: {  	v8 =	vbroadcast v8, $0x0;
	v18 =	vmov s0;
	s12 =	spop (v2sf);
	v19 =	vld [tilespmem:s16+$0xFFFFFFF0]  }
0x154: {  	v18 =	vmul.f32 $1.442695020e+00, v18;
	(erf) = vpow2.f32 v9;
	s0 =	smax.f32 s12, $-5.000000000e+00  }
0x155: {  	(erf) = vpow2.f32 v8;
	s0 =	smin.f32 s0, $5.000000000e+00  }
0x156: {  	v8 =	vbroadcast v18, $0x0;
	v9 =	vmov s0;
	v18 =	vshll.u32 v16, $0x10  }
0x157: {  	v16 =	vand.u32 $0xFFFF0000, v16;
	v20 =	vshll.u32 v17, $0x10;
	v17 =	vand.u32 $0xFFFF0000, v17  }
0x158: {  	v21 =	vshll.u32 v19, $0x10;
	v16 =	vmul.f32 v17, v16;
	v17 =	vld [tilespmem:s15+$0x0];
	v19 =	vand.u32 $0xFFFF0000, v19  }
0x159: {  	v9 =	vmul.f32 $1.442695020e+00, v9;
	v18 =	vmul.f32 v20, v18  }
0x15a: {  	s3 =	simm.s32 $0x200;
	(erf) = vpow2.f32 v8;
	v20, _, _ =	vpop (xrf2);
	v8 =	vmul.f32 v19, v16  }
0x15b: {  	s20 =	simm.s32 $0x200;
	s9 =	simm.s32 $0x1600;
	[dreg:$0xe] =	wrdreg s3;
	(v2sf) =	vpush v20, $0xF;
	v20 =	vbroadcast v9, $0x0;
	v9 =	vmul.f32 v21, v18;
	v19, _, _ =	vpop (xrf2)  }
0x15c: {  	s6 =	simm.s32 $0x1600;
	v16 =	vld [tilespmem:s20+$0xFFFFFFE0];
	[dreg:$0xa] =	wrdreg s9;
	(v2sf) =	vpush v19, $0xF  }
0x15d: {  	v18 =	vld [tilespmem:s6+$0xFFFFFFE0];
	v22 =	vpop (erf);
	(erf) = vpow2.f32 v20;
	(xrf2) =	vadd.scan.msk.f32 $0xffff, v9;
	v20 =	vor.u32 $0x2, v2;
	v21 =	vand.u32 $0xFFFF0000, v17  }
0x15e: {  	s16 =	simm.s32 $0x2A00;
	v23 =	vld [tilespmem:s18+$0xFFFFFFF0];
	[tilespmem:s31+$0xFFFFFFE0] =	vst v15;
	s12 =	spop (v2sf);
	v24 =	vpop (erf);
	v17 =	vshll.u32 v17, $0x10;
	(xrf2) =	vadd.scan.msk.f32 $0xffff, v8;
	v21 =	vmul.f32 v21, v22  }
0x15f: {  	v15 =	vor.u32 $0x6, v2;
	[tilespmem:s31+$0x20] =	vst v10;
	v19 =	vld [tilespmem:s16+$0xFFFFFFE0];
	s0 =	smax.f32 s12, $-5.000000000e+00;
	s14 =	spop (v2sf);
	v10 =	vmul.f32 v17, v24  }
0x160: {  	s0 =	smin.f32 s0, $5.000000000e+00;
	s3 =	smax.f32 s14, $-5.000000000e+00;
	[tilespmem:s13+$0x20] =	vst v21  }
0x161: {  	v17 =	vshll.u32 v16, $0x10;
	v26 =	vmov s0;
	s20 =	smin.f32 s3, $5.000000000e+00;
	[tilespmem:s13+$0xFFFFFFE0] =	vst v10  }
0x162: {  	v25 =	vshll.u32 v18, $0x10;
	v21 =	vmov s20;
	[tilespmem:v20+s7+$0x0] =	vst.idx.msk $0x1, v24;
	v20 =	vmul.f32 $1.442695020e+00, v26  }
0x163: {  	[tilespmem:s4+$0xFFFFFFD0] =	vst v12;
	v52 =	vpop (erf);
	v51 =	vshll.u32 v23, $0x10;
	v17 =	vmul.f32 v25, v17;
	v21 =	vmul.f32 $1.442695020e+00, v21  }
0x164: {  	v10 =	vshll.u32 v19, $0x10;
	v12 =	vmul.f32 v51, v52;
	[tilespmem:v15+s7+$0x0] =	vst.idx.msk $0x1, v22;
	v20 =	vbroadcast v20, $0x0  }
0x165: {  	v10 =	vmul.f32 v10, v17;
	v15 =	vand.u32 $0xFFFF0000, v23;
	v17 =	vor.u32 $0x1, v4;
	v23 =	vld [tilespmem:s19+$0x10]  }
0x166: {  	v50 =	vor.u32 $0x5, v4;
	[tilespmem:s4+$0x10] =	vst v6;
	v27 =	vld [tilespmem:s24+$0x10];
	v22 =	vpop (erf);
	(erf) = vpow2.f32 v20  }
0x167: {  	s3 =	simm.s32 $0x65F0;
	[tilespmem:s1+$0xFFFFFFD0] =	vst v12;
	v53, _, _ =	vpop (xrf2);
	(xrf2) =	vadd.scan.msk.f32 $0xffff, v10;
	v6 =	vmul.f32 v15, v22;
	v15 =	vbroadcast v21, $0x0  }
0x168: {  	s6 =	simm.s32 $0x4;
	v12 =	vand.u32 $0xFFFF0000, v16;
	v20 =	vld [tilespmem:s23+$0x10];
	[dreg:$0x7] =	wrdreg s3;
	(v2sf) =	vpush v53, $0xF;
	v21, _, _ =	vpop (xrf2)  }
0x169: {  	(v2sf) =	vpush v21, $0xF;
	[tilespmem:s1+$0x10] =	vst v6;
	(erf) = vpow2.f32 v15;
	v6 =	vmov s6  }
0x16a: {  	v15 =	vand.u32 $0xFFFF0000, v18;
	v18 =	vshll.u32 v23, $0x10;
	v23 =	vand.u32 $0xFFFF0000, v23;
	[tilespmem:v17+s7+$0x0] =	vst.idx.msk $0x1, v52  }
0x16b: {  	s23 =	simm.s32 $0x3DC0;
	s24 =	spop (v2sf);
	v17 =	vand.u32 $0xFFFF0000, v19;
	v12 =	vmul.f32 v15, v12;
	[tilespmem:v50+s7+$0x0] =	vst.idx.msk $0x1, v22;
	v22 =	vshll.u32 v27, $0x10  }
0x16c: {  	s12 =	simm.s32 $0x1540;
	v15 =	vld [tilespmem:s23+$0xFFFFFFE0];
	v19 =	vand.u32 $0xFFFF0000, v27;
	v6 =	vmul.u32 $0x88, v6;
	s0 =	smax.f32 s24, $-5.000000000e+00;
	s13 =	spop (v2sf);
	v18 =	vmul.f32 v22, v18  }
0x16d: {  	s0 =	smin.f32 s0, $5.000000000e+00;
	[dreg:$0x6] =	wrdreg s12;
	v12 =	vmul.f32 v17, v12;
	v17 =	vmul.f32 v19, v23;
	v19 =	vshll.u32 v20, $0x10  }
0x16e: {  	v20 =	vand.u32 $0xFFFF0000, v20;
	v6 =	vadd.s32 $0x80, v6;
	v16 =	vmov s0;
	v21 =	vld [tilespmem:s17+$0x0];
	s0 =	smax.f32 s13, $-5.000000000e+00  }
0x16f: {  	v22 =	vld [tilespmem:s21+$0x0];
	v6 =	vbroadcast v6, $0x0;
	s0 =	smin.f32 s0, $5.000000000e+00  }
0x170: {  	v23 =	vld [tilespmem:s25+$0x0];
	s25 =	simm.s32 $0x52E0;
	v18 =	vmul.f32 v19, v18;
	(xrf2) =	vadd.scan.msk.f32 $0xffff, v12;
	v17 =	vmul.f32 v20, v17;
	v19 =	vmov s0;
	v55 =	vpop (erf)  }
0x171: {  	[tilespmem:s25+$0x0] =	vst v14;
	v54 =	vshll.u32 v15, $0x10;
	v15 =	vand.u32 $0xFFFF0000, v15;
	v57 =	vor.u32 $0x4, v6;
	v20, _, _ =	vpop (xrf2)  }
0x172: {  	(xrf2) =	vadd.scan.msk.f32 $0xffff, v18;
	v14 =	vmul.f32 $1.442695020e+00, v19;
	(v2sf) =	vpush v20, $0xF;
	v20 =	vmul.f32 v54, v55;
	v58 =	vpop (erf)  }
0x173: {  	s13 =	simm.s32 $0x6700;
	[tilespmem:s25+$0xFFFFFFC0] =	vst v7;
	v16 =	vmul.f32 $1.442695020e+00, v16;
	v7 =	vmul.f32 v15, v58  }
0x174: {  	v56 =	vshll.u32 v21, $0x10;
	v14 =	vbroadcast v14, $0x0;
	v15 =	vshll.u32 v22, $0x10;
	[tilespmem:s13+$0xFFFFFFC0] =	vst v20  }
0x175: {  	s6 =	simm.s32 $0x3D00;
	v16 =	vbroadcast v16, $0x0;
	v15 =	vmul.f32 v56, v15;
	[tilespmem:s13+$0x0] =	vst v7  }
0x176: {  	v59 =	vld [tilespmem:s6+$0x0];
	(xrf2) =	vadd.scan.msk.f32 $0xffff, v17;
	(erf) = vpow2.f32 v14;
	v7 =	vshll.u32 v23, $0x10;
	[tilespmem:v6+s7+$0x0] =	vst.idx.msk $0x1, v55  }
0x177: {  	s24 =	simm.s32 $0x1C0;
	v14 =	vand.u32 $0xFFFF0000, v21;
	v19 =	vmul.f32 v7, v15;
	v7 =	vld [tilespmem:s15+$0x10];
	v15 =	vand.u32 $0xFFFF0000, v22;
	s14 =	spop (v2sf);
	[tilespmem:v57+s7+$0x0] =	vst.idx.msk $0x1, v58  }
0x178: {  	[tilespmem:s8+$0xFFFFFFE0] =	vst v11;
	v14 =	vmul.f32 v14, v15;
	s0 =	smax.f32 s14, $-5.000000000e+00;
	v20 =	vld [tilespmem:s24+$0xFFFFFFF0]  }
0x179: {  	[tilespmem:s8+$0x20] =	vst v13;
	(erf) = vpow2.f32 v16;
	v23 =	vand.u32 $0xFFFF0000, v23;
	s17 =	spop (v2sf);
	(xrf2) =	vadd.scan.msk.f32 $0xffff, v19;
	v21 =	vld [tilespmem:s10+$0xFFFFFFF0];
	s0 =	smin.f32 s0, $5.000000000e+00  }
0x17a: {  	[tilespmem:s31+$0x30] =	vst v17;
	s3 =	smax.f32 s17, $-5.000000000e+00;
	v15, _, _ =	vpop (xrf2);
	v14 =	vmul.f32 v23, v14;
	v23 =	vld [tilespmem:s5+$0xFFFFFFF0];
	v16 =	vmov s0  }
0x17b: {  	[tilespmem:s31+$0xFFFFFFF0] =	vst v18;
	s19 =	smin.f32 s3, $5.000000000e+00;
	(v2sf) =	vpush v15, $0xF;
	v60 =	vmul.f32 $1.442695020e+00, v16  }
0x17c: {  	s29 =	simm.s32 $0x6700;
	v11 =	vld [tilespmem:s18+$0x0];
	s21 =	simm.s32 $0x51E0;
	[tilespmem:s4+$0xFFFFFFE0] =	vst v19;
	v15 =	vor.u32 $0x6, v3;
	v61, _, _ =	vpop (xrf2);
	v22 =	vmov s19  }
0x17d: {  	s30 =	simm.s32 $0x5160;
	s26 =	simm.s32 $0x5260;
	[dreg:$0x5] =	wrdreg s21;
	(v2sf) =	vpush v61, $0xF;
	v22 =	vmul.f32 $1.442695020e+00, v22;
	v17 =	vbroadcast v60, $0x0  }
0x17e: {  	s2 =	simm.s32 $0x2940;
	s28 =	simm.s32 $0x140;
	s9 =	simm.s32 $0x64E0;
	[tilespmem:s4+$0x20] =	vst v14;
	v18 =	vshll.u32 v20, $0x10;
	v20 =	vand.u32 $0xFFFF0000, v20;
	v63 =	vshll.u32 v21, $0x10  }
0x17f: {  	s12 =	simm.s32 $0x15C0;
	s18 =	simm.s32 $0x1640;
	s15 =	simm.s32 $0x52E0;
	(xrf2) =	vadd.scan.msk.f32 $0xffff, v14;
	v21 =	vand.u32 $0xFFFF0000, v21;
	v13 =	vmul.f32 v63, v18;
	v19 =	vshll.u32 v23, $0x10  }
0x180: {  	s14 =	simm.s32 $0x29C0;
	s5 =	simm.s32 $0x6678;
	v62, _, _ =	vpop (xrf2);
	s31 =	rddreg [dreg:$0x14];
	(erf) = vpow2.f32 v17;
	v17 =	vbroadcast v22, $0x0;
	v22 =	vand.u32 $0xFFFF0000, v23  }
0x181: {  	s17 =	simm.s32 $0x3D40;
	v16 =	vor.u32 $0x2, v3;
	[smem:$0x7EF] =	sst s11;
	s0 =	sadd.s32 s31, s11;
	v20 =	vmul.f32 v21, v20;
	v21 =	vand.u32 $0xFFFF0000, v59;
	v18 =	vpop (erf)  }
0x182: {  	s3 =	simm.s32 $0x6;
	s19 =	simm.s32 $0x3D80;
	(v2sf) =	vpush v62, $0xF;
	[smem:$0x7F0] =	sst s0;
	v13 =	vmul.f32 v19, v13;
	v21 =	vmul.f32 v21, v18;
	v19 =	vpop (erf)  }
0x183: {  	s11 =	simm.s32 $0x240;
	v14 =	vmul.f32 v22, v20;
	v20 =	vshll.u32 v59, $0x10;
	s20 =	spop (v2sf);
	(erf) = vpow2.f32 v17;
	v17 =	vld [tilespmem:s22+$0xFFFFFFF0];
	s22 =	simm.s32 $0x6568;
	v22, _, _ =	vpop (xrf2)  }
0x184: {  	s0 =	simm.s32 $0x5;
	s21 =	smax.f32 s20, $-5.000000000e+00;
	(xrf2) =	vadd.scan.msk.f32 $0xffff, v13;
	v20 =	vmul.f32 v20, v19;
	s20 =	simm.s32 $0x2A00;
	(v2sf) =	vpush v22, $0xF;
	[tilespmem:s22+$0x20] =	vst v21  }
.LBB2_5:
0x185: {  	_ = 	snop  }
0x186: {  	v21 =	vld [tilespmem:s11+$0xFFFFFFE0];
	s8 =	simm.s32 $0x64A0;
	[tilespmem:s22+$0xFFFFFFE0] =	vst v20  }
0x187: {  	s21 =	smin.f32 s21, $5.000000000e+00;
	v20 =	vld [tilespmem:s18+$0xFFFFFFE0];
	[tilespmem:v16+s8+$0x0] =	vst.idx.msk $0x1, v19  }
0x188: {  	s1 =	smov.u32 s3;
	s16 =	sadd.s32 $0x40, s16;
	(xrf2) =	vadd.scan.msk.f32 $0xffff, v14;
	s31 =	rddreg [dreg:$0xb];
	[tilespmem:v15+s8+$0x0] =	vst.idx.msk $0x1, v18  }
0x189: {  	v42 =	vmov s0;
	s4 =	smov.u32 s28;
	s7 =	rddreg [dreg:$0xc];
	v25 =	vmov s21;
	s0 =	smov.u32 s1;
	v24, _, _ =	vpop (xrf2);
	v15 =	vld [tilespmem:s16+$0xFFFFFFE0];
	[tilespmem:s26+$0xFFFFFFD0] =	vst v9  }
0x18a: {  	[dreg:$0xb] =	wrdreg s4;
	s4 =	smov.u32 s24;
	v16 =	vmul.f32 $1.442695020e+00, v25;
	s10 =	spop (v2sf);
	v19 =	vshll.u32 v17, $0x10;
	[tilespmem:s26+$0x10] =	vst v8;
	v22 =	vpop (erf)  }
0x18b: {  	v23 =	vor.u32 $0x5, v5;
	(v2sf) =	vpush v24, $0xF;
	s21 =	smax.f32 s10, $-5.000000000e+00;
	v43 =	vld [tilespmem:s31+$0x10];
	s31 =	smov.u32 s22;
	s10 =	rddreg [dreg:$0xf];
	v26 =	vmul.f32 v19, v22  }
0x18c: {  	v17 =	vand.u32 $0xFFFF0000, v17;
	v9 =	vmovc v13;
	v13 =	vbroadcast v16, $0x0;
	v8 =	vmovc v14;
	s22 =	smov.u32 s7;
	v14 =	vshll.u32 v21, $0x10;
	s7 =	rddreg [dreg:$0xe];
	s21 =	smin.f32 s21, $5.000000000e+00  }
0x18d: {  	s24 =	smov.u32 s7;
	s7 =	rddreg [dreg:$0x9];
	v16 =	vmov s21;
	s21 =	spop (v2sf);
	v27 =	vshll.u32 v20, $0x10;
	v19 =	vor.u32 $0x1, v5;
	[tilespmem:s5+$0xFFFFFFD0] =	vst v26  }
0x18e: {  	v21 =	vand.u32 $0xFFFF0000, v21;
	v16 =	vmul.f32 $1.442695020e+00, v16;
	v18 =	vpop (erf);
	s1 =	smax.f32 s21, $-5.000000000e+00;
	s21 =	smov.u32 s2;
	v14 =	vmul.f32 v27, v14;
	v26 =	vld [tilespmem:s10+$0x10];
	s10 =	rddreg [dreg:$0x8]  }
0x18f: {  	v20 =	vand.u32 $0xFFFF0000, v20;
	(erf) = vpow2.f32 v13;
	v17 =	vmul.f32 v17, v18;
	[dreg:$0x8] =	wrdreg s21;
	s21 =	smov.u32 s11  }
0x190: {  	s28 =	smov.u32 s7;
	v20 =	vmul.f32 v20, v21;
	v44 =	vshll.u32 v15, $0x10;
	v28 =	vld [tilespmem:s10+$0x10];
	s10 =	smov.u32 s14;
	[dreg:$0xe] =	wrdreg s21  }
0x191: {  	s7 =	smov.u32 s19;
	v15 =	vand.u32 $0xFFFF0000, v15;
	v21, _, _ =	vpop (xrf2);
	s1 =	smin.f32 s1, $5.000000000e+00;
	v14 =	vmul.f32 v44, v14;
	v45 =	vbroadcast v16, $0x0;
	v13 =	vld [tilespmem:s6+$0x10];
	[tilespmem:s5+$0x10] =	vst v17;
	[dreg:$0x9] =	wrdreg s10  }
0x192: {  	(v2sf) =	vpush v21, $0xF;
	v15 =	vmul.f32 v15, v20;
	v21 =	vand.u32 $0xFFFF0000, v43;
	v16, _, _ =	vpop (xrf2);
	s10 =	smov.u32 s23;
	s23 =	sadd.s32 $0x40, s23;
	[tilespmem:v19+s8+$0x0] =	vst.idx.msk $0x1, v22;
	s19 =	spop (v2sf)  }
0x193: {  	s14 =	rddreg [dreg:$0x6];
	(xrf2) =	vadd.scan.msk.f32 $0xffff, v14;
	(erf) = vpow2.f32 v45;
	(v2sf) =	vpush v16, $0xF;
	v17 =	vld [tilespmem:s23+$0xFFFFFFE0];
	s21 =	smax.f32 s19, $-5.000000000e+00;
	v19 =	vand.u32 $0xFFFF0000, v26  }
0x194: {  	[tilespmem:v23+s8+$0x0] =	vst.idx.msk $0x1, v18;
	v18 =	vshll.u32 v43, $0x10;
	s19 =	rddreg [dreg:$0xd];
	s21 =	smin.f32 s21, $5.000000000e+00;
	v22 =	vshll.u32 v26, $0x10;
	v19 =	vmul.f32 v19, v21  }
0x195: {  	s6 =	smov.u32 s17;
	s17 =	smov.u32 s14;
	s14 =	smov.u32 s19;
	v23 =	vmov s21;
	v18 =	vmul.f32 v22, v18;
	v21 =	vand.u32 $0xFFFF0000, v28  }
0x196: {  	v20 =	vld [tilespmem:s14+$0x0];
	s21 =	spop (v2sf);
	v22 =	vmov s1;
	v19 =	vmul.f32 v21, v19;
	v21 =	vmul.f32 $1.442695020e+00, v23  }
0x197: {  	(xrf2) =	vadd.scan.msk.f32 $0xffff, v15;
	v46 =	vshll.u32 v28, $0x10;
	s1 =	smax.f32 s21, $-5.000000000e+00;
	v22 =	vmul.f32 $1.442695020e+00, v22;
	v23 =	vmul.u32 $0x88, v42  }
0x198: {  	v16 =	vld [tilespmem:s28+$0x0];
	v48 =	vpop (erf);
	s1 =	smin.f32 s1, $5.000000000e+00;
	v18 =	vmul.f32 v46, v18;
	v47 =	vshll.u32 v17, $0x10;
	v21 =	vbroadcast v21, $0x0  }
0x199: {  	s25 =	sadd.s32 $0x80, s25;
	[dreg:$0xf] =	wrdreg s17;
	v51 =	vmov s1;
	v24 =	vmul.f32 v47, v48;
	[tilespmem:s30+$0x30] =	vst v19;
	v23 =	vadd.s32 $0x80, v23  }
0x19a: {  	s2 =	smov.u32 s28;
	s17 =	smov.u32 s18;
	[dreg:$0x6] =	wrdreg s14;
	v17 =	vand.u32 $0xFFFF0000, v17;
	v22 =	vbroadcast v22, $0x0;
	v50 =	vld [tilespmem:s22+$0x0];
	v23 =	vbroadcast v23, $0x0  }
0x19b: {  	s28 =	smov.u32 s22;
	s14 =	rddreg [dreg:$0xa];
	v49 =	vshll.u32 v20, $0x10;
	(xrf2) =	vadd.scan.msk.f32 $0xffff, v18;
	v20 =	vand.u32 $0xFFFF0000, v20;
	s22 =	spop (v2sf);
	[tilespmem:s30+$0xFFFFFFF0] =	vst v18  }
0x19c: {  	[dreg:$0xa] =	wrdreg s17;
	s17 =	smax.f32 s22, $-5.000000000e+00;
	(erf) = vpow2.f32 v21;
	[tilespmem:s25+$0xFFFFFFC0] =	vst v10;
	v10 =	vmov v14;
	v14 =	vor.u32 $0x4, v23;
	v21 =	vpop (erf)  }
0x19d: {  	s13 =	sadd.s32 $0x88, s13;
	v18 =	vmul.f32 $1.442695020e+00, v51;
	[tilespmem:s25+$0x0] =	vst v12;
	v12 =	vmovc v15;
	v15 =	vand.u32 $0xFFFF0000, v16;
	s1 =	smin.f32 s17, $5.000000000e+00;
	v17 =	vmul.f32 v17, v21  }
0x19e: {  	[tilespmem:s13+$0xFFFFFFC0] =	vst v24;
	v29 =	vmov s1;
	(erf) = vpow2.f32 v22;
	v22, _, _ =	vpop (xrf2);
	(xrf2) =	vadd.scan.msk.f32 $0xffff, v19  }
0x19f: {  	v52 =	vmul.f32 $1.442695020e+00, v29;
	(v2sf) =	vpush v22, $0xF;
	v19 =	vshll.u32 v50, $0x10;
	[tilespmem:s13+$0x0] =	vst v17  }
0x1a0: {  	v53 =	vbroadcast v18, $0x0;
	v22 =	vand.u32 $0xFFFF0000, v50;
	v17 =	vmul.f32 v49, v19;
	[tilespmem:v23+s8+$0x0] =	vst.idx.msk $0x1, v48  }
0x1a1: {  	v16 =	vshll.u32 v16, $0x10;
	s22 =	spop (v2sf);
	v19 =	vmul.f32 v20, v22;
	v20, _, _ =	vpop (xrf2);
	v22 =	vbroadcast v52, $0x0;
	[tilespmem:v14+s8+$0x0] =	vst.idx.msk $0x1, v21  }
0x1a2: {  	s19 =	smov.u32 s12;
	s1 =	smax.f32 s22, $-5.000000000e+00;
	(v2sf) =	vpush v20, $0xF;
	v20 =	vor.u32 $0x3, v2;
	v26 =	vmul.f32 v16, v17;
	v21 =	vld [tilespmem:s7+$0x0]  }
0x1a3: {  	[dreg:$0xd] =	wrdreg s19;
	s19 =	smov.u32 s14;
	s1 =	smin.f32 s1, $5.000000000e+00;
	v17 =	vmul.f32 v15, v19;
	(erf) = vpow2.f32 v22;
	v22 =	vor.u32 $0x7, v2;
	v19 =	vld [tilespmem:s24+$0xFFFFFFF0]  }
0x1a4: {  	[dreg:$0xc] =	wrdreg s4;
	s17 =	smov.u32 s7;
	v2 =	vmovc v3;
	v3 =	vmov v4;
	v15 =	vmov s1;
	v4 =	vld [tilespmem:s19+$0xFFFFFFF0];
	s7 =	spop (v2sf);
	(erf) = vpow2.f32 v53;
	(xrf2) =	vadd.scan.msk.f32 $0xffff, v26  }
0x1a5: {  	v57 =	vshll.u32 v7, $0x10;
	v63 =	vshll.u32 v11, $0x10;
	s4 =	smov.u32 s20;
	s21 =	smov.u32 s26;
	v55 =	vmul.f32 $1.442695020e+00, v15;
	v14, _, _ =	vpop (xrf2);
	s1 =	smax.f32 s7, $-5.000000000e+00  }
0x1a6: {  	v16 =	vand.u32 $0xFFFF0000, v7;
	v54 =	vld [tilespmem:s4+$0xFFFFFFF0];
	v15 =	vor.u32 $0x6, v3;
	v18 =	vpop (erf);
	[tilespmem:s21+$0xFFFFFFE0] =	vst v26;
	(v2sf) =	vpush v14, $0xF;
	s1 =	smin.f32 s1, $5.000000000e+00  }
0x1a7: {  	[tilespmem:s21+$0x20] =	vst v17;
	v56 =	vmul.f32 v16, v18;
	v25 =	vbroadcast v55, $0x0;
	v14 =	vpop (erf);
	v58 =	vmov s1  }
0x1a8: {  	p0 =	sne.s32 s3, $0x27;
	s3 =	sadd.s32 $0x1, s3;
	v16 =	vor.u32 $0x2, v3;
	(xrf2) =	vadd.scan.msk.f32 $0xffff, v17;
	v17 =	vmul.f32 v57, v14;
	v27 =	vmul.f32 $1.442695020e+00, v58  }
0x1a9: {  	s20 =	smov.u32 s16;
	s11 =	sadd.s32 $0x40, s11;
	s18 =	sadd.s32 $0x40, s18;
	v7 =	vmovc v13;
	[tilespmem:s9+$0x30] =	vst v56;
	(erf) = vpow2.f32 v25;
	v13 =	vshll.u32 v19, $0x10;
	v60 =	vshll.u32 v4, $0x10  }
0x1aa: {  	s14 =	rddreg [dreg:$0x5];
	s26 =	smov.u32 s15;
	s15 =	smov.u32 s25;
	v59, _, _ =	vpop (xrf2);
	v19 =	vand.u32 $0xFFFF0000, v19;
	v61 =	vand.u32 $0xFFFF0000, v4;
	[tilespmem:s9+$0xFFFFFFF0] =	vst v17;
	v13 =	vmul.f32 v60, v13  }
.Ltmp1:
0x1ab: {  	s12 =	smov.u32 s19;
	[dreg:$0x5] =	wrdreg s21;
	v4 =	vmovc v5;
	v17 =	vbroadcast v27, $0x0;
	v62 =	vmul.f32 v61, v19;
	[tilespmem:v20+s8+$0x0] =	vst.idx.msk $0x1, v14;
	v14 =	vshll.u32 v54, $0x10;
	(pc) =	sbr.rel @p0 .LBB2_5-.Ltmp1, $4  }
0x1ac: {  	s30 =	smov.u32 s14;
	s14 =	smov.u32 s4;
	s19 =	rddreg [dreg:$0x7];
	v20 =	vand.u32 $0xFFFF0000, v11;
	[tilespmem:v22+s8+$0x0] =	vst.idx.msk $0x1, v18;
	v22 =	vand.u32 $0xFFFF0000, v54;
	v13 =	vmul.f32 v14, v13;
	v18 =	vpop (erf)  }
0x1ad: {  	s22 =	smov.u32 s19;
	s21 =	smov.u32 s5;
	s5 =	smov.u32 s29;
	v5 =	vmov v6;
	v14 =	vmul.f32 v22, v62;
	v22 =	vmul.f32 v20, v18;
	v19 =	vpop (erf)  }
0x1ae: {  	s29 =	smov.u32 s13;
	(v2sf) =	vpush v59, $0xF;
	v6 =	vmov v23;
	s9 =	smov.u32 s31;
	(erf) = vpow2.f32 v17;
	s31 =	spop (v2sf);
	v23, _, _ =	vpop (xrf2)  }
0x1af: {  	s19 =	smov.u32 s10;
	[dreg:$0x7] =	wrdreg s21;
	v11 =	vmovc v21;
	v17 =	vld [tilespmem:s10+$0xFFFFFFF0];
	(xrf2) =	vadd.scan.msk.f32 $0xffff, v13;
	v20 =	vmul.f32 v63, v19;
	s21 =	smax.f32 s31, $-5.000000000e+00;
	[tilespmem:s22+$0x20] =	vst v22;
	(v2sf) =	vpush v23, $0xF  }
0x1b0: {  	_ =	sdelay $0x2  }
0x1b1: {  	s3 =	smin.f32 s21, $5.000000000e+00;
	s31 =	simm.s32 $0x64A0;
	[tilespmem:s22+$0xFFFFFFE0] =	vst v20  }
0x1b2: {  	s1 =	spop (v2sf);
	v20 =	vmov s3;
	[tilespmem:v16+s31+$0x0] =	vst.idx.msk $0x1, v19  }
0x1b3: {  	s1 =	smax.f32 s1, $-5.000000000e+00;
	v19 =	vmul.f32 $1.442695020e+00, v20;
	[tilespmem:v15+s31+$0x0] =	vst.idx.msk $0x1, v18  }
0x1b4: {  	s1 =	smin.f32 s1, $5.000000000e+00;
	v18, _, _ =	vpop (xrf2);
	s10 =	rddreg [dreg:$0xb]  }
0x1b5: {  	v16 =	vmov s1;
	s11 =	rddreg [dreg:$0xf];
	(v2sf) =	vpush v18, $0xF;
	v18 =	vbroadcast v19, $0x0;
	v15 =	vld [tilespmem:s10+$0x10]  }
0x1b6: {  	v16 =	vmul.f32 $1.442695020e+00, v16;
	v20 =	vld [tilespmem:s11+$0x10]  }
0x1b7: {  	s16 =	rddreg [dreg:$0x8];
	(erf) = vpow2.f32 v18;
	v18 =	vshll.u32 v17, $0x10  }
0x1b8: {  	v22 =	vpop (erf);
	v21 =	vld [tilespmem:s16+$0x10];
	v16 =	vbroadcast v16, $0x0  }
0x1b9: {  	v23 =	vor.u32 $0x1, v5;
	[tilespmem:s26+$0xFFFFFFD0] =	vst v9;
	v17 =	vand.u32 $0xFFFF0000, v17;
	v9 =	vmul.f32 v18, v22;
	v19, _, _ =	vpop (xrf2)  }
0x1ba: {  	(erf) = vpow2.f32 v16;
	v16 =	vor.u32 $0x5, v5;
	v18 =	vpop (erf);
	(v2sf) =	vpush v19, $0xF  }
0x1bb: {  	[tilespmem:s26+$0x10] =	vst v8;
	v8 =	vmul.f32 v17, v18;
	v17 =	vand.u32 $0xFFFF0000, v20;
	v24 =	vand.u32 $0xFFFF0000, v15  }
0x1bc: {  	s16 =	sadd.s32 $0x40, s23;
	[tilespmem:s5+$0xFFFFFFD0] =	vst v9;
	v9 =	vshll.u32 v15, $0x10;
	v15 =	vshll.u32 v20, $0x10;
	v17 =	vmul.f32 v17, v24  }
0x1bd: {  	v25 =	vld [tilespmem:s16+$0xFFFFFFE0];
	v19 =	vmov s0;
	[tilespmem:s5+$0x10] =	vst v8;
	v8 =	vmul.f32 v15, v9;
	v9 =	vand.u32 $0xFFFF0000, v21  }
0x1be: {  	v15 =	vmul.u32 $0x88, v19;
	v19 =	vshll.u32 v21, $0x10;
	[tilespmem:v23+s31+$0x0] =	vst.idx.msk $0x1, v22;
	v17 =	vmul.f32 v9, v17  }
0x1bf: {  	s18 =	spop (v2sf);
	[tilespmem:v16+s31+$0x0] =	vst.idx.msk $0x1, v18;
	v16 =	vmul.f32 v19, v8  }
0x1c0: {  	s21 =	smov.u32 s26;
	s26 =	spop (v2sf);
	v9 =	vld [tilespmem:s6+$0x10];
	v8 =	vadd.s32 $0x80, v15;
	[tilespmem:s30+$0x30] =	vst v17  }
0x1c1: {  	s0 =	smax.f32 s18, $-5.000000000e+00;
	s1 =	smax.f32 s26, $-5.000000000e+00;
	v8 =	vbroadcast v8, $0x0;
	[tilespmem:s30+$0xFFFFFFF0] =	vst v16  }
0x1c2: {  	s7 =	sadd.s32 $0x80, s25;
	v20 =	vshll.u32 v25, $0x10;
	v23 =	vand.u32 $0xFFFF0000, v25;
	s1 =	smin.f32 s1, $5.000000000e+00;
	v21 =	vpop (erf);
	s26 =	rddreg [dreg:$0xd]  }
0x1c3: {  	s10 =	smov.u32 s24;
	s0 =	smin.f32 s0, $5.000000000e+00;
	v18 =	vmov s1;
	v20 =	vmul.f32 v20, v21;
	s24 =	rddreg [dreg:$0xc];
	[tilespmem:s7+$0xFFFFFFC0] =	vst v10;
	v10 =	vor.u32 $0x4, v8;
	v19 =	vld [tilespmem:s26+$0x0];
	v24 =	vpop (erf)  }
0x1c4: {  	s13 =	sadd.s32 $0x88, s13;
	v15 =	vmov s0;
	v18 =	vmul.f32 $1.442695020e+00, v18;
	[tilespmem:s7+$0x0] =	vst v12;
	v22 =	vld [tilespmem:s24+$0x0];
	v12 =	vmul.f32 v23, v24  }
0x1c5: {  	v15 =	vmul.f32 $1.442695020e+00, v15;
	s8 =	rddreg [dreg:$0x9];
	[tilespmem:s13+$0xFFFFFFC0] =	vst v20  }
0x1c6: {  	v18 =	vbroadcast v18, $0x0;
	v23 =	vld [tilespmem:s8+$0x0];
	[tilespmem:s13+$0x0] =	vst v12  }
0x1c7: {  	v15 =	vbroadcast v15, $0x0;
	[tilespmem:v8+s31+$0x0] =	vst.idx.msk $0x1, v21  }
0x1c8: {  	(erf) = vpow2.f32 v18;
	[tilespmem:v10+s31+$0x0] =	vst.idx.msk $0x1, v24  }
0x1c9: {  	(xrf2) =	vadd.scan.msk.f32 $0xffff, v14;
	(erf) = vpow2.f32 v15;
	v12 =	vshll.u32 v19, $0x10;
	v15 =	vshll.u32 v22, $0x10;
	s25 =	rddreg [dreg:$0xe]  }
0x1ca: {  	(xrf2) =	vadd.scan.msk.f32 $0xffff, v16;
	v10 =	vand.u32 $0xFFFF0000, v19;
	v16 =	vand.u32 $0xFFFF0000, v22;
	v12 =	vmul.f32 v12, v15;
	s30 =	rddreg [dreg:$0xa];
	v15 =	vld [tilespmem:s25+$0xFFFFFFF0]  }
0x1cb: {  	(xrf2) =	vadd.scan.msk.f32 $0xffff, v17;
	v10 =	vmul.f32 v10, v16;
	v16 =	vshll.u32 v23, $0x10;
	v17 =	vld [tilespmem:s30+$0xFFFFFFF0]  }
0x1cc: {  	v18 =	vand.u32 $0xFFFF0000, v23;
	v19 =	vmul.f32 v16, v12  }
0x1cd: {  	v18 =	vmul.f32 v18, v10;
	v10 =	vld [tilespmem:s20+$0xFFFFFFF0]  }
0x1ce: {  	(xrf2) =	vadd.scan.msk.f32 $0xffff, v19;
	_ =	sdelay $0x1  }
0x1cf: {  	(xrf2) =	vadd.scan.msk.f32 $0xffff, v18;
	v12 =	vshll.u32 v15, $0x10;
	v16 =	vshll.u32 v17, $0x10  }
0x1d0: {  	v15 =	vand.u32 $0xFFFF0000, v15;
	v17 =	vand.u32 $0xFFFF0000, v17;
	v12 =	vmul.f32 v16, v12  }
0x1d1: {  	v16 =	vshll.u32 v10, $0x10;
	v15 =	vmul.f32 v17, v15;
	v10 =	vand.u32 $0xFFFF0000, v10  }
0x1d2: {  	v20, _, _ =	vpop (xrf2);
	v16 =	vmul.f32 v16, v12  }
0x1d3: {  	(v2sf) =	vpush v20, $0xF;
	v15 =	vmul.f32 v10, v15  }
0x1d4: {  	v10, _, _ =	vpop (xrf2);
	(xrf2) =	vadd.scan.msk.f32 $0xffff, v16  }
0x1d5: {  	(v2sf) =	vpush v10, $0xF;
	v10, _, _ =	vpop (xrf2);
	(xrf2) =	vadd.scan.msk.f32 $0xffff, v15  }
0x1d6: {  	s3 =	spop (v2sf);
	(v2sf) =	vpush v10, $0xF  }
0x1d7: {  	s4 =	spop (v2sf);
	v10, _, _ =	vpop (xrf2)  }
0x1d8: {  	s6 =	spop (v2sf);
	(v2sf) =	vpush v10, $0xF  }
0x1d9: {  	v10, _, _ =	vpop (xrf2)  }
0x1da: {  	(v2sf) =	vpush v10, $0xF;
	_ =	sdelay $0x3  }
0x1db: {  	s1 =	smax.f32 s4, $-5.000000000e+00;
	v10, _, _ =	vpop (xrf2)  }
0x1dc: {  	s0 =	smax.f32 s3, $-5.000000000e+00;
	s1 =	smin.f32 s1, $5.000000000e+00;
	(v2sf) =	vpush v10, $0xF;
	v10, _, _ =	vpop (xrf2)  }
0x1dd: {  	s0 =	smin.f32 s0, $5.000000000e+00;
	(v2sf) =	vpush v10, $0xF;
	v10 =	vmov s1  }
0x1de: {  	v12 =	vmov s0;
	v10 =	vmul.f32 $1.442695020e+00, v10  }
0x1df: {  	s11 =	smax.f32 s6, $-5.000000000e+00;
	v12 =	vmul.f32 $1.442695020e+00, v12;
	s18 =	spop (v2sf)  }
0x1e0: {  	s0 =	smin.f32 s11, $5.000000000e+00;
	s1 =	smax.f32 s18, $-5.000000000e+00;
	v10 =	vbroadcast v10, $0x0  }
0x1e1: {  	v17 =	vmov s0;
	v12 =	vbroadcast v12, $0x0;
	s3 =	smin.f32 s1, $5.000000000e+00;
	s4 =	spop (v2sf)  }
0x1e2: {  	v20 =	vmov s3;
	s11 =	spop (v2sf);
	(erf) = vpow2.f32 v10;
	v10 =	vmul.f32 $1.442695020e+00, v17  }
0x1e3: {  	s1 =	smax.f32 s11, $-5.000000000e+00;
	(erf) = vpow2.f32 v12;
	v12 =	vmul.f32 $1.442695020e+00, v20  }
0x1e4: {  	s6 =	smax.f32 s4, $-5.000000000e+00;
	s1 =	smin.f32 s1, $5.000000000e+00;
	v10 =	vbroadcast v10, $0x0  }
0x1e5: {  	s0 =	smin.f32 s6, $5.000000000e+00;
	s18 =	spop (v2sf);
	v17 =	vmov s1;
	v12 =	vbroadcast v12, $0x0  }
0x1e6: {  	v20 =	vmov s0;
	s11 =	spop (v2sf);
	(erf) = vpow2.f32 v10;
	v10 =	vmul.f32 $1.442695020e+00, v17  }
0x1e7: {  	s6 =	smax.f32 s18, $-5.000000000e+00;
	s4 =	smax.f32 s11, $-5.000000000e+00;
	(erf) = vpow2.f32 v12;
	v12 =	vmul.f32 $1.442695020e+00, v20  }
0x1e8: {  	s0 =	smin.f32 s6, $5.000000000e+00;
	s1 =	smin.f32 s4, $5.000000000e+00  }
0x1e9: {  	v20 =	vmov s0;
	v21 =	vbroadcast v10, $0x0;
	v17 =	vmov s1  }
0x1ea: {  	v25 =	vand.u32 $0xFFFF0000, v11;
	v20 =	vmul.f32 $1.442695020e+00, v20;
	v17 =	vmul.f32 $1.442695020e+00, v17;
	v10 =	vpop (erf)  }
0x1eb: {  	v23 =	vbroadcast v12, $0x0;
	(erf) = vpow2.f32 v21;
	v21 =	vld [tilespmem:s19+$0x0];
	v12 =	vpop (erf);
	s11 =	spop (v2sf)  }
0x1ec: {  	v11 =	vshll.u32 v11, $0x10;
	v20 =	vbroadcast v20, $0x0;
	[tilespmem:s21+$0xFFFFFFE0] =	vst v19;
	v19 =	vld [tilespmem:s23+$0xFFFFFFF0];
	v17 =	vbroadcast v17, $0x0;
	v26 =	vpop (erf);
	s18 =	spop (v2sf)  }
0x1ed: {  	v24 =	vor.u32 $0x2, v4;
	(erf) = vpow2.f32 v23;
	v23 =	vmul.f32 v25, v26;
	v25 =	vpop (erf);
	s1 =	smax.f32 s18, $-5.000000000e+00  }
0x1ee: {  	v22 =	vor.u32 $0x6, v4;
	[tilespmem:s21+$0x20] =	vst v18;
	s0 =	smax.f32 s11, $-5.000000000e+00;
	(erf) = vpow2.f32 v17;
	v11 =	vmul.f32 v11, v25;
	s3 =	smin.f32 s1, $5.000000000e+00  }
0x1ef: {  	s6 =	rddreg [dreg:$0x7];
	[tilespmem:s15+$0xFFFFFFD0] =	vst v13;
	s0 =	smin.f32 s0, $5.000000000e+00;
	v18 =	vmov s3  }
0x1f0: {  	v17 =	vmov s0;
	(erf) = vpow2.f32 v20;
	[tilespmem:s6+$0xFFFFFFE0] =	vst v11;
	v11 =	vmul.f32 $1.442695020e+00, v18  }
0x1f1: {  	[tilespmem:s6+$0x20] =	vst v23;
	v17 =	vmul.f32 $1.442695020e+00, v17;
	v20 =	vshll.u32 v19, $0x10;
	v23 =	vpop (erf)  }
0x1f2: {  	[tilespmem:v24+s31+$0x0] =	vst.idx.msk $0x1, v25;
	v24 =	vbroadcast v11, $0x0;
	v11 =	vand.u32 $0xFFFF0000, v19;
	v13 =	vmul.f32 v20, v23  }
0x1f3: {  	v17 =	vbroadcast v17, $0x0;
	[tilespmem:v22+s31+$0x0] =	vst.idx.msk $0x1, v26;
	v22 =	vor.u32 $0x1, v6  }
0x1f4: {  	v18 =	vor.u32 $0x5, v6;
	v19 =	vpop (erf)  }
0x1f5: {  	[tilespmem:s15+$0x10] =	vst v14;
	(erf) = vpow2.f32 v17;
	v14 =	vmul.f32 v11, v19;
	v11 =	vpop (erf)  }
0x1f6: {  	[tilespmem:s29+$0xFFFFFFD0] =	vst v13;
	(erf) = vpow2.f32 v24;
	v13 =	vpop (erf)  }
0x1f7: {  	v17 =	vand.u32 $0xFFFF0000, v21;
	[tilespmem:s29+$0x10] =	vst v14;
	v20 =	vpop (erf)  }
0x1f8: {  	v14 =	vor.u32 $0x2, v5;
	[tilespmem:v22+s31+$0x0] =	vst.idx.msk $0x1, v23;
	v17 =	vmul.f32 v17, v20  }
0x1f9: {  	v21 =	vshll.u32 v21, $0x10;
	v22 =	vor.u32 $0x6, v5;
	v23 =	vld [tilespmem:s16+$0xFFFFFFF0];
	v24 =	vpop (erf);
	[tilespmem:v18+s31+$0x0] =	vst.idx.msk $0x1, v19  }
0x1fa: {  	v18 =	vmul.f32 v21, v24;
	[tilespmem:s5+$0x20] =	vst v17  }
0x1fb: {  	v19 =	vld [tilespmem:s28+$0x10];
	s4 =	rddreg [dreg:$0x6]  }
0x1fc: {  	[tilespmem:s5+$0xFFFFFFE0] =	vst v18;
	v17 =	vld [tilespmem:s4+$0x10]  }
0x1fd: {  	v21 =	vld [tilespmem:s12+$0x0];
	[tilespmem:v14+s31+$0x0] =	vst.idx.msk $0x1, v24  }
0x1fe: {  	v18 =	vld [tilespmem:s2+$0x10];
	v14 =	vshll.u32 v23, $0x10;
	v24 =	vpop (erf);
	[tilespmem:v22+s31+$0x0] =	vst.idx.msk $0x1, v20;
	v20 =	vor.u32 $0x1, v8  }
0x1ff: {  	v25 =	vor.u32 $0x5, v8;
	[tilespmem:s7+$0xFFFFFFD0] =	vst v16;
	v23 =	vand.u32 $0xFFFF0000, v23;
	v22 =	vld [tilespmem:s10+$0x0];
	v14 =	vmul.f32 v14, v24;
	v16 =	vpop (erf)  }
0x200: {  	[tilespmem:s7+$0x10] =	vst v15;
	v15 =	vmul.f32 v23, v16  }
0x201: {  	v27 =	vld [tilespmem:s14+$0x0];
	v23 =	vshll.u32 v19, $0x10;
	[tilespmem:s13+$0xFFFFFFD0] =	vst v14;
	v26 =	vshll.u32 v17, $0x10  }
0x202: {  	v14 =	vand.u32 $0xFFFF0000, v17;
	v17 =	vand.u32 $0xFFFF0000, v19;
	[tilespmem:s13+$0x10] =	vst v15;
	v19 =	vmul.f32 v26, v23;
	v23 =	vld [tilespmem:s24+$0x10]  }
0x203: {  	v15 =	vmul.f32 v14, v17;
	v17 =	vand.u32 $0xFFFF0000, v18;
	v14 =	vshll.u32 v18, $0x10;
	v18 =	vld [tilespmem:s26+$0x10];
	[tilespmem:v20+s31+$0x0] =	vst.idx.msk $0x1, v24  }
0x204: {  	v20 =	vshll.u32 v22, $0x10;
	v24 =	vld [tilespmem:s8+$0x10];
	[tilespmem:v25+s31+$0x0] =	vst.idx.msk $0x1, v16;
	v14 =	vmul.f32 v14, v19;
	v19 =	vshll.u32 v21, $0x10  }
0x205: {  	v16 =	vand.u32 $0xFFFF0000, v21;
	v21 =	vand.u32 $0xFFFF0000, v22;
	v19 =	vmul.f32 v19, v20;
	v20 =	vld [tilespmem:s30+$0x0]  }
0x206: {  	v17 =	vmul.f32 v17, v15;
	v15 =	vmul.f32 v16, v21;
	v16 =	vshll.u32 v27, $0x10;
	v21 =	vld [tilespmem:s25+$0x0]  }
0x207: {  	v22 =	vand.u32 $0xFFFF0000, v27;
	(xrf2) =	vadd.scan.msk.f32 $0xffff, v14;
	v25 =	vmul.f32 v16, v19  }
0x208: {  	(xrf2) =	vadd.scan.msk.f32 $0xffff, v17;
	v22 =	vmul.f32 v22, v15;
	v15 =	vshll.u32 v23, $0x10;
	v16 =	vshll.u32 v18, $0x10  }
0x209: {  	v19 =	vld [tilespmem:s20+$0x0];
	v18 =	vand.u32 $0xFFFF0000, v18;
	v23 =	vand.u32 $0xFFFF0000, v23;
	v15 =	vmul.f32 v16, v15;
	(xrf2) =	vadd.scan.msk.f32 $0xffff, v25  }
0x20a: {  	v16 =	vmul.f32 v18, v23;
	v18 =	vand.u32 $0xFFFF0000, v24;
	v23 =	vshll.u32 v24, $0x10;
	(xrf2) =	vadd.scan.msk.f32 $0xffff, v22  }
0x20b: {  	v15 =	vmul.f32 v23, v15;
	v23 =	vshll.u32 v20, $0x10;
	v24 =	vshll.u32 v21, $0x10  }
0x20c: {  	v20 =	vand.u32 $0xFFFF0000, v20;
	v21 =	vand.u32 $0xFFFF0000, v21;
	v16 =	vmul.f32 v18, v16  }
0x20d: {  	v23 =	vmul.f32 v23, v24;
	v18 =	vmul.f32 v20, v21;
	(xrf2) =	vadd.scan.msk.f32 $0xffff, v15  }
0x20e: {  	v20 =	vshll.u32 v19, $0x10;
	(xrf2) =	vadd.scan.msk.f32 $0xffff, v16  }
0x20f: {  	v19 =	vand.u32 $0xFFFF0000, v19;
	v20 =	vmul.f32 v20, v23  }
0x210: {  	v21 =	vmul.f32 v19, v18  }
0x211: {  	(xrf2) =	vadd.scan.msk.f32 $0xffff, v20;
	v18, _, _ =	vpop (xrf2)  }
0x212: {  	(xrf2) =	vadd.scan.msk.f32 $0xffff, v21;
	v19, _, _ =	vpop (xrf2);
	(v2sf) =	vpush v18, $0xF  }
0x213: {  	(v2sf) =	vpush v19, $0xF;
	v18, _, _ =	vpop (xrf2)  }
0x214: {  	v19, _, _ =	vpop (xrf2);
	(v2sf) =	vpush v18, $0xF  }
0x215: {  	(v2sf) =	vpush v19, $0xF;
	_ =	sdelay $0x1  }
0x216: {  	v18, _, _ =	vpop (xrf2)  }
0x217: {  	(v2sf) =	vpush v18, $0xF;
	v18, _, _ =	vpop (xrf2)  }
0x218: {  	(v2sf) =	vpush v18, $0xF;
	_ =	sdelay $0x1  }
0x219: {  	v18, _, _ =	vpop (xrf2)  }
0x21a: {  	(v2sf) =	vpush v18, $0xF;
	v18, _, _ =	vpop (xrf2)  }
0x21b: {  	(v2sf) =	vpush v18, $0xF;
	_ =	sdelay $0x3  }
0x21c: {  	s11 =	spop (v2sf)  }
0x21d: {  	s18 =	spop (v2sf);
	s0 =	smax.f32 s11, $-5.000000000e+00  }
0x21e: {  	s1 =	smax.f32 s18, $-5.000000000e+00;
	s24 =	spop (v2sf)  }
0x21f: {  	s1 =	smin.f32 s1, $5.000000000e+00;
	s26 =	spop (v2sf)  }
0x220: {  	s0 =	smin.f32 s0, $5.000000000e+00;
	v18 =	vmov s1;
	s2 =	smax.f32 s26, $-5.000000000e+00  }
0x221: {  	v19 =	vmov s0;
	s4 =	smax.f32 s24, $-5.000000000e+00;
	v18 =	vmul.f32 $1.442695020e+00, v18;
	s1 =	smin.f32 s2, $5.000000000e+00  }
0x222: {  	v19 =	vmul.f32 $1.442695020e+00, v19;
	s0 =	smin.f32 s4, $5.000000000e+00;
	s8 =	spop (v2sf);
	v23 =	vmov s1  }
0x223: {  	v24 =	vmov s0;
	v18 =	vbroadcast v18, $0x0;
	s18 =	spop (v2sf);
	v23 =	vmul.f32 $1.442695020e+00, v23  }
0x224: {  	v19 =	vbroadcast v19, $0x0;
	v24 =	vmul.f32 $1.442695020e+00, v24;
	s1 =	smax.f32 s18, $-5.000000000e+00  }
0x225: {  	s11 =	smax.f32 s8, $-5.000000000e+00;
	(erf) = vpow2.f32 v18;
	s1 =	smin.f32 s1, $5.000000000e+00;
	v18 =	vbroadcast v23, $0x0  }
0x226: {  	s0 =	smin.f32 s11, $5.000000000e+00;
	s24 =	spop (v2sf);
	v23 =	vmov s1;
	(erf) = vpow2.f32 v19;
	v19 =	vbroadcast v24, $0x0  }
0x227: {  	s26 =	spop (v2sf);
	v24 =	vmov s0;
	s4 =	smax.f32 s24, $-5.000000000e+00;
	(erf) = vpow2.f32 v18;
	v18 =	vmul.f32 $1.442695020e+00, v23  }
0x228: {  	s2 =	smax.f32 s26, $-5.000000000e+00;
	s0 =	smin.f32 s4, $5.000000000e+00;
	(erf) = vpow2.f32 v19;
	v19 =	vmul.f32 $1.442695020e+00, v24  }
0x229: {  	s1 =	smin.f32 s2, $5.000000000e+00;
	v24 =	vmov s0;
	v18 =	vbroadcast v18, $0x0  }
0x22a: {  	v23 =	vmov s1;
	v24 =	vmul.f32 $1.442695020e+00, v24;
	v19 =	vbroadcast v19, $0x0  }
0x22b: {  	v23 =	vmul.f32 $1.442695020e+00, v23;
	(erf) = vpow2.f32 v18  }
0x22c: {  	(erf) = vpow2.f32 v19;
	v19 =	vbroadcast v24, $0x0  }
0x22d: {  	v18 =	vbroadcast v23, $0x0;
	v23 =	vld [tilespmem:s23+$0x0];
	_ =	sdelay $0x1  }
0x22e: {  	(erf) = vpow2.f32 v18  }
0x22f: {  	(erf) = vpow2.f32 v19;
	v19 =	vpop (erf)  }
0x230: {  	v24 =	vpop (erf)  }
0x231: {  	v27 =	vor.u32 $0x2, v6;
	[tilespmem:s15+$0xFFFFFFE0] =	vst v25;
	v25 =	vld [tilespmem:s16+$0x0];
	v18 =	vand.u32 $0xFFFF0000, v23;
	v26 =	vpop (erf)  }
0x232: {  	[tilespmem:s15+$0x20] =	vst v22;
	v23 =	vshll.u32 v23, $0x10;
	v28 =	vpop (erf);
	v18 =	vmul.f32 v18, v26  }
0x233: {  	[tilespmem:s7+$0xFFFFFFE0] =	vst v20;
	v20 =	vmul.f32 v23, v28  }
0x234: {  	v22 =	vor.u32 $0x6, v6;
	[tilespmem:s29+$0x20] =	vst v18  }
0x235: {  	[tilespmem:s29+$0xFFFFFFE0] =	vst v20  }
0x236: {  	v18 =	vpop (erf);
	[tilespmem:v27+s31+$0x0] =	vst.idx.msk $0x1, v28;
	v27 =	vand.u32 $0xFFFF0000, v25  }
0x237: {  	v20 =	vpop (erf)  }
0x238: {  	v23 =	vor.u32 $0x2, v8;
	v61 =	vpop (erf)  }
0x239: {  	v25 =	vshll.u32 v25, $0x10;
	[tilespmem:v22+s31+$0x0] =	vst.idx.msk $0x1, v26;
	v22 =	vor.u32 $0x6, v8;
	v26 =	vmul.f32 v27, v61;
	v27 =	vpop (erf)  }
0x23a: {  	[tilespmem:s7+$0x20] =	vst v21;
	v21 =	vmul.f32 v25, v27  }
0x23b: {  	v25 =	vld [tilespmem:s10+$0x10];
	[tilespmem:s13+$0x20] =	vst v26  }
0x23c: {  	v26 =	vld [tilespmem:s12+$0x10];
	[tilespmem:s13+$0xFFFFFFE0] =	vst v21  }
0x23d: {  	[tilespmem:v23+s31+$0x0] =	vst.idx.msk $0x1, v27  }
0x23e: {  	v21 =	vld [tilespmem:s14+$0x10];
	[tilespmem:v22+s31+$0x0] =	vst.idx.msk $0x1, v61  }
0x23f: {  	v22 =	vld [tilespmem:s25+$0x10]  }
0x240: {  	v23 =	vld [tilespmem:s30+$0x10]  }
0x241: {  	v27 =	vshll.u32 v25, $0x10;
	v62 =	vshll.u32 v26, $0x10  }
0x242: {  	v25 =	vand.u32 $0xFFFF0000, v25;
	v63 =	vld [tilespmem:s20+$0x10];
	v26 =	vand.u32 $0xFFFF0000, v26;
	v27 =	vmul.f32 v62, v27  }
0x243: {  	v25 =	vmul.f32 v26, v25;
	v26 =	vshll.u32 v21, $0x10  }
0x244: {  	v21 =	vand.u32 $0xFFFF0000, v21;
	v26 =	vmul.f32 v26, v27  }
0x245: {  	v21 =	vmul.f32 v21, v25;
	v25 =	vshll.u32 v22, $0x10;
	v27 =	vshll.u32 v23, $0x10  }
0x246: {  	v23 =	vand.u32 $0xFFFF0000, v23;
	v22 =	vand.u32 $0xFFFF0000, v22;
	v25 =	vmul.f32 v27, v25;
	(xrf2) =	vadd.scan.msk.f32 $0xffff, v26  }
0x247: {  	v22 =	vmul.f32 v23, v22;
	v23 =	vshll.u32 v63, $0x10;
	(xrf2) =	vadd.scan.msk.f32 $0xffff, v21  }
0x248: {  	v27 =	vand.u32 $0xFFFF0000, v63;
	v23 =	vmul.f32 v23, v25  }
0x249: {  	v22 =	vmul.f32 v27, v22  }
0x24a: {  	(xrf2) =	vadd.scan.msk.f32 $0xffff, v23  }
0x24b: {  	(xrf2) =	vadd.scan.msk.f32 $0xffff, v22;
	_ =	sdelay $0x4  }
0x24c: {  	v25, _, _ =	vpop (xrf2)  }
0x24d: {  	(v2sf) =	vpush v25, $0xF;
	v25, _, _ =	vpop (xrf2)  }
0x24e: {  	(v2sf) =	vpush v25, $0xF;
	_ =	sdelay $0x1  }
0x24f: {  	v25, _, _ =	vpop (xrf2)  }
0x250: {  	(v2sf) =	vpush v25, $0xF;
	v25, _, _ =	vpop (xrf2)  }
0x251: {  	(v2sf) =	vpush v25, $0xF;
	_ =	sdelay $0x2  }
0x252: {  	v27 =	vand.u32 $0xFFFF0000, v7;
	v25 =	vor.u32 $0x3, v2  }
0x253: {  	v7 =	vshll.u32 v7, $0x10;
	v27 =	vmul.f32 v27, v10;
	v2 =	vor.u32 $0x7, v2  }
0x254: {  	v7 =	vmul.f32 v7, v12  }
0x255: {  	[tilespmem:s9+$0x30] =	vst v27  }
0x256: {  	[tilespmem:s9+$0xFFFFFFF0] =	vst v7  }
0x257: {  	[tilespmem:v25+s31+$0x0] =	vst.idx.msk $0x1, v12  }
0x258: {  	[tilespmem:v2+s31+$0x0] =	vst.idx.msk $0x1, v10  }
0x259: {  	v7 =	vor.u32 $0x3, v3;
	v10 =	vand.u32 $0xFFFF0000, v9;
	s9 =	rddreg [dreg:$0x5];
	s8 =	spop (v2sf)  }
0x25a: {  	v3 =	vor.u32 $0x7, v3;
	v2 =	vld [tilespmem:s17+$0x10];
	v9 =	vshll.u32 v9, $0x10;
	v10 =	vmul.f32 v10, v11;
	[tilespmem:s9+$0x30] =	vst v17;
	s10 =	spop (v2sf)  }
0x25b: {  	v9 =	vmul.f32 v9, v13;
	[tilespmem:s9+$0xFFFFFFF0] =	vst v14;
	s1 =	smax.f32 s10, $-5.000000000e+00  }
0x25c: {  	[tilespmem:s22+$0x30] =	vst v10;
	s0 =	smax.f32 s8, $-5.000000000e+00;
	s1 =	smin.f32 s1, $5.000000000e+00  }
0x25d: {  	[tilespmem:s22+$0xFFFFFFF0] =	vst v9;
	s0 =	smin.f32 s0, $5.000000000e+00;
	v9 =	vmov s1;
	s11 =	spop (v2sf)  }
0x25e: {  	[tilespmem:v7+s31+$0x0] =	vst.idx.msk $0x1, v13;
	v7 =	vor.u32 $0x3, v4;
	v10 =	vmov s0;
	v9 =	vmul.f32 $1.442695020e+00, v9;
	s12 =	spop (v2sf)  }
0x25f: {  	v4 =	vor.u32 $0x7, v4;
	[tilespmem:v3+s31+$0x0] =	vst.idx.msk $0x1, v11;
	v11 =	vand.u32 $0xFFFF0000, v2;
	v10 =	vmul.f32 $1.442695020e+00, v10;
	s0 =	smax.f32 s12, $-5.000000000e+00  }
0x260: {  	v3 =	vld [tilespmem:s19+$0x10];
	[tilespmem:s21+$0x30] =	vst v16;
	v2 =	vshll.u32 v2, $0x10;
	v11 =	vmul.f32 v11, v19;
	s1 =	smax.f32 s11, $-5.000000000e+00;
	v9 =	vbroadcast v9, $0x0;
	s0 =	smin.f32 s0, $5.000000000e+00  }
0x261: {  	[tilespmem:s21+$0xFFFFFFF0] =	vst v15;
	v2 =	vmul.f32 v2, v24;
	v10 =	vbroadcast v10, $0x0;
	s1 =	smin.f32 s1, $5.000000000e+00;
	v12 =	vmov s0  }
0x262: {  	[tilespmem:s6+$0x30] =	vst v11;
	(erf) = vpow2.f32 v9;
	v9 =	vmov s1;
	v11 =	vmul.f32 $1.442695020e+00, v12  }
0x263: {  	[tilespmem:s6+$0xFFFFFFF0] =	vst v2;
	(erf) = vpow2.f32 v10;
	v2 =	vmul.f32 $1.442695020e+00, v9  }
0x264: {  	[tilespmem:v7+s31+$0x0] =	vst.idx.msk $0x1, v24;
	v7 =	vor.u32 $0x3, v5;
	v9 =	vbroadcast v11, $0x0  }
0x265: {  	v5 =	vor.u32 $0x7, v5;
	[tilespmem:v4+s31+$0x0] =	vst.idx.msk $0x1, v19;
	v10 =	vand.u32 $0xFFFF0000, v3;
	v2 =	vbroadcast v2, $0x0  }
0x266: {  	v4 =	vld [tilespmem:s23+$0x10];
	[tilespmem:s15+$0x30] =	vst v21;
	v3 =	vshll.u32 v3, $0x10;
	v10 =	vmul.f32 v10, v18;
	(erf) = vpow2.f32 v9  }
0x267: {  	[tilespmem:s15+$0xFFFFFFF0] =	vst v26;
	v3 =	vmul.f32 v3, v20;
	(erf) = vpow2.f32 v2  }
0x268: {  	[tilespmem:s5+$0x30] =	vst v10  }
0x269: {  	[tilespmem:s5+$0xFFFFFFF0] =	vst v3  }
0x26a: {  	[tilespmem:v7+s31+$0x0] =	vst.idx.msk $0x1, v20;
	v2 =	vld [tilespmem:s16+$0x10]  }
0x26b: {  	v3 =	vor.u32 $0x3, v6;
	[tilespmem:v5+s31+$0x0] =	vst.idx.msk $0x1, v18;
	v5 =	vand.u32 $0xFFFF0000, v4;
	v7 =	vpop (erf)  }
0x26c: {  	v6 =	vor.u32 $0x7, v6;
	[tilespmem:s7+$0x30] =	vst v22;
	v4 =	vshll.u32 v4, $0x10;
	v5 =	vmul.f32 v5, v7;
	v9 =	vpop (erf)  }
0x26d: {  	[tilespmem:s7+$0xFFFFFFF0] =	vst v23;
	v4 =	vmul.f32 v4, v9  }
0x26e: {  	[tilespmem:s29+$0x30] =	vst v5  }
0x26f: {  	v5 =	vand.u32 $0xFFFF0000, v2;
	[tilespmem:s29+$0xFFFFFFF0] =	vst v4;
	v4 =	vor.u32 $0x3, v8;
	v10 =	vpop (erf)  }
0x270: {  	v2 =	vshll.u32 v2, $0x10;
	[tilespmem:v3+s31+$0x0] =	vst.idx.msk $0x1, v9;
	v3 =	vor.u32 $0x7, v8;
	v5 =	vmul.f32 v5, v10;
	v8 =	vpop (erf)  }
0x271: {  	[tilespmem:v6+s31+$0x0] =	vst.idx.msk $0x1, v7;
	v2 =	vmul.f32 v2, v8  }
0x272: {  	[tilespmem:s13+$0x30] =	vst v5  }
0x273: {  	[tilespmem:s13+$0xFFFFFFF0] =	vst v2  }
0x274: {  	[tilespmem:v4+s31+$0x0] =	vst.idx.msk $0x1, v8  }
0x275: {  	s13 =	sld [smem:$0x7F0];
	_ =	sdelay $0x2  }
0x276: {  	s19 =	rddreg [dreg:$0x2];
	s0 =	sshll.u32 s13, $0x4  }
0x277: {  	s14 =	simm.s32 $0x50A0;
	s23 =	simm.s32 $0x0;
	[tilespmem:v3+s31+$0x0] =	vst.idx.msk $0x1, v10;
	s0 =	sadd.s32 s19, s0  }
0x278: {  	[hbm4b:s0+s23] =	stream.linear.scatter [tilespmem:s14], [sflag:$0x9], $0x1400, $0x38;
	[tilespmem:$0x1DB28] =	vst v63  }
0x279: {  	s30 =	simm.s32 $0x28;
	s21 =	rddreg [dreg:$0x3];
	s16 =	simm.s32 $0xA  }
0x27a: {  	[spmem:s21] =	stream.indirect.scatter.add.f32 [tilespmem:s31], [sflag:$0xA], $0x88, s30, s30, $0xb8;
	[tilespmem:$0x1DB28] =	vst v63  }
0x27b: {  	s15 =	sld [smem:$0x7ED];
	_ =	swait.ge [sflag:s16], $0x1540  }
0x27c: {  	s1 =	sld [smem:$0x7EF];
	_ =	sdelay $0x1  }
0x27d: {  	p0 =	seq.s32 s15, $0x7C;
	s0 =	rddreg [dreg:$0x19]  }
0x27e: {  	s2 =	simm.s32 @!p0 $0x28;
	s3 =	simm.s32 @!p0 $0x4E200;
	s0 =	sadd.s32 @!p0 s1, s0  }
0x27f: {  	[sflag:s16] =	ssyncset.done $0x0;
	s31 =	rddreg [dreg:$0x13];
	s1 =	sshrl.u32 @!p0 s0, $0x3  }
0x280: {  	s4 =	simm.s32 @!p0 $0x0;
	[sflag:s16] =	ssyncadd.s32 $0xFFFFEAC0;
	s1 =	sadd.s32 @!p0 s31, s1  }
0x281: {  	[tilespmem:s4], [sflag:$0xC] =	stream.strided.gather @!p0 [hbm4b:s1+s2], $0x50, s3, s2, $0x38;
	[tilespmem:$0x1DB28] =	vst v63  }
0x282: {  	s1 =	simm.s32 @!p0 $0xC  }
0x283: {  	_ =	swait.ge @!p0 [sflag:s1], $0x50  }
0x284: {  	[sflag:s1] =	ssyncset.done @!p0 $0x0;
	s24 =	rddreg [dreg:$0x10]  }
0x285: {  	s25 =	rddreg [dreg:$0x11];
	[sflag:s1] =	ssyncadd.s32 @!p0 $0xFFFFFFB0;
	s1 =	simm.s32 @!p0 $0xA0  }
0x286: {  	[tilespmem:s1], [sflag:$0x1] =	stream.indirect.gather @!p0 [hbm4b:s24+s2], $0x40, s4, s2, $0xb8;
	[tilespmem:$0x1DB28] =	vst v63  }
0x287: {  	s0 =	sshll.u32 @!p0 s0, $0x3;
	s1 =	simm.s32 @!p0 $0x14A0;
	s18 =	rddreg [dreg:$0x0]  }
0x288: {  	[tilespmem:s1], [sflag:$0x3] =	stream.indirect.gather @!p0 [hbm4b:s18+s2], $0x40, s2, s2, $0xb8;
	[tilespmem:$0x1DB28] =	vst v63  }
0x289: {  	s0 =	sand.u32 @!p0 $0x1FFFFF80, s0;
	s26 =	rddreg [dreg:$0x12];
	s1 =	simm.s32 @!p0 $0x3CA0  }
0x28a: {  	[tilespmem:s1], [sflag:$0x7] =	stream.indirect.gather @!p0 [hbm4b:s25+s2], $0x40, s4, s2, $0xb8;
	[tilespmem:$0x1DB28] =	vst v63  }
0x28b: {  	s17 =	simm.s32 $0x2;
	s0 =	sadd.s32 @!p0 s26, s0;
	s1 =	simm.s32 @!p0 $0x28A0  }
0x28c: {  	[tilespmem:s1], [sflag:$0x5] =	stream.linear.gather @!p0 [hbm4b:s0+s4], $0xA00, $0x38;
	[tilespmem:$0x1DB28] =	vst v63  }
0x28d: {  	_ =	swait.ge [sflag:s17], $0xA00  }
0x28e: {  	[sflag:s17] =	ssyncset.done $0x0  }
0x28f: {  	s20 =	simm.s32 $0x4;
	[sflag:s17] =	ssyncadd.s32 $0xFFFFF600  }
0x290: {  	_ =	swait.ge [sflag:s20], $0xA00  }
0x291: {  	[sflag:s20] =	ssyncset.done $0x0  }
0x292: {  	s22 =	simm.s32 $0x8;
	[sflag:s20] =	ssyncadd.s32 $0xFFFFF600  }
0x293: {  	_ =	swait.ge [sflag:s22], $0xA00  }
0x294: {  	[sflag:s22] =	ssyncset.done $0x0  }
0x295: {  	s1 =	simm.s32 $0x6;
	[sflag:s22] =	ssyncadd.s32 $0xFFFFF600  }
0x296: {  	_ =	swait.ge [sflag:s1], $0xA00  }
0x297: {  	[sflag:s1] =	ssyncset.done $0x0  }
0x298: {  	s2 =	simm.s32 $0x9;
	[sflag:s1] =	ssyncadd.s32 $0xFFFFF600  }
0x299: {  	_ =	swait.ge [sflag:s2], $0x1400  }
0x29a: {  	[sflag:s2] =	ssyncset.done $0x0  }
0x29b: {  	[sflag:s2] =	ssyncadd.s32 $0xFFFFEC00;
	s2 =	simm.s32 $0x0  }
0x29c: {  	v2 =	vld [tilespmem:s2+$0xAA0]  }
0x29d: {  	v3 =	vld [tilespmem:s2+$0x1EA0];
	_ =	sdelay $0x1  }
0x29e: {  	v4 =	vld [tilespmem:s2+$0x32A0];
	_ =	sdelay $0x2  }
0x29f: {  	v5 =	vshll.u32 v2, $0x10;
	v6 =	vshll.u32 v3, $0x10  }
0x2a0: {  	v2 =	vand.u32 $0xFFFF0000, v2;
	v3 =	vand.u32 $0xFFFF0000, v3;
	v5 =	vmul.f32 v6, v5  }
0x2a1: {  	v6 =	vshll.u32 v4, $0x10;
	v2 =	vmul.f32 v3, v2  }
0x2a2: {  	v4 =	vand.u32 $0xFFFF0000, v4;
	v3 =	vmul.f32 v6, v5  }
0x2a3: {  	v4 =	vmul.f32 v4, v2  }
0x2a4: {  	(xrf2) =	vadd.scan.msk.f32 $0xffff, v3  }
0x2a5: {  	(xrf2) =	vadd.scan.msk.f32 $0xffff, v4;
	_ =	sdelay $0x8  }
0x2a6: {  	v2, _, _ =	vpop (xrf2)  }
0x2a7: {  	(v2sf) =	vpush v2, $0xF;
	v2, _, _ =	vpop (xrf2)  }
0x2a8: {  	(v2sf) =	vpush v2, $0xF;
	_ =	sdelay $0xd  }
0x2a9: {  	s3 =	spop (v2sf)  }
0x2aa: {  	s0 =	smax.f32 s3, $-5.000000000e+00;
	s4 =	spop (v2sf)  }
0x2ab: {  	s3 =	simm.s32 $0x40;
	s0 =	smin.f32 s0, $5.000000000e+00;
	s1 =	smax.f32 s4, $-5.000000000e+00  }
0x2ac: {  	v5 =	vld [tilespmem:s3+$0xAA0];
	v2 =	vmov s0;
	s5 =	smin.f32 s1, $5.000000000e+00  }
0x2ad: {  	v6 =	vld [tilespmem:s3+$0x1EA0];
	v2 =	vmul.f32 $1.442695020e+00, v2;
	v7 =	vmov s5  }
0x2ae: {  	v7 =	vmul.f32 $1.442695020e+00, v7  }
0x2af: {  	v8 =	vld [tilespmem:s3+$0x32A0];
	v2 =	vbroadcast v2, $0x0  }
0x2b0: {  	v7 =	vbroadcast v7, $0x0  }
0x2b1: {  	(erf) = vpow2.f32 v2  }
0x2b2: {  	v9 =	vshll.u32 v6, $0x10;
	v2 =	vshll.u32 v5, $0x10;
	(erf) = vpow2.f32 v7  }
0x2b3: {  	v6 =	vand.u32 $0xFFFF0000, v6;
	v5 =	vand.u32 $0xFFFF0000, v5;
	v2 =	vmul.f32 v9, v2  }
0x2b4: {  	s6 =	simm.s32 $0x0;
	v7 =	vshll.u32 v8, $0x10;
	v5 =	vmul.f32 v6, v5  }
0x2b5: {  	v6 =	vmov s6;
	v7 =	vmul.f32 v7, v2;
	v2 =	vand.u32 $0xFFFF0000, v8;
	v8 =	vld [tilespmem:s2+$0x46A0]  }
0x2b6: {  	v5 =	vmul.f32 v2, v5;
	v2 =	vmul.u32 $0x88, v6  }
0x2b7: {  	(xrf2) =	vadd.scan.msk.f32 $0xffff, v7  }
0x2b8: {  	(xrf2) =	vadd.scan.msk.f32 $0xffff, v5;
	v2 =	vadd.s32 $0x80, v2  }
0x2b9: {  	v2 =	vbroadcast v2, $0x0  }
0x2ba: {  	s14 =	simm.s32 $0x50E0;
	v6 =	vshll.u32 v8, $0x10;
	v9 =	vpop (erf)  }
0x2bb: {  	[tilespmem:s14+$0xFFFFFFC0] =	vst v3;
	v8 =	vand.u32 $0xFFFF0000, v8;
	v3 =	vmul.f32 v6, v9;
	v6 =	vor.u32 $0x4, v2;
	v10 =	vpop (erf)  }
0x2bc: {  	s10 =	simm.s32 $0x7A50;
	[tilespmem:s14+$0x0] =	vst v4;
	v4 =	vmul.f32 v8, v10  }
0x2bd: {  	[tilespmem:s10+$0xFFFFFF90] =	vst v3  }
0x2be: {  	s16 =	simm.s32 $0x79E0;
	[tilespmem:s10+$0xFFFFFFD0] =	vst v4  }
0x2bf: {  	[tilespmem:v2+s16+$0x0] =	vst.idx.msk $0x1, v9  }
0x2c0: {  	[tilespmem:v6+s16+$0x0] =	vst.idx.msk $0x1, v10  }
0x2c1: {  	v3, _, _ =	vpop (xrf2);
	v4 =	vld [tilespmem:s2+$0xAB0]  }
0x2c2: {  	(v2sf) =	vpush v3, $0xF;
	v3, _, _ =	vpop (xrf2);
	v6 =	vld [tilespmem:s2+$0x1EB0]  }
0x2c3: {  	(v2sf) =	vpush v3, $0xF  }
0x2c4: {  	v3 =	vld [tilespmem:s2+$0x32B0];
	_ =	sdelay $0x2  }
0x2c5: {  	v8 =	vshll.u32 v4, $0x10;
	v9 =	vshll.u32 v6, $0x10  }
0x2c6: {  	v4 =	vand.u32 $0xFFFF0000, v4;
	v6 =	vand.u32 $0xFFFF0000, v6;
	v8 =	vmul.f32 v9, v8  }
0x2c7: {  	v9 =	vshll.u32 v3, $0x10;
	v4 =	vmul.f32 v6, v4  }
0x2c8: {  	v3 =	vand.u32 $0xFFFF0000, v3;
	v8 =	vmul.f32 v9, v8  }
0x2c9: {  	v4 =	vmul.f32 v3, v4  }
0x2ca: {  	(xrf2) =	vadd.scan.msk.f32 $0xffff, v8  }
0x2cb: {  	(xrf2) =	vadd.scan.msk.f32 $0xffff, v4;
	_ =	sdelay $0x3  }
0x2cc: {  	s7 =	spop (v2sf)  }
0x2cd: {  	s15 =	simm.s32 $0x80;
	s8 =	spop (v2sf);
	s0 =	smax.f32 s7, $-5.000000000e+00  }
0x2ce: {  	v6 =	vld [tilespmem:s15+$0x1EA0];
	s1 =	smax.f32 s8, $-5.000000000e+00;
	s0 =	smin.f32 s0, $5.000000000e+00  }
0x2cf: {  	v3 =	vld [tilespmem:s15+$0xAA0];
	s1 =	smin.f32 s1, $5.000000000e+00;
	v9 =	vmov s0  }
0x2d0: {  	v10 =	vmov s1;
	v9 =	vmul.f32 $1.442695020e+00, v9  }
0x2d1: {  	v11 =	vld [tilespmem:s15+$0x32A0];
	v10 =	vmul.f32 $1.442695020e+00, v10;
	v12, _, _ =	vpop (xrf2)  }
0x2d2: {  	v9 =	vbroadcast v9, $0x0;
	(v2sf) =	vpush v12, $0xF;
	v12, _, _ =	vpop (xrf2)  }
0x2d3: {  	v14 =	vshll.u32 v6, $0x10;
	v10 =	vbroadcast v10, $0x0;
	(v2sf) =	vpush v12, $0xF  }
0x2d4: {  	v6 =	vand.u32 $0xFFFF0000, v6;
	v13 =	vshll.u32 v3, $0x10;
	(erf) = vpow2.f32 v9  }
0x2d5: {  	v3 =	vand.u32 $0xFFFF0000, v3;
	v12 =	vmul.f32 v14, v13;
	(erf) = vpow2.f32 v10  }
0x2d6: {  	v3 =	vmul.f32 v6, v3;
	v9 =	vshll.u32 v11, $0x10  }
0x2d7: {  	v6 =	vand.u32 $0xFFFF0000, v11;
	v12 =	vmul.f32 v9, v12  }
0x2d8: {  	s9 =	simm.s32 $0x1;
	v6 =	vmul.f32 v6, v3  }
0x2d9: {  	v3 =	vmov s9;
	v9 =	vld [tilespmem:s3+$0x46A0];
	(xrf2) =	vadd.scan.msk.f32 $0xffff, v12  }
0x2da: {  	v3 =	vmul.u32 $0x88, v3;
	(xrf2) =	vadd.scan.msk.f32 $0xffff, v6;
	_ =	sdelay $0x1  }
0x2db: {  	v3 =	vadd.s32 $0x80, v3  }
0x2dc: {  	s22 =	simm.s32 $0x5160;
	v3 =	vbroadcast v3, $0x0;
	v11 =	vpop (erf)  }
0x2dd: {  	[tilespmem:s22+$0xFFFFFFC0] =	vst v7;
	v10 =	vshll.u32 v9, $0x10;
	v9 =	vand.u32 $0xFFFF0000, v9;
	v13 =	vpop (erf)  }
0x2de: {  	[tilespmem:s22+$0x0] =	vst v5;
	v7 =	vmul.f32 v10, v11;
	v10 =	vor.u32 $0x4, v3;
	v5 =	vmul.f32 v9, v13  }
0x2df: {  	s1 =	simm.s32 $0x7AD8  }
0x2e0: {  	[tilespmem:s1+$0xFFFFFF90] =	vst v7;
	s11 =	spop (v2sf)  }
0x2e1: {  	[tilespmem:s1+$0xFFFFFFD0] =	vst v5;
	s0 =	smax.f32 s11, $-5.000000000e+00;
	s12 =	spop (v2sf)  }
0x2e2: {  	[tilespmem:v3+s16+$0x0] =	vst.idx.msk $0x1, v11;
	v5, _, _ =	vpop (xrf2);
	s0 =	smin.f32 s0, $5.000000000e+00;
	s4 =	smax.f32 s12, $-5.000000000e+00  }
0x2e3: {  	[tilespmem:v10+s16+$0x0] =	vst.idx.msk $0x1, v13;
	(v2sf) =	vpush v5, $0xF;
	v5, _, _ =	vpop (xrf2);
	v7 =	vmov s0;
	s13 =	smin.f32 s4, $5.000000000e+00  }
0x2e4: {  	v10 =	vld [tilespmem:s3+$0x1EB0];
	(v2sf) =	vpush v5, $0xF;
	v7 =	vmul.f32 $1.442695020e+00, v7;
	v9 =	vmov s13  }
0x2e5: {  	v5 =	vld [tilespmem:s3+$0xAB0];
	v9 =	vmul.f32 $1.442695020e+00, v9  }
0x2e6: {  	v7 =	vbroadcast v7, $0x0  }
0x2e7: {  	v13 =	vld [tilespmem:s3+$0x32B0];
	v9 =	vbroadcast v9, $0x0  }
0x2e8: {  	(erf) = vpow2.f32 v7  }
0x2e9: {  	(erf) = vpow2.f32 v9  }
0x2ea: {  	v7 =	vshll.u32 v5, $0x10;
	v9 =	vshll.u32 v10, $0x10  }
0x2eb: {  	v7 =	vmul.f32 v9, v7  }
0x2ec: {  	v14 =	vld [tilespmem:s2+$0x46B0];
	v5 =	vand.u32 $0xFFFF0000, v5;
	v9 =	vand.u32 $0xFFFF0000, v10;
	v10 =	vshll.u32 v13, $0x10  }
0x2ed: {  	v5 =	vmul.f32 v9, v5;
	v11 =	vmul.f32 v10, v7  }
0x2ee: {  	v7 =	vand.u32 $0xFFFF0000, v13  }
0x2ef: {  	v5 =	vmul.f32 v7, v5;
	(xrf2) =	vadd.scan.msk.f32 $0xffff, v11  }
0x2f0: {  	s0 =	simm.s32 $0xC0  }
0x2f1: {  	v16 =	vld [tilespmem:s0+$0x1EA0];
	v9 =	vshll.u32 v14, $0x10;
	v7 =	vor.u32 $0x1, v2;
	(xrf2) =	vadd.scan.msk.f32 $0xffff, v5;
	v10 =	vpop (erf)  }
0x2f2: {  	v15 =	vor.u32 $0x5, v2;
	[tilespmem:s14+$0xFFFFFFD0] =	vst v8;
	v14 =	vand.u32 $0xFFFF0000, v14;
	v13 =	vld [tilespmem:s0+$0xAA0];
	s17 =	spop (v2sf);
	v9 =	vmul.f32 v9, v10;
	v8 =	vpop (erf)  }
0x2f3: {  	[tilespmem:s14+$0x10] =	vst v4;
	s4 =	smax.f32 s17, $-5.000000000e+00;
	s20 =	spop (v2sf);
	v4 =	vmul.f32 v14, v8  }
0x2f4: {  	v14 =	vld [tilespmem:s0+$0x32A0];
	s4 =	smin.f32 s4, $5.000000000e+00;
	s5 =	smax.f32 s20, $-5.000000000e+00;
	[tilespmem:s10+$0xFFFFFFA0] =	vst v9  }
0x2f5: {  	v9 =	vmov s4;
	s5 =	smin.f32 s5, $5.000000000e+00;
	[tilespmem:s10+$0xFFFFFFE0] =	vst v4  }
0x2f6: {  	v4 =	vmul.f32 $1.442695020e+00, v9;
	v9 =	vmov s5;
	[tilespmem:v7+s16+$0x0] =	vst.idx.msk $0x1, v10  }
0x2f7: {  	v7 =	vmul.f32 $1.442695020e+00, v9;
	[tilespmem:v15+s16+$0x0] =	vst.idx.msk $0x1, v8;
	v8 =	vshll.u32 v13, $0x10;
	v9 =	vshll.u32 v16, $0x10  }
0x2f8: {  	v8 =	vmul.f32 v9, v8;
	v9 =	vand.u32 $0xFFFF0000, v13;
	v13 =	vld [tilespmem:s2+$0xAC0]  }
0x2f9: {  	v10 =	vand.u32 $0xFFFF0000, v16;
	v4 =	vbroadcast v4, $0x0;
	v15, _, _ =	vpop (xrf2);
	v16 =	vshll.u32 v14, $0x10;
	v17 =	vld [tilespmem:s2+$0x1EC0]  }
0x2fa: {  	v7 =	vbroadcast v7, $0x0;
	v10 =	vmul.f32 v10, v9;
	(v2sf) =	vpush v15, $0xF  }
0x2fb: {  	v15, _, _ =	vpop (xrf2);
	v9 =	vmul.f32 v16, v8;
	v8 =	vand.u32 $0xFFFF0000, v14;
	(erf) = vpow2.f32 v4;
	v4 =	vld [tilespmem:s2+$0x32C0]  }
0x2fc: {  	(v2sf) =	vpush v15, $0xF;
	v10 =	vmul.f32 v8, v10  }
0x2fd: {  	(erf) = vpow2.f32 v7;
	(xrf2) =	vadd.scan.msk.f32 $0xffff, v9  }
0x2fe: {  	(xrf2) =	vadd.scan.msk.f32 $0xffff, v10;
	v7 =	vshll.u32 v13, $0x10;
	v8 =	vshll.u32 v17, $0x10  }
0x2ff: {  	v7 =	vmul.f32 v8, v7  }
0x300: {  	s6 =	simm.s32 $0x2;
	v8 =	vand.u32 $0xFFFF0000, v13;
	v13 =	vand.u32 $0xFFFF0000, v17;
	v14 =	vshll.u32 v4, $0x10  }
0x301: {  	v15 =	vmov s6;
	v13 =	vmul.f32 v13, v8;
	v8 =	vmul.f32 v14, v7  }
0x302: {  	v16 =	vld [tilespmem:s15+$0x46A0];
	v14 =	vmul.u32 $0x88, v15  }
0x303: {  	v4 =	vand.u32 $0xFFFF0000, v4;
	(xrf2) =	vadd.scan.msk.f32 $0xffff, v8  }
0x304: {  	v7 =	vmul.f32 v4, v13  }
0x305: {  	v4 =	vadd.s32 $0x80, v14;
	v13 =	vpop (erf)  }
0x306: {  	(xrf2) =	vadd.scan.msk.f32 $0xffff, v7;
	v4 =	vbroadcast v4, $0x0;
	v14 =	vpop (erf)  }
0x307: {  	s20 =	simm.s32 $0x51E0;
	v15 =	vshll.u32 v16, $0x10;
	v16 =	vand.u32 $0xFFFF0000, v16;
	v17, _, _ =	vpop (xrf2)  }
0x308: {  	[tilespmem:s20+$0xFFFFFFC0] =	vst v12;
	v12 =	vmul.f32 v15, v13;
	v15 =	vor.u32 $0x4, v4;
	(v2sf) =	vpush v17, $0xF;
	v17, _, _ =	vpop (xrf2)  }
0x309: {  	s28 =	simm.s32 $0x7B60;
	[tilespmem:s20+$0x0] =	vst v6;
	v6 =	vmul.f32 v16, v14;
	(v2sf) =	vpush v17, $0xF  }
0x30a: {  	[tilespmem:s28+$0xFFFFFF90] =	vst v12;
	s7 =	spop (v2sf)  }
0x30b: {  	[tilespmem:s28+$0xFFFFFFD0] =	vst v6;
	s4 =	smax.f32 s7, $-5.000000000e+00;
	s8 =	spop (v2sf)  }
0x30c: {  	[tilespmem:v4+s16+$0x0] =	vst.idx.msk $0x1, v13;
	s4 =	smin.f32 s4, $5.000000000e+00;
	s5 =	smax.f32 s8, $-5.000000000e+00  }
0x30d: {  	[tilespmem:v15+s16+$0x0] =	vst.idx.msk $0x1, v14;
	v6 =	vmov s4;
	s9 =	smin.f32 s5, $5.000000000e+00;
	v14, _, _ =	vpop (xrf2)  }
0x30e: {  	v12 =	vld [tilespmem:s15+$0xAB0];
	v6 =	vmul.f32 $1.442695020e+00, v6;
	v13 =	vmov s9;
	(v2sf) =	vpush v14, $0xF  }
0x30f: {  	v15 =	vld [tilespmem:s15+$0x1EB0];
	v13 =	vmul.f32 $1.442695020e+00, v13  }
0x310: {  	v14, _, _ =	vpop (xrf2);
	v6 =	vbroadcast v6, $0x0  }
0x311: {  	(v2sf) =	vpush v14, $0xF;
	v14 =	vld [tilespmem:s15+$0x32B0];
	v13 =	vbroadcast v13, $0x0  }
0x312: {  	(erf) = vpow2.f32 v6  }
0x313: {  	(erf) = vpow2.f32 v13  }
0x314: {  	v6 =	vshll.u32 v12, $0x10;
	v13 =	vshll.u32 v15, $0x10  }
0x315: {  	v12 =	vand.u32 $0xFFFF0000, v12;
	v6 =	vmul.f32 v13, v6;
	v13 =	vand.u32 $0xFFFF0000, v15  }
0x316: {  	v16 =	vshll.u32 v14, $0x10;
	v13 =	vmul.f32 v13, v12  }
0x317: {  	v15 =	vld [tilespmem:s3+$0x46B0];
	v12 =	vmul.f32 v16, v6;
	v6 =	vand.u32 $0xFFFF0000, v14;
	s11 =	spop (v2sf)  }
0x318: {  	s29 =	simm.s32 $0x100;
	v6 =	vmul.f32 v6, v13;
	s4 =	smax.f32 s11, $-5.000000000e+00;
	s12 =	spop (v2sf)  }
0x319: {  	v18 =	vld [tilespmem:s29+$0x1EA0];
	(xrf2) =	vadd.scan.msk.f32 $0xffff, v12;
	s4 =	smin.f32 s4, $5.000000000e+00;
	s5 =	smax.f32 s12, $-5.000000000e+00  }
0x31a: {  	v13 =	vld [tilespmem:s29+$0xAA0];
	(xrf2) =	vadd.scan.msk.f32 $0xffff, v6;
	v17 =	vmov s4;
	s13 =	smin.f32 s5, $5.000000000e+00  }
0x31b: {  	v14 =	vor.u32 $0x1, v3;
	v20 =	vpop (erf);
	v17 =	vmul.f32 $1.442695020e+00, v17;
	v21 =	vmov s13  }
0x31c: {  	[tilespmem:s22+$0xFFFFFFD0] =	vst v11;
	v16 =	vshll.u32 v15, $0x10;
	v15 =	vand.u32 $0xFFFF0000, v15;
	v11 =	vpop (erf);
	v21 =	vmul.f32 $1.442695020e+00, v21  }
0x31d: {  	v22 =	vld [tilespmem:s29+$0x32A0];
	v19 =	vor.u32 $0x5, v3;
	[tilespmem:s22+$0x10] =	vst v5;
	v5 =	vmul.f32 v15, v11;
	v15 =	vbroadcast v17, $0x0;
	s5 =	spop (v2sf)  }
0x31e: {  	v16 =	vmul.f32 v16, v20;
	v17 =	vbroadcast v21, $0x0;
	s4 =	smax.f32 s5, $-5.000000000e+00  }
0x31f: {  	[tilespmem:s1+$0xFFFFFFE0] =	vst v5;
	v5 =	vshll.u32 v13, $0x10;
	(erf) = vpow2.f32 v15;
	v15 =	vshll.u32 v18, $0x10;
	s4 =	smin.f32 s4, $5.000000000e+00  }
0x320: {  	s17 =	simm.s32 $0x3;
	[tilespmem:s1+$0xFFFFFFA0] =	vst v16;
	s6 =	spop (v2sf);
	(erf) = vpow2.f32 v17;
	v17 =	vand.u32 $0xFFFF0000, v18;
	v18 =	vmov s4  }
0x321: {  	v16 =	vmov s17;
	[tilespmem:v14+s16+$0x0] =	vst.idx.msk $0x1, v20;
	s5 =	smax.f32 s6, $-5.000000000e+00;
	v5 =	vmul.f32 v15, v5  }
0x322: {  	v13 =	vand.u32 $0xFFFF0000, v13;
	v16 =	vmul.u32 $0x88, v16;
	v14 =	vshll.u32 v22, $0x10;
	[tilespmem:v19+s16+$0x0] =	vst.idx.msk $0x1, v11;
	v15 =	vld [tilespmem:s0+$0x46A0];
	s7 =	smin.f32 s5, $5.000000000e+00  }
0x323: {  	v19 =	vld [tilespmem:s3+$0xAC0];
	v11 =	vmul.f32 v14, v5;
	v5 =	vmul.f32 $1.442695020e+00, v18;
	v14 =	vmov s7;
	v18, _, _ =	vpop (xrf2)  }
0x324: {  	v20 =	vld [tilespmem:s3+$0x1EC0];
	v13 =	vmul.f32 v17, v13;
	v14 =	vmul.f32 $1.442695020e+00, v14;
	(v2sf) =	vpush v18, $0xF;
	v17, _, _ =	vpop (xrf2)  }
0x325: {  	v18 =	vand.u32 $0xFFFF0000, v22;
	v5 =	vbroadcast v5, $0x0;
	(v2sf) =	vpush v17, $0xF  }
0x326: {  	(xrf2) =	vadd.scan.msk.f32 $0xffff, v11;
	v17 =	vmul.f32 v18, v13;
	v13 =	vbroadcast v14, $0x0;
	v14 =	vadd.s32 $0x80, v16  }
0x327: {  	s5 =	simm.s32 $0x5260;
	v18 =	vld [tilespmem:s3+$0x32C0];
	(erf) = vpow2.f32 v5;
	v5 =	vbroadcast v14, $0x0  }
0x328: {  	[tilespmem:s5+$0xFFFFFFC0] =	vst v9;
	v14 =	vshll.u32 v15, $0x10;
	(erf) = vpow2.f32 v13;
	v13 =	vand.u32 $0xFFFF0000, v15;
	v15 =	vpop (erf)  }
0x329: {  	[tilespmem:s5+$0x0] =	vst v10;
	v16 =	vshll.u32 v19, $0x10;
	v21 =	vshll.u32 v20, $0x10;
	v9 =	vmul.f32 v14, v15;
	v22 =	vpop (erf)  }
0x32a: {  	(xrf2) =	vadd.scan.msk.f32 $0xffff, v17;
	v10 =	vmul.f32 v13, v22;
	v13 =	vand.u32 $0xFFFF0000, v19;
	v19 =	vand.u32 $0xFFFF0000, v20;
	v20 =	vld [tilespmem:s2+$0x46C0]  }
0x32b: {  	s12 =	simm.s32 $0x7BE8;
	v16 =	vmul.f32 v21, v16;
	v14 =	vor.u32 $0x4, v5  }
0x32c: {  	v21 =	vshll.u32 v18, $0x10;
	[tilespmem:s12+$0xFFFFFF90] =	vst v9;
	v9 =	vmul.f32 v19, v13  }
0x32d: {  	v16 =	vmul.f32 v21, v16  }
0x32e: {  	[tilespmem:s12+$0xFFFFFFD0] =	vst v10;
	v10 =	vand.u32 $0xFFFF0000, v18  }
0x32f: {  	[tilespmem:v5+s16+$0x0] =	vst.idx.msk $0x1, v15;
	v13 =	vmul.f32 v10, v9;
	(xrf2) =	vadd.scan.msk.f32 $0xffff, v16;
	v15 =	vshll.u32 v20, $0x10  }
0x330: {  	[tilespmem:v14+s16+$0x0] =	vst.idx.msk $0x1, v22;
	v9, _, _ =	vpop (xrf2)  }
0x331: {  	v14 =	vld [tilespmem:s0+$0xAB0];
	(xrf2) =	vadd.scan.msk.f32 $0xffff, v13;
	v18 =	vpop (erf);
	(v2sf) =	vpush v9, $0xF  }
0x332: {  	[tilespmem:s14+$0xFFFFFFE0] =	vst v8;
	v10 =	vor.u32 $0x2, v2;
	v21 =	vld [tilespmem:s0+$0x1EB0];
	v20 =	vand.u32 $0xFFFF0000, v20;
	v8 =	vmul.f32 v15, v18;
	v15 =	vpop (erf)  }
0x333: {  	[tilespmem:s14+$0x20] =	vst v7;
	v19 =	vor.u32 $0x6, v2;
	v7 =	vmul.f32 v20, v15;
	v20 =	vld [tilespmem:s0+$0x32B0]  }
0x334: {  	v9, _, _ =	vpop (xrf2)  }
0x335: {  	(v2sf) =	vpush v9, $0xF;
	[tilespmem:s10+$0xFFFFFFB0] =	vst v8;
	s8 =	spop (v2sf)  }
0x336: {  	s4 =	smax.f32 s8, $-5.000000000e+00;
	s9 =	spop (v2sf);
	[tilespmem:s10+$0xFFFFFFF0] =	vst v7  }
0x337: {  	v8 =	vshll.u32 v21, $0x10;
	s4 =	smin.f32 s4, $5.000000000e+00;
	s6 =	smax.f32 s9, $-5.000000000e+00;
	v7 =	vshll.u32 v14, $0x10;
	[tilespmem:v10+s16+$0x0] =	vst.idx.msk $0x1, v18  }
0x338: {  	v9 =	vmov s4;
	s11 =	smin.f32 s6, $5.000000000e+00;
	v7 =	vmul.f32 v8, v7;
	[tilespmem:v19+s16+$0x0] =	vst.idx.msk $0x1, v15;
	v15 =	vshll.u32 v20, $0x10  }
0x339: {  	v9 =	vmul.f32 $1.442695020e+00, v9;
	v10 =	vmov s11;
	v22, _, _ =	vpop (xrf2);
	v8 =	vld [tilespmem:s2+$0xAD0]  }
0x33a: {  	v18 =	vld [tilespmem:s2+$0x1ED0];
	v19 =	vmul.f32 $1.442695020e+00, v10;
	(v2sf) =	vpush v22, $0xF;
	v10 =	vmul.f32 v15, v7  }
0x33b: {  	v7 =	vand.u32 $0xFFFF0000, v14;
	v14 =	vand.u32 $0xFFFF0000, v21;
	v15, _, _ =	vpop (xrf2)  }
0x33c: {  	v21 =	vld [tilespmem:s2+$0x32D0];
	v7 =	vmul.f32 v14, v7;
	v14 =	vbroadcast v9, $0x0;
	(xrf2) =	vadd.scan.msk.f32 $0xffff, v10;
	(v2sf) =	vpush v15, $0xF  }
0x33d: {  	v9 =	vand.u32 $0xFFFF0000, v20;
	v15 =	vbroadcast v19, $0x0  }
0x33e: {  	v9 =	vmul.f32 v9, v7;
	(erf) = vpow2.f32 v14  }
0x33f: {  	v7 =	vshll.u32 v8, $0x10;
	v19 =	vshll.u32 v18, $0x10;
	(erf) = vpow2.f32 v15  }
0x340: {  	v8 =	vand.u32 $0xFFFF0000, v8;
	v7 =	vmul.f32 v19, v7;
	(xrf2) =	vadd.scan.msk.f32 $0xffff, v9;
	v15 =	vand.u32 $0xFFFF0000, v18;
	s13 =	spop (v2sf)  }
0x341: {  	v14 =	vshll.u32 v21, $0x10;
	v8 =	vmul.f32 v15, v8;
	s4 =	smax.f32 s13, $-5.000000000e+00  }
0x342: {  	v15 =	vand.u32 $0xFFFF0000, v21;
	v7 =	vmul.f32 v14, v7;
	v14 =	vld [tilespmem:s15+$0x46B0];
	s4 =	smin.f32 s4, $5.000000000e+00  }
0x343: {  	v8 =	vmul.f32 v15, v8;
	v15 =	vmov s4  }
0x344: {  	s11 =	simm.s32 $0x140;
	s17 =	spop (v2sf);
	v15 =	vmul.f32 $1.442695020e+00, v15  }
0x345: {  	v23 =	vld [tilespmem:s11+$0x1EA0];
	s6 =	smax.f32 s17, $-5.000000000e+00  }
0x346: {  	v24 =	vor.u32 $0x5, v4;
	v18 =	vld [tilespmem:s11+$0xAA0];
	s7 =	smin.f32 s6, $5.000000000e+00;
	v20, _, _ =	vpop (xrf2);
	v15 =	vbroadcast v15, $0x0  }
0x347: {  	v21 =	vor.u32 $0x1, v4;
	[tilespmem:s20+$0xFFFFFFD0] =	vst v12;
	v19 =	vmov s7;
	v22 =	vshll.u32 v14, $0x10;
	v25 =	vpop (erf)  }
0x348: {  	(xrf2) =	vadd.scan.msk.f32 $0xffff, v7;
	s4 =	simm.s32 $0x4;
	v19 =	vmul.f32 $1.442695020e+00, v19;
	v14 =	vand.u32 $0xFFFF0000, v14;
	(v2sf) =	vpush v20, $0xF;
	v12 =	vpop (erf)  }
0x349: {  	[tilespmem:s20+$0x10] =	vst v6;
	v20 =	vmul.f32 v22, v25;
	s8 =	spop (v2sf);
	v6 =	vmul.f32 v14, v12;
	v14 =	vmov s4  }
0x34a: {  	v19 =	vbroadcast v19, $0x0;
	(erf) = vpow2.f32 v15;
	s6 =	smax.f32 s8, $-5.000000000e+00;
	v15, _, _ =	vpop (xrf2);
	v14 =	vmul.u32 $0x88, v14  }
0x34b: {  	s6 =	smin.f32 s6, $5.000000000e+00;
	(v2sf) =	vpush v15, $0xF;
	[tilespmem:s28+$0xFFFFFFE0] =	vst v6;
	v6 =	vshll.u32 v18, $0x10;
	v15 =	vshll.u32 v23, $0x10;
	s9 =	spop (v2sf)  }
0x34c: {  	(xrf2) =	vadd.scan.msk.f32 $0xffff, v8;
	v15 =	vmul.f32 v15, v6;
	v6 =	vmov s6;
	s7 =	smax.f32 s9, $-5.000000000e+00  }
0x34d: {  	[tilespmem:s28+$0xFFFFFFA0] =	vst v20;
	(erf) = vpow2.f32 v19;
	v14 =	vadd.s32 $0x80, v14;
	v20 =	vmul.f32 $1.442695020e+00, v6;
	s13 =	smin.f32 s7, $5.000000000e+00  }
0x34e: {  	v22 =	vld [tilespmem:s11+$0x32A0];
	[tilespmem:v21+s16+$0x0] =	vst.idx.msk $0x1, v25;
	v6 =	vbroadcast v14, $0x0;
	v21 =	vmov s13  }
0x34f: {  	[tilespmem:v24+s16+$0x0] =	vst.idx.msk $0x1, v12;
	v12 =	vld [tilespmem:s29+$0x46A0];
	v20 =	vbroadcast v20, $0x0;
	v14 =	vmul.f32 $1.442695020e+00, v21  }
0x350: {  	v18 =	vand.u32 $0xFFFF0000, v18;
	v21 =	vand.u32 $0xFFFF0000, v23  }
0x351: {  	v18 =	vmul.f32 v21, v18;
	v21 =	vbroadcast v14, $0x0  }
0x352: {  	v19, _, _ =	vpop (xrf2);
	v24 =	vld [tilespmem:s15+$0xAC0];
	(erf) = vpow2.f32 v20  }
0x353: {  	(v2sf) =	vpush v19, $0xF;
	v23 =	vld [tilespmem:s15+$0x1EC0];
	v14 =	vand.u32 $0xFFFF0000, v22;
	v20 =	vpop (erf);
	(erf) = vpow2.f32 v21  }
0x354: {  	s6 =	simm.s32 $0x52E0;
	v19 =	vshll.u32 v22, $0x10;
	v14 =	vmul.f32 v14, v18;
	v18 =	vshll.u32 v12, $0x10  }
0x355: {  	[tilespmem:s6+$0xFFFFFFC0] =	vst v11;
	v15 =	vmul.f32 v19, v15;
	v19 =	vld [tilespmem:s15+$0x32C0];
	v11 =	vmul.f32 v18, v20  }
0x356: {  	[tilespmem:s6+$0x0] =	vst v17;
	s7 =	simm.s32 $0x7C70;
	v12 =	vand.u32 $0xFFFF0000, v12;
	v18 =	vor.u32 $0x4, v6;
	v21 =	vpop (erf)  }
0x357: {  	v25, _, _ =	vpop (xrf2);
	(xrf2) =	vadd.scan.msk.f32 $0xffff, v15;
	[tilespmem:s7+$0xFFFFFF90] =	vst v11;
	v11 =	vld [tilespmem:s3+$0x46C0];
	v12 =	vmul.f32 v12, v21  }
0x358: {  	(v2sf) =	vpush v25, $0xF;
	v22 =	vshll.u32 v24, $0x10;
	v25 =	vshll.u32 v23, $0x10  }
0x359: {  	v17 =	vmul.f32 v25, v22;
	[tilespmem:s7+$0xFFFFFFD0] =	vst v12  }
0x35a: {  	(xrf2) =	vadd.scan.msk.f32 $0xffff, v14;
	v22 =	vshll.u32 v19, $0x10;
	[tilespmem:v6+s16+$0x0] =	vst.idx.msk $0x1, v20  }
0x35b: {  	v12 =	vmul.f32 v22, v17;
	v17 =	vand.u32 $0xFFFF0000, v24;
	[tilespmem:v18+s16+$0x0] =	vst.idx.msk $0x1, v21;
	v18 =	vand.u32 $0xFFFF0000, v23;
	v23 =	vpop (erf)  }
0x35c: {  	v18 =	vmul.f32 v18, v17;
	v17 =	vshll.u32 v11, $0x10;
	v11 =	vand.u32 $0xFFFF0000, v11;
	v26 =	vpop (erf)  }
0x35d: {  	v11 =	vmul.f32 v11, v26  }
0x35e: {  	s17 =	spop (v2sf)  }
0x35f: {  	[tilespmem:s22+$0x20] =	vst v13;
	v13 =	vand.u32 $0xFFFF0000, v19;
	s8 =	smax.f32 s17, $-5.000000000e+00  }
0x360: {  	[tilespmem:s22+$0xFFFFFFE0] =	vst v16;
	s8 =	smin.f32 s8, $5.000000000e+00;
	s9 =	spop (v2sf);
	v13 =	vmul.f32 v13, v18  }
0x361: {  	v20 =	vmov s8;
	(xrf2) =	vadd.scan.msk.f32 $0xffff, v12;
	s8 =	smax.f32 s9, $-5.000000000e+00;
	v21 =	vld [tilespmem:s29+$0xAB0];
	[tilespmem:s1+$0xFFFFFFF0] =	vst v11;
	v11, _, _ =	vpop (xrf2)  }
0x362: {  	v25 =	vor.u32 $0x6, v3;
	v22 =	vor.u32 $0x2, v3;
	v24 =	vld [tilespmem:s29+$0x1EB0];
	s8 =	smin.f32 s8, $5.000000000e+00;
	(xrf2) =	vadd.scan.msk.f32 $0xffff, v13;
	(v2sf) =	vpush v11, $0xF  }
0x363: {  	v20 =	vmul.f32 $1.442695020e+00, v20;
	v16 =	vmul.f32 v17, v23;
	v27 =	vmov s8  }
0x364: {  	v17 =	vld [tilespmem:s29+$0x32B0];
	v19 =	vmul.f32 $1.442695020e+00, v27;
	v11, _, _ =	vpop (xrf2)  }
0x365: {  	s13 =	spop (v2sf);
	[tilespmem:s1+$0xFFFFFFB0] =	vst v16;
	v16 =	vbroadcast v20, $0x0;
	(v2sf) =	vpush v11, $0xF  }
0x366: {  	s8 =	smax.f32 s13, $-5.000000000e+00;
	v19 =	vbroadcast v19, $0x0  }
0x367: {  	s17 =	spop (v2sf);
	s8 =	smin.f32 s8, $5.000000000e+00;
	v18 =	vshll.u32 v21, $0x10;
	v20 =	vshll.u32 v24, $0x10;
	[tilespmem:v22+s16+$0x0] =	vst.idx.msk $0x1, v23;
	(erf) = vpow2.f32 v16  }
0x368: {  	v22 =	vmov s8;
	s8 =	smax.f32 s17, $-5.000000000e+00;
	v16 =	vmul.f32 v20, v18;
	[tilespmem:v25+s16+$0x0] =	vst.idx.msk $0x1, v26  }
0x369: {  	(erf) = vpow2.f32 v19;
	s8 =	smin.f32 s8, $5.000000000e+00;
	v18 =	vld [tilespmem:s3+$0xAD0];
	v11 =	vshll.u32 v17, $0x10  }
0x36a: {  	v23 =	vmul.f32 $1.442695020e+00, v22;
	v19 =	vld [tilespmem:s3+$0x1ED0];
	v25 =	vmov s8;
	v16 =	vmul.f32 v11, v16  }
0x36b: {  	v21 =	vand.u32 $0xFFFF0000, v21;
	v22 =	vand.u32 $0xFFFF0000, v24;
	s8 =	simm.s32 $0x600;
	v24 =	vmul.f32 $1.442695020e+00, v25;
	v20, _, _ =	vpop (xrf2);
	v11 =	vld [tilespmem:s0+$0x46B0]  }
.LBB2_7:
0x36c: {  	p0 =	sne.s32 s8, $0x2700;
	v21 =	vmul.f32 v22, v21;
	(xrf2) =	vadd.scan.msk.f32 $0xffff, v16;
	(v2sf) =	vpush v20, $0xF;
	v20, _, _ =	vpop (xrf2);
	v22 =	vld [tilespmem:s3+$0x32D0];
	v23 =	vbroadcast v23, $0x0  }
0x36d: {  	v17 =	vand.u32 $0xFFFF0000, v17;
	(v2sf) =	vpush v20, $0xF;
	v20 =	vbroadcast v24, $0x0  }
0x36e: {  	v17 =	vmul.f32 v17, v21;
	v21 =	vor.u32 $0x1, v5;
	(erf) = vpow2.f32 v23  }
0x36f: {  	v23 =	vshll.u32 v18, $0x10;
	v24 =	vshll.u32 v19, $0x10;
	(erf) = vpow2.f32 v20  }
0x370: {  	v25 =	vor.u32 $0x5, v5;
	v20 =	vshll.u32 v11, $0x10;
	v26 =	vpop (erf);
	v23 =	vmul.f32 v24, v23  }
0x371: {  	v11 =	vand.u32 $0xFFFF0000, v11;
	s9 =	spop (v2sf);
	(xrf2) =	vadd.scan.msk.f32 $0xffff, v17;
	v20 =	vmul.f32 v20, v26;
	v24 =	vshll.u32 v22, $0x10  }
0x372: {  	v28 =	vand.u32 $0xFFFF0000, v18;
	v18 =	vand.u32 $0xFFFF0000, v19;
	[tilespmem:s5+$0xFFFFFFD0] =	vst v10;
	v27 =	vpop (erf);
	v19 =	vmul.f32 v24, v23;
	v23 =	vld [tilespmem:s2+$0x46D0];
	s2 =	smov.u32 s3;
	s3 =	smov.u32 s15;
	s15 =	smov.u32 s0  }
0x373: {  	v18 =	vmul.f32 v18, v28;
	s9 =	smax.f32 s9, $-5.000000000e+00;
	v10 =	vmovc v16;
	s0 =	smov.u32 s29;
	s29 =	smov.u32 s11;
	[tilespmem:s5+$0x10] =	vst v9;
	v11 =	vmul.f32 v11, v27;
	v9 =	vmov v17  }
0x374: {  	s4 =	sadd.s32 $0x1, s4;
	v16 =	vand.u32 $0xFFFF0000, v22;
	s9 =	smin.f32 s9, $5.000000000e+00;
	s13 =	spop (v2sf);
	[tilespmem:s12+$0xFFFFFFA0] =	vst v20;
	(xrf2) =	vadd.scan.msk.f32 $0xffff, v19  }
0x375: {  	s11 =	sshra.s32 s8, $0x2;
	v17 =	vmov s4;
	v22 =	vmov s9;
	s9 =	smax.f32 s13, $-5.000000000e+00;
	[tilespmem:s12+$0xFFFFFFE0] =	vst v11;
	v11 =	vmul.f32 v16, v18  }
0x376: {  	v18 =	vmul.f32 $1.442695020e+00, v22;
	v22 =	vor.u32 $0x7, v2;
	v16 =	vld [tilespmem:s11+$0xAA0];
	s9 =	smin.f32 s9, $5.000000000e+00;
	v20, _, _ =	vpop (xrf2);
	[tilespmem:v21+s16+$0x0] =	vst.idx.msk $0x1, v26;
	v21 =	vor.u32 $0x3, v2  }
0x377: {  	v24 =	vld [tilespmem:s11+$0x1EA0];
	v2 =	vmov s9;
	[tilespmem:v25+s16+$0x0] =	vst.idx.msk $0x1, v27;
	(xrf2) =	vadd.scan.msk.f32 $0xffff, v11;
	v25 =	vshll.u32 v23, $0x10;
	v26 =	vpop (erf)  }
0x378: {  	v23 =	vand.u32 $0xFFFF0000, v23;
	v27 =	vld [tilespmem:s11+$0x32A0];
	v29 =	vmul.f32 $1.442695020e+00, v2;
	[tilespmem:s14+$0xFFFFFFF0] =	vst v7;
	v25 =	vmul.f32 v25, v26;
	v28 =	vpop (erf)  }
0x379: {  	v17 =	vmul.u32 $0x88, v17;
	v18 =	vbroadcast v18, $0x0;
	v7 =	vmovc v19;
	[tilespmem:s14+$0x30] =	vst v8;
	v23 =	vmul.f32 v23, v28;
	v8 =	vmovc v11;
	s14 =	smov.u32 s22;
	s22 =	smov.u32 s20;
	s20 =	smov.u32 s5  }
0x37a: {  	s5 =	smov.u32 s6;
	v11 =	vbroadcast v29, $0x0;
	(v2sf) =	vpush v20, $0xF;
	[tilespmem:s10+$0xFFFFFFC0] =	vst v25;
	v2 =	vmovc v3;
	v3 =	vmovc v4;
	v4 =	vmov v5  }
0x37b: {  	v17 =	vadd.s32 $0x80, v17;
	v19 =	vshll.u32 v16, $0x10;
	(erf) = vpow2.f32 v18;
	v5, _, _ =	vpop (xrf2);
	s9 =	spop (v2sf);
	[tilespmem:s10+$0x0] =	vst v23;
	s10 =	smov.u32 s1;
	s1 =	smov.u32 s28  }
0x37c: {  	s28 =	smov.u32 s12;
	v18 =	vshll.u32 v24, $0x10;
	(erf) = vpow2.f32 v11;
	(v2sf) =	vpush v5, $0xF;
	s9 =	smax.f32 s9, $-5.000000000e+00;
	s13 =	spop (v2sf);
	[tilespmem:v21+s16+$0x0] =	vst.idx.msk $0x1, v26;
	v5 =	vmovc v6  }
0x37d: {  	s12 =	smov.u32 s7;
	v6 =	vbroadcast v17, $0x0;
	v11 =	vshll.u32 v27, $0x10;
	v18 =	vmul.f32 v18, v19;
	v19 =	vld [tilespmem:s29+$0x46A0];
	s9 =	smin.f32 s9, $5.000000000e+00;
	s13 =	smax.f32 s13, $-5.000000000e+00;
	[tilespmem:v22+s16+$0x0] =	vst.idx.msk $0x1, v28  }
0x37e: {  	v16 =	vand.u32 $0xFFFF0000, v16;
	v17 =	vand.u32 $0xFFFF0000, v24;
	v20 =	vld [tilespmem:s15+$0xAC0];
	v21 =	vmov s9;
	s9 =	smin.f32 s13, $5.000000000e+00;
	v22, _, _ =	vpop (xrf2)  }
0x37f: {  	v11 =	vmul.f32 v11, v18;
	v18 =	vld [tilespmem:s15+$0x1EC0];
	v21 =	vmul.f32 $1.442695020e+00, v21;
	v23 =	vmov s9  }
0x380: {  	v16 =	vmul.f32 v17, v16;
	v17 =	vmul.f32 $1.442695020e+00, v23  }
0x381: {  	v23 =	vand.u32 $0xFFFF0000, v27;
	(xrf2) =	vadd.scan.msk.f32 $0xffff, v11;
	v24 =	vld [tilespmem:s15+$0x32C0];
	v25 =	vbroadcast v21, $0x0;
	(v2sf) =	vpush v22, $0xF;
	v22, _, _ =	vpop (xrf2)  }
0x382: {  	v16 =	vmul.f32 v23, v16;
	v17 =	vbroadcast v17, $0x0;
	(v2sf) =	vpush v22, $0xF  }
0x383: {  	v22 =	vshll.u32 v19, $0x10;
	v19 =	vand.u32 $0xFFFF0000, v19;
	(erf) = vpow2.f32 v25  }
0x384: {  	s6 =	sadd.s32 $0x80, s6;
	v23 =	vshll.u32 v20, $0x10;
	(xrf2) =	vadd.scan.msk.f32 $0xffff, v16;
	v21 =	vpop (erf);
	v25 =	vshll.u32 v18, $0x10;
	(erf) = vpow2.f32 v17  }
0x385: {  	[tilespmem:s6+$0xFFFFFFC0] =	vst v15;
	v17 =	vmul.f32 v22, v21;
	v22 =	vor.u32 $0x4, v6;
	v26 =	vpop (erf);
	v23 =	vmul.f32 v25, v23  }
0x386: {  	s7 =	sadd.s32 $0x88, s7;
	v15 =	vmovc v11;
	[tilespmem:s6+$0x0] =	vst v14;
	v19 =	vmul.f32 v19, v26;
	v25 =	vshll.u32 v24, $0x10;
	v14 =	vmov v16  }
0x387: {  	v11 =	vand.u32 $0xFFFF0000, v20;
	v16 =	vand.u32 $0xFFFF0000, v18;
	[tilespmem:s7+$0xFFFFFF90] =	vst v17;
	v18 =	vmul.f32 v25, v23;
	v17 =	vld [tilespmem:s3+$0x46C0]  }
0x388: {  	v11 =	vmul.f32 v16, v11;
	[tilespmem:s7+$0xFFFFFFD0] =	vst v19  }
0x389: {  	v19 =	vand.u32 $0xFFFF0000, v24;
	[tilespmem:v6+s16+$0x0] =	vst.idx.msk $0x1, v21;
	s9 =	spop (v2sf);
	(xrf2) =	vadd.scan.msk.f32 $0xffff, v18  }
0x38a: {  	v11 =	vmul.f32 v19, v11;
	[tilespmem:v22+s16+$0x0] =	vst.idx.msk $0x1, v26;
	s9 =	smax.f32 s9, $-5.000000000e+00  }
0x38b: {  	v20 =	vor.u32 $0x6, v3;
	v19 =	vor.u32 $0x2, v3;
	v16, _, _ =	vpop (xrf2);
	v21 =	vld [tilespmem:s29+$0xAB0];
	s9 =	smin.f32 s9, $5.000000000e+00;
	s13 =	spop (v2sf)  }
0x38c: {  	(v2sf) =	vpush v16, $0xF;
	v22 =	vld [tilespmem:s29+$0x1EB0];
	v16 =	vmov s9;
	s9 =	smax.f32 s13, $-5.000000000e+00;
	(xrf2) =	vadd.scan.msk.f32 $0xffff, v11;
	v23 =	vshll.u32 v17, $0x10;
	v24 =	vpop (erf)  }
0x38d: {  	v25 =	vand.u32 $0xFFFF0000, v17;
	v16 =	vmul.f32 $1.442695020e+00, v16;
	s9 =	smin.f32 s9, $5.000000000e+00;
	[tilespmem:s22+$0xFFFFFFE0] =	vst v12;
	v23 =	vmul.f32 v23, v24;
	v26 =	vpop (erf)  }
0x38e: {  	v12 =	vmov v18;
	v27, _, _ =	vpop (xrf2);
	v17 =	vld [tilespmem:s29+$0x32B0];
	v28 =	vmov s9;
	[tilespmem:s22+$0x20] =	vst v13;
	v25 =	vmul.f32 v25, v26  }
0x38f: {  	v13 =	vmovc v11;
	(v2sf) =	vpush v27, $0xF;
	v16 =	vbroadcast v16, $0x0;
	v18 =	vmul.f32 $1.442695020e+00, v28;
	[tilespmem:s1+$0xFFFFFFB0] =	vst v23  }
0x390: {  	s9 =	spop (v2sf)  }
0x391: {  	v11 =	vshll.u32 v21, $0x10;
	[tilespmem:s1+$0xFFFFFFF0] =	vst v25;
	s9 =	smax.f32 s9, $-5.000000000e+00  }
.Ltmp2:
0x392: {  	v23 =	vshll.u32 v22, $0x10;
	v18 =	vbroadcast v18, $0x0;
	(erf) = vpow2.f32 v16;
	[tilespmem:v19+s16+$0x0] =	vst.idx.msk $0x1, v24;
	s13 =	spop (v2sf);
	(pc) =	sbr.rel @p0 .LBB2_7-.Ltmp2, $4  }
0x393: {  	v11 =	vmul.f32 v23, v11;
	[tilespmem:v20+s16+$0x0] =	vst.idx.msk $0x1, v26;
	s9 =	smin.f32 s9, $5.000000000e+00;
	s13 =	smax.f32 s13, $-5.000000000e+00  }
0x394: {  	v16 =	vshll.u32 v17, $0x10;
	(erf) = vpow2.f32 v18;
	v20, _, _ =	vpop (xrf2);
	v18 =	vld [tilespmem:s3+$0xAD0];
	v23 =	vmov s9;
	s9 =	smin.f32 s13, $5.000000000e+00  }
0x395: {  	v16 =	vmul.f32 v16, v11;
	v19 =	vld [tilespmem:s3+$0x1ED0];
	v23 =	vmul.f32 $1.442695020e+00, v23;
	v24 =	vmov s9  }
0x396: {  	s8 =	sadd.s32 $0x100, s8;
	v21 =	vand.u32 $0xFFFF0000, v21;
	v22 =	vand.u32 $0xFFFF0000, v22;
	v11 =	vld [tilespmem:s0+$0x46B0];
	v24 =	vmul.f32 $1.442695020e+00, v24  }
0x397: {  	_ =	sdelay $0x5  }
0x398: {  	s8 =	spop (v2sf)  }
0x399: {  	s8 =	smax.f32 s8, $-5.000000000e+00;
	s9 =	spop (v2sf)  }
0x39a: {  	s8 =	smin.f32 s8, $5.000000000e+00;
	s9 =	smax.f32 s9, $-5.000000000e+00  }
0x39b: {  	v25 =	vmov s8;
	s13 =	smin.f32 s9, $5.000000000e+00  }
0x39c: {  	v23 =	vbroadcast v23, $0x0;
	v25 =	vmul.f32 $1.442695020e+00, v25;
	v26 =	vmov s13  }
0x39d: {  	v24 =	vbroadcast v24, $0x0;
	v26 =	vmul.f32 $1.442695020e+00, v26  }
0x39e: {  	(erf) = vpow2.f32 v23;
	v56 =	vbroadcast v25, $0x0  }
0x39f: {  	(erf) = vpow2.f32 v24;
	v57 =	vbroadcast v26, $0x0  }
0x3a0: {  	(erf) = vpow2.f32 v56  }
0x3a1: {  	(erf) = vpow2.f32 v57;
	_ =	sdelay $0x1  }
0x3a2: {  	s4 =	sadd.s32 $0x1, s4  }
0x3a3: {  	v58 =	vor.u32 $0x1, v5;
	v60 =	vor.u32 $0x5, v5;
	[tilespmem:s5+$0xFFFFFFD0] =	vst v10;
	v28 =	vld [tilespmem:s11+$0x46A0];
	v49, _, _ =	vpop (xrf2);
	v63 =	vmov s4  }
0x3a4: {  	[tilespmem:s5+$0x10] =	vst v9;
	v21 =	vmul.f32 v22, v21;
	s4 =	sadd.s32 $0x80, s6;
	v32 =	vmul.u32 $0x88, v63;
	v59 =	vshll.u32 v11, $0x10;
	v61 =	vpop (erf)  }
0x3a5: {  	v17 =	vand.u32 $0xFFFF0000, v17;
	[tilespmem:s4+$0xFFFFFFC0] =	vst v15;
	v62 =	vand.u32 $0xFFFF0000, v11;
	v24 =	vmul.f32 v59, v61;
	v27 =	vpop (erf)  }
0x3a6: {  	[tilespmem:s4+$0x0] =	vst v14;
	v44 =	vshll.u32 v19, $0x10;
	v33 =	vadd.s32 $0x80, v32;
	v31 =	vmul.f32 v62, v27;
	v10 =	vpop (erf)  }
0x3a7: {  	v47 =	vand.u32 $0xFFFF0000, v19;
	v19 =	vmul.f32 v17, v21;
	v9 =	vbroadcast v33, $0x0;
	[tilespmem:s12+$0xFFFFFFA0] =	vst v24;
	v11 =	vpop (erf)  }
0x3a8: {  	(xrf2) =	vadd.scan.msk.f32 $0xffff, v16;
	v35 =	vshll.u32 v28, $0x10;
	v37 =	vand.u32 $0xFFFF0000, v28;
	[tilespmem:s12+$0xFFFFFFE0] =	vst v31;
	v36 =	vpop (erf)  }
0x3a9: {  	v34 =	vld [tilespmem:s3+$0x32D0];
	(xrf2) =	vadd.scan.msk.f32 $0xffff, v19;
	v39 =	vor.u32 $0x4, v9;
	[tilespmem:v58+s16+$0x0] =	vst.idx.msk $0x1, v61;
	v38 =	vmul.f32 v35, v36;
	v40 =	vpop (erf)  }
0x3aa: {  	s8 =	sadd.s32 $0x88, s7;
	[tilespmem:v60+s16+$0x0] =	vst.idx.msk $0x1, v27;
	v42 =	vmul.f32 v37, v40  }
0x3ab: {  	v25 =	vld [tilespmem:s0+$0xAC0];
	[tilespmem:s8+$0xFFFFFF90] =	vst v38  }
0x3ac: {  	v43 =	vshll.u32 v18, $0x10;
	v41 =	vld [tilespmem:s0+$0x1EC0];
	[tilespmem:s8+$0xFFFFFFD0] =	vst v42  }
0x3ad: {  	v45 =	vmul.f32 v44, v43;
	[tilespmem:v9+s16+$0x0] =	vst.idx.msk $0x1, v36  }
0x3ae: {  	v46 =	vand.u32 $0xFFFF0000, v18;
	v50 =	vshll.u32 v34, $0x10;
	v48 =	vld [tilespmem:s0+$0x32C0];
	[tilespmem:v39+s16+$0x0] =	vst.idx.msk $0x1, v40  }
0x3af: {  	(v2sf) =	vpush v20, $0xF;
	v18 =	vmul.f32 v47, v46;
	v15 =	vmul.f32 v50, v45;
	v54 =	vld [tilespmem:s11+$0xAB0]  }
0x3b0: {  	(v2sf) =	vpush v49, $0xF;
	v51 =	vand.u32 $0xFFFF0000, v34;
	v23 =	vld [tilespmem:s11+$0x1EB0]  }
0x3b1: {  	v14 =	vmul.f32 v51, v18;
	(xrf2) =	vadd.scan.msk.f32 $0xffff, v15;
	v52 =	vshll.u32 v25, $0x10;
	v53 =	vshll.u32 v41, $0x10  }
0x3b2: {  	v63, _, _ =	vpop (xrf2);
	v55 =	vand.u32 $0xFFFF0000, v25;
	v20 =	vand.u32 $0xFFFF0000, v41;
	v17 =	vmul.f32 v53, v52;
	v24 =	vld [tilespmem:s11+$0x32B0]  }
0x3b3: {  	(xrf2) =	vadd.scan.msk.f32 $0xffff, v14;
	(v2sf) =	vpush v63, $0xF;
	v29, _, _ =	vpop (xrf2);
	v56 =	vshll.u32 v48, $0x10;
	v18 =	vmul.f32 v20, v55  }
0x3b4: {  	(v2sf) =	vpush v29, $0xF;
	v57 =	vand.u32 $0xFFFF0000, v48;
	v21 =	vmul.f32 v56, v17  }
0x3b5: {  	v20 =	vmul.f32 v57, v18;
	v58 =	vshll.u32 v54, $0x10;
	v59 =	vshll.u32 v23, $0x10  }
0x3b6: {  	(xrf2) =	vadd.scan.msk.f32 $0xffff, v21;
	v60 =	vand.u32 $0xFFFF0000, v54;
	v61 =	vand.u32 $0xFFFF0000, v23;
	v17 =	vmul.f32 v59, v58  }
0x3b7: {  	(xrf2) =	vadd.scan.msk.f32 $0xffff, v20;
	v62 =	vshll.u32 v24, $0x10;
	v22 =	vmul.f32 v61, v60  }
0x3b8: {  	v28 =	vand.u32 $0xFFFF0000, v24;
	v18 =	vmul.f32 v62, v17  }
0x3b9: {  	v17 =	vmul.f32 v28, v22  }
0x3ba: {  	(xrf2) =	vadd.scan.msk.f32 $0xffff, v18  }
0x3bb: {  	v30, _, _ =	vpop (xrf2);
	(xrf2) =	vadd.scan.msk.f32 $0xffff, v17;
	_ =	sdelay $0x1  }
0x3bc: {  	(v2sf) =	vpush v30, $0xF;
	v31, _, _ =	vpop (xrf2)  }
0x3bd: {  	(v2sf) =	vpush v31, $0xF;
	_ =	sdelay $0x1  }
0x3be: {  	s17 =	spop (v2sf);
	v32, _, _ =	vpop (xrf2)  }
0x3bf: {  	s9 =	smax.f32 s17, $-5.000000000e+00;
	(v2sf) =	vpush v32, $0xF;
	v34, _, _ =	vpop (xrf2)  }
0x3c0: {  	s13 =	spop (v2sf);
	s9 =	smin.f32 s9, $5.000000000e+00;
	(v2sf) =	vpush v34, $0xF  }
0x3c1: {  	s13 =	smax.f32 s13, $-5.000000000e+00;
	v33 =	vmov s9  }
0x3c2: {  	s13 =	smin.f32 s13, $5.000000000e+00;
	s16 =	spop (v2sf);
	v23 =	vmul.f32 $1.442695020e+00, v33;
	v37, _, _ =	vpop (xrf2)  }
0x3c3: {  	s9 =	smax.f32 s16, $-5.000000000e+00;
	s17 =	spop (v2sf);
	(v2sf) =	vpush v37, $0xF;
	v38, _, _ =	vpop (xrf2)  }
0x3c4: {  	v35 =	vmov s13;
	s9 =	smin.f32 s9, $5.000000000e+00;
	s13 =	smax.f32 s17, $-5.000000000e+00;
	v23 =	vbroadcast v23, $0x0;
	(v2sf) =	vpush v38, $0xF  }
0x3c5: {  	v36 =	vmul.f32 $1.442695020e+00, v35;
	v40 =	vmov s9;
	s16 =	smin.f32 s13, $5.000000000e+00  }
0x3c6: {  	v41 =	vmov s16;
	(erf) = vpow2.f32 v23;
	v23 =	vmul.f32 $1.442695020e+00, v40  }
0x3c7: {  	v24 =	vmul.f32 $1.442695020e+00, v41;
	v22 =	vbroadcast v36, $0x0  }
0x3c8: {  	v23 =	vbroadcast v23, $0x0  }
0x3c9: {  	v24 =	vbroadcast v24, $0x0;
	(erf) = vpow2.f32 v22  }
0x3ca: {  	s17 =	spop (v2sf);
	(erf) = vpow2.f32 v23  }
0x3cb: {  	s16 =	smax.f32 s17, $-5.000000000e+00;
	s17 =	spop (v2sf);
	(erf) = vpow2.f32 v24  }
0x3cc: {  	v39 =	vld [tilespmem:s15+$0x46C0];
	s9 =	smin.f32 s16, $5.000000000e+00;
	s13 =	smax.f32 s17, $-5.000000000e+00  }
0x3cd: {  	s13 =	smin.f32 s13, $5.000000000e+00;
	v45 =	vmov s9  }
0x3ce: {  	v46 =	vmul.f32 $1.442695020e+00, v45;
	v47 =	vmov s13;
	s16 =	spop (v2sf)  }
0x3cf: {  	v50 =	vld [tilespmem:s29+$0x46B0];
	v48 =	vmul.f32 $1.442695020e+00, v47;
	s9 =	smax.f32 s16, $-5.000000000e+00;
	s16 =	spop (v2sf)  }
0x3d0: {  	v23 =	vbroadcast v46, $0x0;
	s9 =	smin.f32 s9, $5.000000000e+00;
	s16 =	smax.f32 s16, $-5.000000000e+00  }
0x3d1: {  	v42 =	vshll.u32 v39, $0x10;
	v24 =	vbroadcast v48, $0x0;
	v43 =	vpop (erf);
	v49 =	vmov s9;
	s16 =	smin.f32 s16, $5.000000000e+00  }
0x3d2: {  	[tilespmem:s6+$0xFFFFFFD0] =	vst v16;
	v44 =	vpop (erf);
	(erf) = vpow2.f32 v23;
	v28 =	vmul.f32 $1.442695020e+00, v49;
	v29 =	vmov s16;
	s13 =	spop (v2sf)  }
0x3d3: {  	[tilespmem:s6+$0x10] =	vst v19;
	v25 =	vmul.f32 v42, v43;
	v58 =	vpop (erf);
	v29 =	vmul.f32 $1.442695020e+00, v29;
	s9 =	smax.f32 s13, $-5.000000000e+00;
	s16 =	spop (v2sf)  }
0x3d4: {  	[tilespmem:s20+$0xFFFFFFE0] =	vst v12;
	v12 =	vand.u32 $0xFFFF0000, v50;
	(erf) = vpow2.f32 v24;
	v59 =	vpop (erf);
	v51 =	vbroadcast v28, $0x0;
	s9 =	smin.f32 s9, $5.000000000e+00;
	s13 =	smax.f32 s16, $-5.000000000e+00  }
0x3d5: {  	[tilespmem:s20+$0x20] =	vst v13;
	v12 =	vmul.f32 v12, v59;
	v52 =	vbroadcast v29, $0x0;
	v53 =	vmov s9;
	s16 =	smin.f32 s13, $5.000000000e+00  }
0x3d6: {  	v60 =	vld [tilespmem:s0+$0x46C0];
	[tilespmem:s5+$0xFFFFFFE0] =	vst v21;
	(erf) = vpow2.f32 v51;
	v13 =	vmul.f32 $1.442695020e+00, v53;
	v55 =	vmov s16  }
0x3d7: {  	[tilespmem:s5+$0x20] =	vst v20;
	(erf) = vpow2.f32 v52;
	v23 =	vmul.f32 $1.442695020e+00, v55  }
0x3d8: {  	v30 =	vor.u32 $0x2, v4;
	[tilespmem:s28+$0xFFFFFFB0] =	vst v25;
	v13 =	vbroadcast v13, $0x0  }
0x3d9: {  	v31 =	vor.u32 $0x6, v4;
	v22 =	vand.u32 $0xFFFF0000, v39;
	v37 =	vld [tilespmem:s11+$0x46B0];
	[tilespmem:s4+$0xFFFFFFD0] =	vst v18;
	v61 =	vbroadcast v23, $0x0  }
0x3da: {  	v22 =	vmul.f32 v22, v44;
	[tilespmem:s4+$0x10] =	vst v17;
	(erf) = vpow2.f32 v13  }
0x3db: {  	v54 =	vor.u32 $0x1, v6;
	[tilespmem:s7+$0xFFFFFFE0] =	vst v12;
	v12 =	vpop (erf);
	(erf) = vpow2.f32 v61  }
0x3dc: {  	v56 =	vshll.u32 v50, $0x10;
	v57 =	vor.u32 $0x5, v6;
	s17 =	simm.s32 $0x79E0;
	[tilespmem:s28+$0xFFFFFFF0] =	vst v22  }
0x3dd: {  	[tilespmem:v30+s17+$0x0] =	vst.idx.msk $0x1, v43;
	v24 =	vmul.f32 v56, v58  }
0x3de: {  	[tilespmem:v31+s17+$0x0] =	vst.idx.msk $0x1, v44;
	v13 =	vpop (erf)  }
0x3df: {  	v30 =	vor.u32 $0x2, v5;
	v31 =	vshll.u32 v60, $0x10;
	[tilespmem:s7+$0xFFFFFFA0] =	vst v24;
	v62 =	vld [tilespmem:s15+$0xAD0];
	v32 =	vpop (erf)  }
0x3e0: {  	v33 =	vor.u32 $0x6, v5;
	v34 =	vand.u32 $0xFFFF0000, v60;
	v63 =	vld [tilespmem:s15+$0x1ED0];
	[tilespmem:v54+s17+$0x0] =	vst.idx.msk $0x1, v58;
	v35 =	vmul.f32 v31, v32;
	v36 =	vpop (erf)  }
0x3e1: {  	v39 =	vld [tilespmem:s15+$0x32D0];
	[tilespmem:v57+s17+$0x0] =	vst.idx.msk $0x1, v59;
	v38 =	vmul.f32 v34, v36  }
0x3e2: {  	v41 =	vld [tilespmem:s29+$0xAC0];
	[tilespmem:s12+$0xFFFFFFB0] =	vst v35  }
0x3e3: {  	v44 =	vor.u32 $0x1, v9;
	v45 =	vshll.u32 v37, $0x10;
	v43 =	vld [tilespmem:s29+$0x1EC0];
	[tilespmem:s12+$0xFFFFFFF0] =	vst v38;
	v46 =	vpop (erf)  }
0x3e4: {  	v47 =	vor.u32 $0x5, v9;
	v27 =	vand.u32 $0xFFFF0000, v37;
	[tilespmem:v30+s17+$0x0] =	vst.idx.msk $0x1, v32;
	v25 =	vmul.f32 v45, v46;
	v48 =	vpop (erf)  }
0x3e5: {  	v49 =	vld [tilespmem:s29+$0x32C0];
	v40 =	vshll.u32 v62, $0x10;
	v42 =	vshll.u32 v63, $0x10;
	[tilespmem:v33+s17+$0x0] =	vst.idx.msk $0x1, v36;
	v50 =	vmul.f32 v27, v48  }
0x3e6: {  	v19 =	vand.u32 $0xFFFF0000, v62;
	v22 =	vand.u32 $0xFFFF0000, v63;
	v16 =	vmul.f32 v42, v40;
	v52 =	vld [tilespmem:s0+$0xAD0];
	[tilespmem:s8+$0xFFFFFFA0] =	vst v25  }
0x3e7: {  	v51 =	vshll.u32 v39, $0x10;
	v54 =	vand.u32 $0xFFFF0000, v39;
	v19 =	vmul.f32 v22, v19;
	v53 =	vld [tilespmem:s0+$0x1ED0];
	[tilespmem:s8+$0xFFFFFFE0] =	vst v50  }
0x3e8: {  	v16 =	vmul.f32 v51, v16;
	v57 =	vand.u32 $0xFFFF0000, v41;
	v24 =	vand.u32 $0xFFFF0000, v43;
	[tilespmem:v44+s17+$0x0] =	vst.idx.msk $0x1, v46  }
0x3e9: {  	v56 =	vshll.u32 v43, $0x10;
	v60 =	vmul.f32 v24, v57;
	v55 =	vshll.u32 v41, $0x10;
	v58 =	vld [tilespmem:s0+$0x32D0];
	[tilespmem:v47+s17+$0x0] =	vst.idx.msk $0x1, v48  }
0x3ea: {  	v17 =	vmul.f32 v54, v19;
	v62 =	vand.u32 $0xFFFF0000, v49;
	v21 =	vmul.f32 v56, v55;
	v61 =	vld [tilespmem:s11+$0xAC0]  }
0x3eb: {  	v59 =	vshll.u32 v49, $0x10;
	(xrf2) =	vadd.scan.msk.f32 $0xffff, v16;
	v26 =	vmul.f32 v62, v60;
	v63 =	vld [tilespmem:s11+$0x1EC0]  }
0x3ec: {  	(xrf2) =	vadd.scan.msk.f32 $0xffff, v17;
	v24 =	vmul.f32 v59, v21;
	v28 =	vshll.u32 v52, $0x10;
	v29 =	vshll.u32 v53, $0x10  }
0x3ed: {  	v30 =	vand.u32 $0xFFFF0000, v52;
	v31 =	vand.u32 $0xFFFF0000, v53;
	v18 =	vmul.f32 v29, v28;
	v32 =	vld [tilespmem:s11+$0x32C0]  }
0x3ee: {  	(xrf2) =	vadd.scan.msk.f32 $0xffff, v24;
	v33 =	vshll.u32 v58, $0x10;
	v19 =	vmul.f32 v31, v30  }
0x3ef: {  	(xrf2) =	vadd.scan.msk.f32 $0xffff, v26;
	v34 =	vand.u32 $0xFFFF0000, v58;
	v18 =	vmul.f32 v33, v18  }
0x3f0: {  	v19 =	vmul.f32 v34, v19;
	v35 =	vshll.u32 v61, $0x10;
	v36 =	vshll.u32 v63, $0x10  }
0x3f1: {  	v23 =	vand.u32 $0xFFFF0000, v61;
	v20 =	vand.u32 $0xFFFF0000, v63;
	v21 =	vmul.f32 v36, v35  }
0x3f2: {  	(xrf2) =	vadd.scan.msk.f32 $0xffff, v18;
	v37 =	vshll.u32 v32, $0x10;
	v20 =	vmul.f32 v20, v23  }
0x3f3: {  	(xrf2) =	vadd.scan.msk.f32 $0xffff, v19;
	v38 =	vand.u32 $0xFFFF0000, v32;
	v25 =	vmul.f32 v37, v21  }
0x3f4: {  	v27 =	vmul.f32 v38, v20  }
0x3f5: {  	v39, _, _ =	vpop (xrf2);
	(xrf2) =	vadd.scan.msk.f32 $0xffff, v25  }
0x3f6: {  	(v2sf) =	vpush v39, $0xF;
	v40, _, _ =	vpop (xrf2);
	(xrf2) =	vadd.scan.msk.f32 $0xffff, v27  }
0x3f7: {  	(v2sf) =	vpush v40, $0xF  }
0x3f8: {  	v41, _, _ =	vpop (xrf2)  }
0x3f9: {  	v42, _, _ =	vpop (xrf2);
	(v2sf) =	vpush v41, $0xF  }
0x3fa: {  	(v2sf) =	vpush v42, $0xF;
	_ =	sdelay $0x1  }
0x3fb: {  	v43, _, _ =	vpop (xrf2)  }
0x3fc: {  	(v2sf) =	vpush v43, $0xF;
	v44, _, _ =	vpop (xrf2)  }
0x3fd: {  	(v2sf) =	vpush v44, $0xF  }
0x3fe: {  	v45, _, _ =	vpop (xrf2)  }
0x3ff: {  	(v2sf) =	vpush v45, $0xF;
	v46, _, _ =	vpop (xrf2)  }
0x400: {  	(v2sf) =	vpush v46, $0xF;
	_ =	sdelay $0x3  }
0x401: {  	s9 =	spop (v2sf)  }
0x402: {  	s13 =	spop (v2sf);
	s9 =	smax.f32 s9, $-5.000000000e+00  }
0x403: {  	s9 =	smin.f32 s9, $5.000000000e+00;
	s13 =	smax.f32 s13, $-5.000000000e+00  }
0x404: {  	s13 =	smin.f32 s13, $5.000000000e+00;
	s16 =	spop (v2sf)  }
0x405: {  	v47 =	vmov s9;
	s17 =	spop (v2sf);
	s16 =	smax.f32 s16, $-5.000000000e+00  }
0x406: {  	v48 =	vmov s13;
	v20 =	vmul.f32 $1.442695020e+00, v47;
	s16 =	smin.f32 s16, $5.000000000e+00;
	s17 =	smax.f32 s17, $-5.000000000e+00  }
0x407: {  	v21 =	vmul.f32 $1.442695020e+00, v48;
	v49 =	vmov s16;
	s16 =	smin.f32 s17, $5.000000000e+00  }
0x408: {  	v20 =	vbroadcast v20, $0x0;
	v22 =	vmul.f32 $1.442695020e+00, v49;
	v50 =	vmov s16;
	s17 =	spop (v2sf)  }
0x409: {  	v21 =	vbroadcast v21, $0x0;
	v23 =	vmul.f32 $1.442695020e+00, v50;
	s13 =	smax.f32 s17, $-5.000000000e+00;
	s16 =	spop (v2sf)  }
0x40a: {  	(erf) = vpow2.f32 v20;
	v51 =	vbroadcast v22, $0x0;
	s9 =	smin.f32 s13, $5.000000000e+00;
	s13 =	smax.f32 s16, $-5.000000000e+00  }
0x40b: {  	(erf) = vpow2.f32 v21;
	v52 =	vbroadcast v23, $0x0;
	s13 =	smin.f32 s13, $5.000000000e+00;
	s17 =	spop (v2sf)  }
0x40c: {  	(erf) = vpow2.f32 v51;
	v53 =	vmov s9;
	s16 =	smax.f32 s17, $-5.000000000e+00;
	s17 =	spop (v2sf)  }
0x40d: {  	(erf) = vpow2.f32 v52;
	v54 =	vmov s13;
	v55 =	vmul.f32 $1.442695020e+00, v53;
	s9 =	smin.f32 s16, $5.000000000e+00;
	s17 =	smax.f32 s17, $-5.000000000e+00  }
0x40e: {  	v57 =	vmul.f32 $1.442695020e+00, v54;
	v56 =	vmov s9;
	s17 =	smin.f32 s17, $5.000000000e+00  }
0x40f: {  	v20 =	vbroadcast v55, $0x0;
	v58 =	vmov s17;
	v22 =	vmul.f32 $1.442695020e+00, v56  }
0x410: {  	v59 =	vld [tilespmem:s29+$0x46C0];
	v21 =	vbroadcast v57, $0x0;
	v23 =	vmul.f32 $1.442695020e+00, v58  }
0x411: {  	(erf) = vpow2.f32 v20;
	v60 =	vbroadcast v22, $0x0  }
0x412: {  	(erf) = vpow2.f32 v21;
	v61 =	vbroadcast v23, $0x0  }
0x413: {  	v20 =	vpop (erf);
	(erf) = vpow2.f32 v60  }
0x414: {  	v21 =	vpop (erf);
	(erf) = vpow2.f32 v61  }
0x415: {  	v33 =	vshll.u32 v59, $0x10;
	v63 =	vor.u32 $0x2, v6;
	v62 =	vpop (erf)  }
0x416: {  	[tilespmem:s6+$0x20] =	vst v26;
	v28 =	vand.u32 $0xFFFF0000, v59;
	v35 =	vor.u32 $0x6, v6;
	v34 =	vpop (erf);
	v22 =	vmul.f32 v33, v62  }
0x417: {  	[tilespmem:s6+$0xFFFFFFE0] =	vst v24;
	v36 =	vld [tilespmem:s11+$0x46C0];
	v37 =	vmul.f32 v28, v34  }
0x418: {  	[tilespmem:s7+$0xFFFFFFB0] =	vst v22  }
0x419: {  	s16 =	simm.s32 $0x79E0;
	[tilespmem:s7+$0xFFFFFFF0] =	vst v37  }
0x41a: {  	v22 =	vpop (erf);
	[tilespmem:v63+s16+$0x0] =	vst.idx.msk $0x1, v62  }
0x41b: {  	v23 =	vpop (erf);
	[tilespmem:v35+s16+$0x0] =	vst.idx.msk $0x1, v34  }
0x41c: {  	v38 =	vor.u32 $0x2, v9;
	v39 =	vshll.u32 v36, $0x10;
	v44 =	vld [tilespmem:s29+$0xAD0];
	v40 =	vpop (erf)  }
0x41d: {  	v41 =	vor.u32 $0x6, v9;
	[tilespmem:s4+$0xFFFFFFE0] =	vst v25;
	v24 =	vand.u32 $0xFFFF0000, v36;
	v45 =	vld [tilespmem:s29+$0x1ED0];
	v42 =	vmul.f32 v39, v40;
	v43 =	vpop (erf)  }
0x41e: {  	[tilespmem:s4+$0x20] =	vst v27;
	v24 =	vmul.f32 v24, v43  }
0x41f: {  	v46 =	vld [tilespmem:s29+$0x32D0];
	[tilespmem:s8+$0xFFFFFFB0] =	vst v42  }
0x420: {  	[tilespmem:s8+$0xFFFFFFF0] =	vst v24  }
0x421: {  	[tilespmem:v38+s16+$0x0] =	vst.idx.msk $0x1, v40  }
0x422: {  	v47 =	vshll.u32 v44, $0x10;
	v48 =	vshll.u32 v45, $0x10;
	[tilespmem:v41+s16+$0x0] =	vst.idx.msk $0x1, v43  }
0x423: {  	v27 =	vand.u32 $0xFFFF0000, v44;
	v25 =	vand.u32 $0xFFFF0000, v45;
	v29 =	vmul.f32 v48, v47;
	v26 =	vld [tilespmem:s11+$0xAD0]  }
0x424: {  	v50 =	vshll.u32 v46, $0x10;
	v25 =	vmul.f32 v25, v27;
	v28 =	vld [tilespmem:s11+$0x1ED0]  }
0x425: {  	v27 =	vmul.f32 v50, v29;
	v24 =	vand.u32 $0xFFFF0000, v46  }
0x426: {  	v24 =	vmul.f32 v24, v25;
	v49 =	vld [tilespmem:s11+$0x32D0]  }
0x427: {  	(xrf2) =	vadd.scan.msk.f32 $0xffff, v27  }
0x428: {  	(xrf2) =	vadd.scan.msk.f32 $0xffff, v24  }
0x429: {  	v51 =	vshll.u32 v26, $0x10;
	v52 =	vshll.u32 v28, $0x10  }
0x42a: {  	v26 =	vand.u32 $0xFFFF0000, v26;
	v28 =	vand.u32 $0xFFFF0000, v28;
	v25 =	vmul.f32 v52, v51  }
0x42b: {  	v53 =	vshll.u32 v49, $0x10;
	v26 =	vmul.f32 v28, v26  }
0x42c: {  	v54 =	vand.u32 $0xFFFF0000, v49;
	v25 =	vmul.f32 v53, v25  }
0x42d: {  	v26 =	vmul.f32 v54, v26  }
0x42e: {  	(xrf2) =	vadd.scan.msk.f32 $0xffff, v25  }
0x42f: {  	(xrf2) =	vadd.scan.msk.f32 $0xffff, v26;
	_ =	sdelay $0x1  }
0x430: {  	v55, _, _ =	vpop (xrf2)  }
0x431: {  	(v2sf) =	vpush v55, $0xF;
	v56, _, _ =	vpop (xrf2)  }
0x432: {  	(v2sf) =	vpush v56, $0xF;
	_ =	sdelay $0x4  }
0x433: {  	v57, _, _ =	vpop (xrf2)  }
0x434: {  	(v2sf) =	vpush v57, $0xF;
	v58, _, _ =	vpop (xrf2)  }
0x435: {  	v59 =	vld [tilespmem:s2+$0x46D0];
	(v2sf) =	vpush v58, $0xF  }
0x436: {  	v60 =	vld [tilespmem:s3+$0x46D0]  }
0x437: {  	[tilespmem:s14+$0xFFFFFFF0] =	vst v7;
	v33 =	vld [tilespmem:s15+$0x46D0]  }
0x438: {  	[tilespmem:s14+$0x30] =	vst v8  }
0x439: {  	[tilespmem:s20+$0xFFFFFFF0] =	vst v16  }
0x43a: {  	[tilespmem:s20+$0x30] =	vst v17;
	v61 =	vshll.u32 v59, $0x10  }
0x43b: {  	[tilespmem:s22+$0xFFFFFFF0] =	vst v15;
	v62 =	vmul.f32 v61, v10;
	v36 =	vshll.u32 v60, $0x10  }
0x43c: {  	[tilespmem:s22+$0x30] =	vst v14;
	v37 =	vmul.f32 v36, v12;
	v45 =	vand.u32 $0xFFFF0000, v33;
	s3 =	spop (v2sf)  }
0x43d: {  	[tilespmem:s10+$0xFFFFFFC0] =	vst v62;
	v15 =	vmul.f32 v45, v21;
	s2 =	smax.f32 s3, $-5.000000000e+00;
	s9 =	spop (v2sf)  }
0x43e: {  	[tilespmem:s1+$0xFFFFFFC0] =	vst v37;
	s2 =	smin.f32 s2, $5.000000000e+00;
	s3 =	smax.f32 s9, $-5.000000000e+00  }
0x43f: {  	[tilespmem:s28+$0x0] =	vst v15;
	v63 =	vmov s2;
	s13 =	smin.f32 s3, $5.000000000e+00  }
0x440: {  	v29 =	vand.u32 $0xFFFF0000, v60;
	v40 =	vld [tilespmem:s0+$0x46D0];
	[tilespmem:s5+$0xFFFFFFF0] =	vst v18;
	v34 =	vmul.f32 $1.442695020e+00, v63;
	v35 =	vmov s13  }
0x441: {  	v39 =	vmul.f32 v29, v13;
	[tilespmem:s5+$0x30] =	vst v19;
	v8 =	vmul.f32 $1.442695020e+00, v35  }
0x442: {  	v46 =	vld [tilespmem:s29+$0x46D0];
	[tilespmem:s6+$0xFFFFFFF0] =	vst v27;
	v28 =	vand.u32 $0xFFFF0000, v59;
	v7 =	vbroadcast v34, $0x0  }
0x443: {  	[tilespmem:s1+$0x0] =	vst v39;
	v28 =	vmul.f32 v28, v11;
	v54 =	vor.u32 $0x3, v2;
	v8 =	vbroadcast v8, $0x0;
	s14 =	spop (v2sf)  }
0x444: {  	[tilespmem:s6+$0x30] =	vst v24;
	v2 =	vor.u32 $0x7, v2;
	(erf) = vpow2.f32 v7;
	s2 =	smax.f32 s14, $-5.000000000e+00;
	s15 =	spop (v2sf)  }
0x445: {  	[tilespmem:s10+$0x0] =	vst v28;
	v58 =	vor.u32 $0x3, v3;
	(erf) = vpow2.f32 v8;
	s2 =	smin.f32 s2, $5.000000000e+00;
	s3 =	smax.f32 s15, $-5.000000000e+00  }
0x446: {  	v49 =	vld [tilespmem:s11+$0x46D0];
	[tilespmem:s4+$0xFFFFFFF0] =	vst v25;
	v3 =	vor.u32 $0x7, v3;
	v38 =	vmov s2;
	s17 =	smin.f32 s3, $5.000000000e+00  }
0x447: {  	[tilespmem:s4+$0x30] =	vst v26;
	v41 =	vmov s17;
	v42 =	vmul.f32 $1.442695020e+00, v38  }
0x448: {  	v59 =	vor.u32 $0x3, v4;
	[tilespmem:v54+s16+$0x0] =	vst.idx.msk $0x1, v10;
	v44 =	vmul.f32 $1.442695020e+00, v41  }
0x449: {  	v43 =	vshll.u32 v33, $0x10;
	[tilespmem:v2+s16+$0x0] =	vst.idx.msk $0x1, v11;
	v7 =	vbroadcast v42, $0x0  }
0x44a: {  	v60 =	vor.u32 $0x7, v4;
	[tilespmem:v58+s16+$0x0] =	vst.idx.msk $0x1, v12;
	v8 =	vmul.f32 v43, v20;
	v14 =	vbroadcast v44, $0x0  }
0x44b: {  	v48 =	vand.u32 $0xFFFF0000, v40;
	[tilespmem:v3+s16+$0x0] =	vst.idx.msk $0x1, v13;
	(erf) = vpow2.f32 v7  }
0x44c: {  	[tilespmem:s28+$0xFFFFFFC0] =	vst v8;
	v8 =	vmul.f32 v48, v23;
	(erf) = vpow2.f32 v14  }
0x44d: {  	v47 =	vshll.u32 v40, $0x10;
	v2 =	vor.u32 $0x3, v5;
	[tilespmem:v59+s16+$0x0] =	vst.idx.msk $0x1, v20;
	v51 =	vpop (erf)  }
0x44e: {  	v52 =	vand.u32 $0xFFFF0000, v46;
	[tilespmem:s12+$0x0] =	vst v8;
	v53 =	vpop (erf);
	v7 =	vmul.f32 v47, v22  }
0x44f: {  	v61 =	vor.u32 $0x7, v5;
	[tilespmem:v60+s16+$0x0] =	vst.idx.msk $0x1, v21;
	v15 =	vmul.f32 v52, v53  }
0x450: {  	v50 =	vshll.u32 v46, $0x10;
	v3 =	vor.u32 $0x3, v6;
	[tilespmem:s12+$0xFFFFFFC0] =	vst v7  }
0x451: {  	v62 =	vor.u32 $0x7, v6;
	v7 =	vmul.f32 v50, v51;
	[tilespmem:s7+$0x0] =	vst v15  }
0x452: {  	[tilespmem:v2+s16+$0x0] =	vst.idx.msk $0x1, v22  }
0x453: {  	[tilespmem:s7+$0xFFFFFFC0] =	vst v7  }
0x454: {  	v55 =	vshll.u32 v49, $0x10;
	[tilespmem:v61+s16+$0x0] =	vst.idx.msk $0x1, v23;
	v56 =	vpop (erf)  }
0x455: {  	v14 =	vand.u32 $0xFFFF0000, v49;
	[tilespmem:v3+s16+$0x0] =	vst.idx.msk $0x1, v51;
	v15 =	vmul.f32 v55, v56;
	v57 =	vpop (erf)  }
0x456: {  	v63 =	vor.u32 $0x3, v9;
	[tilespmem:v62+s16+$0x0] =	vst.idx.msk $0x1, v53;
	v14 =	vmul.f32 v14, v57  }
0x457: {  	v2 =	vor.u32 $0x7, v9;
	[tilespmem:s8+$0xFFFFFFC0] =	vst v15  }
0x458: {  	[tilespmem:s8+$0x0] =	vst v14  }
0x459: {  	s22 =	sld [smem:$0x7EE];
	_ =	sdelay $0x1  }
0x45a: {  	[tilespmem:v63+s16+$0x0] =	vst.idx.msk $0x1, v56  }
0x45b: {  	[tilespmem:v2+s16+$0x0] =	vst.idx.msk $0x1, v57;
	s0 =	sshll.u32 s22, $0x4  }
0x45c: {  	s29 =	sld [smem:$0x7ED];
	s0 =	sand.u32 $0x1FFFFF80, s0  }
0x45d: {  	s28 =	simm.s32 $0x50A0;
	s0 =	sadd.s32 s19, s0  }
0x45e: {  	[hbm4b:s0+s23] =	stream.linear.scatter [tilespmem:s28], [sflag:$0x9], $0x1400, $0x38;
	[tilespmem:$0x1DB28] =	vst v63  }
0x45f: {  	s0 =	sadd.s32 $0x1, s29  }
0x460: {  	p0 =	sne.s32 s0, $0x7D  }
.Ltmp3:
0x461: {  	_ = 	snop;
	(pc) =	sbr.rel @p0 .LBB2_4-.Ltmp3, $3  }
0x462: {  	_ =	sdelay $0x1  }
0x463: {  	s5 =	simm.s32 $0xC;
	s6 =	simm.s32 $0x78;
	s7 =	simm.s32 $0x64A0  }
0x464: {  	[spmem:s21] =	stream.indirect.scatter.add.f32 [tilespmem:s16], [sflag:$0xB], $0x88, s6, s30, $0xb8;
	[tilespmem:$0x1DB28] =	vst v63  }
0x465: {  	s0 =	simm.s32 $0x9  }
0x466: {  	_ =	swait.ge [sflag:s0], $0x1400  }
0x467: {  	[sflag:s0] =	ssyncset.done $0x0  }
0x468: {  	s28 =	simm.s32 $0xB;
	[sflag:s0] =	ssyncadd.s32 $0xFFFFEC00  }
0x469: {  	_ =	swait.ge [sflag:s28], $0x1540  }
0x46a: {  	[sflag:s28] =	ssyncset.done $0x0  }
0x46b: {  	[sflag:s28] =	ssyncadd.s32 $0xFFFFEAC0  }
0x46c: {  	[bflag:$0x0] =	sbarrier.arrive $0xFFFF  }
0x46d: {  	s3 =	rddreg [dreg:$0x1c]  }
0x46e: {  	[tilespmem:s7], [sflag:$0xC] =	stream.linear.gather [spmem:s3], $0x1540, $0x38;
	[tilespmem:$0x1DB28] =	vst v63  }
0x46f: {  	_ =	swait.ge [sflag:s5], $0x1540  }
0x470: {  	s4 =	sld [smem:$0x7FD];
	_ =	sdelay $0x1  }
0x471: {  	[sflag:s5] =	ssyncset.done $0x0  }
0x472: {  	[sflag:s5] =	ssyncadd.s32 $0xFFFFEAC0;
	s29 =	sadd.s32 $0x0, s4  }
0x473: {  	[hbm4b:s29+s23] =	stream.linear.scatter [tilespmem:s7], [sflag:$0xC], $0x1540, $0x38;
	[tilespmem:$0x1DB28] =	vst v63  }
0x474: {  	_ =	swait.ge [sflag:s5], $0x1540  }
0x475: {  	s0 =	simm.s32 $0x2A8;
	s1 =	smov.u32 s3;
	[sflag:s5] =	ssyncset.done $0x0  }
.LBB2_10:
0x476: {  	p0 =	sne.s32 s0, $0x2530;
	[sflag:s5] =	ssyncadd.s32 $0xFFFFEAC0;
	s1 =	sadd.s32 $0x1540, s1  }
0x477: {  	[tilespmem:s7], [sflag:$0xC] =	stream.linear.gather [spmem:s1], $0x1540, $0x38;
	[tilespmem:$0x1DB28] =	vst v63  }
0x478: {  	s2 =	smov.u32 s0;
	s0 =	sadd.s32 $0x2A8, s0;
	_ =	swait.ge [sflag:s5], $0x1540  }
.Ltmp4:
0x479: {  	[sflag:s5] =	ssyncset.done $0x0;
	(pc) =	sbr.rel @p0 .LBB2_10-.Ltmp4, $4  }
0x47a: {  	s2 =	sadd.s32 s2, s4;
	[sflag:s5] =	ssyncadd.s32 $0xFFFFEAC0  }
0x47b: {  	[hbm4b:s2+s23] =	stream.linear.scatter [tilespmem:s7], [sflag:$0xC], $0x1540, $0x38;
	[tilespmem:$0x1DB28] =	vst v63  }
0x47c: {  	_ =	swait.ge [sflag:s5], $0x1540  }
0x47d: {  	[sflag:s5] =	ssyncset.done $0x0  }
0x47e: {  	[sflag:s5] =	ssyncadd.s32 $0xFFFFEAC0;
	s10 =	rddreg [dreg:$0x15]  }
0x47f: {  	[tilespmem:s7], [sflag:$0xC] =	stream.linear.gather [spmem:s10], $0xD48, $0x38;
	[tilespmem:$0x1DB28] =	vst v63  }
0x480: {  	_ =	swait.ge [sflag:s5], $0xD48  }
0x481: {  	[sflag:s5] =	ssyncset.done $0x0  }
0x482: {  	s0 =	rddreg [dreg:$0x1a];
	[sflag:s5] =	ssyncadd.s32 $0xFFFFF2B8  }
0x483: {  	[hbm4b:s0+s23] =	stream.linear.scatter [tilespmem:s7], [sflag:$0xC], $0xD48, $0x38;
	[tilespmem:$0x1DB28] =	vst v63  }
0x484: {  	_ =	swait.ge [sflag:s5], $0xD48  }
0x485: {  	s1 =	sld [smem:$0x7F1];
	_ =	sdelay $0x2  }
0x486: {  	s29 =	rddreg [dreg:$0x1b];
	s1 =	sadd.s32 $0x1, s1  }
0x487: {  	p0 =	sne.s32 s1, s29  }
.Ltmp5:
0x488: {  	_ = 	snop;
	(pc) =	sbr.rel @p0 .LBB2_1-.Ltmp5, $3  }
0x489: {  	_ =	sdelay $0x1  }
0x48a: {  	[sflag:s5] =	ssyncset.done $0x0  }
0x48b: {  	[sflag:s5] =	ssyncadd.s32 $0xFFFFF2B8  }
0x48c: {  	_ =	sfence.sel $0x180000  }
0x48d: {  	[bflag:$0x0] =	sbarrier.arrive $0xFFFF  }
0x48e: {  	_ =	strace $0x90000047  }
0x48f: {  	s0 =	stileid.u32;
	[bflag:$0x2] =	sbarrier.arrive $0xFFFF  }
0x490: {  	p0 =	sne.s32 s0, $0x0;
	s0 =	rddreg [dreg:$0x4]  }
0x491: {  	s0 =	sadd.s32 @!p0 $0x100000, s0  }
0x492: {  	[sflag:s0] =	ssyncadd.tile.s32 @!p0 $0x1;
	_ =	shalt  }
.Lfunc_end2:
_tile_overlayer_lowered:
.L_overlay_start_2:
0x493: {  	(tag) =	ssettag $0x2  }
0x494: {  	s0 =	rddreg [dreg:$0x0];
	s2 =	stileid.u32  }
0x495: {  	s1 =	rddreg [dreg:$0x1];
	p0 =	sne.s32 s2, $0x0  }
0x496: {  	s3 =	rddreg [dreg:$0x2];
	[bflag:$0x3] =	sbarrier.arrive $0xFFFF;
	s2 =	simm.s32 @!p0 $0x1C0C  }
0x497: {  	[timem:s3], [sflag:s2] =	dma.local @!p0 [hbm:s0], s1  }
0x498: {  	s0 =	simm.s32 @!p0 $0xC  }
0x499: {  	_ =	swait.ge @!p0 [sflag:s0], s1  }
0x49a: {  	s1 =	ssub.s32 @!p0 $0x0, s1;
	[sflag:s0] =	ssyncset.done @!p0 $0x0  }
0x49b: {  	[sflag:s0] =	ssyncadd.s32 @!p0 s1  }
0x49c: {  	[bflag:$0x3] =	sbarrier.arrive $0xFFFF  }
0x49d: {  	_ =	shalt  }

</sc_bundles>
